<compile_context>
chip_gen: v7x
topology: tpu7x:2x2x1
jax: 0.10.2.dev20260603
libtpu: 0.0.44.dev20260713+nightly
codegen_flags: <defaults>
</compile_context>

<pallas_src>
import functools

import jax
import jax.numpy as jnp
from jax import lax
from jax.experimental import pallas as pl
from jax.experimental.pallas import tpu as pltpu
from jax.experimental.pallas import tpu_sc as plsc

_N = 10000
_E = 160000
_D_IN = 312
_H = 128

_NC = 2
_NS = 16
_N_PAD = 10240
_E_PAD = 163840
_K = 64
_EDGES_PER_TILE = _E_PAD // (_NC * _NS)
_NBATCH = _EDGES_PER_TILE // _K
_ROWS_PER_TILE = _N_PAD // _NS

_RB = 1000



def _mm_body(x_ref, w_ref, o_ref):
    o_ref[...] = jnp.dot(x_ref[...], w_ref[...], preferred_element_type=jnp.float32)


def _mm(x, w):
    n, d = x.shape
    h = w.shape[1]
    return pl.pallas_call(
        _mm_body,
        grid=(n // _RB,),
        in_specs=[
            pl.BlockSpec((_RB, d), lambda i: (i, 0)),
            pl.BlockSpec((d, h), lambda i: (0, 0)),
        ],
        out_specs=pl.BlockSpec((_RB, h), lambda i: (i, 0)),
        out_shape=jax.ShapeDtypeStruct((n, h), jnp.float32),
    )(x, w)


def _mm_bias_body(x_ref, w_ref, b_ref, o_ref):
    o_ref[...] = (jnp.dot(x_ref[...], w_ref[...], preferred_element_type=jnp.float32)
                  + b_ref[...])


def _mm_bias(x, w, b):
    n, d = x.shape
    h = w.shape[1]
    return pl.pallas_call(
        _mm_bias_body,
        grid=(n // _RB,),
        in_specs=[
            pl.BlockSpec((_RB, d), lambda i: (i, 0)),
            pl.BlockSpec((d, h), lambda i: (0, 0)),
            pl.BlockSpec((1, h), lambda i: (0, 0)),
        ],
        out_specs=pl.BlockSpec((_RB, h), lambda i: (i, 0)),
        out_shape=jax.ShapeDtypeStruct((n, h), jnp.float32),
    )(x, w, b.reshape(1, h))


def _mid_body(agg_ref, cnt_ref, pre1_ref, wl_ref, wr_ref, b_ref, hl_ref, pre2_ref):
    a = agg_ref[0] + agg_ref[1]
    cnt = cnt_ref[0] + cnt_ref[1]
    inv = 1.0 / jnp.maximum(cnt, 1.0)
    h = jnp.maximum(a * inv + pre1_ref[...], 0.0)
    hl_ref[...] = jnp.dot(h, wl_ref[...], preferred_element_type=jnp.float32)
    pre2_ref[...] = jnp.dot(h, wr_ref[...], preferred_element_type=jnp.float32) + b_ref[...]


def _mid(agg, cnt3, pre1, wl, wr, b):
    h = wl.shape[1]
    return pl.pallas_call(
        _mid_body,
        grid=(_N // _RB,),
        in_specs=[
            pl.BlockSpec((_NC, _RB, _H), lambda i: (0, i, 0)),
            pl.BlockSpec((_NC, _RB, 1), lambda i: (0, i, 0)),
            pl.BlockSpec((_RB, _H), lambda i: (i, 0)),
            pl.BlockSpec((_H, h), lambda i: (0, 0)),
            pl.BlockSpec((_H, h), lambda i: (0, 0)),
            pl.BlockSpec((1, h), lambda i: (0, 0)),
        ],
        out_specs=[
            pl.BlockSpec((_RB, h), lambda i: (i, 0)),
            pl.BlockSpec((_RB, h), lambda i: (i, 0)),
        ],
        out_shape=[
            jax.ShapeDtypeStruct((_N, h), jnp.float32),
            jax.ShapeDtypeStruct((_N, h), jnp.float32),
        ],
    )(agg, cnt3, pre1, wl, wr, b.reshape(1, h))


def _final_body(agg_ref, cnt_ref, pre2_ref, out_ref):
    a = agg_ref[0] + agg_ref[1]
    cnt = cnt_ref[0] + cnt_ref[1]
    inv = 1.0 / jnp.maximum(cnt, 1.0)
    out_ref[...] = a * inv + pre2_ref[...]


def _final(agg, cnt3, pre2):
    return pl.pallas_call(
        _final_body,
        grid=(_N // _RB,),
        in_specs=[
            pl.BlockSpec((_NC, _RB, _H), lambda i: (0, i, 0)),
            pl.BlockSpec((_NC, _RB, 1), lambda i: (0, i, 0)),
            pl.BlockSpec((_RB, _H), lambda i: (i, 0)),
        ],
        out_specs=pl.BlockSpec((_RB, _H), lambda i: (i, 0)),
        out_shape=jax.ShapeDtypeStruct((_N, _H), jnp.float32),
    )(agg, cnt3, pre2)



_NBUF = 4
_D = 2


def _make_seg_sum(with_cnt):
    mesh = plsc.VectorSubcoreMesh(core_axis_name="c", subcore_axis_name="s")
    out_type = [jax.ShapeDtypeStruct((_NC, _N_PAD, _H), jnp.float32)]
    scratch = [
        pltpu.VMEM_SHARED((_N_PAD, _H), jnp.float32),
        pltpu.VMEM((_NBATCH, _K), jnp.int32),
        pltpu.VMEM((_NBUF, _K), jnp.int32),
        pltpu.VMEM((_NBUF, _K), jnp.int32),
        pltpu.VMEM((_NBUF, _K, _H), jnp.float32),
    ] + [pltpu.SemaphoreType.DMA for _ in range(2 * _NBUF + 1)]
    if with_cnt:
        out_type.append(jax.ShapeDtypeStruct((_NC, _N_PAD), jnp.float32))
        scratch += [
            pltpu.VMEM_SHARED((_N_PAD,), jnp.float32),
            pltpu.VMEM((_K,), jnp.float32),
            pltpu.VMEM((_ROWS_PER_TILE,), jnp.float32),
        ]

    def body(xl, comb, *rest):
        if with_cnt:
            (out, cnt_out, accum, combb, srcr, dstr, rows, *more) = rest
            sems = more[:2 * _NBUF + 1]
            cnt_acc, ones_v, stage1 = more[2 * _NBUF + 1:]
        else:
            (out, accum, combb, srcr, dstr, rows, *sems) = rest
        gsems = sems[:_NBUF]
        ssems = sems[_NBUF:2 * _NBUF]
        csem = sems[2 * _NBUF]
        c = lax.axis_index("c")
        s = lax.axis_index("s")
        tid = c * _NS + s
        rbase = s * _ROWS_PER_TILE

        pltpu.async_copy(comb.at[tid], combb, gsems[0])

        def decode(b, j):
            for q in range(_K // 16):
                cv = combb[b, pl.ds(q * 16, 16)]
                srcr[j, pl.ds(q * 16, 16)] = jnp.bitwise_and(cv, 16383)
                dstr[j, pl.ds(q * 16, 16)] = lax.shift_right_logical(cv, 14)

        zv = jnp.zeros((16,), jnp.float32)

        def zrow(r, carry):
            for j in range(_H // 16):
                rows[0, r, pl.ds(j * 16, 16)] = zv
            return carry

        lax.fori_loop(0, _K, zrow, 0)

        def zcopy(k, carry):
            pltpu.async_copy(rows.at[0], accum.at[pl.ds(rbase + k * _K, _K)],
                             ssems[0])
            return carry

        lax.fori_loop(0, _ROWS_PER_TILE // _K, zcopy, 0)

        def zdrain(k, carry):
            pltpu.make_async_copy(
                rows.at[0], accum.at[pl.ds(rbase + k * _K, _K)], ssems[0]).wait()
            return carry

        if with_cnt:
            ov = jnp.ones((16,), jnp.float32)
            for j in range(_K // 16):
                ones_v[pl.ds(j * 16, 16)] = ov

            def z1(r, carry):
                stage1[pl.ds(r * 16, 16)] = zv
                return carry

            lax.fori_loop(0, _ROWS_PER_TILE // 16, z1, 0)
            pltpu.sync_copy(stage1, cnt_acc.at[pl.ds(rbase, _ROWS_PER_TILE)])

        lax.fori_loop(0, _ROWS_PER_TILE // _K, zdrain, 0)
        pltpu.make_async_copy(comb.at[tid], combb, gsems[0]).wait()
        plsc.subcore_barrier()

        def gstart(i):
            pltpu.async_copy(xl.at[srcr.at[i]], rows.at[i], gsems[i])

        def gwait(i):
            pltpu.make_async_copy(xl.at[srcr.at[i]], rows.at[i], gsems[i]).wait()

        def sstart(i):
            pltpu.async_copy(rows.at[i], accum.at[dstr.at[i]], ssems[i], add=True)

        def swait(i):
            pltpu.make_async_copy(rows.at[i], accum.at[dstr.at[i]], ssems[i]).wait()

        def cstart(i):
            pltpu.async_copy(ones_v, cnt_acc.at[dstr.at[i]], csem, add=True)

        def cwait(i):
            pltpu.make_async_copy(ones_v, cnt_acc.at[dstr.at[i]], csem).wait()

        def visit(b, i, j, do_swait, do_gstart):
            gwait(i)
            sstart(i)
            if with_cnt:
                cstart(i)
            if do_swait:
                swait(j)
                if with_cnt:
                    cwait(j)
            if do_gstart:
                decode(b + _D, j)
                gstart(j)

        for b in range(_D):
            decode(b, b % _NBUF)
            gstart(b % _NBUF)
        for b in range(_NBUF):
            visit(b, b % _NBUF, (b + _D) % _NBUF,
                  b >= _NBUF - _D, b < _NBATCH - _D)

        def blk(g, carry):
            for k in range(_NBUF):
                b = g * _NBUF + k
                visit(b, k, (k + _D) % _NBUF, True, True)
            return carry

        lax.fori_loop(1, _NBATCH // _NBUF - 1, blk, 0)
        for k in range(_NBUF):
            b = _NBATCH - _NBUF + k
            visit(b, k, (k + _D) % _NBUF, True, k < _NBUF - _D)
        for b in range(_NBATCH - _D, _NBATCH):
            swait(b % _NBUF)
            if with_cnt:
                cwait(b % _NBUF)

        plsc.subcore_barrier()

        pltpu.sync_copy(accum.at[pl.ds(rbase, _ROWS_PER_TILE)],
                        out.at[c, pl.ds(rbase, _ROWS_PER_TILE)])
        if with_cnt:
            pltpu.sync_copy(cnt_acc.at[pl.ds(rbase, _ROWS_PER_TILE)],
                            cnt_out.at[c, pl.ds(rbase, _ROWS_PER_TILE)])

    return functools.partial(
        pl.kernel, mesh=mesh, out_type=out_type, scratch_types=scratch
    )(body)


_seg_sum_cnt = _make_seg_sum(True)
_seg_sum = _make_seg_sum(False)


def kernel(x, edge_index, W1_l, b1, W1_r, W2_l, b2, W2_r):
    src = edge_index[0]
    dst = edge_index[1]
    pad = _E_PAD - _E
    ar = jnp.arange(pad, dtype=jnp.int32)
    src_p = jnp.concatenate([src, ar % _N])
    dst_p = jnp.concatenate([dst, _N + ar % (_N_PAD - _N)])
    comb = (src_p + dst_p * 16384).reshape(_NC * _NS, _NBATCH, _K)

    xl = _mm(x, W1_l)
    agg1, cnt = _seg_sum_cnt(xl, comb)
    pre1 = _mm_bias(x, W1_r, b1)
    cnt3 = cnt.reshape(_NC, _N_PAD, 1)
    hl, pre2 = _mid(agg1, cnt3, pre1, W2_l, W2_r, b2)
    (agg2,) = _seg_sum(hl, comb)
    return _final(agg2, cnt3, pre2)

# --- scband reference (transcript-rebuilt; emitter-appended) ---
"""Pipeline reference for scband-gnnblock-15178414424582 (READ-ONLY COPY).

The authoritative reference and input builder live on the scoring server;
editing this copy changes nothing except your own understanding.
"""

import jax, jax.numpy as jnp
import numpy as np

N = 10000
E = 160000
D_IN = 312
H = 128
OUT = 128


def setup_inputs(seed: int = 0) -> dict:
    key = jax.random.key(seed)
    ks = jax.random.split(key, 9)
    x = jax.random.normal(ks[0], (N, D_IN), dtype=jnp.float32)
    edge_index = jax.random.randint(ks[1], (2, E), 0, N, dtype=jnp.int32)
    W1_l = jax.random.normal(ks[2], (D_IN, H), dtype=jnp.float32) * 0.05
    b1 = jnp.zeros((H,), dtype=jnp.float32)
    W1_r = jax.random.normal(ks[3], (D_IN, H), dtype=jnp.float32) * 0.05
    W2_l = jax.random.normal(ks[4], (H, OUT), dtype=jnp.float32) * 0.05
    b2 = jnp.zeros((OUT,), dtype=jnp.float32)
    W2_r = jax.random.normal(ks[5], (H, OUT), dtype=jnp.float32) * 0.05
    return {"x": x, "edge_index": edge_index, "W1_l": W1_l, "b1": b1, "W1_r": W1_r, "W2_l": W2_l, "b2": b2, "W2_r": W2_r}


def _sage_conv(x, edge_index, W_l, b_l, W_r):
    # PyG SAGEConv with mean aggregation:
    #   out = lin_l(mean_{j in N(i)} x_j) + lin_r(x_i), bias in lin_l
    src = edge_index[0]
    dst = edge_index[1]
    msg = x[src]  # gather (SparseCore)
    agg = jax.ops.segment_sum(msg, dst, num_segments=N)  # scatter-add
    cnt = jax.ops.segment_sum(jnp.ones((msg.shape[0],), dtype=x.dtype), dst, num_segments=N)
    mean = agg / jnp.clip(cnt, 1.0)[:, None]
    return mean @ W_l + b_l + x @ W_r


def reference(x, edge_index, W1_l, b1, W1_r, W2_l, b2, W2_r):
    h = jax.nn.relu(_sage_conv(x, edge_index, W1_l, b1, W1_r))
    out = _sage_conv(h, edge_index, W2_l, b2, W2_r)
    return out

if __name__ == "__main__":
    import jax
    _d = setup_inputs()
    print(jax.jit(kernel)(*tuple(_d.values())))

</pallas_src>

<mosaic_0001>
#map = affine_map<(d0, d1) -> (0, 0)>
#map1 = affine_map<(d0, d1) -> (0, 0, 0)>
module attributes {stable_mosaic.version = 14 : i64} {
  func.func @body(%arg0: i32, %arg1: i32, %arg2: memref<10000x128xf32, #tpu.memory_space<hbm>>, %arg3: memref<32x80x64xi32, #tpu.memory_space<hbm>>, %arg4: memref<2x10240x128xf32, #tpu.memory_space<hbm>>, %arg5: memref<2x10240xf32, #tpu.memory_space<hbm>>, %arg6: memref<10240x128xf32, #tpu.memory_space<vmem_shared>>, %arg7: memref<80x64xi32, #tpu.memory_space<vmem>>, %arg8: memref<4x64xi32, #tpu.memory_space<vmem>>, %arg9: memref<4x64xi32, #tpu.memory_space<vmem>>, %arg10: memref<4x64x128xf32, #tpu.memory_space<vmem>>, %arg11: memref<!tpu.dma_semaphore, #tpu.memory_space<semaphore_mem>>, %arg12: memref<!tpu.dma_semaphore, #tpu.memory_space<semaphore_mem>>, %arg13: memref<!tpu.dma_semaphore, #tpu.memory_space<semaphore_mem>>, %arg14: memref<!tpu.dma_semaphore, #tpu.memory_space<semaphore_mem>>, %arg15: memref<!tpu.dma_semaphore, #tpu.memory_space<semaphore_mem>>, %arg16: memref<!tpu.dma_semaphore, #tpu.memory_space<semaphore_mem>>, %arg17: memref<!tpu.dma_semaphore, #tpu.memory_space<semaphore_mem>>, %arg18: memref<!tpu.dma_semaphore, #tpu.memory_space<semaphore_mem>>, %arg19: memref<!tpu.dma_semaphore, #tpu.memory_space<semaphore_mem>>, %arg20: memref<10240xf32, #tpu.memory_space<vmem_shared>>, %arg21: memref<64xf32, #tpu.memory_space<vmem>>, %arg22: memref<640xf32, #tpu.memory_space<vmem>>) attributes {dimension_semantics = [#tpu.dimension_semantics<core_parallel>, #tpu.dimension_semantics<subcore_parallel>], iteration_bounds = array<i64: 2, 16>, scalar_prefetch = 0 : i64, scratch_operands = 17 : i64, tpu.core_type = #tpu.core_type<sc_vector_subcore>, window_params = [{transform_indices = #map}, {transform_indices = #map1}, {transform_indices = #map1}, {transform_indices = #map}]} {
    %mul3A = arith.constant 16 : i32
    %mul3A_0 = arith.muli %arg0, %mul3A : i32
    %add3A = arith.addi %mul3A_0, %arg1 : i32
    %mul3A_1 = arith.constant 640 : i32
    %mul3A_2 = arith.muli %arg1, %mul3A_1 : i32
    %dma_start3A = arith.constant 0 : i32
    %dma_start3A_3 = arith.constant 0 : i32
    %dma_start3A_4 = tpu.memref_slice %arg3[%add3A, %dma_start3A, %dma_start3A_3] : memref<32x80x64xi32, #tpu.memory_space<hbm>> -> memref<1x80x64xi32, #tpu.memory_space<hbm>>
    %dma_start3A_5 = tpu.memref_squeeze %dma_start3A_4 : memref<1x80x64xi32, #tpu.memory_space<hbm>> -> memref<80x64xi32, #tpu.memory_space<hbm>>
    %dma_start3A_6 = arith.constant 0 : i32
    %dma_start3A_7 = arith.constant 0 : i32
    %dma_start3A_8 = tpu.memref_slice %arg3[%add3A, %dma_start3A_6, %dma_start3A_7] : memref<32x80x64xi32, #tpu.memory_space<hbm>> -> memref<1x80x64xi32, #tpu.memory_space<hbm>>
    %dma_start3A_9 = tpu.memref_squeeze %dma_start3A_8 : memref<1x80x64xi32, #tpu.memory_space<hbm>> -> memref<80x64xi32, #tpu.memory_space<hbm>>
    tpu.enqueue_dma source(%dma_start3A_9 : memref<80x64xi32, #tpu.memory_space<hbm>>) target(%arg7 : memref<80x64xi32, #tpu.memory_space<vmem>>) target_semaphore(%arg11 : memref<!tpu.dma_semaphore, #tpu.memory_space<semaphore_mem>>)
    %broadcast_in_dim3A = arith.constant 0.000000e+00 : f32
    %broadcast_in_dim3A_10 = vector.broadcast %broadcast_in_dim3A : f32 to vector<16xf32>
    %scan3A = arith.constant 0 : i32
    %scan3A_11 = arith.constant 0 : i32
    %scan3A_12 = arith.constant 64 : i32
    %scan3A_13 = arith.addi %scan3A_11, %scan3A_12 : i32
    %scan3A_14 = arith.constant 1 : i32
    scf.for %scan3A_1278 = %scan3A_11 to %scan3A_13 step %scan3A_14  : i32 {
      %swap3A_1279 = arith.constant 0 : i32
      %swap3A_1280 = arith.index_cast %swap3A_1279 : i32 to index
      %swap3A_1281 = arith.index_cast %scan3A_1278 : i32 to index
      %swap3A_1282 = arith.constant 0 : index
      %swap3A_1283 = tpu.vector_load %arg10[%swap3A_1280, %swap3A_1281, %swap3A_1282] {strides = array<i32>} : memref<4x64x128xf32, #tpu.memory_space<vmem>>, vector<1x1x16xf32>,
      %swap3A_1284 = vector.shape_cast %swap3A_1283 : vector<1x1x16xf32> to vector<16xf32>
      %swap3A_1285 = vector.shape_cast %broadcast_in_dim3A_10 : vector<16xf32> to vector<1x1x16xf32>
      tpu.vector_store %arg10[%swap3A_1280, %swap3A_1281, %swap3A_1282], %swap3A_1285 {strides = array<i32>} : memref<4x64x128xf32, #tpu.memory_space<vmem>>, vector<1x1x16xf32>,
      %swap3A_1286 = arith.constant 0 : i32
      %swap3A_1287 = arith.index_cast %swap3A_1286 : i32 to index
      %swap3A_1288 = arith.index_cast %scan3A_1278 : i32 to index
      %swap3A_1289 = arith.constant 16 : index
      %swap3A_1290 = tpu.vector_load %arg10[%swap3A_1287, %swap3A_1288, %swap3A_1289] {strides = array<i32>} : memref<4x64x128xf32, #tpu.memory_space<vmem>>, vector<1x1x16xf32>,
      %swap3A_1291 = vector.shape_cast %swap3A_1290 : vector<1x1x16xf32> to vector<16xf32>
      %swap3A_1292 = vector.shape_cast %broadcast_in_dim3A_10 : vector<16xf32> to vector<1x1x16xf32>
      tpu.vector_store %arg10[%swap3A_1287, %swap3A_1288, %swap3A_1289], %swap3A_1292 {strides = array<i32>} : memref<4x64x128xf32, #tpu.memory_space<vmem>>, vector<1x1x16xf32>,
      %swap3A_1293 = arith.constant 0 : i32
      %swap3A_1294 = arith.index_cast %swap3A_1293 : i32 to index
      %swap3A_1295 = arith.index_cast %scan3A_1278 : i32 to index
      %swap3A_1296 = arith.constant 32 : index
      %swap3A_1297 = tpu.vector_load %arg10[%swap3A_1294, %swap3A_1295, %swap3A_1296] {strides = array<i32>} : memref<4x64x128xf32, #tpu.memory_space<vmem>>, vector<1x1x16xf32>,
      %swap3A_1298 = vector.shape_cast %swap3A_1297 : vector<1x1x16xf32> to vector<16xf32>
      %swap3A_1299 = vector.shape_cast %broadcast_in_dim3A_10 : vector<16xf32> to vector<1x1x16xf32>
      tpu.vector_store %arg10[%swap3A_1294, %swap3A_1295, %swap3A_1296], %swap3A_1299 {strides = array<i32>} : memref<4x64x128xf32, #tpu.memory_space<vmem>>, vector<1x1x16xf32>,
      %swap3A_1300 = arith.constant 0 : i32
      %swap3A_1301 = arith.index_cast %swap3A_1300 : i32 to index
      %swap3A_1302 = arith.index_cast %scan3A_1278 : i32 to index
      %swap3A_1303 = arith.constant 48 : index
      %swap3A_1304 = tpu.vector_load %arg10[%swap3A_1301, %swap3A_1302, %swap3A_1303] {strides = array<i32>} : memref<4x64x128xf32, #tpu.memory_space<vmem>>, vector<1x1x16xf32>,
      %swap3A_1305 = vector.shape_cast %swap3A_1304 : vector<1x1x16xf32> to vector<16xf32>
      %swap3A_1306 = vector.shape_cast %broadcast_in_dim3A_10 : vector<16xf32> to vector<1x1x16xf32>
      tpu.vector_store %arg10[%swap3A_1301, %swap3A_1302, %swap3A_1303], %swap3A_1306 {strides = array<i32>} : memref<4x64x128xf32, #tpu.memory_space<vmem>>, vector<1x1x16xf32>,
      %swap3A_1307 = arith.constant 0 : i32
      %swap3A_1308 = arith.index_cast %swap3A_1307 : i32 to index
      %swap3A_1309 = arith.index_cast %scan3A_1278 : i32 to index
      %swap3A_1310 = arith.constant 64 : index
      %swap3A_1311 = tpu.vector_load %arg10[%swap3A_1308, %swap3A_1309, %swap3A_1310] {strides = array<i32>} : memref<4x64x128xf32, #tpu.memory_space<vmem>>, vector<1x1x16xf32>,
      %swap3A_1312 = vector.shape_cast %swap3A_1311 : vector<1x1x16xf32> to vector<16xf32>
      %swap3A_1313 = vector.shape_cast %broadcast_in_dim3A_10 : vector<16xf32> to vector<1x1x16xf32>
      tpu.vector_store %arg10[%swap3A_1308, %swap3A_1309, %swap3A_1310], %swap3A_1313 {strides = array<i32>} : memref<4x64x128xf32, #tpu.memory_space<vmem>>, vector<1x1x16xf32>,
      %swap3A_1314 = arith.constant 0 : i32
      %swap3A_1315 = arith.index_cast %swap3A_1314 : i32 to index
      %swap3A_1316 = arith.index_cast %scan3A_1278 : i32 to index
      %swap3A_1317 = arith.constant 80 : index
      %swap3A_1318 = tpu.vector_load %arg10[%swap3A_1315, %swap3A_1316, %swap3A_1317] {strides = array<i32>} : memref<4x64x128xf32, #tpu.memory_space<vmem>>, vector<1x1x16xf32>,
      %swap3A_1319 = vector.shape_cast %swap3A_1318 : vector<1x1x16xf32> to vector<16xf32>
      %swap3A_1320 = vector.shape_cast %broadcast_in_dim3A_10 : vector<16xf32> to vector<1x1x16xf32>
      tpu.vector_store %arg10[%swap3A_1315, %swap3A_1316, %swap3A_1317], %swap3A_1320 {strides = array<i32>} : memref<4x64x128xf32, #tpu.memory_space<vmem>>, vector<1x1x16xf32>,
      %swap3A_1321 = arith.constant 0 : i32
      %swap3A_1322 = arith.index_cast %swap3A_1321 : i32 to index
      %swap3A_1323 = arith.index_cast %scan3A_1278 : i32 to index
      %swap3A_1324 = arith.constant 96 : index
      %swap3A_1325 = tpu.vector_load %arg10[%swap3A_1322, %swap3A_1323, %swap3A_1324] {strides = array<i32>} : memref<4x64x128xf32, #tpu.memory_space<vmem>>, vector<1x1x16xf32>,
      %swap3A_1326 = vector.shape_cast %swap3A_1325 : vector<1x1x16xf32> to vector<16xf32>
      %swap3A_1327 = vector.shape_cast %broadcast_in_dim3A_10 : vector<16xf32> to vector<1x1x16xf32>
      tpu.vector_store %arg10[%swap3A_1322, %swap3A_1323, %swap3A_1324], %swap3A_1327 {strides = array<i32>} : memref<4x64x128xf32, #tpu.memory_space<vmem>>, vector<1x1x16xf32>,
      %swap3A_1328 = arith.constant 0 : i32
      %swap3A_1329 = arith.index_cast %swap3A_1328 : i32 to index
      %swap3A_1330 = arith.index_cast %scan3A_1278 : i32 to index
      %swap3A_1331 = arith.constant 112 : index
      %swap3A_1332 = tpu.vector_load %arg10[%swap3A_1329, %swap3A_1330, %swap3A_1331] {strides = array<i32>} : memref<4x64x128xf32, #tpu.memory_space<vmem>>, vector<1x1x16xf32>,
      %swap3A_1333 = vector.shape_cast %swap3A_1332 : vector<1x1x16xf32> to vector<16xf32>
      %swap3A_1334 = vector.shape_cast %broadcast_in_dim3A_10 : vector<16xf32> to vector<1x1x16xf32>
      tpu.vector_store %arg10[%swap3A_1329, %swap3A_1330, %swap3A_1331], %swap3A_1334 {strides = array<i32>} : memref<4x64x128xf32, #tpu.memory_space<vmem>>, vector<1x1x16xf32>,
    }
    %scan3A_15 = arith.constant 64 : i32
    %scan3A_16 = arith.constant 0 : i32
    %scan3A_17 = arith.constant 0 : i32
    %scan3A_18 = arith.constant 10 : i32
    %scan3A_19 = arith.addi %scan3A_17, %scan3A_18 : i32
    %scan3A_20 = arith.constant 1 : i32
    scf.for %scan3A_1278 = %scan3A_17 to %scan3A_19 step %scan3A_20  : i32 {
      %mul3A_1279 = arith.constant 64 : i32
      %mul3A_1280 = arith.muli %scan3A_1278, %mul3A_1279 : i32
      %add3A_1281 = arith.addi %mul3A_2, %mul3A_1280 : i32
      %dma_start3A_1282 = arith.constant 0 : i32
      %dma_start3A_1283 = arith.constant 0 : i32
      %dma_start3A_1284 = arith.constant 0 : i32
      %dma_start3A_1285 = tpu.memref_slice %arg10[%dma_start3A_1282, %dma_start3A_1283, %dma_start3A_1284] : memref<4x64x128xf32, #tpu.memory_space<vmem>> -> memref<1x64x128xf32, #tpu.memory_space<vmem>>
      %dma_start3A_1286 = tpu.memref_squeeze %dma_start3A_1285 : memref<1x64x128xf32, #tpu.memory_space<vmem>> -> memref<64x128xf32, #tpu.memory_space<vmem>>
      %dma_start3A_1287 = arith.constant 0 : i32
      %dma_start3A_1288 = tpu.memref_slice %arg6[%add3A_1281, %dma_start3A_1287] : memref<10240x128xf32, #tpu.memory_space<vmem_shared>> -> memref<64x128xf32, #tpu.memory_space<vmem_shared>>
      %dma_start3A_1289 = arith.constant 0 : i32
      %dma_start3A_1290 = tpu.memref_slice %arg6[%add3A_1281, %dma_start3A_1289] : memref<10240x128xf32, #tpu.memory_space<vmem_shared>> -> memref<64x128xf32, #tpu.memory_space<vmem_shared>>
      %dma_start3A_1291 = arith.constant 0 : i32
      %dma_start3A_1292 = arith.constant 0 : i32
      %dma_start3A_1293 = tpu.memref_slice %arg10[%dma_start3A_1282, %dma_start3A_1291, %dma_start3A_1292] : memref<4x64x128xf32, #tpu.memory_space<vmem>> -> memref<1x64x128xf32, #tpu.memory_space<vmem>>
      %dma_start3A_1294 = tpu.memref_squeeze %dma_start3A_1293 : memref<1x64x128xf32, #tpu.memory_space<vmem>> -> memref<64x128xf32, #tpu.memory_space<vmem>>
      tpu.enqueue_dma source(%dma_start3A_1294 : memref<64x128xf32, #tpu.memory_space<vmem>>) target(%dma_start3A_1290 : memref<64x128xf32, #tpu.memory_space<vmem_shared>>) target_semaphore(%arg15 : memref<!tpu.dma_semaphore, #tpu.memory_space<semaphore_mem>>)
    }
    %scan3A_21 = arith.constant 10 : i32
    %broadcast_in_dim3A_22 = arith.constant 1.000000e+00 : f32
    %broadcast_in_dim3A_23 = vector.broadcast %broadcast_in_dim3A_22 : f32 to vector<16xf32>
    %swap3A = arith.constant 0 : index
    %swap3A_24 = tpu.vector_load %arg21[%swap3A] {strides = array<i32>} : memref<64xf32, #tpu.memory_space<vmem>>, vector<16xf32>,
    %swap3A_25 = vector.shape_cast %swap3A_24 : vector<16xf32> to vector<16xf32>
    %swap3A_26 = vector.shape_cast %broadcast_in_dim3A_23 : vector<16xf32> to vector<16xf32>
    tpu.vector_store %arg21[%swap3A], %swap3A_26 {strides = array<i32>} : memref<64xf32, #tpu.memory_space<vmem>>, vector<16xf32>,
    %swap3A_27 = arith.constant 16 : index
    %swap3A_28 = tpu.vector_load %arg21[%swap3A_27] {strides = array<i32>} : memref<64xf32, #tpu.memory_space<vmem>>, vector<16xf32>,
    %swap3A_29 = vector.shape_cast %swap3A_28 : vector<16xf32> to vector<16xf32>
    %swap3A_30 = vector.shape_cast %broadcast_in_dim3A_23 : vector<16xf32> to vector<16xf32>
    tpu.vector_store %arg21[%swap3A_27], %swap3A_30 {strides = array<i32>} : memref<64xf32, #tpu.memory_space<vmem>>, vector<16xf32>,
    %swap3A_31 = arith.constant 32 : index
    %swap3A_32 = tpu.vector_load %arg21[%swap3A_31] {strides = array<i32>} : memref<64xf32, #tpu.memory_space<vmem>>, vector<16xf32>,
    %swap3A_33 = vector.shape_cast %swap3A_32 : vector<16xf32> to vector<16xf32>
    %swap3A_34 = vector.shape_cast %broadcast_in_dim3A_23 : vector<16xf32> to vector<16xf32>
    tpu.vector_store %arg21[%swap3A_31], %swap3A_34 {strides = array<i32>} : memref<64xf32, #tpu.memory_space<vmem>>, vector<16xf32>,
    %swap3A_35 = arith.constant 48 : index
    %swap3A_36 = tpu.vector_load %arg21[%swap3A_35] {strides = array<i32>} : memref<64xf32, #tpu.memory_space<vmem>>, vector<16xf32>,
    %swap3A_37 = vector.shape_cast %swap3A_36 : vector<16xf32> to vector<16xf32>
    %swap3A_38 = vector.shape_cast %broadcast_in_dim3A_23 : vector<16xf32> to vector<16xf32>
    tpu.vector_store %arg21[%swap3A_35], %swap3A_38 {strides = array<i32>} : memref<64xf32, #tpu.memory_space<vmem>>, vector<16xf32>,
    %scan3A_39 = arith.constant 0 : i32
    %scan3A_40 = arith.constant 0 : i32
    %scan3A_41 = arith.constant 40 : i32
    %scan3A_42 = arith.addi %scan3A_40, %scan3A_41 : i32
    %scan3A_43 = arith.constant 1 : i32
    scf.for %scan3A_1278 = %scan3A_40 to %scan3A_42 step %scan3A_43  : i32 {
      %mul3A_1279 = arith.constant 16 : i32
      %mul3A_1280 = arith.muli %scan3A_1278, %mul3A_1279 : i32
      %swap3A_1281 = arith.index_cast %mul3A_1280 : i32 to index
      %swap3A_1282 = tpu.vector_load %arg22[%swap3A_1281] {strides = array<i32>} : memref<640xf32, #tpu.memory_space<vmem>>, vector<16xf32>,
      %swap3A_1283 = vector.shape_cast %swap3A_1282 : vector<16xf32> to vector<16xf32>
      %swap3A_1284 = vector.shape_cast %broadcast_in_dim3A_10 : vector<16xf32> to vector<16xf32>
      tpu.vector_store %arg22[%swap3A_1281], %swap3A_1284 {strides = array<i32>} : memref<640xf32, #tpu.memory_space<vmem>>, vector<16xf32>,
    }
    %scan3A_44 = arith.constant 40 : i32
    "tpu.region"() ({
      %run_scoped3A = tpu.sem_alloc : memref<!tpu.dma_semaphore, #tpu.memory_space<semaphore_mem>>
      %dma_start3A_1278 = tpu.memref_slice %arg20[%mul3A_2] : memref<10240xf32, #tpu.memory_space<vmem_shared>> -> memref<640xf32, #tpu.memory_space<vmem_shared>>
      %dma_start3A_1279 = tpu.memref_slice %arg20[%mul3A_2] : memref<10240xf32, #tpu.memory_space<vmem_shared>> -> memref<640xf32, #tpu.memory_space<vmem_shared>>
      tpu.enqueue_dma source(%arg22 : memref<640xf32, #tpu.memory_space<vmem>>) target(%dma_start3A_1279 : memref<640xf32, #tpu.memory_space<vmem_shared>>) target_semaphore(%run_scoped3A : memref<!tpu.dma_semaphore, #tpu.memory_space<semaphore_mem>>)
      %dma_wait3A_1280 = tpu.memref_slice %arg20[%mul3A_2] : memref<10240xf32, #tpu.memory_space<vmem_shared>> -> memref<640xf32, #tpu.memory_space<vmem_shared>>
      %dma_wait3A_1281 = tpu.memref_slice %arg20[%mul3A_2] : memref<10240xf32, #tpu.memory_space<vmem_shared>> -> memref<640xf32, #tpu.memory_space<vmem_shared>>
      tpu.wait_dma2 semaphore(%run_scoped3A : memref<!tpu.dma_semaphore, #tpu.memory_space<semaphore_mem>>) src(%arg22 : memref<640xf32, #tpu.memory_space<vmem>>) dst(%dma_wait3A_1281 : memref<640xf32, #tpu.memory_space<vmem_shared>>)
      tpu.yield
    }) : () -> ()
    %scan3A_45 = arith.constant 0 : i32
    %scan3A_46 = arith.constant 0 : i32
    %scan3A_47 = arith.constant 10 : i32
    %scan3A_48 = arith.addi %scan3A_46, %scan3A_47 : i32
    %scan3A_49 = arith.constant 1 : i32
    scf.for %scan3A_1278 = %scan3A_46 to %scan3A_48 step %scan3A_49  : i32 {
      %mul3A_1279 = arith.constant 64 : i32
      %mul3A_1280 = arith.muli %scan3A_1278, %mul3A_1279 : i32
      %add3A_1281 = arith.addi %mul3A_2, %mul3A_1280 : i32
      %dma_wait3A_1282 = arith.constant 0 : i32
      %dma_wait3A_1283 = arith.constant 0 : i32
      %dma_wait3A_1284 = arith.constant 0 : i32
      %dma_wait3A_1285 = tpu.memref_slice %arg10[%dma_wait3A_1282, %dma_wait3A_1283, %dma_wait3A_1284] : memref<4x64x128xf32, #tpu.memory_space<vmem>> -> memref<1x64x128xf32, #tpu.memory_space<vmem>>
      %dma_wait3A_1286 = tpu.memref_squeeze %dma_wait3A_1285 : memref<1x64x128xf32, #tpu.memory_space<vmem>> -> memref<64x128xf32, #tpu.memory_space<vmem>>
      %dma_wait3A_1287 = arith.constant 0 : i32
      %dma_wait3A_1288 = tpu.memref_slice %arg6[%add3A_1281, %dma_wait3A_1287] : memref<10240x128xf32, #tpu.memory_space<vmem_shared>> -> memref<64x128xf32, #tpu.memory_space<vmem_shared>>
      %dma_wait3A_1289 = arith.constant 0 : i32
      %dma_wait3A_1290 = tpu.memref_slice %arg6[%add3A_1281, %dma_wait3A_1289] : memref<10240x128xf32, #tpu.memory_space<vmem_shared>> -> memref<64x128xf32, #tpu.memory_space<vmem_shared>>
      %dma_wait3A_1291 = arith.constant 0 : i32
      %dma_wait3A_1292 = arith.constant 0 : i32
      %dma_wait3A_1293 = tpu.memref_slice %arg10[%dma_wait3A_1282, %dma_wait3A_1291, %dma_wait3A_1292] : memref<4x64x128xf32, #tpu.memory_space<vmem>> -> memref<1x64x128xf32, #tpu.memory_space<vmem>>
      %dma_wait3A_1294 = tpu.memref_squeeze %dma_wait3A_1293 : memref<1x64x128xf32, #tpu.memory_space<vmem>> -> memref<64x128xf32, #tpu.memory_space<vmem>>
      tpu.wait_dma2 semaphore(%arg15 : memref<!tpu.dma_semaphore, #tpu.memory_space<semaphore_mem>>) src(%dma_wait3A_1294 : memref<64x128xf32, #tpu.memory_space<vmem>>) dst(%dma_wait3A_1290 : memref<64x128xf32, #tpu.memory_space<vmem_shared>>)
    }
    %scan3A_50 = arith.constant 10 : i32
    %dma_wait3A = arith.constant 0 : i32
    %dma_wait3A_51 = arith.constant 0 : i32
    %dma_wait3A_52 = tpu.memref_slice %arg3[%add3A, %dma_wait3A, %dma_wait3A_51] : memref<32x80x64xi32, #tpu.memory_space<hbm>> -> memref<1x80x64xi32, #tpu.memory_space<hbm>>
    %dma_wait3A_53 = tpu.memref_squeeze %dma_wait3A_52 : memref<1x80x64xi32, #tpu.memory_space<hbm>> -> memref<80x64xi32, #tpu.memory_space<hbm>>
    %dma_wait3A_54 = arith.constant 0 : i32
    %dma_wait3A_55 = arith.constant 0 : i32
    %dma_wait3A_56 = tpu.memref_slice %arg3[%add3A, %dma_wait3A_54, %dma_wait3A_55] : memref<32x80x64xi32, #tpu.memory_space<hbm>> -> memref<1x80x64xi32, #tpu.memory_space<hbm>>
    %dma_wait3A_57 = tpu.memref_squeeze %dma_wait3A_56 : memref<1x80x64xi32, #tpu.memory_space<hbm>> -> memref<80x64xi32, #tpu.memory_space<hbm>>
    tpu.wait_dma2 semaphore(%arg11 : memref<!tpu.dma_semaphore, #tpu.memory_space<semaphore_mem>>) src(%dma_wait3A_57 : memref<80x64xi32, #tpu.memory_space<hbm>>) dst(%arg7 : memref<80x64xi32, #tpu.memory_space<vmem>>)
    %barrier3A = arith.constant 0 : index
    tpu.barrier barrier_id(%barrier3A)
    %get3A = arith.constant 0 : i32
    %get3A_58 = arith.index_cast %get3A : i32 to index
    %get3A_59 = arith.constant 0 : index
    %get3A_60 = tpu.vector_load %arg7[%get3A_58, %get3A_59] {strides = array<i32>} : memref<80x64xi32, #tpu.memory_space<vmem>>, vector<1x16xi32>,
    %get3A_61 = vector.shape_cast %get3A_60 : vector<1x16xi32> to vector<16xi32>
    %and3A = arith.constant 16383 : i32
    %and3A_62 = vector.broadcast %and3A : i32 to vector<16xi32>
    %and3A_63 = arith.andi %get3A_61, %and3A_62 : vector<16xi32>
    %swap3A_64 = arith.constant 0 : i32
    %swap3A_65 = arith.index_cast %swap3A_64 : i32 to index
    %swap3A_66 = arith.constant 0 : index
    %swap3A_67 = tpu.vector_load %arg8[%swap3A_65, %swap3A_66] {strides = array<i32>} : memref<4x64xi32, #tpu.memory_space<vmem>>, vector<1x16xi32>,
    %swap3A_68 = vector.shape_cast %swap3A_67 : vector<1x16xi32> to vector<16xi32>
    %swap3A_69 = vector.shape_cast %and3A_63 : vector<16xi32> to vector<1x16xi32>
    tpu.vector_store %arg8[%swap3A_65, %swap3A_66], %swap3A_69 {strides = array<i32>} : memref<4x64xi32, #tpu.memory_space<vmem>>, vector<1x16xi32>,
    %shift_right_logical3A = arith.constant 14 : i32
    %shift_right_logical3A_70 = vector.broadcast %shift_right_logical3A : i32 to vector<16xi32>
    %shift_right_logical3A_71 = arith.shrui %get3A_61, %shift_right_logical3A_70 : vector<16xi32>
    %swap3A_72 = arith.constant 0 : i32
    %swap3A_73 = arith.index_cast %swap3A_72 : i32 to index
    %swap3A_74 = arith.constant 0 : index
    %swap3A_75 = tpu.vector_load %arg9[%swap3A_73, %swap3A_74] {strides = array<i32>} : memref<4x64xi32, #tpu.memory_space<vmem>>, vector<1x16xi32>,
    %swap3A_76 = vector.shape_cast %swap3A_75 : vector<1x16xi32> to vector<16xi32>
    %swap3A_77 = vector.shape_cast %shift_right_logical3A_71 : vector<16xi32> to vector<1x16xi32>
    tpu.vector_store %arg9[%swap3A_73, %swap3A_74], %swap3A_77 {strides = array<i32>} : memref<4x64xi32, #tpu.memory_space<vmem>>, vector<1x16xi32>,
    %get3A_78 = arith.constant 0 : i32
    %get3A_79 = arith.index_cast %get3A_78 : i32 to index
    %get3A_80 = arith.constant 16 : index
    %get3A_81 = tpu.vector_load %arg7[%get3A_79, %get3A_80] {strides = array<i32>} : memref<80x64xi32, #tpu.memory_space<vmem>>, vector<1x16xi32>,
    %get3A_82 = vector.shape_cast %get3A_81 : vector<1x16xi32> to vector<16xi32>
    %and3A_83 = arith.constant 16383 : i32
    %and3A_84 = vector.broadcast %and3A_83 : i32 to vector<16xi32>
    %and3A_85 = arith.andi %get3A_82, %and3A_84 : vector<16xi32>
    %swap3A_86 = arith.constant 0 : i32
    %swap3A_87 = arith.index_cast %swap3A_86 : i32 to index
    %swap3A_88 = arith.constant 16 : index
    %swap3A_89 = tpu.vector_load %arg8[%swap3A_87, %swap3A_88] {strides = array<i32>} : memref<4x64xi32, #tpu.memory_space<vmem>>, vector<1x16xi32>,
    %swap3A_90 = vector.shape_cast %swap3A_89 : vector<1x16xi32> to vector<16xi32>
    %swap3A_91 = vector.shape_cast %and3A_85 : vector<16xi32> to vector<1x16xi32>
    tpu.vector_store %arg8[%swap3A_87, %swap3A_88], %swap3A_91 {strides = array<i32>} : memref<4x64xi32, #tpu.memory_space<vmem>>, vector<1x16xi32>,
    %shift_right_logical3A_92 = arith.constant 14 : i32
    %shift_right_logical3A_93 = vector.broadcast %shift_right_logical3A_92 : i32 to vector<16xi32>
    %shift_right_logical3A_94 = arith.shrui %get3A_82, %shift_right_logical3A_93 : vector<16xi32>
    %swap3A_95 = arith.constant 0 : i32
    %swap3A_96 = arith.index_cast %swap3A_95 : i32 to index
    %swap3A_97 = arith.constant 16 : index
    %swap3A_98 = tpu.vector_load %arg9[%swap3A_96, %swap3A_97] {strides = array<i32>} : memref<4x64xi32, #tpu.memory_space<vmem>>, vector<1x16xi32>,
    %swap3A_99 = vector.shape_cast %swap3A_98 : vector<1x16xi32> to vector<16xi32>
    %swap3A_100 = vector.shape_cast %shift_right_logical3A_94 : vector<16xi32> to vector<1x16xi32>
    tpu.vector_store %arg9[%swap3A_96, %swap3A_97], %swap3A_100 {strides = array<i32>} : memref<4x64xi32, #tpu.memory_space<vmem>>, vector<1x16xi32>,
    %get3A_101 = arith.constant 0 : i32
    %get3A_102 = arith.index_cast %get3A_101 : i32 to index
    %get3A_103 = arith.constant 32 : index
    %get3A_104 = tpu.vector_load %arg7[%get3A_102, %get3A_103] {strides = array<i32>} : memref<80x64xi32, #tpu.memory_space<vmem>>, vector<1x16xi32>,
    %get3A_105 = vector.shape_cast %get3A_104 : vector<1x16xi32> to vector<16xi32>
    %and3A_106 = arith.constant 16383 : i32
    %and3A_107 = vector.broadcast %and3A_106 : i32 to vector<16xi32>
    %and3A_108 = arith.andi %get3A_105, %and3A_107 : vector<16xi32>
    %swap3A_109 = arith.constant 0 : i32
    %swap3A_110 = arith.index_cast %swap3A_109 : i32 to index
    %swap3A_111 = arith.constant 32 : index
    %swap3A_112 = tpu.vector_load %arg8[%swap3A_110, %swap3A_111] {strides = array<i32>} : memref<4x64xi32, #tpu.memory_space<vmem>>, vector<1x16xi32>,
    %swap3A_113 = vector.shape_cast %swap3A_112 : vector<1x16xi32> to vector<16xi32>
    %swap3A_114 = vector.shape_cast %and3A_108 : vector<16xi32> to vector<1x16xi32>
    tpu.vector_store %arg8[%swap3A_110, %swap3A_111], %swap3A_114 {strides = array<i32>} : memref<4x64xi32, #tpu.memory_space<vmem>>, vector<1x16xi32>,
    %shift_right_logical3A_115 = arith.constant 14 : i32
    %shift_right_logical3A_116 = vector.broadcast %shift_right_logical3A_115 : i32 to vector<16xi32>
    %shift_right_logical3A_117 = arith.shrui %get3A_105, %shift_right_logical3A_116 : vector<16xi32>
    %swap3A_118 = arith.constant 0 : i32
    %swap3A_119 = arith.index_cast %swap3A_118 : i32 to index
    %swap3A_120 = arith.constant 32 : index
    %swap3A_121 = tpu.vector_load %arg9[%swap3A_119, %swap3A_120] {strides = array<i32>} : memref<4x64xi32, #tpu.memory_space<vmem>>, vector<1x16xi32>,
    %swap3A_122 = vector.shape_cast %swap3A_121 : vector<1x16xi32> to vector<16xi32>
    %swap3A_123 = vector.shape_cast %shift_right_logical3A_117 : vector<16xi32> to vector<1x16xi32>
    tpu.vector_store %arg9[%swap3A_119, %swap3A_120], %swap3A_123 {strides = array<i32>} : memref<4x64xi32, #tpu.memory_space<vmem>>, vector<1x16xi32>,
    %get3A_124 = arith.constant 0 : i32
    %get3A_125 = arith.index_cast %get3A_124 : i32 to index
    %get3A_126 = arith.constant 48 : index
    %get3A_127 = tpu.vector_load %arg7[%get3A_125, %get3A_126] {strides = array<i32>} : memref<80x64xi32, #tpu.memory_space<vmem>>, vector<1x16xi32>,
    %get3A_128 = vector.shape_cast %get3A_127 : vector<1x16xi32> to vector<16xi32>
    %and3A_129 = arith.constant 16383 : i32
    %and3A_130 = vector.broadcast %and3A_129 : i32 to vector<16xi32>
    %and3A_131 = arith.andi %get3A_128, %and3A_130 : vector<16xi32>
    %swap3A_132 = arith.constant 0 : i32
    %swap3A_133 = arith.index_cast %swap3A_132 : i32 to index
    %swap3A_134 = arith.constant 48 : index
    %swap3A_135 = tpu.vector_load %arg8[%swap3A_133, %swap3A_134] {strides = array<i32>} : memref<4x64xi32, #tpu.memory_space<vmem>>, vector<1x16xi32>,
    %swap3A_136 = vector.shape_cast %swap3A_135 : vector<1x16xi32> to vector<16xi32>
    %swap3A_137 = vector.shape_cast %and3A_131 : vector<16xi32> to vector<1x16xi32>
    tpu.vector_store %arg8[%swap3A_133, %swap3A_134], %swap3A_137 {strides = array<i32>} : memref<4x64xi32, #tpu.memory_space<vmem>>, vector<1x16xi32>,
    %shift_right_logical3A_138 = arith.constant 14 : i32
    %shift_right_logical3A_139 = vector.broadcast %shift_right_logical3A_138 : i32 to vector<16xi32>
    %shift_right_logical3A_140 = arith.shrui %get3A_128, %shift_right_logical3A_139 : vector<16xi32>
    %swap3A_141 = arith.constant 0 : i32
    %swap3A_142 = arith.index_cast %swap3A_141 : i32 to index
    %swap3A_143 = arith.constant 48 : index
    %swap3A_144 = tpu.vector_load %arg9[%swap3A_142, %swap3A_143] {strides = array<i32>} : memref<4x64xi32, #tpu.memory_space<vmem>>, vector<1x16xi32>,
    %swap3A_145 = vector.shape_cast %swap3A_144 : vector<1x16xi32> to vector<16xi32>
    %swap3A_146 = vector.shape_cast %shift_right_logical3A_140 : vector<16xi32> to vector<1x16xi32>
    tpu.vector_store %arg9[%swap3A_142, %swap3A_143], %swap3A_146 {strides = array<i32>} : memref<4x64xi32, #tpu.memory_space<vmem>>, vector<1x16xi32>,
    %dma_start3A_147 = arith.constant 0 : i32
    %dma_start3A_148 = arith.constant 0 : i32
    %dma_start3A_149 = arith.constant 0 : i32
    %dma_start3A_150 = arith.constant 0 : i32
    %dma_start3A_151 = tpu.memref_slice %arg10[%dma_start3A_148, %dma_start3A_149, %dma_start3A_150] : memref<4x64x128xf32, #tpu.memory_space<vmem>> -> memref<1x64x128xf32, #tpu.memory_space<vmem>>
    %dma_start3A_152 = tpu.memref_squeeze %dma_start3A_151 : memref<1x64x128xf32, #tpu.memory_space<vmem>> -> memref<64x128xf32, #tpu.memory_space<vmem>>
    %dma_start3A_153 = arith.constant 0 : i32
    %dma_start3A_154 = tpu.memref_slice %arg8[%dma_start3A_147, %dma_start3A_153] : memref<4x64xi32, #tpu.memory_space<vmem>> -> memref<1x64xi32, #tpu.memory_space<vmem>>
    %dma_start3A_155 = tpu.memref_squeeze %dma_start3A_154 : memref<1x64xi32, #tpu.memory_space<vmem>> -> memref<64xi32, #tpu.memory_space<vmem>>
    %dma_start3A_156 = arith.constant 0 : i32
    %dma_start3A_157 = arith.constant 0 : i32
    %dma_start3A_158 = tpu.memref_slice %arg2[%dma_start3A_156, %dma_start3A_157] : memref<10000x128xf32, #tpu.memory_space<hbm>> -> memref<10000x128xf32, #tpu.memory_space<hbm>>
    tpu.enqueue_indirect_dma source(%dma_start3A_158 : memref<10000x128xf32, #tpu.memory_space<hbm>>) target(%dma_start3A_152 : memref<64x128xf32, #tpu.memory_space<vmem>>) offsets(%dma_start3A_155 : memref<64xi32, #tpu.memory_space<vmem>>) semaphore(%arg11 : memref<!tpu.dma_semaphore, #tpu.memory_space<semaphore_mem>>)
    %get3A_159 = arith.constant 1 : i32
    %get3A_160 = arith.index_cast %get3A_159 : i32 to index
    %get3A_161 = arith.constant 0 : index
    %get3A_162 = tpu.vector_load %arg7[%get3A_160, %get3A_161] {strides = array<i32>} : memref<80x64xi32, #tpu.memory_space<vmem>>, vector<1x16xi32>,
    %get3A_163 = vector.shape_cast %get3A_162 : vector<1x16xi32> to vector<16xi32>
    %and3A_164 = arith.constant 16383 : i32
    %and3A_165 = vector.broadcast %and3A_164 : i32 to vector<16xi32>
    %and3A_166 = arith.andi %get3A_163, %and3A_165 : vector<16xi32>
    %swap3A_167 = arith.constant 1 : i32
    %swap3A_168 = arith.index_cast %swap3A_167 : i32 to index
    %swap3A_169 = arith.constant 0 : index
    %swap3A_170 = tpu.vector_load %arg8[%swap3A_168, %swap3A_169] {strides = array<i32>} : memref<4x64xi32, #tpu.memory_space<vmem>>, vector<1x16xi32>,
    %swap3A_171 = vector.shape_cast %swap3A_170 : vector<1x16xi32> to vector<16xi32>
    %swap3A_172 = vector.shape_cast %and3A_166 : vector<16xi32> to vector<1x16xi32>
    tpu.vector_store %arg8[%swap3A_168, %swap3A_169], %swap3A_172 {strides = array<i32>} : memref<4x64xi32, #tpu.memory_space<vmem>>, vector<1x16xi32>,
    %shift_right_logical3A_173 = arith.constant 14 : i32
    %shift_right_logical3A_174 = vector.broadcast %shift_right_logical3A_173 : i32 to vector<16xi32>
    %shift_right_logical3A_175 = arith.shrui %get3A_163, %shift_right_logical3A_174 : vector<16xi32>
    %swap3A_176 = arith.constant 1 : i32
    %swap3A_177 = arith.index_cast %swap3A_176 : i32 to index
    %swap3A_178 = arith.constant 0 : index
    %swap3A_179 = tpu.vector_load %arg9[%swap3A_177, %swap3A_178] {strides = array<i32>} : memref<4x64xi32, #tpu.memory_space<vmem>>, vector<1x16xi32>,
    %swap3A_180 = vector.shape_cast %swap3A_179 : vector<1x16xi32> to vector<16xi32>
    %swap3A_181 = vector.shape_cast %shift_right_logical3A_175 : vector<16xi32> to vector<1x16xi32>
    tpu.vector_store %arg9[%swap3A_177, %swap3A_178], %swap3A_181 {strides = array<i32>} : memref<4x64xi32, #tpu.memory_space<vmem>>, vector<1x16xi32>,
    %get3A_182 = arith.constant 1 : i32
    %get3A_183 = arith.index_cast %get3A_182 : i32 to index
    %get3A_184 = arith.constant 16 : index
    %get3A_185 = tpu.vector_load %arg7[%get3A_183, %get3A_184] {strides = array<i32>} : memref<80x64xi32, #tpu.memory_space<vmem>>, vector<1x16xi32>,
    %get3A_186 = vector.shape_cast %get3A_185 : vector<1x16xi32> to vector<16xi32>
    %and3A_187 = arith.constant 16383 : i32
    %and3A_188 = vector.broadcast %and3A_187 : i32 to vector<16xi32>
    %and3A_189 = arith.andi %get3A_186, %and3A_188 : vector<16xi32>
    %swap3A_190 = arith.constant 1 : i32
    %swap3A_191 = arith.index_cast %swap3A_190 : i32 to index
    %swap3A_192 = arith.constant 16 : index
    %swap3A_193 = tpu.vector_load %arg8[%swap3A_191, %swap3A_192] {strides = array<i32>} : memref<4x64xi32, #tpu.memory_space<vmem>>, vector<1x16xi32>,
    %swap3A_194 = vector.shape_cast %swap3A_193 : vector<1x16xi32> to vector<16xi32>
    %swap3A_195 = vector.shape_cast %and3A_189 : vector<16xi32> to vector<1x16xi32>
    tpu.vector_store %arg8[%swap3A_191, %swap3A_192], %swap3A_195 {strides = array<i32>} : memref<4x64xi32, #tpu.memory_space<vmem>>, vector<1x16xi32>,
    %shift_right_logical3A_196 = arith.constant 14 : i32
    %shift_right_logical3A_197 = vector.broadcast %shift_right_logical3A_196 : i32 to vector<16xi32>
    %shift_right_logical3A_198 = arith.shrui %get3A_186, %shift_right_logical3A_197 : vector<16xi32>
    %swap3A_199 = arith.constant 1 : i32
    %swap3A_200 = arith.index_cast %swap3A_199 : i32 to index
    %swap3A_201 = arith.constant 16 : index
    %swap3A_202 = tpu.vector_load %arg9[%swap3A_200, %swap3A_201] {strides = array<i32>} : memref<4x64xi32, #tpu.memory_space<vmem>>, vector<1x16xi32>,
    %swap3A_203 = vector.shape_cast %swap3A_202 : vector<1x16xi32> to vector<16xi32>
    %swap3A_204 = vector.shape_cast %shift_right_logical3A_198 : vector<16xi32> to vector<1x16xi32>
    tpu.vector_store %arg9[%swap3A_200, %swap3A_201], %swap3A_204 {strides = array<i32>} : memref<4x64xi32, #tpu.memory_space<vmem>>, vector<1x16xi32>,
    %get3A_205 = arith.constant 1 : i32
    %get3A_206 = arith.index_cast %get3A_205 : i32 to index
    %get3A_207 = arith.constant 32 : index
    %get3A_208 = tpu.vector_load %arg7[%get3A_206, %get3A_207] {strides = array<i32>} : memref<80x64xi32, #tpu.memory_space<vmem>>, vector<1x16xi32>,
    %get3A_209 = vector.shape_cast %get3A_208 : vector<1x16xi32> to vector<16xi32>
    %and3A_210 = arith.constant 16383 : i32
    %and3A_211 = vector.broadcast %and3A_210 : i32 to vector<16xi32>
    %and3A_212 = arith.andi %get3A_209, %and3A_211 : vector<16xi32>
    %swap3A_213 = arith.constant 1 : i32
    %swap3A_214 = arith.index_cast %swap3A_213 : i32 to index
    %swap3A_215 = arith.constant 32 : index
    %swap3A_216 = tpu.vector_load %arg8[%swap3A_214, %swap3A_215] {strides = array<i32>} : memref<4x64xi32, #tpu.memory_space<vmem>>, vector<1x16xi32>,
    %swap3A_217 = vector.shape_cast %swap3A_216 : vector<1x16xi32> to vector<16xi32>
    %swap3A_218 = vector.shape_cast %and3A_212 : vector<16xi32> to vector<1x16xi32>
    tpu.vector_store %arg8[%swap3A_214, %swap3A_215], %swap3A_218 {strides = array<i32>} : memref<4x64xi32, #tpu.memory_space<vmem>>, vector<1x16xi32>,
    %shift_right_logical3A_219 = arith.constant 14 : i32
    %shift_right_logical3A_220 = vector.broadcast %shift_right_logical3A_219 : i32 to vector<16xi32>
    %shift_right_logical3A_221 = arith.shrui %get3A_209, %shift_right_logical3A_220 : vector<16xi32>
    %swap3A_222 = arith.constant 1 : i32
    %swap3A_223 = arith.index_cast %swap3A_222 : i32 to index
    %swap3A_224 = arith.constant 32 : index
    %swap3A_225 = tpu.vector_load %arg9[%swap3A_223, %swap3A_224] {strides = array<i32>} : memref<4x64xi32, #tpu.memory_space<vmem>>, vector<1x16xi32>,
    %swap3A_226 = vector.shape_cast %swap3A_225 : vector<1x16xi32> to vector<16xi32>
    %swap3A_227 = vector.shape_cast %shift_right_logical3A_221 : vector<16xi32> to vector<1x16xi32>
    tpu.vector_store %arg9[%swap3A_223, %swap3A_224], %swap3A_227 {strides = array<i32>} : memref<4x64xi32, #tpu.memory_space<vmem>>, vector<1x16xi32>,
    %get3A_228 = arith.constant 1 : i32
    %get3A_229 = arith.index_cast %get3A_228 : i32 to index
    %get3A_230 = arith.constant 48 : index
    %get3A_231 = tpu.vector_load %arg7[%get3A_229, %get3A_230] {strides = array<i32>} : memref<80x64xi32, #tpu.memory_space<vmem>>, vector<1x16xi32>,
    %get3A_232 = vector.shape_cast %get3A_231 : vector<1x16xi32> to vector<16xi32>
    %and3A_233 = arith.constant 16383 : i32
    %and3A_234 = vector.broadcast %and3A_233 : i32 to vector<16xi32>
    %and3A_235 = arith.andi %get3A_232, %and3A_234 : vector<16xi32>
    %swap3A_236 = arith.constant 1 : i32
    %swap3A_237 = arith.index_cast %swap3A_236 : i32 to index
    %swap3A_238 = arith.constant 48 : index
    %swap3A_239 = tpu.vector_load %arg8[%swap3A_237, %swap3A_238] {strides = array<i32>} : memref<4x64xi32, #tpu.memory_space<vmem>>, vector<1x16xi32>,
    %swap3A_240 = vector.shape_cast %swap3A_239 : vector<1x16xi32> to vector<16xi32>
    %swap3A_241 = vector.shape_cast %and3A_235 : vector<16xi32> to vector<1x16xi32>
    tpu.vector_store %arg8[%swap3A_237, %swap3A_238], %swap3A_241 {strides = array<i32>} : memref<4x64xi32, #tpu.memory_space<vmem>>, vector<1x16xi32>,
    %shift_right_logical3A_242 = arith.constant 14 : i32
    %shift_right_logical3A_243 = vector.broadcast %shift_right_logical3A_242 : i32 to vector<16xi32>
    %shift_right_logical3A_244 = arith.shrui %get3A_232, %shift_right_logical3A_243 : vector<16xi32>
    %swap3A_245 = arith.constant 1 : i32
    %swap3A_246 = arith.index_cast %swap3A_245 : i32 to index
    %swap3A_247 = arith.constant 48 : index
    %swap3A_248 = tpu.vector_load %arg9[%swap3A_246, %swap3A_247] {strides = array<i32>} : memref<4x64xi32, #tpu.memory_space<vmem>>, vector<1x16xi32>,
    %swap3A_249 = vector.shape_cast %swap3A_248 : vector<1x16xi32> to vector<16xi32>
    %swap3A_250 = vector.shape_cast %shift_right_logical3A_244 : vector<16xi32> to vector<1x16xi32>
    tpu.vector_store %arg9[%swap3A_246, %swap3A_247], %swap3A_250 {strides = array<i32>} : memref<4x64xi32, #tpu.memory_space<vmem>>, vector<1x16xi32>,
    %dma_start3A_251 = arith.constant 1 : i32
    %dma_start3A_252 = arith.constant 1 : i32
    %dma_start3A_253 = arith.constant 0 : i32
    %dma_start3A_254 = arith.constant 0 : i32
    %dma_start3A_255 = tpu.memref_slice %arg10[%dma_start3A_252, %dma_start3A_253, %dma_start3A_254] : memref<4x64x128xf32, #tpu.memory_space<vmem>> -> memref<1x64x128xf32, #tpu.memory_space<vmem>>
    %dma_start3A_256 = tpu.memref_squeeze %dma_start3A_255 : memref<1x64x128xf32, #tpu.memory_space<vmem>> -> memref<64x128xf32, #tpu.memory_space<vmem>>
    %dma_start3A_257 = arith.constant 0 : i32
    %dma_start3A_258 = tpu.memref_slice %arg8[%dma_start3A_251, %dma_start3A_257] : memref<4x64xi32, #tpu.memory_space<vmem>> -> memref<1x64xi32, #tpu.memory_space<vmem>>
    %dma_start3A_259 = tpu.memref_squeeze %dma_start3A_258 : memref<1x64xi32, #tpu.memory_space<vmem>> -> memref<64xi32, #tpu.memory_space<vmem>>
    %dma_start3A_260 = arith.constant 0 : i32
    %dma_start3A_261 = arith.constant 0 : i32
    %dma_start3A_262 = tpu.memref_slice %arg2[%dma_start3A_260, %dma_start3A_261] : memref<10000x128xf32, #tpu.memory_space<hbm>> -> memref<10000x128xf32, #tpu.memory_space<hbm>>
    tpu.enqueue_indirect_dma source(%dma_start3A_262 : memref<10000x128xf32, #tpu.memory_space<hbm>>) target(%dma_start3A_256 : memref<64x128xf32, #tpu.memory_space<vmem>>) offsets(%dma_start3A_259 : memref<64xi32, #tpu.memory_space<vmem>>) semaphore(%arg12 : memref<!tpu.dma_semaphore, #tpu.memory_space<semaphore_mem>>)
    %dma_wait3A_263 = arith.constant 0 : i32
    %dma_wait3A_264 = arith.constant 0 : i32
    %dma_wait3A_265 = arith.constant 0 : i32
    %dma_wait3A_266 = arith.constant 0 : i32
    %dma_wait3A_267 = tpu.memref_slice %arg10[%dma_wait3A_264, %dma_wait3A_265, %dma_wait3A_266] : memref<4x64x128xf32, #tpu.memory_space<vmem>> -> memref<1x64x128xf32, #tpu.memory_space<vmem>>
    %dma_wait3A_268 = tpu.memref_squeeze %dma_wait3A_267 : memref<1x64x128xf32, #tpu.memory_space<vmem>> -> memref<64x128xf32, #tpu.memory_space<vmem>>
    %dma_wait3A_269 = arith.constant 0 : i32
    %dma_wait3A_270 = tpu.memref_slice %arg8[%dma_wait3A_263, %dma_wait3A_269] : memref<4x64xi32, #tpu.memory_space<vmem>> -> memref<1x64xi32, #tpu.memory_space<vmem>>
    %dma_wait3A_271 = tpu.memref_squeeze %dma_wait3A_270 : memref<1x64xi32, #tpu.memory_space<vmem>> -> memref<64xi32, #tpu.memory_space<vmem>>
    %dma_wait3A_272 = arith.constant 0 : i32
    %dma_wait3A_273 = arith.constant 0 : i32
    %dma_wait3A_274 = tpu.memref_slice %arg2[%dma_wait3A_272, %dma_wait3A_273] : memref<10000x128xf32, #tpu.memory_space<hbm>> -> memref<10000x128xf32, #tpu.memory_space<hbm>>
    tpu.wait_indirect_dma semaphore(%arg11 : memref<!tpu.dma_semaphore, #tpu.memory_space<semaphore_mem>>) src(%dma_wait3A_274 : memref<10000x128xf32, #tpu.memory_space<hbm>>) dst(%dma_wait3A_268 : memref<64x128xf32, #tpu.memory_space<vmem>>)
    %dma_start3A_275 = arith.constant 0 : i32
    %dma_start3A_276 = arith.constant 0 : i32
    %dma_start3A_277 = arith.constant 0 : i32
    %dma_start3A_278 = arith.constant 0 : i32
    %dma_start3A_279 = tpu.memref_slice %arg10[%dma_start3A_275, %dma_start3A_277, %dma_start3A_278] : memref<4x64x128xf32, #tpu.memory_space<vmem>> -> memref<1x64x128xf32, #tpu.memory_space<vmem>>
    %dma_start3A_280 = tpu.memref_squeeze %dma_start3A_279 : memref<1x64x128xf32, #tpu.memory_space<vmem>> -> memref<64x128xf32, #tpu.memory_space<vmem>>
    %dma_start3A_281 = arith.constant 0 : i32
    %dma_start3A_282 = tpu.memref_slice %arg9[%dma_start3A_276, %dma_start3A_281] : memref<4x64xi32, #tpu.memory_space<vmem>> -> memref<1x64xi32, #tpu.memory_space<vmem>>
    %dma_start3A_283 = tpu.memref_squeeze %dma_start3A_282 : memref<1x64xi32, #tpu.memory_space<vmem>> -> memref<64xi32, #tpu.memory_space<vmem>>
    %dma_start3A_284 = arith.constant 0 : i32
    %dma_start3A_285 = arith.constant 0 : i32
    %dma_start3A_286 = tpu.memref_slice %arg6[%dma_start3A_284, %dma_start3A_285] : memref<10240x128xf32, #tpu.memory_space<vmem_shared>> -> memref<10240x128xf32, #tpu.memory_space<vmem_shared>>
    tpu.enqueue_indirect_dma source(%dma_start3A_280 : memref<64x128xf32, #tpu.memory_space<vmem>>) target(%dma_start3A_286 : memref<10240x128xf32, #tpu.memory_space<vmem_shared>>) offsets(%dma_start3A_283 : memref<64xi32, #tpu.memory_space<vmem>>) semaphore(%arg15 : memref<!tpu.dma_semaphore, #tpu.memory_space<semaphore_mem>>) {add = true}
    %dma_start3A_287 = arith.constant 0 : i32
    %dma_start3A_288 = arith.constant 0 : i32
    %dma_start3A_289 = tpu.memref_slice %arg9[%dma_start3A_287, %dma_start3A_288] : memref<4x64xi32, #tpu.memory_space<vmem>> -> memref<1x64xi32, #tpu.memory_space<vmem>>
    %dma_start3A_290 = tpu.memref_squeeze %dma_start3A_289 : memref<1x64xi32, #tpu.memory_space<vmem>> -> memref<64xi32, #tpu.memory_space<vmem>>
    %dma_start3A_291 = arith.constant 0 : i32
    %dma_start3A_292 = tpu.memref_slice %arg20[%dma_start3A_291] : memref<10240xf32, #tpu.memory_space<vmem_shared>> -> memref<10240xf32, #tpu.memory_space<vmem_shared>>
    tpu.enqueue_indirect_dma source(%arg21 : memref<64xf32, #tpu.memory_space<vmem>>) target(%dma_start3A_292 : memref<10240xf32, #tpu.memory_space<vmem_shared>>) offsets(%dma_start3A_290 : memref<64xi32, #tpu.memory_space<vmem>>) semaphore(%arg19 : memref<!tpu.dma_semaphore, #tpu.memory_space<semaphore_mem>>) {add = true}
    %get3A_293 = arith.constant 2 : i32
    %get3A_294 = arith.index_cast %get3A_293 : i32 to index
    %get3A_295 = arith.constant 0 : index
    %get3A_296 = tpu.vector_load %arg7[%get3A_294, %get3A_295] {strides = array<i32>} : memref<80x64xi32, #tpu.memory_space<vmem>>, vector<1x16xi32>,
    %get3A_297 = vector.shape_cast %get3A_296 : vector<1x16xi32> to vector<16xi32>
    %and3A_298 = arith.constant 16383 : i32
    %and3A_299 = vector.broadcast %and3A_298 : i32 to vector<16xi32>
    %and3A_300 = arith.andi %get3A_297, %and3A_299 : vector<16xi32>
    %swap3A_301 = arith.constant 2 : i32
    %swap3A_302 = arith.index_cast %swap3A_301 : i32 to index
    %swap3A_303 = arith.constant 0 : index
    %swap3A_304 = tpu.vector_load %arg8[%swap3A_302, %swap3A_303] {strides = array<i32>} : memref<4x64xi32, #tpu.memory_space<vmem>>, vector<1x16xi32>,
    %swap3A_305 = vector.shape_cast %swap3A_304 : vector<1x16xi32> to vector<16xi32>
    %swap3A_306 = vector.shape_cast %and3A_300 : vector<16xi32> to vector<1x16xi32>
    tpu.vector_store %arg8[%swap3A_302, %swap3A_303], %swap3A_306 {strides = array<i32>} : memref<4x64xi32, #tpu.memory_space<vmem>>, vector<1x16xi32>,
    %shift_right_logical3A_307 = arith.constant 14 : i32
    %shift_right_logical3A_308 = vector.broadcast %shift_right_logical3A_307 : i32 to vector<16xi32>
    %shift_right_logical3A_309 = arith.shrui %get3A_297, %shift_right_logical3A_308 : vector<16xi32>
    %swap3A_310 = arith.constant 2 : i32
    %swap3A_311 = arith.index_cast %swap3A_310 : i32 to index
    %swap3A_312 = arith.constant 0 : index
    %swap3A_313 = tpu.vector_load %arg9[%swap3A_311, %swap3A_312] {strides = array<i32>} : memref<4x64xi32, #tpu.memory_space<vmem>>, vector<1x16xi32>,
    %swap3A_314 = vector.shape_cast %swap3A_313 : vector<1x16xi32> to vector<16xi32>
    %swap3A_315 = vector.shape_cast %shift_right_logical3A_309 : vector<16xi32> to vector<1x16xi32>
    tpu.vector_store %arg9[%swap3A_311, %swap3A_312], %swap3A_315 {strides = array<i32>} : memref<4x64xi32, #tpu.memory_space<vmem>>, vector<1x16xi32>,
    %get3A_316 = arith.constant 2 : i32
    %get3A_317 = arith.index_cast %get3A_316 : i32 to index
    %get3A_318 = arith.constant 16 : index
    %get3A_319 = tpu.vector_load %arg7[%get3A_317, %get3A_318] {strides = array<i32>} : memref<80x64xi32, #tpu.memory_space<vmem>>, vector<1x16xi32>,
    %get3A_320 = vector.shape_cast %get3A_319 : vector<1x16xi32> to vector<16xi32>
    %and3A_321 = arith.constant 16383 : i32
    %and3A_322 = vector.broadcast %and3A_321 : i32 to vector<16xi32>
    %and3A_323 = arith.andi %get3A_320, %and3A_322 : vector<16xi32>
    %swap3A_324 = arith.constant 2 : i32
    %swap3A_325 = arith.index_cast %swap3A_324 : i32 to index
    %swap3A_326 = arith.constant 16 : index
    %swap3A_327 = tpu.vector_load %arg8[%swap3A_325, %swap3A_326] {strides = array<i32>} : memref<4x64xi32, #tpu.memory_space<vmem>>, vector<1x16xi32>,
    %swap3A_328 = vector.shape_cast %swap3A_327 : vector<1x16xi32> to vector<16xi32>
    %swap3A_329 = vector.shape_cast %and3A_323 : vector<16xi32> to vector<1x16xi32>
    tpu.vector_store %arg8[%swap3A_325, %swap3A_326], %swap3A_329 {strides = array<i32>} : memref<4x64xi32, #tpu.memory_space<vmem>>, vector<1x16xi32>,
    %shift_right_logical3A_330 = arith.constant 14 : i32
    %shift_right_logical3A_331 = vector.broadcast %shift_right_logical3A_330 : i32 to vector<16xi32>
    %shift_right_logical3A_332 = arith.shrui %get3A_320, %shift_right_logical3A_331 : vector<16xi32>
    %swap3A_333 = arith.constant 2 : i32
    %swap3A_334 = arith.index_cast %swap3A_333 : i32 to index
    %swap3A_335 = arith.constant 16 : index
    %swap3A_336 = tpu.vector_load %arg9[%swap3A_334, %swap3A_335] {strides = array<i32>} : memref<4x64xi32, #tpu.memory_space<vmem>>, vector<1x16xi32>,
    %swap3A_337 = vector.shape_cast %swap3A_336 : vector<1x16xi32> to vector<16xi32>
    %swap3A_338 = vector.shape_cast %shift_right_logical3A_332 : vector<16xi32> to vector<1x16xi32>
    tpu.vector_store %arg9[%swap3A_334, %swap3A_335], %swap3A_338 {strides = array<i32>} : memref<4x64xi32, #tpu.memory_space<vmem>>, vector<1x16xi32>,
    %get3A_339 = arith.constant 2 : i32
    %get3A_340 = arith.index_cast %get3A_339 : i32 to index
    %get3A_341 = arith.constant 32 : index
    %get3A_342 = tpu.vector_load %arg7[%get3A_340, %get3A_341] {strides = array<i32>} : memref<80x64xi32, #tpu.memory_space<vmem>>, vector<1x16xi32>,
    %get3A_343 = vector.shape_cast %get3A_342 : vector<1x16xi32> to vector<16xi32>
    %and3A_344 = arith.constant 16383 : i32
    %and3A_345 = vector.broadcast %and3A_344 : i32 to vector<16xi32>
    %and3A_346 = arith.andi %get3A_343, %and3A_345 : vector<16xi32>
    %swap3A_347 = arith.constant 2 : i32
    %swap3A_348 = arith.index_cast %swap3A_347 : i32 to index
    %swap3A_349 = arith.constant 32 : index
    %swap3A_350 = tpu.vector_load %arg8[%swap3A_348, %swap3A_349] {strides = array<i32>} : memref<4x64xi32, #tpu.memory_space<vmem>>, vector<1x16xi32>,
    %swap3A_351 = vector.shape_cast %swap3A_350 : vector<1x16xi32> to vector<16xi32>
    %swap3A_352 = vector.shape_cast %and3A_346 : vector<16xi32> to vector<1x16xi32>
    tpu.vector_store %arg8[%swap3A_348, %swap3A_349], %swap3A_352 {strides = array<i32>} : memref<4x64xi32, #tpu.memory_space<vmem>>, vector<1x16xi32>,
    %shift_right_logical3A_353 = arith.constant 14 : i32
    %shift_right_logical3A_354 = vector.broadcast %shift_right_logical3A_353 : i32 to vector<16xi32>
    %shift_right_logical3A_355 = arith.shrui %get3A_343, %shift_right_logical3A_354 : vector<16xi32>
    %swap3A_356 = arith.constant 2 : i32
    %swap3A_357 = arith.index_cast %swap3A_356 : i32 to index
    %swap3A_358 = arith.constant 32 : index
    %swap3A_359 = tpu.vector_load %arg9[%swap3A_357, %swap3A_358] {strides = array<i32>} : memref<4x64xi32, #tpu.memory_space<vmem>>, vector<1x16xi32>,
    %swap3A_360 = vector.shape_cast %swap3A_359 : vector<1x16xi32> to vector<16xi32>
    %swap3A_361 = vector.shape_cast %shift_right_logical3A_355 : vector<16xi32> to vector<1x16xi32>
    tpu.vector_store %arg9[%swap3A_357, %swap3A_358], %swap3A_361 {strides = array<i32>} : memref<4x64xi32, #tpu.memory_space<vmem>>, vector<1x16xi32>,
    %get3A_362 = arith.constant 2 : i32
    %get3A_363 = arith.index_cast %get3A_362 : i32 to index
    %get3A_364 = arith.constant 48 : index
    %get3A_365 = tpu.vector_load %arg7[%get3A_363, %get3A_364] {strides = array<i32>} : memref<80x64xi32, #tpu.memory_space<vmem>>, vector<1x16xi32>,
    %get3A_366 = vector.shape_cast %get3A_365 : vector<1x16xi32> to vector<16xi32>
    %and3A_367 = arith.constant 16383 : i32
    %and3A_368 = vector.broadcast %and3A_367 : i32 to vector<16xi32>
    %and3A_369 = arith.andi %get3A_366, %and3A_368 : vector<16xi32>
    %swap3A_370 = arith.constant 2 : i32
    %swap3A_371 = arith.index_cast %swap3A_370 : i32 to index
    %swap3A_372 = arith.constant 48 : index
    %swap3A_373 = tpu.vector_load %arg8[%swap3A_371, %swap3A_372] {strides = array<i32>} : memref<4x64xi32, #tpu.memory_space<vmem>>, vector<1x16xi32>,
    %swap3A_374 = vector.shape_cast %swap3A_373 : vector<1x16xi32> to vector<16xi32>
    %swap3A_375 = vector.shape_cast %and3A_369 : vector<16xi32> to vector<1x16xi32>
    tpu.vector_store %arg8[%swap3A_371, %swap3A_372], %swap3A_375 {strides = array<i32>} : memref<4x64xi32, #tpu.memory_space<vmem>>, vector<1x16xi32>,
    %shift_right_logical3A_376 = arith.constant 14 : i32
    %shift_right_logical3A_377 = vector.broadcast %shift_right_logical3A_376 : i32 to vector<16xi32>
    %shift_right_logical3A_378 = arith.shrui %get3A_366, %shift_right_logical3A_377 : vector<16xi32>
    %swap3A_379 = arith.constant 2 : i32
    %swap3A_380 = arith.index_cast %swap3A_379 : i32 to index
    %swap3A_381 = arith.constant 48 : index
    %swap3A_382 = tpu.vector_load %arg9[%swap3A_380, %swap3A_381] {strides = array<i32>} : memref<4x64xi32, #tpu.memory_space<vmem>>, vector<1x16xi32>,
    %swap3A_383 = vector.shape_cast %swap3A_382 : vector<1x16xi32> to vector<16xi32>
    %swap3A_384 = vector.shape_cast %shift_right_logical3A_378 : vector<16xi32> to vector<1x16xi32>
    tpu.vector_store %arg9[%swap3A_380, %swap3A_381], %swap3A_384 {strides = array<i32>} : memref<4x64xi32, #tpu.memory_space<vmem>>, vector<1x16xi32>,
    %dma_start3A_385 = arith.constant 2 : i32
    %dma_start3A_386 = arith.constant 2 : i32
    %dma_start3A_387 = arith.constant 0 : i32
    %dma_start3A_388 = arith.constant 0 : i32
    %dma_start3A_389 = tpu.memref_slice %arg10[%dma_start3A_386, %dma_start3A_387, %dma_start3A_388] : memref<4x64x128xf32, #tpu.memory_space<vmem>> -> memref<1x64x128xf32, #tpu.memory_space<vmem>>
    %dma_start3A_390 = tpu.memref_squeeze %dma_start3A_389 : memref<1x64x128xf32, #tpu.memory_space<vmem>> -> memref<64x128xf32, #tpu.memory_space<vmem>>
    %dma_start3A_391 = arith.constant 0 : i32
    %dma_start3A_392 = tpu.memref_slice %arg8[%dma_start3A_385, %dma_start3A_391] : memref<4x64xi32, #tpu.memory_space<vmem>> -> memref<1x64xi32, #tpu.memory_space<vmem>>
    %dma_start3A_393 = tpu.memref_squeeze %dma_start3A_392 : memref<1x64xi32, #tpu.memory_space<vmem>> -> memref<64xi32, #tpu.memory_space<vmem>>
    %dma_start3A_394 = arith.constant 0 : i32
    %dma_start3A_395 = arith.constant 0 : i32
    %dma_start3A_396 = tpu.memref_slice %arg2[%dma_start3A_394, %dma_start3A_395] : memref<10000x128xf32, #tpu.memory_space<hbm>> -> memref<10000x128xf32, #tpu.memory_space<hbm>>
    tpu.enqueue_indirect_dma source(%dma_start3A_396 : memref<10000x128xf32, #tpu.memory_space<hbm>>) target(%dma_start3A_390 : memref<64x128xf32, #tpu.memory_space<vmem>>) offsets(%dma_start3A_393 : memref<64xi32, #tpu.memory_space<vmem>>) semaphore(%arg13 : memref<!tpu.dma_semaphore, #tpu.memory_space<semaphore_mem>>)
    %dma_wait3A_397 = arith.constant 1 : i32
    %dma_wait3A_398 = arith.constant 1 : i32
    %dma_wait3A_399 = arith.constant 0 : i32
    %dma_wait3A_400 = arith.constant 0 : i32
    %dma_wait3A_401 = tpu.memref_slice %arg10[%dma_wait3A_398, %dma_wait3A_399, %dma_wait3A_400] : memref<4x64x128xf32, #tpu.memory_space<vmem>> -> memref<1x64x128xf32, #tpu.memory_space<vmem>>
    %dma_wait3A_402 = tpu.memref_squeeze %dma_wait3A_401 : memref<1x64x128xf32, #tpu.memory_space<vmem>> -> memref<64x128xf32, #tpu.memory_space<vmem>>
    %dma_wait3A_403 = arith.constant 0 : i32
    %dma_wait3A_404 = tpu.memref_slice %arg8[%dma_wait3A_397, %dma_wait3A_403] : memref<4x64xi32, #tpu.memory_space<vmem>> -> memref<1x64xi32, #tpu.memory_space<vmem>>
    %dma_wait3A_405 = tpu.memref_squeeze %dma_wait3A_404 : memref<1x64xi32, #tpu.memory_space<vmem>> -> memref<64xi32, #tpu.memory_space<vmem>>
    %dma_wait3A_406 = arith.constant 0 : i32
    %dma_wait3A_407 = arith.constant 0 : i32
    %dma_wait3A_408 = tpu.memref_slice %arg2[%dma_wait3A_406, %dma_wait3A_407] : memref<10000x128xf32, #tpu.memory_space<hbm>> -> memref<10000x128xf32, #tpu.memory_space<hbm>>
    tpu.wait_indirect_dma semaphore(%arg12 : memref<!tpu.dma_semaphore, #tpu.memory_space<semaphore_mem>>) src(%dma_wait3A_408 : memref<10000x128xf32, #tpu.memory_space<hbm>>) dst(%dma_wait3A_402 : memref<64x128xf32, #tpu.memory_space<vmem>>)
    %dma_start3A_409 = arith.constant 1 : i32
    %dma_start3A_410 = arith.constant 1 : i32
    %dma_start3A_411 = arith.constant 0 : i32
    %dma_start3A_412 = arith.constant 0 : i32
    %dma_start3A_413 = tpu.memref_slice %arg10[%dma_start3A_409, %dma_start3A_411, %dma_start3A_412] : memref<4x64x128xf32, #tpu.memory_space<vmem>> -> memref<1x64x128xf32, #tpu.memory_space<vmem>>
    %dma_start3A_414 = tpu.memref_squeeze %dma_start3A_413 : memref<1x64x128xf32, #tpu.memory_space<vmem>> -> memref<64x128xf32, #tpu.memory_space<vmem>>
    %dma_start3A_415 = arith.constant 0 : i32
    %dma_start3A_416 = tpu.memref_slice %arg9[%dma_start3A_410, %dma_start3A_415] : memref<4x64xi32, #tpu.memory_space<vmem>> -> memref<1x64xi32, #tpu.memory_space<vmem>>
    %dma_start3A_417 = tpu.memref_squeeze %dma_start3A_416 : memref<1x64xi32, #tpu.memory_space<vmem>> -> memref<64xi32, #tpu.memory_space<vmem>>
    %dma_start3A_418 = arith.constant 0 : i32
    %dma_start3A_419 = arith.constant 0 : i32
    %dma_start3A_420 = tpu.memref_slice %arg6[%dma_start3A_418, %dma_start3A_419] : memref<10240x128xf32, #tpu.memory_space<vmem_shared>> -> memref<10240x128xf32, #tpu.memory_space<vmem_shared>>
    tpu.enqueue_indirect_dma source(%dma_start3A_414 : memref<64x128xf32, #tpu.memory_space<vmem>>) target(%dma_start3A_420 : memref<10240x128xf32, #tpu.memory_space<vmem_shared>>) offsets(%dma_start3A_417 : memref<64xi32, #tpu.memory_space<vmem>>) semaphore(%arg16 : memref<!tpu.dma_semaphore, #tpu.memory_space<semaphore_mem>>) {add = true}
    %dma_start3A_421 = arith.constant 1 : i32
    %dma_start3A_422 = arith.constant 0 : i32
    %dma_start3A_423 = tpu.memref_slice %arg9[%dma_start3A_421, %dma_start3A_422] : memref<4x64xi32, #tpu.memory_space<vmem>> -> memref<1x64xi32, #tpu.memory_space<vmem>>
    %dma_start3A_424 = tpu.memref_squeeze %dma_start3A_423 : memref<1x64xi32, #tpu.memory_space<vmem>> -> memref<64xi32, #tpu.memory_space<vmem>>
    %dma_start3A_425 = arith.constant 0 : i32
    %dma_start3A_426 = tpu.memref_slice %arg20[%dma_start3A_425] : memref<10240xf32, #tpu.memory_space<vmem_shared>> -> memref<10240xf32, #tpu.memory_space<vmem_shared>>
    tpu.enqueue_indirect_dma source(%arg21 : memref<64xf32, #tpu.memory_space<vmem>>) target(%dma_start3A_426 : memref<10240xf32, #tpu.memory_space<vmem_shared>>) offsets(%dma_start3A_424 : memref<64xi32, #tpu.memory_space<vmem>>) semaphore(%arg19 : memref<!tpu.dma_semaphore, #tpu.memory_space<semaphore_mem>>) {add = true}
    %get3A_427 = arith.constant 3 : i32
    %get3A_428 = arith.index_cast %get3A_427 : i32 to index
    %get3A_429 = arith.constant 0 : index
    %get3A_430 = tpu.vector_load %arg7[%get3A_428, %get3A_429] {strides = array<i32>} : memref<80x64xi32, #tpu.memory_space<vmem>>, vector<1x16xi32>,
    %get3A_431 = vector.shape_cast %get3A_430 : vector<1x16xi32> to vector<16xi32>
    %and3A_432 = arith.constant 16383 : i32
    %and3A_433 = vector.broadcast %and3A_432 : i32 to vector<16xi32>
    %and3A_434 = arith.andi %get3A_431, %and3A_433 : vector<16xi32>
    %swap3A_435 = arith.constant 3 : i32
    %swap3A_436 = arith.index_cast %swap3A_435 : i32 to index
    %swap3A_437 = arith.constant 0 : index
    %swap3A_438 = tpu.vector_load %arg8[%swap3A_436, %swap3A_437] {strides = array<i32>} : memref<4x64xi32, #tpu.memory_space<vmem>>, vector<1x16xi32>,
    %swap3A_439 = vector.shape_cast %swap3A_438 : vector<1x16xi32> to vector<16xi32>
    %swap3A_440 = vector.shape_cast %and3A_434 : vector<16xi32> to vector<1x16xi32>
    tpu.vector_store %arg8[%swap3A_436, %swap3A_437], %swap3A_440 {strides = array<i32>} : memref<4x64xi32, #tpu.memory_space<vmem>>, vector<1x16xi32>,
    %shift_right_logical3A_441 = arith.constant 14 : i32
    %shift_right_logical3A_442 = vector.broadcast %shift_right_logical3A_441 : i32 to vector<16xi32>
    %shift_right_logical3A_443 = arith.shrui %get3A_431, %shift_right_logical3A_442 : vector<16xi32>
    %swap3A_444 = arith.constant 3 : i32
    %swap3A_445 = arith.index_cast %swap3A_444 : i32 to index
    %swap3A_446 = arith.constant 0 : index
    %swap3A_447 = tpu.vector_load %arg9[%swap3A_445, %swap3A_446] {strides = array<i32>} : memref<4x64xi32, #tpu.memory_space<vmem>>, vector<1x16xi32>,
    %swap3A_448 = vector.shape_cast %swap3A_447 : vector<1x16xi32> to vector<16xi32>
    %swap3A_449 = vector.shape_cast %shift_right_logical3A_443 : vector<16xi32> to vector<1x16xi32>
    tpu.vector_store %arg9[%swap3A_445, %swap3A_446], %swap3A_449 {strides = array<i32>} : memref<4x64xi32, #tpu.memory_space<vmem>>, vector<1x16xi32>,
    %get3A_450 = arith.constant 3 : i32
    %get3A_451 = arith.index_cast %get3A_450 : i32 to index
    %get3A_452 = arith.constant 16 : index
    %get3A_453 = tpu.vector_load %arg7[%get3A_451, %get3A_452] {strides = array<i32>} : memref<80x64xi32, #tpu.memory_space<vmem>>, vector<1x16xi32>,
    %get3A_454 = vector.shape_cast %get3A_453 : vector<1x16xi32> to vector<16xi32>
    %and3A_455 = arith.constant 16383 : i32
    %and3A_456 = vector.broadcast %and3A_455 : i32 to vector<16xi32>
    %and3A_457 = arith.andi %get3A_454, %and3A_456 : vector<16xi32>
    %swap3A_458 = arith.constant 3 : i32
    %swap3A_459 = arith.index_cast %swap3A_458 : i32 to index
    %swap3A_460 = arith.constant 16 : index
    %swap3A_461 = tpu.vector_load %arg8[%swap3A_459, %swap3A_460] {strides = array<i32>} : memref<4x64xi32, #tpu.memory_space<vmem>>, vector<1x16xi32>,
    %swap3A_462 = vector.shape_cast %swap3A_461 : vector<1x16xi32> to vector<16xi32>
    %swap3A_463 = vector.shape_cast %and3A_457 : vector<16xi32> to vector<1x16xi32>
    tpu.vector_store %arg8[%swap3A_459, %swap3A_460], %swap3A_463 {strides = array<i32>} : memref<4x64xi32, #tpu.memory_space<vmem>>, vector<1x16xi32>,
    %shift_right_logical3A_464 = arith.constant 14 : i32
    %shift_right_logical3A_465 = vector.broadcast %shift_right_logical3A_464 : i32 to vector<16xi32>
    %shift_right_logical3A_466 = arith.shrui %get3A_454, %shift_right_logical3A_465 : vector<16xi32>
    %swap3A_467 = arith.constant 3 : i32
    %swap3A_468 = arith.index_cast %swap3A_467 : i32 to index
    %swap3A_469 = arith.constant 16 : index
    %swap3A_470 = tpu.vector_load %arg9[%swap3A_468, %swap3A_469] {strides = array<i32>} : memref<4x64xi32, #tpu.memory_space<vmem>>, vector<1x16xi32>,
    %swap3A_471 = vector.shape_cast %swap3A_470 : vector<1x16xi32> to vector<16xi32>
    %swap3A_472 = vector.shape_cast %shift_right_logical3A_466 : vector<16xi32> to vector<1x16xi32>
    tpu.vector_store %arg9[%swap3A_468, %swap3A_469], %swap3A_472 {strides = array<i32>} : memref<4x64xi32, #tpu.memory_space<vmem>>, vector<1x16xi32>,
    %get3A_473 = arith.constant 3 : i32
    %get3A_474 = arith.index_cast %get3A_473 : i32 to index
    %get3A_475 = arith.constant 32 : index
    %get3A_476 = tpu.vector_load %arg7[%get3A_474, %get3A_475] {strides = array<i32>} : memref<80x64xi32, #tpu.memory_space<vmem>>, vector<1x16xi32>,
    %get3A_477 = vector.shape_cast %get3A_476 : vector<1x16xi32> to vector<16xi32>
    %and3A_478 = arith.constant 16383 : i32
    %and3A_479 = vector.broadcast %and3A_478 : i32 to vector<16xi32>
    %and3A_480 = arith.andi %get3A_477, %and3A_479 : vector<16xi32>
    %swap3A_481 = arith.constant 3 : i32
    %swap3A_482 = arith.index_cast %swap3A_481 : i32 to index
    %swap3A_483 = arith.constant 32 : index
    %swap3A_484 = tpu.vector_load %arg8[%swap3A_482, %swap3A_483] {strides = array<i32>} : memref<4x64xi32, #tpu.memory_space<vmem>>, vector<1x16xi32>,
    %swap3A_485 = vector.shape_cast %swap3A_484 : vector<1x16xi32> to vector<16xi32>
    %swap3A_486 = vector.shape_cast %and3A_480 : vector<16xi32> to vector<1x16xi32>
    tpu.vector_store %arg8[%swap3A_482, %swap3A_483], %swap3A_486 {strides = array<i32>} : memref<4x64xi32, #tpu.memory_space<vmem>>, vector<1x16xi32>,
    %shift_right_logical3A_487 = arith.constant 14 : i32
    %shift_right_logical3A_488 = vector.broadcast %shift_right_logical3A_487 : i32 to vector<16xi32>
    %shift_right_logical3A_489 = arith.shrui %get3A_477, %shift_right_logical3A_488 : vector<16xi32>
    %swap3A_490 = arith.constant 3 : i32
    %swap3A_491 = arith.index_cast %swap3A_490 : i32 to index
    %swap3A_492 = arith.constant 32 : index
    %swap3A_493 = tpu.vector_load %arg9[%swap3A_491, %swap3A_492] {strides = array<i32>} : memref<4x64xi32, #tpu.memory_space<vmem>>, vector<1x16xi32>,
    %swap3A_494 = vector.shape_cast %swap3A_493 : vector<1x16xi32> to vector<16xi32>
    %swap3A_495 = vector.shape_cast %shift_right_logical3A_489 : vector<16xi32> to vector<1x16xi32>
    tpu.vector_store %arg9[%swap3A_491, %swap3A_492], %swap3A_495 {strides = array<i32>} : memref<4x64xi32, #tpu.memory_space<vmem>>, vector<1x16xi32>,
    %get3A_496 = arith.constant 3 : i32
    %get3A_497 = arith.index_cast %get3A_496 : i32 to index
    %get3A_498 = arith.constant 48 : index
    %get3A_499 = tpu.vector_load %arg7[%get3A_497, %get3A_498] {strides = array<i32>} : memref<80x64xi32, #tpu.memory_space<vmem>>, vector<1x16xi32>,
    %get3A_500 = vector.shape_cast %get3A_499 : vector<1x16xi32> to vector<16xi32>
    %and3A_501 = arith.constant 16383 : i32
    %and3A_502 = vector.broadcast %and3A_501 : i32 to vector<16xi32>
    %and3A_503 = arith.andi %get3A_500, %and3A_502 : vector<16xi32>
    %swap3A_504 = arith.constant 3 : i32
    %swap3A_505 = arith.index_cast %swap3A_504 : i32 to index
    %swap3A_506 = arith.constant 48 : index
    %swap3A_507 = tpu.vector_load %arg8[%swap3A_505, %swap3A_506] {strides = array<i32>} : memref<4x64xi32, #tpu.memory_space<vmem>>, vector<1x16xi32>,
    %swap3A_508 = vector.shape_cast %swap3A_507 : vector<1x16xi32> to vector<16xi32>
    %swap3A_509 = vector.shape_cast %and3A_503 : vector<16xi32> to vector<1x16xi32>
    tpu.vector_store %arg8[%swap3A_505, %swap3A_506], %swap3A_509 {strides = array<i32>} : memref<4x64xi32, #tpu.memory_space<vmem>>, vector<1x16xi32>,
    %shift_right_logical3A_510 = arith.constant 14 : i32
    %shift_right_logical3A_511 = vector.broadcast %shift_right_logical3A_510 : i32 to vector<16xi32>
    %shift_right_logical3A_512 = arith.shrui %get3A_500, %shift_right_logical3A_511 : vector<16xi32>
    %swap3A_513 = arith.constant 3 : i32
    %swap3A_514 = arith.index_cast %swap3A_513 : i32 to index
    %swap3A_515 = arith.constant 48 : index
    %swap3A_516 = tpu.vector_load %arg9[%swap3A_514, %swap3A_515] {strides = array<i32>} : memref<4x64xi32, #tpu.memory_space<vmem>>, vector<1x16xi32>,
    %swap3A_517 = vector.shape_cast %swap3A_516 : vector<1x16xi32> to vector<16xi32>
    %swap3A_518 = vector.shape_cast %shift_right_logical3A_512 : vector<16xi32> to vector<1x16xi32>
    tpu.vector_store %arg9[%swap3A_514, %swap3A_515], %swap3A_518 {strides = array<i32>} : memref<4x64xi32, #tpu.memory_space<vmem>>, vector<1x16xi32>,
    %dma_start3A_519 = arith.constant 3 : i32
    %dma_start3A_520 = arith.constant 3 : i32
    %dma_start3A_521 = arith.constant 0 : i32
    %dma_start3A_522 = arith.constant 0 : i32
    %dma_start3A_523 = tpu.memref_slice %arg10[%dma_start3A_520, %dma_start3A_521, %dma_start3A_522] : memref<4x64x128xf32, #tpu.memory_space<vmem>> -> memref<1x64x128xf32, #tpu.memory_space<vmem>>
    %dma_start3A_524 = tpu.memref_squeeze %dma_start3A_523 : memref<1x64x128xf32, #tpu.memory_space<vmem>> -> memref<64x128xf32, #tpu.memory_space<vmem>>
    %dma_start3A_525 = arith.constant 0 : i32
    %dma_start3A_526 = tpu.memref_slice %arg8[%dma_start3A_519, %dma_start3A_525] : memref<4x64xi32, #tpu.memory_space<vmem>> -> memref<1x64xi32, #tpu.memory_space<vmem>>
    %dma_start3A_527 = tpu.memref_squeeze %dma_start3A_526 : memref<1x64xi32, #tpu.memory_space<vmem>> -> memref<64xi32, #tpu.memory_space<vmem>>
    %dma_start3A_528 = arith.constant 0 : i32
    %dma_start3A_529 = arith.constant 0 : i32
    %dma_start3A_530 = tpu.memref_slice %arg2[%dma_start3A_528, %dma_start3A_529] : memref<10000x128xf32, #tpu.memory_space<hbm>> -> memref<10000x128xf32, #tpu.memory_space<hbm>>
    tpu.enqueue_indirect_dma source(%dma_start3A_530 : memref<10000x128xf32, #tpu.memory_space<hbm>>) target(%dma_start3A_524 : memref<64x128xf32, #tpu.memory_space<vmem>>) offsets(%dma_start3A_527 : memref<64xi32, #tpu.memory_space<vmem>>) semaphore(%arg14 : memref<!tpu.dma_semaphore, #tpu.memory_space<semaphore_mem>>)
    %dma_wait3A_531 = arith.constant 2 : i32
    %dma_wait3A_532 = arith.constant 2 : i32
    %dma_wait3A_533 = arith.constant 0 : i32
    %dma_wait3A_534 = arith.constant 0 : i32
    %dma_wait3A_535 = tpu.memref_slice %arg10[%dma_wait3A_532, %dma_wait3A_533, %dma_wait3A_534] : memref<4x64x128xf32, #tpu.memory_space<vmem>> -> memref<1x64x128xf32, #tpu.memory_space<vmem>>
    %dma_wait3A_536 = tpu.memref_squeeze %dma_wait3A_535 : memref<1x64x128xf32, #tpu.memory_space<vmem>> -> memref<64x128xf32, #tpu.memory_space<vmem>>
    %dma_wait3A_537 = arith.constant 0 : i32
    %dma_wait3A_538 = tpu.memref_slice %arg8[%dma_wait3A_531, %dma_wait3A_537] : memref<4x64xi32, #tpu.memory_space<vmem>> -> memref<1x64xi32, #tpu.memory_space<vmem>>
    %dma_wait3A_539 = tpu.memref_squeeze %dma_wait3A_538 : memref<1x64xi32, #tpu.memory_space<vmem>> -> memref<64xi32, #tpu.memory_space<vmem>>
    %dma_wait3A_540 = arith.constant 0 : i32
    %dma_wait3A_541 = arith.constant 0 : i32
    %dma_wait3A_542 = tpu.memref_slice %arg2[%dma_wait3A_540, %dma_wait3A_541] : memref<10000x128xf32, #tpu.memory_space<hbm>> -> memref<10000x128xf32, #tpu.memory_space<hbm>>
    tpu.wait_indirect_dma semaphore(%arg13 : memref<!tpu.dma_semaphore, #tpu.memory_space<semaphore_mem>>) src(%dma_wait3A_542 : memref<10000x128xf32, #tpu.memory_space<hbm>>) dst(%dma_wait3A_536 : memref<64x128xf32, #tpu.memory_space<vmem>>)
    %dma_start3A_543 = arith.constant 2 : i32
    %dma_start3A_544 = arith.constant 2 : i32
    %dma_start3A_545 = arith.constant 0 : i32
    %dma_start3A_546 = arith.constant 0 : i32
    %dma_start3A_547 = tpu.memref_slice %arg10[%dma_start3A_543, %dma_start3A_545, %dma_start3A_546] : memref<4x64x128xf32, #tpu.memory_space<vmem>> -> memref<1x64x128xf32, #tpu.memory_space<vmem>>
    %dma_start3A_548 = tpu.memref_squeeze %dma_start3A_547 : memref<1x64x128xf32, #tpu.memory_space<vmem>> -> memref<64x128xf32, #tpu.memory_space<vmem>>
    %dma_start3A_549 = arith.constant 0 : i32
    %dma_start3A_550 = tpu.memref_slice %arg9[%dma_start3A_544, %dma_start3A_549] : memref<4x64xi32, #tpu.memory_space<vmem>> -> memref<1x64xi32, #tpu.memory_space<vmem>>
    %dma_start3A_551 = tpu.memref_squeeze %dma_start3A_550 : memref<1x64xi32, #tpu.memory_space<vmem>> -> memref<64xi32, #tpu.memory_space<vmem>>
    %dma_start3A_552 = arith.constant 0 : i32
    %dma_start3A_553 = arith.constant 0 : i32
    %dma_start3A_554 = tpu.memref_slice %arg6[%dma_start3A_552, %dma_start3A_553] : memref<10240x128xf32, #tpu.memory_space<vmem_shared>> -> memref<10240x128xf32, #tpu.memory_space<vmem_shared>>
    tpu.enqueue_indirect_dma source(%dma_start3A_548 : memref<64x128xf32, #tpu.memory_space<vmem>>) target(%dma_start3A_554 : memref<10240x128xf32, #tpu.memory_space<vmem_shared>>) offsets(%dma_start3A_551 : memref<64xi32, #tpu.memory_space<vmem>>) semaphore(%arg17 : memref<!tpu.dma_semaphore, #tpu.memory_space<semaphore_mem>>) {add = true}
    %dma_start3A_555 = arith.constant 2 : i32
    %dma_start3A_556 = arith.constant 0 : i32
    %dma_start3A_557 = tpu.memref_slice %arg9[%dma_start3A_555, %dma_start3A_556] : memref<4x64xi32, #tpu.memory_space<vmem>> -> memref<1x64xi32, #tpu.memory_space<vmem>>
    %dma_start3A_558 = tpu.memref_squeeze %dma_start3A_557 : memref<1x64xi32, #tpu.memory_space<vmem>> -> memref<64xi32, #tpu.memory_space<vmem>>
    %dma_start3A_559 = arith.constant 0 : i32
    %dma_start3A_560 = tpu.memref_slice %arg20[%dma_start3A_559] : memref<10240xf32, #tpu.memory_space<vmem_shared>> -> memref<10240xf32, #tpu.memory_space<vmem_shared>>
    tpu.enqueue_indirect_dma source(%arg21 : memref<64xf32, #tpu.memory_space<vmem>>) target(%dma_start3A_560 : memref<10240xf32, #tpu.memory_space<vmem_shared>>) offsets(%dma_start3A_558 : memref<64xi32, #tpu.memory_space<vmem>>) semaphore(%arg19 : memref<!tpu.dma_semaphore, #tpu.memory_space<semaphore_mem>>) {add = true}
    %dma_wait3A_561 = arith.constant 0 : i32
    %dma_wait3A_562 = arith.constant 0 : i32
    %dma_wait3A_563 = arith.constant 0 : i32
    %dma_wait3A_564 = arith.constant 0 : i32
    %dma_wait3A_565 = tpu.memref_slice %arg10[%dma_wait3A_561, %dma_wait3A_563, %dma_wait3A_564] : memref<4x64x128xf32, #tpu.memory_space<vmem>> -> memref<1x64x128xf32, #tpu.memory_space<vmem>>
    %dma_wait3A_566 = tpu.memref_squeeze %dma_wait3A_565 : memref<1x64x128xf32, #tpu.memory_space<vmem>> -> memref<64x128xf32, #tpu.memory_space<vmem>>
    %dma_wait3A_567 = arith.constant 0 : i32
    %dma_wait3A_568 = tpu.memref_slice %arg9[%dma_wait3A_562, %dma_wait3A_567] : memref<4x64xi32, #tpu.memory_space<vmem>> -> memref<1x64xi32, #tpu.memory_space<vmem>>
    %dma_wait3A_569 = tpu.memref_squeeze %dma_wait3A_568 : memref<1x64xi32, #tpu.memory_space<vmem>> -> memref<64xi32, #tpu.memory_space<vmem>>
    %dma_wait3A_570 = arith.constant 0 : i32
    %dma_wait3A_571 = arith.constant 0 : i32
    %dma_wait3A_572 = tpu.memref_slice %arg6[%dma_wait3A_570, %dma_wait3A_571] : memref<10240x128xf32, #tpu.memory_space<vmem_shared>> -> memref<10240x128xf32, #tpu.memory_space<vmem_shared>>
    tpu.wait_indirect_dma semaphore(%arg15 : memref<!tpu.dma_semaphore, #tpu.memory_space<semaphore_mem>>) src(%dma_wait3A_566 : memref<64x128xf32, #tpu.memory_space<vmem>>) dst(%dma_wait3A_572 : memref<10240x128xf32, #tpu.memory_space<vmem_shared>>)
    %dma_wait3A_573 = arith.constant 0 : i32
    %dma_wait3A_574 = arith.constant 0 : i32
    %dma_wait3A_575 = tpu.memref_slice %arg9[%dma_wait3A_573, %dma_wait3A_574] : memref<4x64xi32, #tpu.memory_space<vmem>> -> memref<1x64xi32, #tpu.memory_space<vmem>>
    %dma_wait3A_576 = tpu.memref_squeeze %dma_wait3A_575 : memref<1x64xi32, #tpu.memory_space<vmem>> -> memref<64xi32, #tpu.memory_space<vmem>>
    %dma_wait3A_577 = arith.constant 0 : i32
    %dma_wait3A_578 = tpu.memref_slice %arg20[%dma_wait3A_577] : memref<10240xf32, #tpu.memory_space<vmem_shared>> -> memref<10240xf32, #tpu.memory_space<vmem_shared>>
    tpu.wait_indirect_dma semaphore(%arg19 : memref<!tpu.dma_semaphore, #tpu.memory_space<semaphore_mem>>) src(%arg21 : memref<64xf32, #tpu.memory_space<vmem>>) dst(%dma_wait3A_578 : memref<10240xf32, #tpu.memory_space<vmem_shared>>)
    %get3A_579 = arith.constant 4 : i32
    %get3A_580 = arith.index_cast %get3A_579 : i32 to index
    %get3A_581 = arith.constant 0 : index
    %get3A_582 = tpu.vector_load %arg7[%get3A_580, %get3A_581] {strides = array<i32>} : memref<80x64xi32, #tpu.memory_space<vmem>>, vector<1x16xi32>,
    %get3A_583 = vector.shape_cast %get3A_582 : vector<1x16xi32> to vector<16xi32>
    %and3A_584 = arith.constant 16383 : i32
    %and3A_585 = vector.broadcast %and3A_584 : i32 to vector<16xi32>
    %and3A_586 = arith.andi %get3A_583, %and3A_585 : vector<16xi32>
    %swap3A_587 = arith.constant 0 : i32
    %swap3A_588 = arith.index_cast %swap3A_587 : i32 to index
    %swap3A_589 = arith.constant 0 : index
    %swap3A_590 = tpu.vector_load %arg8[%swap3A_588, %swap3A_589] {strides = array<i32>} : memref<4x64xi32, #tpu.memory_space<vmem>>, vector<1x16xi32>,
    %swap3A_591 = vector.shape_cast %swap3A_590 : vector<1x16xi32> to vector<16xi32>
    %swap3A_592 = vector.shape_cast %and3A_586 : vector<16xi32> to vector<1x16xi32>
    tpu.vector_store %arg8[%swap3A_588, %swap3A_589], %swap3A_592 {strides = array<i32>} : memref<4x64xi32, #tpu.memory_space<vmem>>, vector<1x16xi32>,
    %shift_right_logical3A_593 = arith.constant 14 : i32
    %shift_right_logical3A_594 = vector.broadcast %shift_right_logical3A_593 : i32 to vector<16xi32>
    %shift_right_logical3A_595 = arith.shrui %get3A_583, %shift_right_logical3A_594 : vector<16xi32>
    %swap3A_596 = arith.constant 0 : i32
    %swap3A_597 = arith.index_cast %swap3A_596 : i32 to index
    %swap3A_598 = arith.constant 0 : index
    %swap3A_599 = tpu.vector_load %arg9[%swap3A_597, %swap3A_598] {strides = array<i32>} : memref<4x64xi32, #tpu.memory_space<vmem>>, vector<1x16xi32>,
    %swap3A_600 = vector.shape_cast %swap3A_599 : vector<1x16xi32> to vector<16xi32>
    %swap3A_601 = vector.shape_cast %shift_right_logical3A_595 : vector<16xi32> to vector<1x16xi32>
    tpu.vector_store %arg9[%swap3A_597, %swap3A_598], %swap3A_601 {strides = array<i32>} : memref<4x64xi32, #tpu.memory_space<vmem>>, vector<1x16xi32>,
    %get3A_602 = arith.constant 4 : i32
    %get3A_603 = arith.index_cast %get3A_602 : i32 to index
    %get3A_604 = arith.constant 16 : index
    %get3A_605 = tpu.vector_load %arg7[%get3A_603, %get3A_604] {strides = array<i32>} : memref<80x64xi32, #tpu.memory_space<vmem>>, vector<1x16xi32>,
    %get3A_606 = vector.shape_cast %get3A_605 : vector<1x16xi32> to vector<16xi32>
    %and3A_607 = arith.constant 16383 : i32
    %and3A_608 = vector.broadcast %and3A_607 : i32 to vector<16xi32>
    %and3A_609 = arith.andi %get3A_606, %and3A_608 : vector<16xi32>
    %swap3A_610 = arith.constant 0 : i32
    %swap3A_611 = arith.index_cast %swap3A_610 : i32 to index
    %swap3A_612 = arith.constant 16 : index
    %swap3A_613 = tpu.vector_load %arg8[%swap3A_611, %swap3A_612] {strides = array<i32>} : memref<4x64xi32, #tpu.memory_space<vmem>>, vector<1x16xi32>,
    %swap3A_614 = vector.shape_cast %swap3A_613 : vector<1x16xi32> to vector<16xi32>
    %swap3A_615 = vector.shape_cast %and3A_609 : vector<16xi32> to vector<1x16xi32>
    tpu.vector_store %arg8[%swap3A_611, %swap3A_612], %swap3A_615 {strides = array<i32>} : memref<4x64xi32, #tpu.memory_space<vmem>>, vector<1x16xi32>,
    %shift_right_logical3A_616 = arith.constant 14 : i32
    %shift_right_logical3A_617 = vector.broadcast %shift_right_logical3A_616 : i32 to vector<16xi32>
    %shift_right_logical3A_618 = arith.shrui %get3A_606, %shift_right_logical3A_617 : vector<16xi32>
    %swap3A_619 = arith.constant 0 : i32
    %swap3A_620 = arith.index_cast %swap3A_619 : i32 to index
    %swap3A_621 = arith.constant 16 : index
    %swap3A_622 = tpu.vector_load %arg9[%swap3A_620, %swap3A_621] {strides = array<i32>} : memref<4x64xi32, #tpu.memory_space<vmem>>, vector<1x16xi32>,
    %swap3A_623 = vector.shape_cast %swap3A_622 : vector<1x16xi32> to vector<16xi32>
    %swap3A_624 = vector.shape_cast %shift_right_logical3A_618 : vector<16xi32> to vector<1x16xi32>
    tpu.vector_store %arg9[%swap3A_620, %swap3A_621], %swap3A_624 {strides = array<i32>} : memref<4x64xi32, #tpu.memory_space<vmem>>, vector<1x16xi32>,
    %get3A_625 = arith.constant 4 : i32
    %get3A_626 = arith.index_cast %get3A_625 : i32 to index
    %get3A_627 = arith.constant 32 : index
    %get3A_628 = tpu.vector_load %arg7[%get3A_626, %get3A_627] {strides = array<i32>} : memref<80x64xi32, #tpu.memory_space<vmem>>, vector<1x16xi32>,
    %get3A_629 = vector.shape_cast %get3A_628 : vector<1x16xi32> to vector<16xi32>
    %and3A_630 = arith.constant 16383 : i32
    %and3A_631 = vector.broadcast %and3A_630 : i32 to vector<16xi32>
    %and3A_632 = arith.andi %get3A_629, %and3A_631 : vector<16xi32>
    %swap3A_633 = arith.constant 0 : i32
    %swap3A_634 = arith.index_cast %swap3A_633 : i32 to index
    %swap3A_635 = arith.constant 32 : index
    %swap3A_636 = tpu.vector_load %arg8[%swap3A_634, %swap3A_635] {strides = array<i32>} : memref<4x64xi32, #tpu.memory_space<vmem>>, vector<1x16xi32>,
    %swap3A_637 = vector.shape_cast %swap3A_636 : vector<1x16xi32> to vector<16xi32>
    %swap3A_638 = vector.shape_cast %and3A_632 : vector<16xi32> to vector<1x16xi32>
    tpu.vector_store %arg8[%swap3A_634, %swap3A_635], %swap3A_638 {strides = array<i32>} : memref<4x64xi32, #tpu.memory_space<vmem>>, vector<1x16xi32>,
    %shift_right_logical3A_639 = arith.constant 14 : i32
    %shift_right_logical3A_640 = vector.broadcast %shift_right_logical3A_639 : i32 to vector<16xi32>
    %shift_right_logical3A_641 = arith.shrui %get3A_629, %shift_right_logical3A_640 : vector<16xi32>
    %swap3A_642 = arith.constant 0 : i32
    %swap3A_643 = arith.index_cast %swap3A_642 : i32 to index
    %swap3A_644 = arith.constant 32 : index
    %swap3A_645 = tpu.vector_load %arg9[%swap3A_643, %swap3A_644] {strides = array<i32>} : memref<4x64xi32, #tpu.memory_space<vmem>>, vector<1x16xi32>,
    %swap3A_646 = vector.shape_cast %swap3A_645 : vector<1x16xi32> to vector<16xi32>
    %swap3A_647 = vector.shape_cast %shift_right_logical3A_641 : vector<16xi32> to vector<1x16xi32>
    tpu.vector_store %arg9[%swap3A_643, %swap3A_644], %swap3A_647 {strides = array<i32>} : memref<4x64xi32, #tpu.memory_space<vmem>>, vector<1x16xi32>,
    %get3A_648 = arith.constant 4 : i32
    %get3A_649 = arith.index_cast %get3A_648 : i32 to index
    %get3A_650 = arith.constant 48 : index
    %get3A_651 = tpu.vector_load %arg7[%get3A_649, %get3A_650] {strides = array<i32>} : memref<80x64xi32, #tpu.memory_space<vmem>>, vector<1x16xi32>,
    %get3A_652 = vector.shape_cast %get3A_651 : vector<1x16xi32> to vector<16xi32>
    %and3A_653 = arith.constant 16383 : i32
    %and3A_654 = vector.broadcast %and3A_653 : i32 to vector<16xi32>
    %and3A_655 = arith.andi %get3A_652, %and3A_654 : vector<16xi32>
    %swap3A_656 = arith.constant 0 : i32
    %swap3A_657 = arith.index_cast %swap3A_656 : i32 to index
    %swap3A_658 = arith.constant 48 : index
    %swap3A_659 = tpu.vector_load %arg8[%swap3A_657, %swap3A_658] {strides = array<i32>} : memref<4x64xi32, #tpu.memory_space<vmem>>, vector<1x16xi32>,
    %swap3A_660 = vector.shape_cast %swap3A_659 : vector<1x16xi32> to vector<16xi32>
    %swap3A_661 = vector.shape_cast %and3A_655 : vector<16xi32> to vector<1x16xi32>
    tpu.vector_store %arg8[%swap3A_657, %swap3A_658], %swap3A_661 {strides = array<i32>} : memref<4x64xi32, #tpu.memory_space<vmem>>, vector<1x16xi32>,
    %shift_right_logical3A_662 = arith.constant 14 : i32
    %shift_right_logical3A_663 = vector.broadcast %shift_right_logical3A_662 : i32 to vector<16xi32>
    %shift_right_logical3A_664 = arith.shrui %get3A_652, %shift_right_logical3A_663 : vector<16xi32>
    %swap3A_665 = arith.constant 0 : i32
    %swap3A_666 = arith.index_cast %swap3A_665 : i32 to index
    %swap3A_667 = arith.constant 48 : index
    %swap3A_668 = tpu.vector_load %arg9[%swap3A_666, %swap3A_667] {strides = array<i32>} : memref<4x64xi32, #tpu.memory_space<vmem>>, vector<1x16xi32>,
    %swap3A_669 = vector.shape_cast %swap3A_668 : vector<1x16xi32> to vector<16xi32>
    %swap3A_670 = vector.shape_cast %shift_right_logical3A_664 : vector<16xi32> to vector<1x16xi32>
    tpu.vector_store %arg9[%swap3A_666, %swap3A_667], %swap3A_670 {strides = array<i32>} : memref<4x64xi32, #tpu.memory_space<vmem>>, vector<1x16xi32>,
    %dma_start3A_671 = arith.constant 0 : i32
    %dma_start3A_672 = arith.constant 0 : i32
    %dma_start3A_673 = arith.constant 0 : i32
    %dma_start3A_674 = arith.constant 0 : i32
    %dma_start3A_675 = tpu.memref_slice %arg10[%dma_start3A_672, %dma_start3A_673, %dma_start3A_674] : memref<4x64x128xf32, #tpu.memory_space<vmem>> -> memref<1x64x128xf32, #tpu.memory_space<vmem>>
    %dma_start3A_676 = tpu.memref_squeeze %dma_start3A_675 : memref<1x64x128xf32, #tpu.memory_space<vmem>> -> memref<64x128xf32, #tpu.memory_space<vmem>>
    %dma_start3A_677 = arith.constant 0 : i32
    %dma_start3A_678 = tpu.memref_slice %arg8[%dma_start3A_671, %dma_start3A_677] : memref<4x64xi32, #tpu.memory_space<vmem>> -> memref<1x64xi32, #tpu.memory_space<vmem>>
    %dma_start3A_679 = tpu.memref_squeeze %dma_start3A_678 : memref<1x64xi32, #tpu.memory_space<vmem>> -> memref<64xi32, #tpu.memory_space<vmem>>
    %dma_start3A_680 = arith.constant 0 : i32
    %dma_start3A_681 = arith.constant 0 : i32
    %dma_start3A_682 = tpu.memref_slice %arg2[%dma_start3A_680, %dma_start3A_681] : memref<10000x128xf32, #tpu.memory_space<hbm>> -> memref<10000x128xf32, #tpu.memory_space<hbm>>
    tpu.enqueue_indirect_dma source(%dma_start3A_682 : memref<10000x128xf32, #tpu.memory_space<hbm>>) target(%dma_start3A_676 : memref<64x128xf32, #tpu.memory_space<vmem>>) offsets(%dma_start3A_679 : memref<64xi32, #tpu.memory_space<vmem>>) semaphore(%arg11 : memref<!tpu.dma_semaphore, #tpu.memory_space<semaphore_mem>>)
    %dma_wait3A_683 = arith.constant 3 : i32
    %dma_wait3A_684 = arith.constant 3 : i32
    %dma_wait3A_685 = arith.constant 0 : i32
    %dma_wait3A_686 = arith.constant 0 : i32
    %dma_wait3A_687 = tpu.memref_slice %arg10[%dma_wait3A_684, %dma_wait3A_685, %dma_wait3A_686] : memref<4x64x128xf32, #tpu.memory_space<vmem>> -> memref<1x64x128xf32, #tpu.memory_space<vmem>>
    %dma_wait3A_688 = tpu.memref_squeeze %dma_wait3A_687 : memref<1x64x128xf32, #tpu.memory_space<vmem>> -> memref<64x128xf32, #tpu.memory_space<vmem>>
    %dma_wait3A_689 = arith.constant 0 : i32
    %dma_wait3A_690 = tpu.memref_slice %arg8[%dma_wait3A_683, %dma_wait3A_689] : memref<4x64xi32, #tpu.memory_space<vmem>> -> memref<1x64xi32, #tpu.memory_space<vmem>>
    %dma_wait3A_691 = tpu.memref_squeeze %dma_wait3A_690 : memref<1x64xi32, #tpu.memory_space<vmem>> -> memref<64xi32, #tpu.memory_space<vmem>>
    %dma_wait3A_692 = arith.constant 0 : i32
    %dma_wait3A_693 = arith.constant 0 : i32
    %dma_wait3A_694 = tpu.memref_slice %arg2[%dma_wait3A_692, %dma_wait3A_693] : memref<10000x128xf32, #tpu.memory_space<hbm>> -> memref<10000x128xf32, #tpu.memory_space<hbm>>
    tpu.wait_indirect_dma semaphore(%arg14 : memref<!tpu.dma_semaphore, #tpu.memory_space<semaphore_mem>>) src(%dma_wait3A_694 : memref<10000x128xf32, #tpu.memory_space<hbm>>) dst(%dma_wait3A_688 : memref<64x128xf32, #tpu.memory_space<vmem>>)
    %dma_start3A_695 = arith.constant 3 : i32
    %dma_start3A_696 = arith.constant 3 : i32
    %dma_start3A_697 = arith.constant 0 : i32
    %dma_start3A_698 = arith.constant 0 : i32
    %dma_start3A_699 = tpu.memref_slice %arg10[%dma_start3A_695, %dma_start3A_697, %dma_start3A_698] : memref<4x64x128xf32, #tpu.memory_space<vmem>> -> memref<1x64x128xf32, #tpu.memory_space<vmem>>
    %dma_start3A_700 = tpu.memref_squeeze %dma_start3A_699 : memref<1x64x128xf32, #tpu.memory_space<vmem>> -> memref<64x128xf32, #tpu.memory_space<vmem>>
    %dma_start3A_701 = arith.constant 0 : i32
    %dma_start3A_702 = tpu.memref_slice %arg9[%dma_start3A_696, %dma_start3A_701] : memref<4x64xi32, #tpu.memory_space<vmem>> -> memref<1x64xi32, #tpu.memory_space<vmem>>
    %dma_start3A_703 = tpu.memref_squeeze %dma_start3A_702 : memref<1x64xi32, #tpu.memory_space<vmem>> -> memref<64xi32, #tpu.memory_space<vmem>>
    %dma_start3A_704 = arith.constant 0 : i32
    %dma_start3A_705 = arith.constant 0 : i32
    %dma_start3A_706 = tpu.memref_slice %arg6[%dma_start3A_704, %dma_start3A_705] : memref<10240x128xf32, #tpu.memory_space<vmem_shared>> -> memref<10240x128xf32, #tpu.memory_space<vmem_shared>>
    tpu.enqueue_indirect_dma source(%dma_start3A_700 : memref<64x128xf32, #tpu.memory_space<vmem>>) target(%dma_start3A_706 : memref<10240x128xf32, #tpu.memory_space<vmem_shared>>) offsets(%dma_start3A_703 : memref<64xi32, #tpu.memory_space<vmem>>) semaphore(%arg18 : memref<!tpu.dma_semaphore, #tpu.memory_space<semaphore_mem>>) {add = true}
    %dma_start3A_707 = arith.constant 3 : i32
    %dma_start3A_708 = arith.constant 0 : i32
    %dma_start3A_709 = tpu.memref_slice %arg9[%dma_start3A_707, %dma_start3A_708] : memref<4x64xi32, #tpu.memory_space<vmem>> -> memref<1x64xi32, #tpu.memory_space<vmem>>
    %dma_start3A_710 = tpu.memref_squeeze %dma_start3A_709 : memref<1x64xi32, #tpu.memory_space<vmem>> -> memref<64xi32, #tpu.memory_space<vmem>>
    %dma_start3A_711 = arith.constant 0 : i32
    %dma_start3A_712 = tpu.memref_slice %arg20[%dma_start3A_711] : memref<10240xf32, #tpu.memory_space<vmem_shared>> -> memref<10240xf32, #tpu.memory_space<vmem_shared>>
    tpu.enqueue_indirect_dma source(%arg21 : memref<64xf32, #tpu.memory_space<vmem>>) target(%dma_start3A_712 : memref<10240xf32, #tpu.memory_space<vmem_shared>>) offsets(%dma_start3A_710 : memref<64xi32, #tpu.memory_space<vmem>>) semaphore(%arg19 : memref<!tpu.dma_semaphore, #tpu.memory_space<semaphore_mem>>) {add = true}
    %dma_wait3A_713 = arith.constant 1 : i32
    %dma_wait3A_714 = arith.constant 1 : i32
    %dma_wait3A_715 = arith.constant 0 : i32
    %dma_wait3A_716 = arith.constant 0 : i32
    %dma_wait3A_717 = tpu.memref_slice %arg10[%dma_wait3A_713, %dma_wait3A_715, %dma_wait3A_716] : memref<4x64x128xf32, #tpu.memory_space<vmem>> -> memref<1x64x128xf32, #tpu.memory_space<vmem>>
    %dma_wait3A_718 = tpu.memref_squeeze %dma_wait3A_717 : memref<1x64x128xf32, #tpu.memory_space<vmem>> -> memref<64x128xf32, #tpu.memory_space<vmem>>
    %dma_wait3A_719 = arith.constant 0 : i32
    %dma_wait3A_720 = tpu.memref_slice %arg9[%dma_wait3A_714, %dma_wait3A_719] : memref<4x64xi32, #tpu.memory_space<vmem>> -> memref<1x64xi32, #tpu.memory_space<vmem>>
    %dma_wait3A_721 = tpu.memref_squeeze %dma_wait3A_720 : memref<1x64xi32, #tpu.memory_space<vmem>> -> memref<64xi32, #tpu.memory_space<vmem>>
    %dma_wait3A_722 = arith.constant 0 : i32
    %dma_wait3A_723 = arith.constant 0 : i32
    %dma_wait3A_724 = tpu.memref_slice %arg6[%dma_wait3A_722, %dma_wait3A_723] : memref<10240x128xf32, #tpu.memory_space<vmem_shared>> -> memref<10240x128xf32, #tpu.memory_space<vmem_shared>>
    tpu.wait_indirect_dma semaphore(%arg16 : memref<!tpu.dma_semaphore, #tpu.memory_space<semaphore_mem>>) src(%dma_wait3A_718 : memref<64x128xf32, #tpu.memory_space<vmem>>) dst(%dma_wait3A_724 : memref<10240x128xf32, #tpu.memory_space<vmem_shared>>)
    %dma_wait3A_725 = arith.constant 1 : i32
    %dma_wait3A_726 = arith.constant 0 : i32
    %dma_wait3A_727 = tpu.memref_slice %arg9[%dma_wait3A_725, %dma_wait3A_726] : memref<4x64xi32, #tpu.memory_space<vmem>> -> memref<1x64xi32, #tpu.memory_space<vmem>>
    %dma_wait3A_728 = tpu.memref_squeeze %dma_wait3A_727 : memref<1x64xi32, #tpu.memory_space<vmem>> -> memref<64xi32, #tpu.memory_space<vmem>>
    %dma_wait3A_729 = arith.constant 0 : i32
    %dma_wait3A_730 = tpu.memref_slice %arg20[%dma_wait3A_729] : memref<10240xf32, #tpu.memory_space<vmem_shared>> -> memref<10240xf32, #tpu.memory_space<vmem_shared>>
    tpu.wait_indirect_dma semaphore(%arg19 : memref<!tpu.dma_semaphore, #tpu.memory_space<semaphore_mem>>) src(%arg21 : memref<64xf32, #tpu.memory_space<vmem>>) dst(%dma_wait3A_730 : memref<10240xf32, #tpu.memory_space<vmem_shared>>)
    %get3A_731 = arith.constant 5 : i32
    %get3A_732 = arith.index_cast %get3A_731 : i32 to index
    %get3A_733 = arith.constant 0 : index
    %get3A_734 = tpu.vector_load %arg7[%get3A_732, %get3A_733] {strides = array<i32>} : memref<80x64xi32, #tpu.memory_space<vmem>>, vector<1x16xi32>,
    %get3A_735 = vector.shape_cast %get3A_734 : vector<1x16xi32> to vector<16xi32>
    %and3A_736 = arith.constant 16383 : i32
    %and3A_737 = vector.broadcast %and3A_736 : i32 to vector<16xi32>
    %and3A_738 = arith.andi %get3A_735, %and3A_737 : vector<16xi32>
    %swap3A_739 = arith.constant 1 : i32
    %swap3A_740 = arith.index_cast %swap3A_739 : i32 to index
    %swap3A_741 = arith.constant 0 : index
    %swap3A_742 = tpu.vector_load %arg8[%swap3A_740, %swap3A_741] {strides = array<i32>} : memref<4x64xi32, #tpu.memory_space<vmem>>, vector<1x16xi32>,
    %swap3A_743 = vector.shape_cast %swap3A_742 : vector<1x16xi32> to vector<16xi32>
    %swap3A_744 = vector.shape_cast %and3A_738 : vector<16xi32> to vector<1x16xi32>
    tpu.vector_store %arg8[%swap3A_740, %swap3A_741], %swap3A_744 {strides = array<i32>} : memref<4x64xi32, #tpu.memory_space<vmem>>, vector<1x16xi32>,
    %shift_right_logical3A_745 = arith.constant 14 : i32
    %shift_right_logical3A_746 = vector.broadcast %shift_right_logical3A_745 : i32 to vector<16xi32>
    %shift_right_logical3A_747 = arith.shrui %get3A_735, %shift_right_logical3A_746 : vector<16xi32>
    %swap3A_748 = arith.constant 1 : i32
    %swap3A_749 = arith.index_cast %swap3A_748 : i32 to index
    %swap3A_750 = arith.constant 0 : index
    %swap3A_751 = tpu.vector_load %arg9[%swap3A_749, %swap3A_750] {strides = array<i32>} : memref<4x64xi32, #tpu.memory_space<vmem>>, vector<1x16xi32>,
    %swap3A_752 = vector.shape_cast %swap3A_751 : vector<1x16xi32> to vector<16xi32>
    %swap3A_753 = vector.shape_cast %shift_right_logical3A_747 : vector<16xi32> to vector<1x16xi32>
    tpu.vector_store %arg9[%swap3A_749, %swap3A_750], %swap3A_753 {strides = array<i32>} : memref<4x64xi32, #tpu.memory_space<vmem>>, vector<1x16xi32>,
    %get3A_754 = arith.constant 5 : i32
    %get3A_755 = arith.index_cast %get3A_754 : i32 to index
    %get3A_756 = arith.constant 16 : index
    %get3A_757 = tpu.vector_load %arg7[%get3A_755, %get3A_756] {strides = array<i32>} : memref<80x64xi32, #tpu.memory_space<vmem>>, vector<1x16xi32>,
    %get3A_758 = vector.shape_cast %get3A_757 : vector<1x16xi32> to vector<16xi32>
    %and3A_759 = arith.constant 16383 : i32
    %and3A_760 = vector.broadcast %and3A_759 : i32 to vector<16xi32>
    %and3A_761 = arith.andi %get3A_758, %and3A_760 : vector<16xi32>
    %swap3A_762 = arith.constant 1 : i32
    %swap3A_763 = arith.index_cast %swap3A_762 : i32 to index
    %swap3A_764 = arith.constant 16 : index
    %swap3A_765 = tpu.vector_load %arg8[%swap3A_763, %swap3A_764] {strides = array<i32>} : memref<4x64xi32, #tpu.memory_space<vmem>>, vector<1x16xi32>,
    %swap3A_766 = vector.shape_cast %swap3A_765 : vector<1x16xi32> to vector<16xi32>
    %swap3A_767 = vector.shape_cast %and3A_761 : vector<16xi32> to vector<1x16xi32>
    tpu.vector_store %arg8[%swap3A_763, %swap3A_764], %swap3A_767 {strides = array<i32>} : memref<4x64xi32, #tpu.memory_space<vmem>>, vector<1x16xi32>,
    %shift_right_logical3A_768 = arith.constant 14 : i32
    %shift_right_logical3A_769 = vector.broadcast %shift_right_logical3A_768 : i32 to vector<16xi32>
    %shift_right_logical3A_770 = arith.shrui %get3A_758, %shift_right_logical3A_769 : vector<16xi32>
    %swap3A_771 = arith.constant 1 : i32
    %swap3A_772 = arith.index_cast %swap3A_771 : i32 to index
    %swap3A_773 = arith.constant 16 : index
    %swap3A_774 = tpu.vector_load %arg9[%swap3A_772, %swap3A_773] {strides = array<i32>} : memref<4x64xi32, #tpu.memory_space<vmem>>, vector<1x16xi32>,
    %swap3A_775 = vector.shape_cast %swap3A_774 : vector<1x16xi32> to vector<16xi32>
    %swap3A_776 = vector.shape_cast %shift_right_logical3A_770 : vector<16xi32> to vector<1x16xi32>
    tpu.vector_store %arg9[%swap3A_772, %swap3A_773], %swap3A_776 {strides = array<i32>} : memref<4x64xi32, #tpu.memory_space<vmem>>, vector<1x16xi32>,
    %get3A_777 = arith.constant 5 : i32
    %get3A_778 = arith.index_cast %get3A_777 : i32 to index
    %get3A_779 = arith.constant 32 : index
    %get3A_780 = tpu.vector_load %arg7[%get3A_778, %get3A_779] {strides = array<i32>} : memref<80x64xi32, #tpu.memory_space<vmem>>, vector<1x16xi32>,
    %get3A_781 = vector.shape_cast %get3A_780 : vector<1x16xi32> to vector<16xi32>
    %and3A_782 = arith.constant 16383 : i32
    %and3A_783 = vector.broadcast %and3A_782 : i32 to vector<16xi32>
    %and3A_784 = arith.andi %get3A_781, %and3A_783 : vector<16xi32>
    %swap3A_785 = arith.constant 1 : i32
    %swap3A_786 = arith.index_cast %swap3A_785 : i32 to index
    %swap3A_787 = arith.constant 32 : index
    %swap3A_788 = tpu.vector_load %arg8[%swap3A_786, %swap3A_787] {strides = array<i32>} : memref<4x64xi32, #tpu.memory_space<vmem>>, vector<1x16xi32>,
    %swap3A_789 = vector.shape_cast %swap3A_788 : vector<1x16xi32> to vector<16xi32>
    %swap3A_790 = vector.shape_cast %and3A_784 : vector<16xi32> to vector<1x16xi32>
    tpu.vector_store %arg8[%swap3A_786, %swap3A_787], %swap3A_790 {strides = array<i32>} : memref<4x64xi32, #tpu.memory_space<vmem>>, vector<1x16xi32>,
    %shift_right_logical3A_791 = arith.constant 14 : i32
    %shift_right_logical3A_792 = vector.broadcast %shift_right_logical3A_791 : i32 to vector<16xi32>
    %shift_right_logical3A_793 = arith.shrui %get3A_781, %shift_right_logical3A_792 : vector<16xi32>
    %swap3A_794 = arith.constant 1 : i32
    %swap3A_795 = arith.index_cast %swap3A_794 : i32 to index
    %swap3A_796 = arith.constant 32 : index
    %swap3A_797 = tpu.vector_load %arg9[%swap3A_795, %swap3A_796] {strides = array<i32>} : memref<4x64xi32, #tpu.memory_space<vmem>>, vector<1x16xi32>,
    %swap3A_798 = vector.shape_cast %swap3A_797 : vector<1x16xi32> to vector<16xi32>
    %swap3A_799 = vector.shape_cast %shift_right_logical3A_793 : vector<16xi32> to vector<1x16xi32>
    tpu.vector_store %arg9[%swap3A_795, %swap3A_796], %swap3A_799 {strides = array<i32>} : memref<4x64xi32, #tpu.memory_space<vmem>>, vector<1x16xi32>,
    %get3A_800 = arith.constant 5 : i32
    %get3A_801 = arith.index_cast %get3A_800 : i32 to index
    %get3A_802 = arith.constant 48 : index
    %get3A_803 = tpu.vector_load %arg7[%get3A_801, %get3A_802] {strides = array<i32>} : memref<80x64xi32, #tpu.memory_space<vmem>>, vector<1x16xi32>,
    %get3A_804 = vector.shape_cast %get3A_803 : vector<1x16xi32> to vector<16xi32>
    %and3A_805 = arith.constant 16383 : i32
    %and3A_806 = vector.broadcast %and3A_805 : i32 to vector<16xi32>
    %and3A_807 = arith.andi %get3A_804, %and3A_806 : vector<16xi32>
    %swap3A_808 = arith.constant 1 : i32
    %swap3A_809 = arith.index_cast %swap3A_808 : i32 to index
    %swap3A_810 = arith.constant 48 : index
    %swap3A_811 = tpu.vector_load %arg8[%swap3A_809, %swap3A_810] {strides = array<i32>} : memref<4x64xi32, #tpu.memory_space<vmem>>, vector<1x16xi32>,
    %swap3A_812 = vector.shape_cast %swap3A_811 : vector<1x16xi32> to vector<16xi32>
    %swap3A_813 = vector.shape_cast %and3A_807 : vector<16xi32> to vector<1x16xi32>
    tpu.vector_store %arg8[%swap3A_809, %swap3A_810], %swap3A_813 {strides = array<i32>} : memref<4x64xi32, #tpu.memory_space<vmem>>, vector<1x16xi32>,
    %shift_right_logical3A_814 = arith.constant 14 : i32
    %shift_right_logical3A_815 = vector.broadcast %shift_right_logical3A_814 : i32 to vector<16xi32>
    %shift_right_logical3A_816 = arith.shrui %get3A_804, %shift_right_logical3A_815 : vector<16xi32>
    %swap3A_817 = arith.constant 1 : i32
    %swap3A_818 = arith.index_cast %swap3A_817 : i32 to index
    %swap3A_819 = arith.constant 48 : index
    %swap3A_820 = tpu.vector_load %arg9[%swap3A_818, %swap3A_819] {strides = array<i32>} : memref<4x64xi32, #tpu.memory_space<vmem>>, vector<1x16xi32>,
    %swap3A_821 = vector.shape_cast %swap3A_820 : vector<1x16xi32> to vector<16xi32>
    %swap3A_822 = vector.shape_cast %shift_right_logical3A_816 : vector<16xi32> to vector<1x16xi32>
    tpu.vector_store %arg9[%swap3A_818, %swap3A_819], %swap3A_822 {strides = array<i32>} : memref<4x64xi32, #tpu.memory_space<vmem>>, vector<1x16xi32>,
    %dma_start3A_823 = arith.constant 1 : i32
    %dma_start3A_824 = arith.constant 1 : i32
    %dma_start3A_825 = arith.constant 0 : i32
    %dma_start3A_826 = arith.constant 0 : i32
    %dma_start3A_827 = tpu.memref_slice %arg10[%dma_start3A_824, %dma_start3A_825, %dma_start3A_826] : memref<4x64x128xf32, #tpu.memory_space<vmem>> -> memref<1x64x128xf32, #tpu.memory_space<vmem>>
    %dma_start3A_828 = tpu.memref_squeeze %dma_start3A_827 : memref<1x64x128xf32, #tpu.memory_space<vmem>> -> memref<64x128xf32, #tpu.memory_space<vmem>>
    %dma_start3A_829 = arith.constant 0 : i32
    %dma_start3A_830 = tpu.memref_slice %arg8[%dma_start3A_823, %dma_start3A_829] : memref<4x64xi32, #tpu.memory_space<vmem>> -> memref<1x64xi32, #tpu.memory_space<vmem>>
    %dma_start3A_831 = tpu.memref_squeeze %dma_start3A_830 : memref<1x64xi32, #tpu.memory_space<vmem>> -> memref<64xi32, #tpu.memory_space<vmem>>
    %dma_start3A_832 = arith.constant 0 : i32
    %dma_start3A_833 = arith.constant 0 : i32
    %dma_start3A_834 = tpu.memref_slice %arg2[%dma_start3A_832, %dma_start3A_833] : memref<10000x128xf32, #tpu.memory_space<hbm>> -> memref<10000x128xf32, #tpu.memory_space<hbm>>
    tpu.enqueue_indirect_dma source(%dma_start3A_834 : memref<10000x128xf32, #tpu.memory_space<hbm>>) target(%dma_start3A_828 : memref<64x128xf32, #tpu.memory_space<vmem>>) offsets(%dma_start3A_831 : memref<64xi32, #tpu.memory_space<vmem>>) semaphore(%arg12 : memref<!tpu.dma_semaphore, #tpu.memory_space<semaphore_mem>>)
    %scan3A_835 = arith.constant 0 : i32
    %scan3A_836 = arith.constant 1 : i32
    %scan3A_837 = arith.constant 18 : i32
    %scan3A_838 = arith.addi %scan3A_836, %scan3A_837 : i32
    %scan3A_839 = arith.constant 1 : i32
    scf.for %scan3A_1278 = %scan3A_836 to %scan3A_838 step %scan3A_839  : i32 {
      %mul3A_1279 = arith.constant 4 : i32
      %mul3A_1280 = arith.muli %scan3A_1278, %mul3A_1279 : i32
      %add3A_1281 = arith.constant 0 : i32
      %add3A_1282 = arith.addi %mul3A_1280, %add3A_1281 : i32
      %dma_wait3A_1283 = arith.constant 0 : i32
      %dma_wait3A_1284 = arith.constant 0 : i32
      %dma_wait3A_1285 = arith.constant 0 : i32
      %dma_wait3A_1286 = arith.constant 0 : i32
      %dma_wait3A_1287 = tpu.memref_slice %arg10[%dma_wait3A_1284, %dma_wait3A_1285, %dma_wait3A_1286] : memref<4x64x128xf32, #tpu.memory_space<vmem>> -> memref<1x64x128xf32, #tpu.memory_space<vmem>>
      %dma_wait3A_1288 = tpu.memref_squeeze %dma_wait3A_1287 : memref<1x64x128xf32, #tpu.memory_space<vmem>> -> memref<64x128xf32, #tpu.memory_space<vmem>>
      %dma_wait3A_1289 = arith.constant 0 : i32
      %dma_wait3A_1290 = tpu.memref_slice %arg8[%dma_wait3A_1283, %dma_wait3A_1289] : memref<4x64xi32, #tpu.memory_space<vmem>> -> memref<1x64xi32, #tpu.memory_space<vmem>>
      %dma_wait3A_1291 = tpu.memref_squeeze %dma_wait3A_1290 : memref<1x64xi32, #tpu.memory_space<vmem>> -> memref<64xi32, #tpu.memory_space<vmem>>
      %dma_wait3A_1292 = arith.constant 0 : i32
      %dma_wait3A_1293 = arith.constant 0 : i32
      %dma_wait3A_1294 = tpu.memref_slice %arg2[%dma_wait3A_1292, %dma_wait3A_1293] : memref<10000x128xf32, #tpu.memory_space<hbm>> -> memref<10000x128xf32, #tpu.memory_space<hbm>>
      tpu.wait_indirect_dma semaphore(%arg11 : memref<!tpu.dma_semaphore, #tpu.memory_space<semaphore_mem>>) src(%dma_wait3A_1294 : memref<10000x128xf32, #tpu.memory_space<hbm>>) dst(%dma_wait3A_1288 : memref<64x128xf32, #tpu.memory_space<vmem>>)
      %dma_start3A_1295 = arith.constant 0 : i32
      %dma_start3A_1296 = arith.constant 0 : i32
      %dma_start3A_1297 = arith.constant 0 : i32
      %dma_start3A_1298 = arith.constant 0 : i32
      %dma_start3A_1299 = tpu.memref_slice %arg10[%dma_start3A_1295, %dma_start3A_1297, %dma_start3A_1298] : memref<4x64x128xf32, #tpu.memory_space<vmem>> -> memref<1x64x128xf32, #tpu.memory_space<vmem>>
      %dma_start3A_1300 = tpu.memref_squeeze %dma_start3A_1299 : memref<1x64x128xf32, #tpu.memory_space<vmem>> -> memref<64x128xf32, #tpu.memory_space<vmem>>
      %dma_start3A_1301 = arith.constant 0 : i32
      %dma_start3A_1302 = tpu.memref_slice %arg9[%dma_start3A_1296, %dma_start3A_1301] : memref<4x64xi32, #tpu.memory_space<vmem>> -> memref<1x64xi32, #tpu.memory_space<vmem>>
      %dma_start3A_1303 = tpu.memref_squeeze %dma_start3A_1302 : memref<1x64xi32, #tpu.memory_space<vmem>> -> memref<64xi32, #tpu.memory_space<vmem>>
      %dma_start3A_1304 = arith.constant 0 : i32
      %dma_start3A_1305 = arith.constant 0 : i32
      %dma_start3A_1306 = tpu.memref_slice %arg6[%dma_start3A_1304, %dma_start3A_1305] : memref<10240x128xf32, #tpu.memory_space<vmem_shared>> -> memref<10240x128xf32, #tpu.memory_space<vmem_shared>>
      tpu.enqueue_indirect_dma source(%dma_start3A_1300 : memref<64x128xf32, #tpu.memory_space<vmem>>) target(%dma_start3A_1306 : memref<10240x128xf32, #tpu.memory_space<vmem_shared>>) offsets(%dma_start3A_1303 : memref<64xi32, #tpu.memory_space<vmem>>) semaphore(%arg15 : memref<!tpu.dma_semaphore, #tpu.memory_space<semaphore_mem>>) {add = true}
      %dma_start3A_1307 = arith.constant 0 : i32
      %dma_start3A_1308 = arith.constant 0 : i32
      %dma_start3A_1309 = tpu.memref_slice %arg9[%dma_start3A_1307, %dma_start3A_1308] : memref<4x64xi32, #tpu.memory_space<vmem>> -> memref<1x64xi32, #tpu.memory_space<vmem>>
      %dma_start3A_1310 = tpu.memref_squeeze %dma_start3A_1309 : memref<1x64xi32, #tpu.memory_space<vmem>> -> memref<64xi32, #tpu.memory_space<vmem>>
      %dma_start3A_1311 = arith.constant 0 : i32
      %dma_start3A_1312 = tpu.memref_slice %arg20[%dma_start3A_1311] : memref<10240xf32, #tpu.memory_space<vmem_shared>> -> memref<10240xf32, #tpu.memory_space<vmem_shared>>
      tpu.enqueue_indirect_dma source(%arg21 : memref<64xf32, #tpu.memory_space<vmem>>) target(%dma_start3A_1312 : memref<10240xf32, #tpu.memory_space<vmem_shared>>) offsets(%dma_start3A_1310 : memref<64xi32, #tpu.memory_space<vmem>>) semaphore(%arg19 : memref<!tpu.dma_semaphore, #tpu.memory_space<semaphore_mem>>) {add = true}
      %dma_wait3A_1313 = arith.constant 2 : i32
      %dma_wait3A_1314 = arith.constant 2 : i32
      %dma_wait3A_1315 = arith.constant 0 : i32
      %dma_wait3A_1316 = arith.constant 0 : i32
      %dma_wait3A_1317 = tpu.memref_slice %arg10[%dma_wait3A_1313, %dma_wait3A_1315, %dma_wait3A_1316] : memref<4x64x128xf32, #tpu.memory_space<vmem>> -> memref<1x64x128xf32, #tpu.memory_space<vmem>>
      %dma_wait3A_1318 = tpu.memref_squeeze %dma_wait3A_1317 : memref<1x64x128xf32, #tpu.memory_space<vmem>> -> memref<64x128xf32, #tpu.memory_space<vmem>>
      %dma_wait3A_1319 = arith.constant 0 : i32
      %dma_wait3A_1320 = tpu.memref_slice %arg9[%dma_wait3A_1314, %dma_wait3A_1319] : memref<4x64xi32, #tpu.memory_space<vmem>> -> memref<1x64xi32, #tpu.memory_space<vmem>>
      %dma_wait3A_1321 = tpu.memref_squeeze %dma_wait3A_1320 : memref<1x64xi32, #tpu.memory_space<vmem>> -> memref<64xi32, #tpu.memory_space<vmem>>
      %dma_wait3A_1322 = arith.constant 0 : i32
      %dma_wait3A_1323 = arith.constant 0 : i32
      %dma_wait3A_1324 = tpu.memref_slice %arg6[%dma_wait3A_1322, %dma_wait3A_1323] : memref<10240x128xf32, #tpu.memory_space<vmem_shared>> -> memref<10240x128xf32, #tpu.memory_space<vmem_shared>>
      tpu.wait_indirect_dma semaphore(%arg17 : memref<!tpu.dma_semaphore, #tpu.memory_space<semaphore_mem>>) src(%dma_wait3A_1318 : memref<64x128xf32, #tpu.memory_space<vmem>>) dst(%dma_wait3A_1324 : memref<10240x128xf32, #tpu.memory_space<vmem_shared>>)
      %dma_wait3A_1325 = arith.constant 2 : i32
      %dma_wait3A_1326 = arith.constant 0 : i32
      %dma_wait3A_1327 = tpu.memref_slice %arg9[%dma_wait3A_1325, %dma_wait3A_1326] : memref<4x64xi32, #tpu.memory_space<vmem>> -> memref<1x64xi32, #tpu.memory_space<vmem>>
      %dma_wait3A_1328 = tpu.memref_squeeze %dma_wait3A_1327 : memref<1x64xi32, #tpu.memory_space<vmem>> -> memref<64xi32, #tpu.memory_space<vmem>>
      %dma_wait3A_1329 = arith.constant 0 : i32
      %dma_wait3A_1330 = tpu.memref_slice %arg20[%dma_wait3A_1329] : memref<10240xf32, #tpu.memory_space<vmem_shared>> -> memref<10240xf32, #tpu.memory_space<vmem_shared>>
      tpu.wait_indirect_dma semaphore(%arg19 : memref<!tpu.dma_semaphore, #tpu.memory_space<semaphore_mem>>) src(%arg21 : memref<64xf32, #tpu.memory_space<vmem>>) dst(%dma_wait3A_1330 : memref<10240xf32, #tpu.memory_space<vmem_shared>>)
      %add3A_1331 = arith.constant 2 : i32
      %add3A_1332 = arith.addi %add3A_1282, %add3A_1331 : i32
      %get3A_1333 = arith.index_cast %add3A_1332 : i32 to index
      %get3A_1334 = arith.constant 0 : index
      %get3A_1335 = tpu.vector_load %arg7[%get3A_1333, %get3A_1334] {strides = array<i32>} : memref<80x64xi32, #tpu.memory_space<vmem>>, vector<1x16xi32>,
      %get3A_1336 = vector.shape_cast %get3A_1335 : vector<1x16xi32> to vector<16xi32>
      %and3A_1337 = arith.constant 16383 : i32
      %and3A_1338 = vector.broadcast %and3A_1337 : i32 to vector<16xi32>
      %and3A_1339 = arith.andi %get3A_1336, %and3A_1338 : vector<16xi32>
      %swap3A_1340 = arith.constant 2 : i32
      %swap3A_1341 = arith.index_cast %swap3A_1340 : i32 to index
      %swap3A_1342 = arith.constant 0 : index
      %swap3A_1343 = tpu.vector_load %arg8[%swap3A_1341, %swap3A_1342] {strides = array<i32>} : memref<4x64xi32, #tpu.memory_space<vmem>>, vector<1x16xi32>,
      %swap3A_1344 = vector.shape_cast %swap3A_1343 : vector<1x16xi32> to vector<16xi32>
      %swap3A_1345 = vector.shape_cast %and3A_1339 : vector<16xi32> to vector<1x16xi32>
      tpu.vector_store %arg8[%swap3A_1341, %swap3A_1342], %swap3A_1345 {strides = array<i32>} : memref<4x64xi32, #tpu.memory_space<vmem>>, vector<1x16xi32>,
      %shift_right_logical3A_1346 = arith.constant 14 : i32
      %shift_right_logical3A_1347 = vector.broadcast %shift_right_logical3A_1346 : i32 to vector<16xi32>
      %shift_right_logical3A_1348 = arith.shrui %get3A_1336, %shift_right_logical3A_1347 : vector<16xi32>
      %swap3A_1349 = arith.constant 2 : i32
      %swap3A_1350 = arith.index_cast %swap3A_1349 : i32 to index
      %swap3A_1351 = arith.constant 0 : index
      %swap3A_1352 = tpu.vector_load %arg9[%swap3A_1350, %swap3A_1351] {strides = array<i32>} : memref<4x64xi32, #tpu.memory_space<vmem>>, vector<1x16xi32>,
      %swap3A_1353 = vector.shape_cast %swap3A_1352 : vector<1x16xi32> to vector<16xi32>
      %swap3A_1354 = vector.shape_cast %shift_right_logical3A_1348 : vector<16xi32> to vector<1x16xi32>
      tpu.vector_store %arg9[%swap3A_1350, %swap3A_1351], %swap3A_1354 {strides = array<i32>} : memref<4x64xi32, #tpu.memory_space<vmem>>, vector<1x16xi32>,
      %get3A_1355 = arith.index_cast %add3A_1332 : i32 to index
      %get3A_1356 = arith.constant 16 : index
      %get3A_1357 = tpu.vector_load %arg7[%get3A_1355, %get3A_1356] {strides = array<i32>} : memref<80x64xi32, #tpu.memory_space<vmem>>, vector<1x16xi32>,
      %get3A_1358 = vector.shape_cast %get3A_1357 : vector<1x16xi32> to vector<16xi32>
      %and3A_1359 = arith.constant 16383 : i32
      %and3A_1360 = vector.broadcast %and3A_1359 : i32 to vector<16xi32>
      %and3A_1361 = arith.andi %get3A_1358, %and3A_1360 : vector<16xi32>
      %swap3A_1362 = arith.constant 2 : i32
      %swap3A_1363 = arith.index_cast %swap3A_1362 : i32 to index
      %swap3A_1364 = arith.constant 16 : index
      %swap3A_1365 = tpu.vector_load %arg8[%swap3A_1363, %swap3A_1364] {strides = array<i32>} : memref<4x64xi32, #tpu.memory_space<vmem>>, vector<1x16xi32>,
      %swap3A_1366 = vector.shape_cast %swap3A_1365 : vector<1x16xi32> to vector<16xi32>
      %swap3A_1367 = vector.shape_cast %and3A_1361 : vector<16xi32> to vector<1x16xi32>
      tpu.vector_store %arg8[%swap3A_1363, %swap3A_1364], %swap3A_1367 {strides = array<i32>} : memref<4x64xi32, #tpu.memory_space<vmem>>, vector<1x16xi32>,
      %shift_right_logical3A_1368 = arith.constant 14 : i32
      %shift_right_logical3A_1369 = vector.broadcast %shift_right_logical3A_1368 : i32 to vector<16xi32>
      %shift_right_logical3A_1370 = arith.shrui %get3A_1358, %shift_right_logical3A_1369 : vector<16xi32>
      %swap3A_1371 = arith.constant 2 : i32
      %swap3A_1372 = arith.index_cast %swap3A_1371 : i32 to index
      %swap3A_1373 = arith.constant 16 : index
      %swap3A_1374 = tpu.vector_load %arg9[%swap3A_1372, %swap3A_1373] {strides = array<i32>} : memref<4x64xi32, #tpu.memory_space<vmem>>, vector<1x16xi32>,
      %swap3A_1375 = vector.shape_cast %swap3A_1374 : vector<1x16xi32> to vector<16xi32>
      %swap3A_1376 = vector.shape_cast %shift_right_logical3A_1370 : vector<16xi32> to vector<1x16xi32>
      tpu.vector_store %arg9[%swap3A_1372, %swap3A_1373], %swap3A_1376 {strides = array<i32>} : memref<4x64xi32, #tpu.memory_space<vmem>>, vector<1x16xi32>,
      %get3A_1377 = arith.index_cast %add3A_1332 : i32 to index
      %get3A_1378 = arith.constant 32 : index
      %get3A_1379 = tpu.vector_load %arg7[%get3A_1377, %get3A_1378] {strides = array<i32>} : memref<80x64xi32, #tpu.memory_space<vmem>>, vector<1x16xi32>,
      %get3A_1380 = vector.shape_cast %get3A_1379 : vector<1x16xi32> to vector<16xi32>
      %and3A_1381 = arith.constant 16383 : i32
      %and3A_1382 = vector.broadcast %and3A_1381 : i32 to vector<16xi32>
      %and3A_1383 = arith.andi %get3A_1380, %and3A_1382 : vector<16xi32>
      %swap3A_1384 = arith.constant 2 : i32
      %swap3A_1385 = arith.index_cast %swap3A_1384 : i32 to index
      %swap3A_1386 = arith.constant 32 : index
      %swap3A_1387 = tpu.vector_load %arg8[%swap3A_1385, %swap3A_1386] {strides = array<i32>} : memref<4x64xi32, #tpu.memory_space<vmem>>, vector<1x16xi32>,
      %swap3A_1388 = vector.shape_cast %swap3A_1387 : vector<1x16xi32> to vector<16xi32>
      %swap3A_1389 = vector.shape_cast %and3A_1383 : vector<16xi32> to vector<1x16xi32>
      tpu.vector_store %arg8[%swap3A_1385, %swap3A_1386], %swap3A_1389 {strides = array<i32>} : memref<4x64xi32, #tpu.memory_space<vmem>>, vector<1x16xi32>,
      %shift_right_logical3A_1390 = arith.constant 14 : i32
      %shift_right_logical3A_1391 = vector.broadcast %shift_right_logical3A_1390 : i32 to vector<16xi32>
      %shift_right_logical3A_1392 = arith.shrui %get3A_1380, %shift_right_logical3A_1391 : vector<16xi32>
      %swap3A_1393 = arith.constant 2 : i32
      %swap3A_1394 = arith.index_cast %swap3A_1393 : i32 to index
      %swap3A_1395 = arith.constant 32 : index
      %swap3A_1396 = tpu.vector_load %arg9[%swap3A_1394, %swap3A_1395] {strides = array<i32>} : memref<4x64xi32, #tpu.memory_space<vmem>>, vector<1x16xi32>,
      %swap3A_1397 = vector.shape_cast %swap3A_1396 : vector<1x16xi32> to vector<16xi32>
      %swap3A_1398 = vector.shape_cast %shift_right_logical3A_1392 : vector<16xi32> to vector<1x16xi32>
      tpu.vector_store %arg9[%swap3A_1394, %swap3A_1395], %swap3A_1398 {strides = array<i32>} : memref<4x64xi32, #tpu.memory_space<vmem>>, vector<1x16xi32>,
      %get3A_1399 = arith.index_cast %add3A_1332 : i32 to index
      %get3A_1400 = arith.constant 48 : index
      %get3A_1401 = tpu.vector_load %arg7[%get3A_1399, %get3A_1400] {strides = array<i32>} : memref<80x64xi32, #tpu.memory_space<vmem>>, vector<1x16xi32>,
      %get3A_1402 = vector.shape_cast %get3A_1401 : vector<1x16xi32> to vector<16xi32>
      %and3A_1403 = arith.constant 16383 : i32
      %and3A_1404 = vector.broadcast %and3A_1403 : i32 to vector<16xi32>
      %and3A_1405 = arith.andi %get3A_1402, %and3A_1404 : vector<16xi32>
      %swap3A_1406 = arith.constant 2 : i32
      %swap3A_1407 = arith.index_cast %swap3A_1406 : i32 to index
      %swap3A_1408 = arith.constant 48 : index
      %swap3A_1409 = tpu.vector_load %arg8[%swap3A_1407, %swap3A_1408] {strides = array<i32>} : memref<4x64xi32, #tpu.memory_space<vmem>>, vector<1x16xi32>,
      %swap3A_1410 = vector.shape_cast %swap3A_1409 : vector<1x16xi32> to vector<16xi32>
      %swap3A_1411 = vector.shape_cast %and3A_1405 : vector<16xi32> to vector<1x16xi32>
      tpu.vector_store %arg8[%swap3A_1407, %swap3A_1408], %swap3A_1411 {strides = array<i32>} : memref<4x64xi32, #tpu.memory_space<vmem>>, vector<1x16xi32>,
      %shift_right_logical3A_1412 = arith.constant 14 : i32
      %shift_right_logical3A_1413 = vector.broadcast %shift_right_logical3A_1412 : i32 to vector<16xi32>
      %shift_right_logical3A_1414 = arith.shrui %get3A_1402, %shift_right_logical3A_1413 : vector<16xi32>
      %swap3A_1415 = arith.constant 2 : i32
      %swap3A_1416 = arith.index_cast %swap3A_1415 : i32 to index
      %swap3A_1417 = arith.constant 48 : index
      %swap3A_1418 = tpu.vector_load %arg9[%swap3A_1416, %swap3A_1417] {strides = array<i32>} : memref<4x64xi32, #tpu.memory_space<vmem>>, vector<1x16xi32>,
      %swap3A_1419 = vector.shape_cast %swap3A_1418 : vector<1x16xi32> to vector<16xi32>
      %swap3A_1420 = vector.shape_cast %shift_right_logical3A_1414 : vector<16xi32> to vector<1x16xi32>
      tpu.vector_store %arg9[%swap3A_1416, %swap3A_1417], %swap3A_1420 {strides = array<i32>} : memref<4x64xi32, #tpu.memory_space<vmem>>, vector<1x16xi32>,
      %dma_start3A_1421 = arith.constant 2 : i32
      %dma_start3A_1422 = arith.constant 2 : i32
      %dma_start3A_1423 = arith.constant 0 : i32
      %dma_start3A_1424 = arith.constant 0 : i32
      %dma_start3A_1425 = tpu.memref_slice %arg10[%dma_start3A_1422, %dma_start3A_1423, %dma_start3A_1424] : memref<4x64x128xf32, #tpu.memory_space<vmem>> -> memref<1x64x128xf32, #tpu.memory_space<vmem>>
      %dma_start3A_1426 = tpu.memref_squeeze %dma_start3A_1425 : memref<1x64x128xf32, #tpu.memory_space<vmem>> -> memref<64x128xf32, #tpu.memory_space<vmem>>
      %dma_start3A_1427 = arith.constant 0 : i32
      %dma_start3A_1428 = tpu.memref_slice %arg8[%dma_start3A_1421, %dma_start3A_1427] : memref<4x64xi32, #tpu.memory_space<vmem>> -> memref<1x64xi32, #tpu.memory_space<vmem>>
      %dma_start3A_1429 = tpu.memref_squeeze %dma_start3A_1428 : memref<1x64xi32, #tpu.memory_space<vmem>> -> memref<64xi32, #tpu.memory_space<vmem>>
      %dma_start3A_1430 = arith.constant 0 : i32
      %dma_start3A_1431 = arith.constant 0 : i32
      %dma_start3A_1432 = tpu.memref_slice %arg2[%dma_start3A_1430, %dma_start3A_1431] : memref<10000x128xf32, #tpu.memory_space<hbm>> -> memref<10000x128xf32, #tpu.memory_space<hbm>>
      tpu.enqueue_indirect_dma source(%dma_start3A_1432 : memref<10000x128xf32, #tpu.memory_space<hbm>>) target(%dma_start3A_1426 : memref<64x128xf32, #tpu.memory_space<vmem>>) offsets(%dma_start3A_1429 : memref<64xi32, #tpu.memory_space<vmem>>) semaphore(%arg13 : memref<!tpu.dma_semaphore, #tpu.memory_space<semaphore_mem>>)
      %mul3A_1433 = arith.constant 4 : i32
      %mul3A_1434 = arith.muli %scan3A_1278, %mul3A_1433 : i32
      %add3A_1435 = arith.constant 1 : i32
      %add3A_1436 = arith.addi %mul3A_1434, %add3A_1435 : i32
      %dma_wait3A_1437 = arith.constant 1 : i32
      %dma_wait3A_1438 = arith.constant 1 : i32
      %dma_wait3A_1439 = arith.constant 0 : i32
      %dma_wait3A_1440 = arith.constant 0 : i32
      %dma_wait3A_1441 = tpu.memref_slice %arg10[%dma_wait3A_1438, %dma_wait3A_1439, %dma_wait3A_1440] : memref<4x64x128xf32, #tpu.memory_space<vmem>> -> memref<1x64x128xf32, #tpu.memory_space<vmem>>
      %dma_wait3A_1442 = tpu.memref_squeeze %dma_wait3A_1441 : memref<1x64x128xf32, #tpu.memory_space<vmem>> -> memref<64x128xf32, #tpu.memory_space<vmem>>
      %dma_wait3A_1443 = arith.constant 0 : i32
      %dma_wait3A_1444 = tpu.memref_slice %arg8[%dma_wait3A_1437, %dma_wait3A_1443] : memref<4x64xi32, #tpu.memory_space<vmem>> -> memref<1x64xi32, #tpu.memory_space<vmem>>
      %dma_wait3A_1445 = tpu.memref_squeeze %dma_wait3A_1444 : memref<1x64xi32, #tpu.memory_space<vmem>> -> memref<64xi32, #tpu.memory_space<vmem>>
      %dma_wait3A_1446 = arith.constant 0 : i32
      %dma_wait3A_1447 = arith.constant 0 : i32
      %dma_wait3A_1448 = tpu.memref_slice %arg2[%dma_wait3A_1446, %dma_wait3A_1447] : memref<10000x128xf32, #tpu.memory_space<hbm>> -> memref<10000x128xf32, #tpu.memory_space<hbm>>
      tpu.wait_indirect_dma semaphore(%arg12 : memref<!tpu.dma_semaphore, #tpu.memory_space<semaphore_mem>>) src(%dma_wait3A_1448 : memref<10000x128xf32, #tpu.memory_space<hbm>>) dst(%dma_wait3A_1442 : memref<64x128xf32, #tpu.memory_space<vmem>>)
      %dma_start3A_1449 = arith.constant 1 : i32
      %dma_start3A_1450 = arith.constant 1 : i32
      %dma_start3A_1451 = arith.constant 0 : i32
      %dma_start3A_1452 = arith.constant 0 : i32
      %dma_start3A_1453 = tpu.memref_slice %arg10[%dma_start3A_1449, %dma_start3A_1451, %dma_start3A_1452] : memref<4x64x128xf32, #tpu.memory_space<vmem>> -> memref<1x64x128xf32, #tpu.memory_space<vmem>>
      %dma_start3A_1454 = tpu.memref_squeeze %dma_start3A_1453 : memref<1x64x128xf32, #tpu.memory_space<vmem>> -> memref<64x128xf32, #tpu.memory_space<vmem>>
      %dma_start3A_1455 = arith.constant 0 : i32
      %dma_start3A_1456 = tpu.memref_slice %arg9[%dma_start3A_1450, %dma_start3A_1455] : memref<4x64xi32, #tpu.memory_space<vmem>> -> memref<1x64xi32, #tpu.memory_space<vmem>>
      %dma_start3A_1457 = tpu.memref_squeeze %dma_start3A_1456 : memref<1x64xi32, #tpu.memory_space<vmem>> -> memref<64xi32, #tpu.memory_space<vmem>>
      %dma_start3A_1458 = arith.constant 0 : i32
      %dma_start3A_1459 = arith.constant 0 : i32
      %dma_start3A_1460 = tpu.memref_slice %arg6[%dma_start3A_1458, %dma_start3A_1459] : memref<10240x128xf32, #tpu.memory_space<vmem_shared>> -> memref<10240x128xf32, #tpu.memory_space<vmem_shared>>
      tpu.enqueue_indirect_dma source(%dma_start3A_1454 : memref<64x128xf32, #tpu.memory_space<vmem>>) target(%dma_start3A_1460 : memref<10240x128xf32, #tpu.memory_space<vmem_shared>>) offsets(%dma_start3A_1457 : memref<64xi32, #tpu.memory_space<vmem>>) semaphore(%arg16 : memref<!tpu.dma_semaphore, #tpu.memory_space<semaphore_mem>>) {add = true}
      %dma_start3A_1461 = arith.constant 1 : i32
      %dma_start3A_1462 = arith.constant 0 : i32
      %dma_start3A_1463 = tpu.memref_slice %arg9[%dma_start3A_1461, %dma_start3A_1462] : memref<4x64xi32, #tpu.memory_space<vmem>> -> memref<1x64xi32, #tpu.memory_space<vmem>>
      %dma_start3A_1464 = tpu.memref_squeeze %dma_start3A_1463 : memref<1x64xi32, #tpu.memory_space<vmem>> -> memref<64xi32, #tpu.memory_space<vmem>>
      %dma_start3A_1465 = arith.constant 0 : i32
      %dma_start3A_1466 = tpu.memref_slice %arg20[%dma_start3A_1465] : memref<10240xf32, #tpu.memory_space<vmem_shared>> -> memref<10240xf32, #tpu.memory_space<vmem_shared>>
      tpu.enqueue_indirect_dma source(%arg21 : memref<64xf32, #tpu.memory_space<vmem>>) target(%dma_start3A_1466 : memref<10240xf32, #tpu.memory_space<vmem_shared>>) offsets(%dma_start3A_1464 : memref<64xi32, #tpu.memory_space<vmem>>) semaphore(%arg19 : memref<!tpu.dma_semaphore, #tpu.memory_space<semaphore_mem>>) {add = true}
      %dma_wait3A_1467 = arith.constant 3 : i32
      %dma_wait3A_1468 = arith.constant 3 : i32
      %dma_wait3A_1469 = arith.constant 0 : i32
      %dma_wait3A_1470 = arith.constant 0 : i32
      %dma_wait3A_1471 = tpu.memref_slice %arg10[%dma_wait3A_1467, %dma_wait3A_1469, %dma_wait3A_1470] : memref<4x64x128xf32, #tpu.memory_space<vmem>> -> memref<1x64x128xf32, #tpu.memory_space<vmem>>
      %dma_wait3A_1472 = tpu.memref_squeeze %dma_wait3A_1471 : memref<1x64x128xf32, #tpu.memory_space<vmem>> -> memref<64x128xf32, #tpu.memory_space<vmem>>
      %dma_wait3A_1473 = arith.constant 0 : i32
      %dma_wait3A_1474 = tpu.memref_slice %arg9[%dma_wait3A_1468, %dma_wait3A_1473] : memref<4x64xi32, #tpu.memory_space<vmem>> -> memref<1x64xi32, #tpu.memory_space<vmem>>
      %dma_wait3A_1475 = tpu.memref_squeeze %dma_wait3A_1474 : memref<1x64xi32, #tpu.memory_space<vmem>> -> memref<64xi32, #tpu.memory_space<vmem>>
      %dma_wait3A_1476 = arith.constant 0 : i32
      %dma_wait3A_1477 = arith.constant 0 : i32
      %dma_wait3A_1478 = tpu.memref_slice %arg6[%dma_wait3A_1476, %dma_wait3A_1477] : memref<10240x128xf32, #tpu.memory_space<vmem_shared>> -> memref<10240x128xf32, #tpu.memory_space<vmem_shared>>
      tpu.wait_indirect_dma semaphore(%arg18 : memref<!tpu.dma_semaphore, #tpu.memory_space<semaphore_mem>>) src(%dma_wait3A_1472 : memref<64x128xf32, #tpu.memory_space<vmem>>) dst(%dma_wait3A_1478 : memref<10240x128xf32, #tpu.memory_space<vmem_shared>>)
      %dma_wait3A_1479 = arith.constant 3 : i32
      %dma_wait3A_1480 = arith.constant 0 : i32
      %dma_wait3A_1481 = tpu.memref_slice %arg9[%dma_wait3A_1479, %dma_wait3A_1480] : memref<4x64xi32, #tpu.memory_space<vmem>> -> memref<1x64xi32, #tpu.memory_space<vmem>>
      %dma_wait3A_1482 = tpu.memref_squeeze %dma_wait3A_1481 : memref<1x64xi32, #tpu.memory_space<vmem>> -> memref<64xi32, #tpu.memory_space<vmem>>
      %dma_wait3A_1483 = arith.constant 0 : i32
      %dma_wait3A_1484 = tpu.memref_slice %arg20[%dma_wait3A_1483] : memref<10240xf32, #tpu.memory_space<vmem_shared>> -> memref<10240xf32, #tpu.memory_space<vmem_shared>>
      tpu.wait_indirect_dma semaphore(%arg19 : memref<!tpu.dma_semaphore, #tpu.memory_space<semaphore_mem>>) src(%arg21 : memref<64xf32, #tpu.memory_space<vmem>>) dst(%dma_wait3A_1484 : memref<10240xf32, #tpu.memory_space<vmem_shared>>)
      %add3A_1485 = arith.constant 2 : i32
      %add3A_1486 = arith.addi %add3A_1436, %add3A_1485 : i32
      %get3A_1487 = arith.index_cast %add3A_1486 : i32 to index
      %get3A_1488 = arith.constant 0 : index
      %get3A_1489 = tpu.vector_load %arg7[%get3A_1487, %get3A_1488] {strides = array<i32>} : memref<80x64xi32, #tpu.memory_space<vmem>>, vector<1x16xi32>,
      %get3A_1490 = vector.shape_cast %get3A_1489 : vector<1x16xi32> to vector<16xi32>
      %and3A_1491 = arith.constant 16383 : i32
      %and3A_1492 = vector.broadcast %and3A_1491 : i32 to vector<16xi32>
      %and3A_1493 = arith.andi %get3A_1490, %and3A_1492 : vector<16xi32>
      %swap3A_1494 = arith.constant 3 : i32
      %swap3A_1495 = arith.index_cast %swap3A_1494 : i32 to index
      %swap3A_1496 = arith.constant 0 : index
      %swap3A_1497 = tpu.vector_load %arg8[%swap3A_1495, %swap3A_1496] {strides = array<i32>} : memref<4x64xi32, #tpu.memory_space<vmem>>, vector<1x16xi32>,
      %swap3A_1498 = vector.shape_cast %swap3A_1497 : vector<1x16xi32> to vector<16xi32>
      %swap3A_1499 = vector.shape_cast %and3A_1493 : vector<16xi32> to vector<1x16xi32>
      tpu.vector_store %arg8[%swap3A_1495, %swap3A_1496], %swap3A_1499 {strides = array<i32>} : memref<4x64xi32, #tpu.memory_space<vmem>>, vector<1x16xi32>,
      %shift_right_logical3A_1500 = arith.constant 14 : i32
      %shift_right_logical3A_1501 = vector.broadcast %shift_right_logical3A_1500 : i32 to vector<16xi32>
      %shift_right_logical3A_1502 = arith.shrui %get3A_1490, %shift_right_logical3A_1501 : vector<16xi32>
      %swap3A_1503 = arith.constant 3 : i32
      %swap3A_1504 = arith.index_cast %swap3A_1503 : i32 to index
      %swap3A_1505 = arith.constant 0 : index
      %swap3A_1506 = tpu.vector_load %arg9[%swap3A_1504, %swap3A_1505] {strides = array<i32>} : memref<4x64xi32, #tpu.memory_space<vmem>>, vector<1x16xi32>,
      %swap3A_1507 = vector.shape_cast %swap3A_1506 : vector<1x16xi32> to vector<16xi32>
      %swap3A_1508 = vector.shape_cast %shift_right_logical3A_1502 : vector<16xi32> to vector<1x16xi32>
      tpu.vector_store %arg9[%swap3A_1504, %swap3A_1505], %swap3A_1508 {strides = array<i32>} : memref<4x64xi32, #tpu.memory_space<vmem>>, vector<1x16xi32>,
      %get3A_1509 = arith.index_cast %add3A_1486 : i32 to index
      %get3A_1510 = arith.constant 16 : index
      %get3A_1511 = tpu.vector_load %arg7[%get3A_1509, %get3A_1510] {strides = array<i32>} : memref<80x64xi32, #tpu.memory_space<vmem>>, vector<1x16xi32>,
      %get3A_1512 = vector.shape_cast %get3A_1511 : vector<1x16xi32> to vector<16xi32>
      %and3A_1513 = arith.constant 16383 : i32
      %and3A_1514 = vector.broadcast %and3A_1513 : i32 to vector<16xi32>
      %and3A_1515 = arith.andi %get3A_1512, %and3A_1514 : vector<16xi32>
      %swap3A_1516 = arith.constant 3 : i32
      %swap3A_1517 = arith.index_cast %swap3A_1516 : i32 to index
      %swap3A_1518 = arith.constant 16 : index
      %swap3A_1519 = tpu.vector_load %arg8[%swap3A_1517, %swap3A_1518] {strides = array<i32>} : memref<4x64xi32, #tpu.memory_space<vmem>>, vector<1x16xi32>,
      %swap3A_1520 = vector.shape_cast %swap3A_1519 : vector<1x16xi32> to vector<16xi32>
      %swap3A_1521 = vector.shape_cast %and3A_1515 : vector<16xi32> to vector<1x16xi32>
      tpu.vector_store %arg8[%swap3A_1517, %swap3A_1518], %swap3A_1521 {strides = array<i32>} : memref<4x64xi32, #tpu.memory_space<vmem>>, vector<1x16xi32>,
      %shift_right_logical3A_1522 = arith.constant 14 : i32
      %shift_right_logical3A_1523 = vector.broadcast %shift_right_logical3A_1522 : i32 to vector<16xi32>
      %shift_right_logical3A_1524 = arith.shrui %get3A_1512, %shift_right_logical3A_1523 : vector<16xi32>
      %swap3A_1525 = arith.constant 3 : i32
      %swap3A_1526 = arith.index_cast %swap3A_1525 : i32 to index
      %swap3A_1527 = arith.constant 16 : index
      %swap3A_1528 = tpu.vector_load %arg9[%swap3A_1526, %swap3A_1527] {strides = array<i32>} : memref<4x64xi32, #tpu.memory_space<vmem>>, vector<1x16xi32>,
      %swap3A_1529 = vector.shape_cast %swap3A_1528 : vector<1x16xi32> to vector<16xi32>
      %swap3A_1530 = vector.shape_cast %shift_right_logical3A_1524 : vector<16xi32> to vector<1x16xi32>
      tpu.vector_store %arg9[%swap3A_1526, %swap3A_1527], %swap3A_1530 {strides = array<i32>} : memref<4x64xi32, #tpu.memory_space<vmem>>, vector<1x16xi32>,
      %get3A_1531 = arith.index_cast %add3A_1486 : i32 to index
      %get3A_1532 = arith.constant 32 : index
      %get3A_1533 = tpu.vector_load %arg7[%get3A_1531, %get3A_1532] {strides = array<i32>} : memref<80x64xi32, #tpu.memory_space<vmem>>, vector<1x16xi32>,
      %get3A_1534 = vector.shape_cast %get3A_1533 : vector<1x16xi32> to vector<16xi32>
      %and3A_1535 = arith.constant 16383 : i32
      %and3A_1536 = vector.broadcast %and3A_1535 : i32 to vector<16xi32>
      %and3A_1537 = arith.andi %get3A_1534, %and3A_1536 : vector<16xi32>
      %swap3A_1538 = arith.constant 3 : i32
      %swap3A_1539 = arith.index_cast %swap3A_1538 : i32 to index
      %swap3A_1540 = arith.constant 32 : index
      %swap3A_1541 = tpu.vector_load %arg8[%swap3A_1539, %swap3A_1540] {strides = array<i32>} : memref<4x64xi32, #tpu.memory_space<vmem>>, vector<1x16xi32>,
      %swap3A_1542 = vector.shape_cast %swap3A_1541 : vector<1x16xi32> to vector<16xi32>
      %swap3A_1543 = vector.shape_cast %and3A_1537 : vector<16xi32> to vector<1x16xi32>
      tpu.vector_store %arg8[%swap3A_1539, %swap3A_1540], %swap3A_1543 {strides = array<i32>} : memref<4x64xi32, #tpu.memory_space<vmem>>, vector<1x16xi32>,
      %shift_right_logical3A_1544 = arith.constant 14 : i32
      %shift_right_logical3A_1545 = vector.broadcast %shift_right_logical3A_1544 : i32 to vector<16xi32>
      %shift_right_logical3A_1546 = arith.shrui %get3A_1534, %shift_right_logical3A_1545 : vector<16xi32>
      %swap3A_1547 = arith.constant 3 : i32
      %swap3A_1548 = arith.index_cast %swap3A_1547 : i32 to index
      %swap3A_1549 = arith.constant 32 : index
      %swap3A_1550 = tpu.vector_load %arg9[%swap3A_1548, %swap3A_1549] {strides = array<i32>} : memref<4x64xi32, #tpu.memory_space<vmem>>, vector<1x16xi32>,
      %swap3A_1551 = vector.shape_cast %swap3A_1550 : vector<1x16xi32> to vector<16xi32>
      %swap3A_1552 = vector.shape_cast %shift_right_logical3A_1546 : vector<16xi32> to vector<1x16xi32>
      tpu.vector_store %arg9[%swap3A_1548, %swap3A_1549], %swap3A_1552 {strides = array<i32>} : memref<4x64xi32, #tpu.memory_space<vmem>>, vector<1x16xi32>,
      %get3A_1553 = arith.index_cast %add3A_1486 : i32 to index
      %get3A_1554 = arith.constant 48 : index
      %get3A_1555 = tpu.vector_load %arg7[%get3A_1553, %get3A_1554] {strides = array<i32>} : memref<80x64xi32, #tpu.memory_space<vmem>>, vector<1x16xi32>,
      %get3A_1556 = vector.shape_cast %get3A_1555 : vector<1x16xi32> to vector<16xi32>
      %and3A_1557 = arith.constant 16383 : i32
      %and3A_1558 = vector.broadcast %and3A_1557 : i32 to vector<16xi32>
      %and3A_1559 = arith.andi %get3A_1556, %and3A_1558 : vector<16xi32>
      %swap3A_1560 = arith.constant 3 : i32
      %swap3A_1561 = arith.index_cast %swap3A_1560 : i32 to index
      %swap3A_1562 = arith.constant 48 : index
      %swap3A_1563 = tpu.vector_load %arg8[%swap3A_1561, %swap3A_1562] {strides = array<i32>} : memref<4x64xi32, #tpu.memory_space<vmem>>, vector<1x16xi32>,
      %swap3A_1564 = vector.shape_cast %swap3A_1563 : vector<1x16xi32> to vector<16xi32>
      %swap3A_1565 = vector.shape_cast %and3A_1559 : vector<16xi32> to vector<1x16xi32>
      tpu.vector_store %arg8[%swap3A_1561, %swap3A_1562], %swap3A_1565 {strides = array<i32>} : memref<4x64xi32, #tpu.memory_space<vmem>>, vector<1x16xi32>,
      %shift_right_logical3A_1566 = arith.constant 14 : i32
      %shift_right_logical3A_1567 = vector.broadcast %shift_right_logical3A_1566 : i32 to vector<16xi32>
      %shift_right_logical3A_1568 = arith.shrui %get3A_1556, %shift_right_logical3A_1567 : vector<16xi32>
      %swap3A_1569 = arith.constant 3 : i32
      %swap3A_1570 = arith.index_cast %swap3A_1569 : i32 to index
      %swap3A_1571 = arith.constant 48 : index
      %swap3A_1572 = tpu.vector_load %arg9[%swap3A_1570, %swap3A_1571] {strides = array<i32>} : memref<4x64xi32, #tpu.memory_space<vmem>>, vector<1x16xi32>,
      %swap3A_1573 = vector.shape_cast %swap3A_1572 : vector<1x16xi32> to vector<16xi32>
      %swap3A_1574 = vector.shape_cast %shift_right_logical3A_1568 : vector<16xi32> to vector<1x16xi32>
      tpu.vector_store %arg9[%swap3A_1570, %swap3A_1571], %swap3A_1574 {strides = array<i32>} : memref<4x64xi32, #tpu.memory_space<vmem>>, vector<1x16xi32>,
      %dma_start3A_1575 = arith.constant 3 : i32
      %dma_start3A_1576 = arith.constant 3 : i32
      %dma_start3A_1577 = arith.constant 0 : i32
      %dma_start3A_1578 = arith.constant 0 : i32
      %dma_start3A_1579 = tpu.memref_slice %arg10[%dma_start3A_1576, %dma_start3A_1577, %dma_start3A_1578] : memref<4x64x128xf32, #tpu.memory_space<vmem>> -> memref<1x64x128xf32, #tpu.memory_space<vmem>>
      %dma_start3A_1580 = tpu.memref_squeeze %dma_start3A_1579 : memref<1x64x128xf32, #tpu.memory_space<vmem>> -> memref<64x128xf32, #tpu.memory_space<vmem>>
      %dma_start3A_1581 = arith.constant 0 : i32
      %dma_start3A_1582 = tpu.memref_slice %arg8[%dma_start3A_1575, %dma_start3A_1581] : memref<4x64xi32, #tpu.memory_space<vmem>> -> memref<1x64xi32, #tpu.memory_space<vmem>>
      %dma_start3A_1583 = tpu.memref_squeeze %dma_start3A_1582 : memref<1x64xi32, #tpu.memory_space<vmem>> -> memref<64xi32, #tpu.memory_space<vmem>>
      %dma_start3A_1584 = arith.constant 0 : i32
      %dma_start3A_1585 = arith.constant 0 : i32
      %dma_start3A_1586 = tpu.memref_slice %arg2[%dma_start3A_1584, %dma_start3A_1585] : memref<10000x128xf32, #tpu.memory_space<hbm>> -> memref<10000x128xf32, #tpu.memory_space<hbm>>
      tpu.enqueue_indirect_dma source(%dma_start3A_1586 : memref<10000x128xf32, #tpu.memory_space<hbm>>) target(%dma_start3A_1580 : memref<64x128xf32, #tpu.memory_space<vmem>>) offsets(%dma_start3A_1583 : memref<64xi32, #tpu.memory_space<vmem>>) semaphore(%arg14 : memref<!tpu.dma_semaphore, #tpu.memory_space<semaphore_mem>>)
      %mul3A_1587 = arith.constant 4 : i32
      %mul3A_1588 = arith.muli %scan3A_1278, %mul3A_1587 : i32
      %add3A_1589 = arith.constant 2 : i32
      %add3A_1590 = arith.addi %mul3A_1588, %add3A_1589 : i32
      %dma_wait3A_1591 = arith.constant 2 : i32
      %dma_wait3A_1592 = arith.constant 2 : i32
      %dma_wait3A_1593 = arith.constant 0 : i32
      %dma_wait3A_1594 = arith.constant 0 : i32
      %dma_wait3A_1595 = tpu.memref_slice %arg10[%dma_wait3A_1592, %dma_wait3A_1593, %dma_wait3A_1594] : memref<4x64x128xf32, #tpu.memory_space<vmem>> -> memref<1x64x128xf32, #tpu.memory_space<vmem>>
      %dma_wait3A_1596 = tpu.memref_squeeze %dma_wait3A_1595 : memref<1x64x128xf32, #tpu.memory_space<vmem>> -> memref<64x128xf32, #tpu.memory_space<vmem>>
      %dma_wait3A_1597 = arith.constant 0 : i32
      %dma_wait3A_1598 = tpu.memref_slice %arg8[%dma_wait3A_1591, %dma_wait3A_1597] : memref<4x64xi32, #tpu.memory_space<vmem>> -> memref<1x64xi32, #tpu.memory_space<vmem>>
      %dma_wait3A_1599 = tpu.memref_squeeze %dma_wait3A_1598 : memref<1x64xi32, #tpu.memory_space<vmem>> -> memref<64xi32, #tpu.memory_space<vmem>>
      %dma_wait3A_1600 = arith.constant 0 : i32
      %dma_wait3A_1601 = arith.constant 0 : i32
      %dma_wait3A_1602 = tpu.memref_slice %arg2[%dma_wait3A_1600, %dma_wait3A_1601] : memref<10000x128xf32, #tpu.memory_space<hbm>> -> memref<10000x128xf32, #tpu.memory_space<hbm>>
      tpu.wait_indirect_dma semaphore(%arg13 : memref<!tpu.dma_semaphore, #tpu.memory_space<semaphore_mem>>) src(%dma_wait3A_1602 : memref<10000x128xf32, #tpu.memory_space<hbm>>) dst(%dma_wait3A_1596 : memref<64x128xf32, #tpu.memory_space<vmem>>)
      %dma_start3A_1603 = arith.constant 2 : i32
      %dma_start3A_1604 = arith.constant 2 : i32
      %dma_start3A_1605 = arith.constant 0 : i32
      %dma_start3A_1606 = arith.constant 0 : i32
      %dma_start3A_1607 = tpu.memref_slice %arg10[%dma_start3A_1603, %dma_start3A_1605, %dma_start3A_1606] : memref<4x64x128xf32, #tpu.memory_space<vmem>> -> memref<1x64x128xf32, #tpu.memory_space<vmem>>
      %dma_start3A_1608 = tpu.memref_squeeze %dma_start3A_1607 : memref<1x64x128xf32, #tpu.memory_space<vmem>> -> memref<64x128xf32, #tpu.memory_space<vmem>>
      %dma_start3A_1609 = arith.constant 0 : i32
      %dma_start3A_1610 = tpu.memref_slice %arg9[%dma_start3A_1604, %dma_start3A_1609] : memref<4x64xi32, #tpu.memory_space<vmem>> -> memref<1x64xi32, #tpu.memory_space<vmem>>
      %dma_start3A_1611 = tpu.memref_squeeze %dma_start3A_1610 : memref<1x64xi32, #tpu.memory_space<vmem>> -> memref<64xi32, #tpu.memory_space<vmem>>
      %dma_start3A_1612 = arith.constant 0 : i32
      %dma_start3A_1613 = arith.constant 0 : i32
      %dma_start3A_1614 = tpu.memref_slice %arg6[%dma_start3A_1612, %dma_start3A_1613] : memref<10240x128xf32, #tpu.memory_space<vmem_shared>> -> memref<10240x128xf32, #tpu.memory_space<vmem_shared>>
      tpu.enqueue_indirect_dma source(%dma_start3A_1608 : memref<64x128xf32, #tpu.memory_space<vmem>>) target(%dma_start3A_1614 : memref<10240x128xf32, #tpu.memory_space<vmem_shared>>) offsets(%dma_start3A_1611 : memref<64xi32, #tpu.memory_space<vmem>>) semaphore(%arg17 : memref<!tpu.dma_semaphore, #tpu.memory_space<semaphore_mem>>) {add = true}
      %dma_start3A_1615 = arith.constant 2 : i32
      %dma_start3A_1616 = arith.constant 0 : i32
      %dma_start3A_1617 = tpu.memref_slice %arg9[%dma_start3A_1615, %dma_start3A_1616] : memref<4x64xi32, #tpu.memory_space<vmem>> -> memref<1x64xi32, #tpu.memory_space<vmem>>
      %dma_start3A_1618 = tpu.memref_squeeze %dma_start3A_1617 : memref<1x64xi32, #tpu.memory_space<vmem>> -> memref<64xi32, #tpu.memory_space<vmem>>
      %dma_start3A_1619 = arith.constant 0 : i32
      %dma_start3A_1620 = tpu.memref_slice %arg20[%dma_start3A_1619] : memref<10240xf32, #tpu.memory_space<vmem_shared>> -> memref<10240xf32, #tpu.memory_space<vmem_shared>>
      tpu.enqueue_indirect_dma source(%arg21 : memref<64xf32, #tpu.memory_space<vmem>>) target(%dma_start3A_1620 : memref<10240xf32, #tpu.memory_space<vmem_shared>>) offsets(%dma_start3A_1618 : memref<64xi32, #tpu.memory_space<vmem>>) semaphore(%arg19 : memref<!tpu.dma_semaphore, #tpu.memory_space<semaphore_mem>>) {add = true}
      %dma_wait3A_1621 = arith.constant 0 : i32
      %dma_wait3A_1622 = arith.constant 0 : i32
      %dma_wait3A_1623 = arith.constant 0 : i32
      %dma_wait3A_1624 = arith.constant 0 : i32
      %dma_wait3A_1625 = tpu.memref_slice %arg10[%dma_wait3A_1621, %dma_wait3A_1623, %dma_wait3A_1624] : memref<4x64x128xf32, #tpu.memory_space<vmem>> -> memref<1x64x128xf32, #tpu.memory_space<vmem>>
      %dma_wait3A_1626 = tpu.memref_squeeze %dma_wait3A_1625 : memref<1x64x128xf32, #tpu.memory_space<vmem>> -> memref<64x128xf32, #tpu.memory_space<vmem>>
      %dma_wait3A_1627 = arith.constant 0 : i32
      %dma_wait3A_1628 = tpu.memref_slice %arg9[%dma_wait3A_1622, %dma_wait3A_1627] : memref<4x64xi32, #tpu.memory_space<vmem>> -> memref<1x64xi32, #tpu.memory_space<vmem>>
      %dma_wait3A_1629 = tpu.memref_squeeze %dma_wait3A_1628 : memref<1x64xi32, #tpu.memory_space<vmem>> -> memref<64xi32, #tpu.memory_space<vmem>>
      %dma_wait3A_1630 = arith.constant 0 : i32
      %dma_wait3A_1631 = arith.constant 0 : i32
      %dma_wait3A_1632 = tpu.memref_slice %arg6[%dma_wait3A_1630, %dma_wait3A_1631] : memref<10240x128xf32, #tpu.memory_space<vmem_shared>> -> memref<10240x128xf32, #tpu.memory_space<vmem_shared>>
      tpu.wait_indirect_dma semaphore(%arg15 : memref<!tpu.dma_semaphore, #tpu.memory_space<semaphore_mem>>) src(%dma_wait3A_1626 : memref<64x128xf32, #tpu.memory_space<vmem>>) dst(%dma_wait3A_1632 : memref<10240x128xf32, #tpu.memory_space<vmem_shared>>)
      %dma_wait3A_1633 = arith.constant 0 : i32
      %dma_wait3A_1634 = arith.constant 0 : i32
      %dma_wait3A_1635 = tpu.memref_slice %arg9[%dma_wait3A_1633, %dma_wait3A_1634] : memref<4x64xi32, #tpu.memory_space<vmem>> -> memref<1x64xi32, #tpu.memory_space<vmem>>
      %dma_wait3A_1636 = tpu.memref_squeeze %dma_wait3A_1635 : memref<1x64xi32, #tpu.memory_space<vmem>> -> memref<64xi32, #tpu.memory_space<vmem>>
      %dma_wait3A_1637 = arith.constant 0 : i32
      %dma_wait3A_1638 = tpu.memref_slice %arg20[%dma_wait3A_1637] : memref<10240xf32, #tpu.memory_space<vmem_shared>> -> memref<10240xf32, #tpu.memory_space<vmem_shared>>
      tpu.wait_indirect_dma semaphore(%arg19 : memref<!tpu.dma_semaphore, #tpu.memory_space<semaphore_mem>>) src(%arg21 : memref<64xf32, #tpu.memory_space<vmem>>) dst(%dma_wait3A_1638 : memref<10240xf32, #tpu.memory_space<vmem_shared>>)
      %add3A_1639 = arith.constant 2 : i32
      %add3A_1640 = arith.addi %add3A_1590, %add3A_1639 : i32
      %get3A_1641 = arith.index_cast %add3A_1640 : i32 to index
      %get3A_1642 = arith.constant 0 : index
      %get3A_1643 = tpu.vector_load %arg7[%get3A_1641, %get3A_1642] {strides = array<i32>} : memref<80x64xi32, #tpu.memory_space<vmem>>, vector<1x16xi32>,
      %get3A_1644 = vector.shape_cast %get3A_1643 : vector<1x16xi32> to vector<16xi32>
      %and3A_1645 = arith.constant 16383 : i32
      %and3A_1646 = vector.broadcast %and3A_1645 : i32 to vector<16xi32>
      %and3A_1647 = arith.andi %get3A_1644, %and3A_1646 : vector<16xi32>
      %swap3A_1648 = arith.constant 0 : i32
      %swap3A_1649 = arith.index_cast %swap3A_1648 : i32 to index
      %swap3A_1650 = arith.constant 0 : index
      %swap3A_1651 = tpu.vector_load %arg8[%swap3A_1649, %swap3A_1650] {strides = array<i32>} : memref<4x64xi32, #tpu.memory_space<vmem>>, vector<1x16xi32>,
      %swap3A_1652 = vector.shape_cast %swap3A_1651 : vector<1x16xi32> to vector<16xi32>
      %swap3A_1653 = vector.shape_cast %and3A_1647 : vector<16xi32> to vector<1x16xi32>
      tpu.vector_store %arg8[%swap3A_1649, %swap3A_1650], %swap3A_1653 {strides = array<i32>} : memref<4x64xi32, #tpu.memory_space<vmem>>, vector<1x16xi32>,
      %shift_right_logical3A_1654 = arith.constant 14 : i32
      %shift_right_logical3A_1655 = vector.broadcast %shift_right_logical3A_1654 : i32 to vector<16xi32>
      %shift_right_logical3A_1656 = arith.shrui %get3A_1644, %shift_right_logical3A_1655 : vector<16xi32>
      %swap3A_1657 = arith.constant 0 : i32
      %swap3A_1658 = arith.index_cast %swap3A_1657 : i32 to index
      %swap3A_1659 = arith.constant 0 : index
      %swap3A_1660 = tpu.vector_load %arg9[%swap3A_1658, %swap3A_1659] {strides = array<i32>} : memref<4x64xi32, #tpu.memory_space<vmem>>, vector<1x16xi32>,
      %swap3A_1661 = vector.shape_cast %swap3A_1660 : vector<1x16xi32> to vector<16xi32>
      %swap3A_1662 = vector.shape_cast %shift_right_logical3A_1656 : vector<16xi32> to vector<1x16xi32>
      tpu.vector_store %arg9[%swap3A_1658, %swap3A_1659], %swap3A_1662 {strides = array<i32>} : memref<4x64xi32, #tpu.memory_space<vmem>>, vector<1x16xi32>,
      %get3A_1663 = arith.index_cast %add3A_1640 : i32 to index
      %get3A_1664 = arith.constant 16 : index
      %get3A_1665 = tpu.vector_load %arg7[%get3A_1663, %get3A_1664] {strides = array<i32>} : memref<80x64xi32, #tpu.memory_space<vmem>>, vector<1x16xi32>,
      %get3A_1666 = vector.shape_cast %get3A_1665 : vector<1x16xi32> to vector<16xi32>
      %and3A_1667 = arith.constant 16383 : i32
      %and3A_1668 = vector.broadcast %and3A_1667 : i32 to vector<16xi32>
      %and3A_1669 = arith.andi %get3A_1666, %and3A_1668 : vector<16xi32>
      %swap3A_1670 = arith.constant 0 : i32
      %swap3A_1671 = arith.index_cast %swap3A_1670 : i32 to index
      %swap3A_1672 = arith.constant 16 : index
      %swap3A_1673 = tpu.vector_load %arg8[%swap3A_1671, %swap3A_1672] {strides = array<i32>} : memref<4x64xi32, #tpu.memory_space<vmem>>, vector<1x16xi32>,
      %swap3A_1674 = vector.shape_cast %swap3A_1673 : vector<1x16xi32> to vector<16xi32>
      %swap3A_1675 = vector.shape_cast %and3A_1669 : vector<16xi32> to vector<1x16xi32>
      tpu.vector_store %arg8[%swap3A_1671, %swap3A_1672], %swap3A_1675 {strides = array<i32>} : memref<4x64xi32, #tpu.memory_space<vmem>>, vector<1x16xi32>,
      %shift_right_logical3A_1676 = arith.constant 14 : i32
      %shift_right_logical3A_1677 = vector.broadcast %shift_right_logical3A_1676 : i32 to vector<16xi32>
      %shift_right_logical3A_1678 = arith.shrui %get3A_1666, %shift_right_logical3A_1677 : vector<16xi32>
      %swap3A_1679 = arith.constant 0 : i32
      %swap3A_1680 = arith.index_cast %swap3A_1679 : i32 to index
      %swap3A_1681 = arith.constant 16 : index
      %swap3A_1682 = tpu.vector_load %arg9[%swap3A_1680, %swap3A_1681] {strides = array<i32>} : memref<4x64xi32, #tpu.memory_space<vmem>>, vector<1x16xi32>,
      %swap3A_1683 = vector.shape_cast %swap3A_1682 : vector<1x16xi32> to vector<16xi32>
      %swap3A_1684 = vector.shape_cast %shift_right_logical3A_1678 : vector<16xi32> to vector<1x16xi32>
      tpu.vector_store %arg9[%swap3A_1680, %swap3A_1681], %swap3A_1684 {strides = array<i32>} : memref<4x64xi32, #tpu.memory_space<vmem>>, vector<1x16xi32>,
      %get3A_1685 = arith.index_cast %add3A_1640 : i32 to index
      %get3A_1686 = arith.constant 32 : index
      %get3A_1687 = tpu.vector_load %arg7[%get3A_1685, %get3A_1686] {strides = array<i32>} : memref<80x64xi32, #tpu.memory_space<vmem>>, vector<1x16xi32>,
      %get3A_1688 = vector.shape_cast %get3A_1687 : vector<1x16xi32> to vector<16xi32>
      %and3A_1689 = arith.constant 16383 : i32
      %and3A_1690 = vector.broadcast %and3A_1689 : i32 to vector<16xi32>
      %and3A_1691 = arith.andi %get3A_1688, %and3A_1690 : vector<16xi32>
      %swap3A_1692 = arith.constant 0 : i32
      %swap3A_1693 = arith.index_cast %swap3A_1692 : i32 to index
      %swap3A_1694 = arith.constant 32 : index
      %swap3A_1695 = tpu.vector_load %arg8[%swap3A_1693, %swap3A_1694] {strides = array<i32>} : memref<4x64xi32, #tpu.memory_space<vmem>>, vector<1x16xi32>,
      %swap3A_1696 = vector.shape_cast %swap3A_1695 : vector<1x16xi32> to vector<16xi32>
      %swap3A_1697 = vector.shape_cast %and3A_1691 : vector<16xi32> to vector<1x16xi32>
      tpu.vector_store %arg8[%swap3A_1693, %swap3A_1694], %swap3A_1697 {strides = array<i32>} : memref<4x64xi32, #tpu.memory_space<vmem>>, vector<1x16xi32>,
      %shift_right_logical3A_1698 = arith.constant 14 : i32
      %shift_right_logical3A_1699 = vector.broadcast %shift_right_logical3A_1698 : i32 to vector<16xi32>
      %shift_right_logical3A_1700 = arith.shrui %get3A_1688, %shift_right_logical3A_1699 : vector<16xi32>
      %swap3A_1701 = arith.constant 0 : i32
      %swap3A_1702 = arith.index_cast %swap3A_1701 : i32 to index
      %swap3A_1703 = arith.constant 32 : index
      %swap3A_1704 = tpu.vector_load %arg9[%swap3A_1702, %swap3A_1703] {strides = array<i32>} : memref<4x64xi32, #tpu.memory_space<vmem>>, vector<1x16xi32>,
      %swap3A_1705 = vector.shape_cast %swap3A_1704 : vector<1x16xi32> to vector<16xi32>
      %swap3A_1706 = vector.shape_cast %shift_right_logical3A_1700 : vector<16xi32> to vector<1x16xi32>
      tpu.vector_store %arg9[%swap3A_1702, %swap3A_1703], %swap3A_1706 {strides = array<i32>} : memref<4x64xi32, #tpu.memory_space<vmem>>, vector<1x16xi32>,
      %get3A_1707 = arith.index_cast %add3A_1640 : i32 to index
      %get3A_1708 = arith.constant 48 : index
      %get3A_1709 = tpu.vector_load %arg7[%get3A_1707, %get3A_1708] {strides = array<i32>} : memref<80x64xi32, #tpu.memory_space<vmem>>, vector<1x16xi32>,
      %get3A_1710 = vector.shape_cast %get3A_1709 : vector<1x16xi32> to vector<16xi32>
      %and3A_1711 = arith.constant 16383 : i32
      %and3A_1712 = vector.broadcast %and3A_1711 : i32 to vector<16xi32>
      %and3A_1713 = arith.andi %get3A_1710, %and3A_1712 : vector<16xi32>
      %swap3A_1714 = arith.constant 0 : i32
      %swap3A_1715 = arith.index_cast %swap3A_1714 : i32 to index
      %swap3A_1716 = arith.constant 48 : index
      %swap3A_1717 = tpu.vector_load %arg8[%swap3A_1715, %swap3A_1716] {strides = array<i32>} : memref<4x64xi32, #tpu.memory_space<vmem>>, vector<1x16xi32>,
      %swap3A_1718 = vector.shape_cast %swap3A_1717 : vector<1x16xi32> to vector<16xi32>
      %swap3A_1719 = vector.shape_cast %and3A_1713 : vector<16xi32> to vector<1x16xi32>
      tpu.vector_store %arg8[%swap3A_1715, %swap3A_1716], %swap3A_1719 {strides = array<i32>} : memref<4x64xi32, #tpu.memory_space<vmem>>, vector<1x16xi32>,
      %shift_right_logical3A_1720 = arith.constant 14 : i32
      %shift_right_logical3A_1721 = vector.broadcast %shift_right_logical3A_1720 : i32 to vector<16xi32>
      %shift_right_logical3A_1722 = arith.shrui %get3A_1710, %shift_right_logical3A_1721 : vector<16xi32>
      %swap3A_1723 = arith.constant 0 : i32
      %swap3A_1724 = arith.index_cast %swap3A_1723 : i32 to index
      %swap3A_1725 = arith.constant 48 : index
      %swap3A_1726 = tpu.vector_load %arg9[%swap3A_1724, %swap3A_1725] {strides = array<i32>} : memref<4x64xi32, #tpu.memory_space<vmem>>, vector<1x16xi32>,
      %swap3A_1727 = vector.shape_cast %swap3A_1726 : vector<1x16xi32> to vector<16xi32>
      %swap3A_1728 = vector.shape_cast %shift_right_logical3A_1722 : vector<16xi32> to vector<1x16xi32>
      tpu.vector_store %arg9[%swap3A_1724, %swap3A_1725], %swap3A_1728 {strides = array<i32>} : memref<4x64xi32, #tpu.memory_space<vmem>>, vector<1x16xi32>,
      %dma_start3A_1729 = arith.constant 0 : i32
      %dma_start3A_1730 = arith.constant 0 : i32
      %dma_start3A_1731 = arith.constant 0 : i32
      %dma_start3A_1732 = arith.constant 0 : i32
      %dma_start3A_1733 = tpu.memref_slice %arg10[%dma_start3A_1730, %dma_start3A_1731, %dma_start3A_1732] : memref<4x64x128xf32, #tpu.memory_space<vmem>> -> memref<1x64x128xf32, #tpu.memory_space<vmem>>
      %dma_start3A_1734 = tpu.memref_squeeze %dma_start3A_1733 : memref<1x64x128xf32, #tpu.memory_space<vmem>> -> memref<64x128xf32, #tpu.memory_space<vmem>>
      %dma_start3A_1735 = arith.constant 0 : i32
      %dma_start3A_1736 = tpu.memref_slice %arg8[%dma_start3A_1729, %dma_start3A_1735] : memref<4x64xi32, #tpu.memory_space<vmem>> -> memref<1x64xi32, #tpu.memory_space<vmem>>
      %dma_start3A_1737 = tpu.memref_squeeze %dma_start3A_1736 : memref<1x64xi32, #tpu.memory_space<vmem>> -> memref<64xi32, #tpu.memory_space<vmem>>
      %dma_start3A_1738 = arith.constant 0 : i32
      %dma_start3A_1739 = arith.constant 0 : i32
      %dma_start3A_1740 = tpu.memref_slice %arg2[%dma_start3A_1738, %dma_start3A_1739] : memref<10000x128xf32, #tpu.memory_space<hbm>> -> memref<10000x128xf32, #tpu.memory_space<hbm>>
      tpu.enqueue_indirect_dma source(%dma_start3A_1740 : memref<10000x128xf32, #tpu.memory_space<hbm>>) target(%dma_start3A_1734 : memref<64x128xf32, #tpu.memory_space<vmem>>) offsets(%dma_start3A_1737 : memref<64xi32, #tpu.memory_space<vmem>>) semaphore(%arg11 : memref<!tpu.dma_semaphore, #tpu.memory_space<semaphore_mem>>)
      %mul3A_1741 = arith.constant 4 : i32
      %mul3A_1742 = arith.muli %scan3A_1278, %mul3A_1741 : i32
      %add3A_1743 = arith.constant 3 : i32
      %add3A_1744 = arith.addi %mul3A_1742, %add3A_1743 : i32
      %dma_wait3A_1745 = arith.constant 3 : i32
      %dma_wait3A_1746 = arith.constant 3 : i32
      %dma_wait3A_1747 = arith.constant 0 : i32
      %dma_wait3A_1748 = arith.constant 0 : i32
      %dma_wait3A_1749 = tpu.memref_slice %arg10[%dma_wait3A_1746, %dma_wait3A_1747, %dma_wait3A_1748] : memref<4x64x128xf32, #tpu.memory_space<vmem>> -> memref<1x64x128xf32, #tpu.memory_space<vmem>>
      %dma_wait3A_1750 = tpu.memref_squeeze %dma_wait3A_1749 : memref<1x64x128xf32, #tpu.memory_space<vmem>> -> memref<64x128xf32, #tpu.memory_space<vmem>>
      %dma_wait3A_1751 = arith.constant 0 : i32
      %dma_wait3A_1752 = tpu.memref_slice %arg8[%dma_wait3A_1745, %dma_wait3A_1751] : memref<4x64xi32, #tpu.memory_space<vmem>> -> memref<1x64xi32, #tpu.memory_space<vmem>>
      %dma_wait3A_1753 = tpu.memref_squeeze %dma_wait3A_1752 : memref<1x64xi32, #tpu.memory_space<vmem>> -> memref<64xi32, #tpu.memory_space<vmem>>
      %dma_wait3A_1754 = arith.constant 0 : i32
      %dma_wait3A_1755 = arith.constant 0 : i32
      %dma_wait3A_1756 = tpu.memref_slice %arg2[%dma_wait3A_1754, %dma_wait3A_1755] : memref<10000x128xf32, #tpu.memory_space<hbm>> -> memref<10000x128xf32, #tpu.memory_space<hbm>>
      tpu.wait_indirect_dma semaphore(%arg14 : memref<!tpu.dma_semaphore, #tpu.memory_space<semaphore_mem>>) src(%dma_wait3A_1756 : memref<10000x128xf32, #tpu.memory_space<hbm>>) dst(%dma_wait3A_1750 : memref<64x128xf32, #tpu.memory_space<vmem>>)
      %dma_start3A_1757 = arith.constant 3 : i32
      %dma_start3A_1758 = arith.constant 3 : i32
      %dma_start3A_1759 = arith.constant 0 : i32
      %dma_start3A_1760 = arith.constant 0 : i32
      %dma_start3A_1761 = tpu.memref_slice %arg10[%dma_start3A_1757, %dma_start3A_1759, %dma_start3A_1760] : memref<4x64x128xf32, #tpu.memory_space<vmem>> -> memref<1x64x128xf32, #tpu.memory_space<vmem>>
      %dma_start3A_1762 = tpu.memref_squeeze %dma_start3A_1761 : memref<1x64x128xf32, #tpu.memory_space<vmem>> -> memref<64x128xf32, #tpu.memory_space<vmem>>
      %dma_start3A_1763 = arith.constant 0 : i32
      %dma_start3A_1764 = tpu.memref_slice %arg9[%dma_start3A_1758, %dma_start3A_1763] : memref<4x64xi32, #tpu.memory_space<vmem>> -> memref<1x64xi32, #tpu.memory_space<vmem>>
      %dma_start3A_1765 = tpu.memref_squeeze %dma_start3A_1764 : memref<1x64xi32, #tpu.memory_space<vmem>> -> memref<64xi32, #tpu.memory_space<vmem>>
      %dma_start3A_1766 = arith.constant 0 : i32
      %dma_start3A_1767 = arith.constant 0 : i32
      %dma_start3A_1768 = tpu.memref_slice %arg6[%dma_start3A_1766, %dma_start3A_1767] : memref<10240x128xf32, #tpu.memory_space<vmem_shared>> -> memref<10240x128xf32, #tpu.memory_space<vmem_shared>>
      tpu.enqueue_indirect_dma source(%dma_start3A_1762 : memref<64x128xf32, #tpu.memory_space<vmem>>) target(%dma_start3A_1768 : memref<10240x128xf32, #tpu.memory_space<vmem_shared>>) offsets(%dma_start3A_1765 : memref<64xi32, #tpu.memory_space<vmem>>) semaphore(%arg18 : memref<!tpu.dma_semaphore, #tpu.memory_space<semaphore_mem>>) {add = true}
      %dma_start3A_1769 = arith.constant 3 : i32
      %dma_start3A_1770 = arith.constant 0 : i32
      %dma_start3A_1771 = tpu.memref_slice %arg9[%dma_start3A_1769, %dma_start3A_1770] : memref<4x64xi32, #tpu.memory_space<vmem>> -> memref<1x64xi32, #tpu.memory_space<vmem>>
      %dma_start3A_1772 = tpu.memref_squeeze %dma_start3A_1771 : memref<1x64xi32, #tpu.memory_space<vmem>> -> memref<64xi32, #tpu.memory_space<vmem>>
      %dma_start3A_1773 = arith.constant 0 : i32
      %dma_start3A_1774 = tpu.memref_slice %arg20[%dma_start3A_1773] : memref<10240xf32, #tpu.memory_space<vmem_shared>> -> memref<10240xf32, #tpu.memory_space<vmem_shared>>
      tpu.enqueue_indirect_dma source(%arg21 : memref<64xf32, #tpu.memory_space<vmem>>) target(%dma_start3A_1774 : memref<10240xf32, #tpu.memory_space<vmem_shared>>) offsets(%dma_start3A_1772 : memref<64xi32, #tpu.memory_space<vmem>>) semaphore(%arg19 : memref<!tpu.dma_semaphore, #tpu.memory_space<semaphore_mem>>) {add = true}
      %dma_wait3A_1775 = arith.constant 1 : i32
      %dma_wait3A_1776 = arith.constant 1 : i32
      %dma_wait3A_1777 = arith.constant 0 : i32
      %dma_wait3A_1778 = arith.constant 0 : i32
      %dma_wait3A_1779 = tpu.memref_slice %arg10[%dma_wait3A_1775, %dma_wait3A_1777, %dma_wait3A_1778] : memref<4x64x128xf32, #tpu.memory_space<vmem>> -> memref<1x64x128xf32, #tpu.memory_space<vmem>>
      %dma_wait3A_1780 = tpu.memref_squeeze %dma_wait3A_1779 : memref<1x64x128xf32, #tpu.memory_space<vmem>> -> memref<64x128xf32, #tpu.memory_space<vmem>>
      %dma_wait3A_1781 = arith.constant 0 : i32
      %dma_wait3A_1782 = tpu.memref_slice %arg9[%dma_wait3A_1776, %dma_wait3A_1781] : memref<4x64xi32, #tpu.memory_space<vmem>> -> memref<1x64xi32, #tpu.memory_space<vmem>>
      %dma_wait3A_1783 = tpu.memref_squeeze %dma_wait3A_1782 : memref<1x64xi32, #tpu.memory_space<vmem>> -> memref<64xi32, #tpu.memory_space<vmem>>
      %dma_wait3A_1784 = arith.constant 0 : i32
      %dma_wait3A_1785 = arith.constant 0 : i32
      %dma_wait3A_1786 = tpu.memref_slice %arg6[%dma_wait3A_1784, %dma_wait3A_1785] : memref<10240x128xf32, #tpu.memory_space<vmem_shared>> -> memref<10240x128xf32, #tpu.memory_space<vmem_shared>>
      tpu.wait_indirect_dma semaphore(%arg16 : memref<!tpu.dma_semaphore, #tpu.memory_space<semaphore_mem>>) src(%dma_wait3A_1780 : memref<64x128xf32, #tpu.memory_space<vmem>>) dst(%dma_wait3A_1786 : memref<10240x128xf32, #tpu.memory_space<vmem_shared>>)
      %dma_wait3A_1787 = arith.constant 1 : i32
      %dma_wait3A_1788 = arith.constant 0 : i32
      %dma_wait3A_1789 = tpu.memref_slice %arg9[%dma_wait3A_1787, %dma_wait3A_1788] : memref<4x64xi32, #tpu.memory_space<vmem>> -> memref<1x64xi32, #tpu.memory_space<vmem>>
      %dma_wait3A_1790 = tpu.memref_squeeze %dma_wait3A_1789 : memref<1x64xi32, #tpu.memory_space<vmem>> -> memref<64xi32, #tpu.memory_space<vmem>>
      %dma_wait3A_1791 = arith.constant 0 : i32
      %dma_wait3A_1792 = tpu.memref_slice %arg20[%dma_wait3A_1791] : memref<10240xf32, #tpu.memory_space<vmem_shared>> -> memref<10240xf32, #tpu.memory_space<vmem_shared>>
      tpu.wait_indirect_dma semaphore(%arg19 : memref<!tpu.dma_semaphore, #tpu.memory_space<semaphore_mem>>) src(%arg21 : memref<64xf32, #tpu.memory_space<vmem>>) dst(%dma_wait3A_1792 : memref<10240xf32, #tpu.memory_space<vmem_shared>>)
      %add3A_1793 = arith.constant 2 : i32
      %add3A_1794 = arith.addi %add3A_1744, %add3A_1793 : i32
      %get3A_1795 = arith.index_cast %add3A_1794 : i32 to index
      %get3A_1796 = arith.constant 0 : index
      %get3A_1797 = tpu.vector_load %arg7[%get3A_1795, %get3A_1796] {strides = array<i32>} : memref<80x64xi32, #tpu.memory_space<vmem>>, vector<1x16xi32>,
      %get3A_1798 = vector.shape_cast %get3A_1797 : vector<1x16xi32> to vector<16xi32>
      %and3A_1799 = arith.constant 16383 : i32
      %and3A_1800 = vector.broadcast %and3A_1799 : i32 to vector<16xi32>
      %and3A_1801 = arith.andi %get3A_1798, %and3A_1800 : vector<16xi32>
      %swap3A_1802 = arith.constant 1 : i32
      %swap3A_1803 = arith.index_cast %swap3A_1802 : i32 to index
      %swap3A_1804 = arith.constant 0 : index
      %swap3A_1805 = tpu.vector_load %arg8[%swap3A_1803, %swap3A_1804] {strides = array<i32>} : memref<4x64xi32, #tpu.memory_space<vmem>>, vector<1x16xi32>,
      %swap3A_1806 = vector.shape_cast %swap3A_1805 : vector<1x16xi32> to vector<16xi32>
      %swap3A_1807 = vector.shape_cast %and3A_1801 : vector<16xi32> to vector<1x16xi32>
      tpu.vector_store %arg8[%swap3A_1803, %swap3A_1804], %swap3A_1807 {strides = array<i32>} : memref<4x64xi32, #tpu.memory_space<vmem>>, vector<1x16xi32>,
      %shift_right_logical3A_1808 = arith.constant 14 : i32
      %shift_right_logical3A_1809 = vector.broadcast %shift_right_logical3A_1808 : i32 to vector<16xi32>
      %shift_right_logical3A_1810 = arith.shrui %get3A_1798, %shift_right_logical3A_1809 : vector<16xi32>
      %swap3A_1811 = arith.constant 1 : i32
      %swap3A_1812 = arith.index_cast %swap3A_1811 : i32 to index
      %swap3A_1813 = arith.constant 0 : index
      %swap3A_1814 = tpu.vector_load %arg9[%swap3A_1812, %swap3A_1813] {strides = array<i32>} : memref<4x64xi32, #tpu.memory_space<vmem>>, vector<1x16xi32>,
      %swap3A_1815 = vector.shape_cast %swap3A_1814 : vector<1x16xi32> to vector<16xi32>
      %swap3A_1816 = vector.shape_cast %shift_right_logical3A_1810 : vector<16xi32> to vector<1x16xi32>
      tpu.vector_store %arg9[%swap3A_1812, %swap3A_1813], %swap3A_1816 {strides = array<i32>} : memref<4x64xi32, #tpu.memory_space<vmem>>, vector<1x16xi32>,
      %get3A_1817 = arith.index_cast %add3A_1794 : i32 to index
      %get3A_1818 = arith.constant 16 : index
      %get3A_1819 = tpu.vector_load %arg7[%get3A_1817, %get3A_1818] {strides = array<i32>} : memref<80x64xi32, #tpu.memory_space<vmem>>, vector<1x16xi32>,
      %get3A_1820 = vector.shape_cast %get3A_1819 : vector<1x16xi32> to vector<16xi32>
      %and3A_1821 = arith.constant 16383 : i32
      %and3A_1822 = vector.broadcast %and3A_1821 : i32 to vector<16xi32>
      %and3A_1823 = arith.andi %get3A_1820, %and3A_1822 : vector<16xi32>
      %swap3A_1824 = arith.constant 1 : i32
      %swap3A_1825 = arith.index_cast %swap3A_1824 : i32 to index
      %swap3A_1826 = arith.constant 16 : index
      %swap3A_1827 = tpu.vector_load %arg8[%swap3A_1825, %swap3A_1826] {strides = array<i32>} : memref<4x64xi32, #tpu.memory_space<vmem>>, vector<1x16xi32>,
      %swap3A_1828 = vector.shape_cast %swap3A_1827 : vector<1x16xi32> to vector<16xi32>
      %swap3A_1829 = vector.shape_cast %and3A_1823 : vector<16xi32> to vector<1x16xi32>
      tpu.vector_store %arg8[%swap3A_1825, %swap3A_1826], %swap3A_1829 {strides = array<i32>} : memref<4x64xi32, #tpu.memory_space<vmem>>, vector<1x16xi32>,
      %shift_right_logical3A_1830 = arith.constant 14 : i32
      %shift_right_logical3A_1831 = vector.broadcast %shift_right_logical3A_1830 : i32 to vector<16xi32>
      %shift_right_logical3A_1832 = arith.shrui %get3A_1820, %shift_right_logical3A_1831 : vector<16xi32>
      %swap3A_1833 = arith.constant 1 : i32
      %swap3A_1834 = arith.index_cast %swap3A_1833 : i32 to index
      %swap3A_1835 = arith.constant 16 : index
      %swap3A_1836 = tpu.vector_load %arg9[%swap3A_1834, %swap3A_1835] {strides = array<i32>} : memref<4x64xi32, #tpu.memory_space<vmem>>, vector<1x16xi32>,
      %swap3A_1837 = vector.shape_cast %swap3A_1836 : vector<1x16xi32> to vector<16xi32>
      %swap3A_1838 = vector.shape_cast %shift_right_logical3A_1832 : vector<16xi32> to vector<1x16xi32>
      tpu.vector_store %arg9[%swap3A_1834, %swap3A_1835], %swap3A_1838 {strides = array<i32>} : memref<4x64xi32, #tpu.memory_space<vmem>>, vector<1x16xi32>,
      %get3A_1839 = arith.index_cast %add3A_1794 : i32 to index
      %get3A_1840 = arith.constant 32 : index
      %get3A_1841 = tpu.vector_load %arg7[%get3A_1839, %get3A_1840] {strides = array<i32>} : memref<80x64xi32, #tpu.memory_space<vmem>>, vector<1x16xi32>,
      %get3A_1842 = vector.shape_cast %get3A_1841 : vector<1x16xi32> to vector<16xi32>
      %and3A_1843 = arith.constant 16383 : i32
      %and3A_1844 = vector.broadcast %and3A_1843 : i32 to vector<16xi32>
      %and3A_1845 = arith.andi %get3A_1842, %and3A_1844 : vector<16xi32>
      %swap3A_1846 = arith.constant 1 : i32
      %swap3A_1847 = arith.index_cast %swap3A_1846 : i32 to index
      %swap3A_1848 = arith.constant 32 : index
      %swap3A_1849 = tpu.vector_load %arg8[%swap3A_1847, %swap3A_1848] {strides = array<i32>} : memref<4x64xi32, #tpu.memory_space<vmem>>, vector<1x16xi32>,
      %swap3A_1850 = vector.shape_cast %swap3A_1849 : vector<1x16xi32> to vector<16xi32>
      %swap3A_1851 = vector.shape_cast %and3A_1845 : vector<16xi32> to vector<1x16xi32>
      tpu.vector_store %arg8[%swap3A_1847, %swap3A_1848], %swap3A_1851 {strides = array<i32>} : memref<4x64xi32, #tpu.memory_space<vmem>>, vector<1x16xi32>,
      %shift_right_logical3A_1852 = arith.constant 14 : i32
      %shift_right_logical3A_1853 = vector.broadcast %shift_right_logical3A_1852 : i32 to vector<16xi32>
      %shift_right_logical3A_1854 = arith.shrui %get3A_1842, %shift_right_logical3A_1853 : vector<16xi32>
      %swap3A_1855 = arith.constant 1 : i32
      %swap3A_1856 = arith.index_cast %swap3A_1855 : i32 to index
      %swap3A_1857 = arith.constant 32 : index
      %swap3A_1858 = tpu.vector_load %arg9[%swap3A_1856, %swap3A_1857] {strides = array<i32>} : memref<4x64xi32, #tpu.memory_space<vmem>>, vector<1x16xi32>,
      %swap3A_1859 = vector.shape_cast %swap3A_1858 : vector<1x16xi32> to vector<16xi32>
      %swap3A_1860 = vector.shape_cast %shift_right_logical3A_1854 : vector<16xi32> to vector<1x16xi32>
      tpu.vector_store %arg9[%swap3A_1856, %swap3A_1857], %swap3A_1860 {strides = array<i32>} : memref<4x64xi32, #tpu.memory_space<vmem>>, vector<1x16xi32>,
      %get3A_1861 = arith.index_cast %add3A_1794 : i32 to index
      %get3A_1862 = arith.constant 48 : index
      %get3A_1863 = tpu.vector_load %arg7[%get3A_1861, %get3A_1862] {strides = array<i32>} : memref<80x64xi32, #tpu.memory_space<vmem>>, vector<1x16xi32>,
      %get3A_1864 = vector.shape_cast %get3A_1863 : vector<1x16xi32> to vector<16xi32>
      %and3A_1865 = arith.constant 16383 : i32
      %and3A_1866 = vector.broadcast %and3A_1865 : i32 to vector<16xi32>
      %and3A_1867 = arith.andi %get3A_1864, %and3A_1866 : vector<16xi32>
      %swap3A_1868 = arith.constant 1 : i32
      %swap3A_1869 = arith.index_cast %swap3A_1868 : i32 to index
      %swap3A_1870 = arith.constant 48 : index
      %swap3A_1871 = tpu.vector_load %arg8[%swap3A_1869, %swap3A_1870] {strides = array<i32>} : memref<4x64xi32, #tpu.memory_space<vmem>>, vector<1x16xi32>,
      %swap3A_1872 = vector.shape_cast %swap3A_1871 : vector<1x16xi32> to vector<16xi32>
      %swap3A_1873 = vector.shape_cast %and3A_1867 : vector<16xi32> to vector<1x16xi32>
      tpu.vector_store %arg8[%swap3A_1869, %swap3A_1870], %swap3A_1873 {strides = array<i32>} : memref<4x64xi32, #tpu.memory_space<vmem>>, vector<1x16xi32>,
      %shift_right_logical3A_1874 = arith.constant 14 : i32
      %shift_right_logical3A_1875 = vector.broadcast %shift_right_logical3A_1874 : i32 to vector<16xi32>
      %shift_right_logical3A_1876 = arith.shrui %get3A_1864, %shift_right_logical3A_1875 : vector<16xi32>
      %swap3A_1877 = arith.constant 1 : i32
      %swap3A_1878 = arith.index_cast %swap3A_1877 : i32 to index
      %swap3A_1879 = arith.constant 48 : index
      %swap3A_1880 = tpu.vector_load %arg9[%swap3A_1878, %swap3A_1879] {strides = array<i32>} : memref<4x64xi32, #tpu.memory_space<vmem>>, vector<1x16xi32>,
      %swap3A_1881 = vector.shape_cast %swap3A_1880 : vector<1x16xi32> to vector<16xi32>
      %swap3A_1882 = vector.shape_cast %shift_right_logical3A_1876 : vector<16xi32> to vector<1x16xi32>
      tpu.vector_store %arg9[%swap3A_1878, %swap3A_1879], %swap3A_1882 {strides = array<i32>} : memref<4x64xi32, #tpu.memory_space<vmem>>, vector<1x16xi32>,
      %dma_start3A_1883 = arith.constant 1 : i32
      %dma_start3A_1884 = arith.constant 1 : i32
      %dma_start3A_1885 = arith.constant 0 : i32
      %dma_start3A_1886 = arith.constant 0 : i32
      %dma_start3A_1887 = tpu.memref_slice %arg10[%dma_start3A_1884, %dma_start3A_1885, %dma_start3A_1886] : memref<4x64x128xf32, #tpu.memory_space<vmem>> -> memref<1x64x128xf32, #tpu.memory_space<vmem>>
      %dma_start3A_1888 = tpu.memref_squeeze %dma_start3A_1887 : memref<1x64x128xf32, #tpu.memory_space<vmem>> -> memref<64x128xf32, #tpu.memory_space<vmem>>
      %dma_start3A_1889 = arith.constant 0 : i32
      %dma_start3A_1890 = tpu.memref_slice %arg8[%dma_start3A_1883, %dma_start3A_1889] : memref<4x64xi32, #tpu.memory_space<vmem>> -> memref<1x64xi32, #tpu.memory_space<vmem>>
      %dma_start3A_1891 = tpu.memref_squeeze %dma_start3A_1890 : memref<1x64xi32, #tpu.memory_space<vmem>> -> memref<64xi32, #tpu.memory_space<vmem>>
      %dma_start3A_1892 = arith.constant 0 : i32
      %dma_start3A_1893 = arith.constant 0 : i32
      %dma_start3A_1894 = tpu.memref_slice %arg2[%dma_start3A_1892, %dma_start3A_1893] : memref<10000x128xf32, #tpu.memory_space<hbm>> -> memref<10000x128xf32, #tpu.memory_space<hbm>>
      tpu.enqueue_indirect_dma source(%dma_start3A_1894 : memref<10000x128xf32, #tpu.memory_space<hbm>>) target(%dma_start3A_1888 : memref<64x128xf32, #tpu.memory_space<vmem>>) offsets(%dma_start3A_1891 : memref<64xi32, #tpu.memory_space<vmem>>) semaphore(%arg12 : memref<!tpu.dma_semaphore, #tpu.memory_space<semaphore_mem>>)
    }
    %scan3A_840 = arith.constant 18 : i32
    %dma_wait3A_841 = arith.constant 0 : i32
    %dma_wait3A_842 = arith.constant 0 : i32
    %dma_wait3A_843 = arith.constant 0 : i32
    %dma_wait3A_844 = arith.constant 0 : i32
    %dma_wait3A_845 = tpu.memref_slice %arg10[%dma_wait3A_842, %dma_wait3A_843, %dma_wait3A_844] : memref<4x64x128xf32, #tpu.memory_space<vmem>> -> memref<1x64x128xf32, #tpu.memory_space<vmem>>
    %dma_wait3A_846 = tpu.memref_squeeze %dma_wait3A_845 : memref<1x64x128xf32, #tpu.memory_space<vmem>> -> memref<64x128xf32, #tpu.memory_space<vmem>>
    %dma_wait3A_847 = arith.constant 0 : i32
    %dma_wait3A_848 = tpu.memref_slice %arg8[%dma_wait3A_841, %dma_wait3A_847] : memref<4x64xi32, #tpu.memory_space<vmem>> -> memref<1x64xi32, #tpu.memory_space<vmem>>
    %dma_wait3A_849 = tpu.memref_squeeze %dma_wait3A_848 : memref<1x64xi32, #tpu.memory_space<vmem>> -> memref<64xi32, #tpu.memory_space<vmem>>
    %dma_wait3A_850 = arith.constant 0 : i32
    %dma_wait3A_851 = arith.constant 0 : i32
    %dma_wait3A_852 = tpu.memref_slice %arg2[%dma_wait3A_850, %dma_wait3A_851] : memref<10000x128xf32, #tpu.memory_space<hbm>> -> memref<10000x128xf32, #tpu.memory_space<hbm>>
    tpu.wait_indirect_dma semaphore(%arg11 : memref<!tpu.dma_semaphore, #tpu.memory_space<semaphore_mem>>) src(%dma_wait3A_852 : memref<10000x128xf32, #tpu.memory_space<hbm>>) dst(%dma_wait3A_846 : memref<64x128xf32, #tpu.memory_space<vmem>>)
    %dma_start3A_853 = arith.constant 0 : i32
    %dma_start3A_854 = arith.constant 0 : i32
    %dma_start3A_855 = arith.constant 0 : i32
    %dma_start3A_856 = arith.constant 0 : i32
    %dma_start3A_857 = tpu.memref_slice %arg10[%dma_start3A_853, %dma_start3A_855, %dma_start3A_856] : memref<4x64x128xf32, #tpu.memory_space<vmem>> -> memref<1x64x128xf32, #tpu.memory_space<vmem>>
    %dma_start3A_858 = tpu.memref_squeeze %dma_start3A_857 : memref<1x64x128xf32, #tpu.memory_space<vmem>> -> memref<64x128xf32, #tpu.memory_space<vmem>>
    %dma_start3A_859 = arith.constant 0 : i32
    %dma_start3A_860 = tpu.memref_slice %arg9[%dma_start3A_854, %dma_start3A_859] : memref<4x64xi32, #tpu.memory_space<vmem>> -> memref<1x64xi32, #tpu.memory_space<vmem>>
    %dma_start3A_861 = tpu.memref_squeeze %dma_start3A_860 : memref<1x64xi32, #tpu.memory_space<vmem>> -> memref<64xi32, #tpu.memory_space<vmem>>
    %dma_start3A_862 = arith.constant 0 : i32
    %dma_start3A_863 = arith.constant 0 : i32
    %dma_start3A_864 = tpu.memref_slice %arg6[%dma_start3A_862, %dma_start3A_863] : memref<10240x128xf32, #tpu.memory_space<vmem_shared>> -> memref<10240x128xf32, #tpu.memory_space<vmem_shared>>
    tpu.enqueue_indirect_dma source(%dma_start3A_858 : memref<64x128xf32, #tpu.memory_space<vmem>>) target(%dma_start3A_864 : memref<10240x128xf32, #tpu.memory_space<vmem_shared>>) offsets(%dma_start3A_861 : memref<64xi32, #tpu.memory_space<vmem>>) semaphore(%arg15 : memref<!tpu.dma_semaphore, #tpu.memory_space<semaphore_mem>>) {add = true}
    %dma_start3A_865 = arith.constant 0 : i32
    %dma_start3A_866 = arith.constant 0 : i32
    %dma_start3A_867 = tpu.memref_slice %arg9[%dma_start3A_865, %dma_start3A_866] : memref<4x64xi32, #tpu.memory_space<vmem>> -> memref<1x64xi32, #tpu.memory_space<vmem>>
    %dma_start3A_868 = tpu.memref_squeeze %dma_start3A_867 : memref<1x64xi32, #tpu.memory_space<vmem>> -> memref<64xi32, #tpu.memory_space<vmem>>
    %dma_start3A_869 = arith.constant 0 : i32
    %dma_start3A_870 = tpu.memref_slice %arg20[%dma_start3A_869] : memref<10240xf32, #tpu.memory_space<vmem_shared>> -> memref<10240xf32, #tpu.memory_space<vmem_shared>>
    tpu.enqueue_indirect_dma source(%arg21 : memref<64xf32, #tpu.memory_space<vmem>>) target(%dma_start3A_870 : memref<10240xf32, #tpu.memory_space<vmem_shared>>) offsets(%dma_start3A_868 : memref<64xi32, #tpu.memory_space<vmem>>) semaphore(%arg19 : memref<!tpu.dma_semaphore, #tpu.memory_space<semaphore_mem>>) {add = true}
    %dma_wait3A_871 = arith.constant 2 : i32
    %dma_wait3A_872 = arith.constant 2 : i32
    %dma_wait3A_873 = arith.constant 0 : i32
    %dma_wait3A_874 = arith.constant 0 : i32
    %dma_wait3A_875 = tpu.memref_slice %arg10[%dma_wait3A_871, %dma_wait3A_873, %dma_wait3A_874] : memref<4x64x128xf32, #tpu.memory_space<vmem>> -> memref<1x64x128xf32, #tpu.memory_space<vmem>>
    %dma_wait3A_876 = tpu.memref_squeeze %dma_wait3A_875 : memref<1x64x128xf32, #tpu.memory_space<vmem>> -> memref<64x128xf32, #tpu.memory_space<vmem>>
    %dma_wait3A_877 = arith.constant 0 : i32
    %dma_wait3A_878 = tpu.memref_slice %arg9[%dma_wait3A_872, %dma_wait3A_877] : memref<4x64xi32, #tpu.memory_space<vmem>> -> memref<1x64xi32, #tpu.memory_space<vmem>>
    %dma_wait3A_879 = tpu.memref_squeeze %dma_wait3A_878 : memref<1x64xi32, #tpu.memory_space<vmem>> -> memref<64xi32, #tpu.memory_space<vmem>>
    %dma_wait3A_880 = arith.constant 0 : i32
    %dma_wait3A_881 = arith.constant 0 : i32
    %dma_wait3A_882 = tpu.memref_slice %arg6[%dma_wait3A_880, %dma_wait3A_881] : memref<10240x128xf32, #tpu.memory_space<vmem_shared>> -> memref<10240x128xf32, #tpu.memory_space<vmem_shared>>
    tpu.wait_indirect_dma semaphore(%arg17 : memref<!tpu.dma_semaphore, #tpu.memory_space<semaphore_mem>>) src(%dma_wait3A_876 : memref<64x128xf32, #tpu.memory_space<vmem>>) dst(%dma_wait3A_882 : memref<10240x128xf32, #tpu.memory_space<vmem_shared>>)
    %dma_wait3A_883 = arith.constant 2 : i32
    %dma_wait3A_884 = arith.constant 0 : i32
    %dma_wait3A_885 = tpu.memref_slice %arg9[%dma_wait3A_883, %dma_wait3A_884] : memref<4x64xi32, #tpu.memory_space<vmem>> -> memref<1x64xi32, #tpu.memory_space<vmem>>
    %dma_wait3A_886 = tpu.memref_squeeze %dma_wait3A_885 : memref<1x64xi32, #tpu.memory_space<vmem>> -> memref<64xi32, #tpu.memory_space<vmem>>
    %dma_wait3A_887 = arith.constant 0 : i32
    %dma_wait3A_888 = tpu.memref_slice %arg20[%dma_wait3A_887] : memref<10240xf32, #tpu.memory_space<vmem_shared>> -> memref<10240xf32, #tpu.memory_space<vmem_shared>>
    tpu.wait_indirect_dma semaphore(%arg19 : memref<!tpu.dma_semaphore, #tpu.memory_space<semaphore_mem>>) src(%arg21 : memref<64xf32, #tpu.memory_space<vmem>>) dst(%dma_wait3A_888 : memref<10240xf32, #tpu.memory_space<vmem_shared>>)
    %get3A_889 = arith.constant 78 : i32
    %get3A_890 = arith.index_cast %get3A_889 : i32 to index
    %get3A_891 = arith.constant 0 : index
    %get3A_892 = tpu.vector_load %arg7[%get3A_890, %get3A_891] {strides = array<i32>} : memref<80x64xi32, #tpu.memory_space<vmem>>, vector<1x16xi32>,
    %get3A_893 = vector.shape_cast %get3A_892 : vector<1x16xi32> to vector<16xi32>
    %and3A_894 = arith.constant 16383 : i32
    %and3A_895 = vector.broadcast %and3A_894 : i32 to vector<16xi32>
    %and3A_896 = arith.andi %get3A_893, %and3A_895 : vector<16xi32>
    %swap3A_897 = arith.constant 2 : i32
    %swap3A_898 = arith.index_cast %swap3A_897 : i32 to index
    %swap3A_899 = arith.constant 0 : index
    %swap3A_900 = tpu.vector_load %arg8[%swap3A_898, %swap3A_899] {strides = array<i32>} : memref<4x64xi32, #tpu.memory_space<vmem>>, vector<1x16xi32>,
    %swap3A_901 = vector.shape_cast %swap3A_900 : vector<1x16xi32> to vector<16xi32>
    %swap3A_902 = vector.shape_cast %and3A_896 : vector<16xi32> to vector<1x16xi32>
    tpu.vector_store %arg8[%swap3A_898, %swap3A_899], %swap3A_902 {strides = array<i32>} : memref<4x64xi32, #tpu.memory_space<vmem>>, vector<1x16xi32>,
    %shift_right_logical3A_903 = arith.constant 14 : i32
    %shift_right_logical3A_904 = vector.broadcast %shift_right_logical3A_903 : i32 to vector<16xi32>
    %shift_right_logical3A_905 = arith.shrui %get3A_893, %shift_right_logical3A_904 : vector<16xi32>
    %swap3A_906 = arith.constant 2 : i32
    %swap3A_907 = arith.index_cast %swap3A_906 : i32 to index
    %swap3A_908 = arith.constant 0 : index
    %swap3A_909 = tpu.vector_load %arg9[%swap3A_907, %swap3A_908] {strides = array<i32>} : memref<4x64xi32, #tpu.memory_space<vmem>>, vector<1x16xi32>,
    %swap3A_910 = vector.shape_cast %swap3A_909 : vector<1x16xi32> to vector<16xi32>
    %swap3A_911 = vector.shape_cast %shift_right_logical3A_905 : vector<16xi32> to vector<1x16xi32>
    tpu.vector_store %arg9[%swap3A_907, %swap3A_908], %swap3A_911 {strides = array<i32>} : memref<4x64xi32, #tpu.memory_space<vmem>>, vector<1x16xi32>,
    %get3A_912 = arith.constant 78 : i32
    %get3A_913 = arith.index_cast %get3A_912 : i32 to index
    %get3A_914 = arith.constant 16 : index
    %get3A_915 = tpu.vector_load %arg7[%get3A_913, %get3A_914] {strides = array<i32>} : memref<80x64xi32, #tpu.memory_space<vmem>>, vector<1x16xi32>,
    %get3A_916 = vector.shape_cast %get3A_915 : vector<1x16xi32> to vector<16xi32>
    %and3A_917 = arith.constant 16383 : i32
    %and3A_918 = vector.broadcast %and3A_917 : i32 to vector<16xi32>
    %and3A_919 = arith.andi %get3A_916, %and3A_918 : vector<16xi32>
    %swap3A_920 = arith.constant 2 : i32
    %swap3A_921 = arith.index_cast %swap3A_920 : i32 to index
    %swap3A_922 = arith.constant 16 : index
    %swap3A_923 = tpu.vector_load %arg8[%swap3A_921, %swap3A_922] {strides = array<i32>} : memref<4x64xi32, #tpu.memory_space<vmem>>, vector<1x16xi32>,
    %swap3A_924 = vector.shape_cast %swap3A_923 : vector<1x16xi32> to vector<16xi32>
    %swap3A_925 = vector.shape_cast %and3A_919 : vector<16xi32> to vector<1x16xi32>
    tpu.vector_store %arg8[%swap3A_921, %swap3A_922], %swap3A_925 {strides = array<i32>} : memref<4x64xi32, #tpu.memory_space<vmem>>, vector<1x16xi32>,
    %shift_right_logical3A_926 = arith.constant 14 : i32
    %shift_right_logical3A_927 = vector.broadcast %shift_right_logical3A_926 : i32 to vector<16xi32>
    %shift_right_logical3A_928 = arith.shrui %get3A_916, %shift_right_logical3A_927 : vector<16xi32>
    %swap3A_929 = arith.constant 2 : i32
    %swap3A_930 = arith.index_cast %swap3A_929 : i32 to index
    %swap3A_931 = arith.constant 16 : index
    %swap3A_932 = tpu.vector_load %arg9[%swap3A_930, %swap3A_931] {strides = array<i32>} : memref<4x64xi32, #tpu.memory_space<vmem>>, vector<1x16xi32>,
    %swap3A_933 = vector.shape_cast %swap3A_932 : vector<1x16xi32> to vector<16xi32>
    %swap3A_934 = vector.shape_cast %shift_right_logical3A_928 : vector<16xi32> to vector<1x16xi32>
    tpu.vector_store %arg9[%swap3A_930, %swap3A_931], %swap3A_934 {strides = array<i32>} : memref<4x64xi32, #tpu.memory_space<vmem>>, vector<1x16xi32>,
    %get3A_935 = arith.constant 78 : i32
    %get3A_936 = arith.index_cast %get3A_935 : i32 to index
    %get3A_937 = arith.constant 32 : index
    %get3A_938 = tpu.vector_load %arg7[%get3A_936, %get3A_937] {strides = array<i32>} : memref<80x64xi32, #tpu.memory_space<vmem>>, vector<1x16xi32>,
    %get3A_939 = vector.shape_cast %get3A_938 : vector<1x16xi32> to vector<16xi32>
    %and3A_940 = arith.constant 16383 : i32
    %and3A_941 = vector.broadcast %and3A_940 : i32 to vector<16xi32>
    %and3A_942 = arith.andi %get3A_939, %and3A_941 : vector<16xi32>
    %swap3A_943 = arith.constant 2 : i32
    %swap3A_944 = arith.index_cast %swap3A_943 : i32 to index
    %swap3A_945 = arith.constant 32 : index
    %swap3A_946 = tpu.vector_load %arg8[%swap3A_944, %swap3A_945] {strides = array<i32>} : memref<4x64xi32, #tpu.memory_space<vmem>>, vector<1x16xi32>,
    %swap3A_947 = vector.shape_cast %swap3A_946 : vector<1x16xi32> to vector<16xi32>
    %swap3A_948 = vector.shape_cast %and3A_942 : vector<16xi32> to vector<1x16xi32>
    tpu.vector_store %arg8[%swap3A_944, %swap3A_945], %swap3A_948 {strides = array<i32>} : memref<4x64xi32, #tpu.memory_space<vmem>>, vector<1x16xi32>,
    %shift_right_logical3A_949 = arith.constant 14 : i32
    %shift_right_logical3A_950 = vector.broadcast %shift_right_logical3A_949 : i32 to vector<16xi32>
    %shift_right_logical3A_951 = arith.shrui %get3A_939, %shift_right_logical3A_950 : vector<16xi32>
    %swap3A_952 = arith.constant 2 : i32
    %swap3A_953 = arith.index_cast %swap3A_952 : i32 to index
    %swap3A_954 = arith.constant 32 : index
    %swap3A_955 = tpu.vector_load %arg9[%swap3A_953, %swap3A_954] {strides = array<i32>} : memref<4x64xi32, #tpu.memory_space<vmem>>, vector<1x16xi32>,
    %swap3A_956 = vector.shape_cast %swap3A_955 : vector<1x16xi32> to vector<16xi32>
    %swap3A_957 = vector.shape_cast %shift_right_logical3A_951 : vector<16xi32> to vector<1x16xi32>
    tpu.vector_store %arg9[%swap3A_953, %swap3A_954], %swap3A_957 {strides = array<i32>} : memref<4x64xi32, #tpu.memory_space<vmem>>, vector<1x16xi32>,
    %get3A_958 = arith.constant 78 : i32
    %get3A_959 = arith.index_cast %get3A_958 : i32 to index
    %get3A_960 = arith.constant 48 : index
    %get3A_961 = tpu.vector_load %arg7[%get3A_959, %get3A_960] {strides = array<i32>} : memref<80x64xi32, #tpu.memory_space<vmem>>, vector<1x16xi32>,
    %get3A_962 = vector.shape_cast %get3A_961 : vector<1x16xi32> to vector<16xi32>
    %and3A_963 = arith.constant 16383 : i32
    %and3A_964 = vector.broadcast %and3A_963 : i32 to vector<16xi32>
    %and3A_965 = arith.andi %get3A_962, %and3A_964 : vector<16xi32>
    %swap3A_966 = arith.constant 2 : i32
    %swap3A_967 = arith.index_cast %swap3A_966 : i32 to index
    %swap3A_968 = arith.constant 48 : index
    %swap3A_969 = tpu.vector_load %arg8[%swap3A_967, %swap3A_968] {strides = array<i32>} : memref<4x64xi32, #tpu.memory_space<vmem>>, vector<1x16xi32>,
    %swap3A_970 = vector.shape_cast %swap3A_969 : vector<1x16xi32> to vector<16xi32>
    %swap3A_971 = vector.shape_cast %and3A_965 : vector<16xi32> to vector<1x16xi32>
    tpu.vector_store %arg8[%swap3A_967, %swap3A_968], %swap3A_971 {strides = array<i32>} : memref<4x64xi32, #tpu.memory_space<vmem>>, vector<1x16xi32>,
    %shift_right_logical3A_972 = arith.constant 14 : i32
    %shift_right_logical3A_973 = vector.broadcast %shift_right_logical3A_972 : i32 to vector<16xi32>
    %shift_right_logical3A_974 = arith.shrui %get3A_962, %shift_right_logical3A_973 : vector<16xi32>
    %swap3A_975 = arith.constant 2 : i32
    %swap3A_976 = arith.index_cast %swap3A_975 : i32 to index
    %swap3A_977 = arith.constant 48 : index
    %swap3A_978 = tpu.vector_load %arg9[%swap3A_976, %swap3A_977] {strides = array<i32>} : memref<4x64xi32, #tpu.memory_space<vmem>>, vector<1x16xi32>,
    %swap3A_979 = vector.shape_cast %swap3A_978 : vector<1x16xi32> to vector<16xi32>
    %swap3A_980 = vector.shape_cast %shift_right_logical3A_974 : vector<16xi32> to vector<1x16xi32>
    tpu.vector_store %arg9[%swap3A_976, %swap3A_977], %swap3A_980 {strides = array<i32>} : memref<4x64xi32, #tpu.memory_space<vmem>>, vector<1x16xi32>,
    %dma_start3A_981 = arith.constant 2 : i32
    %dma_start3A_982 = arith.constant 2 : i32
    %dma_start3A_983 = arith.constant 0 : i32
    %dma_start3A_984 = arith.constant 0 : i32
    %dma_start3A_985 = tpu.memref_slice %arg10[%dma_start3A_982, %dma_start3A_983, %dma_start3A_984] : memref<4x64x128xf32, #tpu.memory_space<vmem>> -> memref<1x64x128xf32, #tpu.memory_space<vmem>>
    %dma_start3A_986 = tpu.memref_squeeze %dma_start3A_985 : memref<1x64x128xf32, #tpu.memory_space<vmem>> -> memref<64x128xf32, #tpu.memory_space<vmem>>
    %dma_start3A_987 = arith.constant 0 : i32
    %dma_start3A_988 = tpu.memref_slice %arg8[%dma_start3A_981, %dma_start3A_987] : memref<4x64xi32, #tpu.memory_space<vmem>> -> memref<1x64xi32, #tpu.memory_space<vmem>>
    %dma_start3A_989 = tpu.memref_squeeze %dma_start3A_988 : memref<1x64xi32, #tpu.memory_space<vmem>> -> memref<64xi32, #tpu.memory_space<vmem>>
    %dma_start3A_990 = arith.constant 0 : i32
    %dma_start3A_991 = arith.constant 0 : i32
    %dma_start3A_992 = tpu.memref_slice %arg2[%dma_start3A_990, %dma_start3A_991] : memref<10000x128xf32, #tpu.memory_space<hbm>> -> memref<10000x128xf32, #tpu.memory_space<hbm>>
    tpu.enqueue_indirect_dma source(%dma_start3A_992 : memref<10000x128xf32, #tpu.memory_space<hbm>>) target(%dma_start3A_986 : memref<64x128xf32, #tpu.memory_space<vmem>>) offsets(%dma_start3A_989 : memref<64xi32, #tpu.memory_space<vmem>>) semaphore(%arg13 : memref<!tpu.dma_semaphore, #tpu.memory_space<semaphore_mem>>)
    %dma_wait3A_993 = arith.constant 1 : i32
    %dma_wait3A_994 = arith.constant 1 : i32
    %dma_wait3A_995 = arith.constant 0 : i32
    %dma_wait3A_996 = arith.constant 0 : i32
    %dma_wait3A_997 = tpu.memref_slice %arg10[%dma_wait3A_994, %dma_wait3A_995, %dma_wait3A_996] : memref<4x64x128xf32, #tpu.memory_space<vmem>> -> memref<1x64x128xf32, #tpu.memory_space<vmem>>
    %dma_wait3A_998 = tpu.memref_squeeze %dma_wait3A_997 : memref<1x64x128xf32, #tpu.memory_space<vmem>> -> memref<64x128xf32, #tpu.memory_space<vmem>>
    %dma_wait3A_999 = arith.constant 0 : i32
    %dma_wait3A_1000 = tpu.memref_slice %arg8[%dma_wait3A_993, %dma_wait3A_999] : memref<4x64xi32, #tpu.memory_space<vmem>> -> memref<1x64xi32, #tpu.memory_space<vmem>>
    %dma_wait3A_1001 = tpu.memref_squeeze %dma_wait3A_1000 : memref<1x64xi32, #tpu.memory_space<vmem>> -> memref<64xi32, #tpu.memory_space<vmem>>
    %dma_wait3A_1002 = arith.constant 0 : i32
    %dma_wait3A_1003 = arith.constant 0 : i32
    %dma_wait3A_1004 = tpu.memref_slice %arg2[%dma_wait3A_1002, %dma_wait3A_1003] : memref<10000x128xf32, #tpu.memory_space<hbm>> -> memref<10000x128xf32, #tpu.memory_space<hbm>>
    tpu.wait_indirect_dma semaphore(%arg12 : memref<!tpu.dma_semaphore, #tpu.memory_space<semaphore_mem>>) src(%dma_wait3A_1004 : memref<10000x128xf32, #tpu.memory_space<hbm>>) dst(%dma_wait3A_998 : memref<64x128xf32, #tpu.memory_space<vmem>>)
    %dma_start3A_1005 = arith.constant 1 : i32
    %dma_start3A_1006 = arith.constant 1 : i32
    %dma_start3A_1007 = arith.constant 0 : i32
    %dma_start3A_1008 = arith.constant 0 : i32
    %dma_start3A_1009 = tpu.memref_slice %arg10[%dma_start3A_1005, %dma_start3A_1007, %dma_start3A_1008] : memref<4x64x128xf32, #tpu.memory_space<vmem>> -> memref<1x64x128xf32, #tpu.memory_space<vmem>>
    %dma_start3A_1010 = tpu.memref_squeeze %dma_start3A_1009 : memref<1x64x128xf32, #tpu.memory_space<vmem>> -> memref<64x128xf32, #tpu.memory_space<vmem>>
    %dma_start3A_1011 = arith.constant 0 : i32
    %dma_start3A_1012 = tpu.memref_slice %arg9[%dma_start3A_1006, %dma_start3A_1011] : memref<4x64xi32, #tpu.memory_space<vmem>> -> memref<1x64xi32, #tpu.memory_space<vmem>>
    %dma_start3A_1013 = tpu.memref_squeeze %dma_start3A_1012 : memref<1x64xi32, #tpu.memory_space<vmem>> -> memref<64xi32, #tpu.memory_space<vmem>>
    %dma_start3A_1014 = arith.constant 0 : i32
    %dma_start3A_1015 = arith.constant 0 : i32
    %dma_start3A_1016 = tpu.memref_slice %arg6[%dma_start3A_1014, %dma_start3A_1015] : memref<10240x128xf32, #tpu.memory_space<vmem_shared>> -> memref<10240x128xf32, #tpu.memory_space<vmem_shared>>
    tpu.enqueue_indirect_dma source(%dma_start3A_1010 : memref<64x128xf32, #tpu.memory_space<vmem>>) target(%dma_start3A_1016 : memref<10240x128xf32, #tpu.memory_space<vmem_shared>>) offsets(%dma_start3A_1013 : memref<64xi32, #tpu.memory_space<vmem>>) semaphore(%arg16 : memref<!tpu.dma_semaphore, #tpu.memory_space<semaphore_mem>>) {add = true}
    %dma_start3A_1017 = arith.constant 1 : i32
    %dma_start3A_1018 = arith.constant 0 : i32
    %dma_start3A_1019 = tpu.memref_slice %arg9[%dma_start3A_1017, %dma_start3A_1018] : memref<4x64xi32, #tpu.memory_space<vmem>> -> memref<1x64xi32, #tpu.memory_space<vmem>>
    %dma_start3A_1020 = tpu.memref_squeeze %dma_start3A_1019 : memref<1x64xi32, #tpu.memory_space<vmem>> -> memref<64xi32, #tpu.memory_space<vmem>>
    %dma_start3A_1021 = arith.constant 0 : i32
    %dma_start3A_1022 = tpu.memref_slice %arg20[%dma_start3A_1021] : memref<10240xf32, #tpu.memory_space<vmem_shared>> -> memref<10240xf32, #tpu.memory_space<vmem_shared>>
    tpu.enqueue_indirect_dma source(%arg21 : memref<64xf32, #tpu.memory_space<vmem>>) target(%dma_start3A_1022 : memref<10240xf32, #tpu.memory_space<vmem_shared>>) offsets(%dma_start3A_1020 : memref<64xi32, #tpu.memory_space<vmem>>) semaphore(%arg19 : memref<!tpu.dma_semaphore, #tpu.memory_space<semaphore_mem>>) {add = true}
    %dma_wait3A_1023 = arith.constant 3 : i32
    %dma_wait3A_1024 = arith.constant 3 : i32
    %dma_wait3A_1025 = arith.constant 0 : i32
    %dma_wait3A_1026 = arith.constant 0 : i32
    %dma_wait3A_1027 = tpu.memref_slice %arg10[%dma_wait3A_1023, %dma_wait3A_1025, %dma_wait3A_1026] : memref<4x64x128xf32, #tpu.memory_space<vmem>> -> memref<1x64x128xf32, #tpu.memory_space<vmem>>
    %dma_wait3A_1028 = tpu.memref_squeeze %dma_wait3A_1027 : memref<1x64x128xf32, #tpu.memory_space<vmem>> -> memref<64x128xf32, #tpu.memory_space<vmem>>
    %dma_wait3A_1029 = arith.constant 0 : i32
    %dma_wait3A_1030 = tpu.memref_slice %arg9[%dma_wait3A_1024, %dma_wait3A_1029] : memref<4x64xi32, #tpu.memory_space<vmem>> -> memref<1x64xi32, #tpu.memory_space<vmem>>
    %dma_wait3A_1031 = tpu.memref_squeeze %dma_wait3A_1030 : memref<1x64xi32, #tpu.memory_space<vmem>> -> memref<64xi32, #tpu.memory_space<vmem>>
    %dma_wait3A_1032 = arith.constant 0 : i32
    %dma_wait3A_1033 = arith.constant 0 : i32
    %dma_wait3A_1034 = tpu.memref_slice %arg6[%dma_wait3A_1032, %dma_wait3A_1033] : memref<10240x128xf32, #tpu.memory_space<vmem_shared>> -> memref<10240x128xf32, #tpu.memory_space<vmem_shared>>
    tpu.wait_indirect_dma semaphore(%arg18 : memref<!tpu.dma_semaphore, #tpu.memory_space<semaphore_mem>>) src(%dma_wait3A_1028 : memref<64x128xf32, #tpu.memory_space<vmem>>) dst(%dma_wait3A_1034 : memref<10240x128xf32, #tpu.memory_space<vmem_shared>>)
    %dma_wait3A_1035 = arith.constant 3 : i32
    %dma_wait3A_1036 = arith.constant 0 : i32
    %dma_wait3A_1037 = tpu.memref_slice %arg9[%dma_wait3A_1035, %dma_wait3A_1036] : memref<4x64xi32, #tpu.memory_space<vmem>> -> memref<1x64xi32, #tpu.memory_space<vmem>>
    %dma_wait3A_1038 = tpu.memref_squeeze %dma_wait3A_1037 : memref<1x64xi32, #tpu.memory_space<vmem>> -> memref<64xi32, #tpu.memory_space<vmem>>
    %dma_wait3A_1039 = arith.constant 0 : i32
    %dma_wait3A_1040 = tpu.memref_slice %arg20[%dma_wait3A_1039] : memref<10240xf32, #tpu.memory_space<vmem_shared>> -> memref<10240xf32, #tpu.memory_space<vmem_shared>>
    tpu.wait_indirect_dma semaphore(%arg19 : memref<!tpu.dma_semaphore, #tpu.memory_space<semaphore_mem>>) src(%arg21 : memref<64xf32, #tpu.memory_space<vmem>>) dst(%dma_wait3A_1040 : memref<10240xf32, #tpu.memory_space<vmem_shared>>)
    %get3A_1041 = arith.constant 79 : i32
    %get3A_1042 = arith.index_cast %get3A_1041 : i32 to index
    %get3A_1043 = arith.constant 0 : index
    %get3A_1044 = tpu.vector_load %arg7[%get3A_1042, %get3A_1043] {strides = array<i32>} : memref<80x64xi32, #tpu.memory_space<vmem>>, vector<1x16xi32>,
    %get3A_1045 = vector.shape_cast %get3A_1044 : vector<1x16xi32> to vector<16xi32>
    %and3A_1046 = arith.constant 16383 : i32
    %and3A_1047 = vector.broadcast %and3A_1046 : i32 to vector<16xi32>
    %and3A_1048 = arith.andi %get3A_1045, %and3A_1047 : vector<16xi32>
    %swap3A_1049 = arith.constant 3 : i32
    %swap3A_1050 = arith.index_cast %swap3A_1049 : i32 to index
    %swap3A_1051 = arith.constant 0 : index
    %swap3A_1052 = tpu.vector_load %arg8[%swap3A_1050, %swap3A_1051] {strides = array<i32>} : memref<4x64xi32, #tpu.memory_space<vmem>>, vector<1x16xi32>,
    %swap3A_1053 = vector.shape_cast %swap3A_1052 : vector<1x16xi32> to vector<16xi32>
    %swap3A_1054 = vector.shape_cast %and3A_1048 : vector<16xi32> to vector<1x16xi32>
    tpu.vector_store %arg8[%swap3A_1050, %swap3A_1051], %swap3A_1054 {strides = array<i32>} : memref<4x64xi32, #tpu.memory_space<vmem>>, vector<1x16xi32>,
    %shift_right_logical3A_1055 = arith.constant 14 : i32
    %shift_right_logical3A_1056 = vector.broadcast %shift_right_logical3A_1055 : i32 to vector<16xi32>
    %shift_right_logical3A_1057 = arith.shrui %get3A_1045, %shift_right_logical3A_1056 : vector<16xi32>
    %swap3A_1058 = arith.constant 3 : i32
    %swap3A_1059 = arith.index_cast %swap3A_1058 : i32 to index
    %swap3A_1060 = arith.constant 0 : index
    %swap3A_1061 = tpu.vector_load %arg9[%swap3A_1059, %swap3A_1060] {strides = array<i32>} : memref<4x64xi32, #tpu.memory_space<vmem>>, vector<1x16xi32>,
    %swap3A_1062 = vector.shape_cast %swap3A_1061 : vector<1x16xi32> to vector<16xi32>
    %swap3A_1063 = vector.shape_cast %shift_right_logical3A_1057 : vector<16xi32> to vector<1x16xi32>
    tpu.vector_store %arg9[%swap3A_1059, %swap3A_1060], %swap3A_1063 {strides = array<i32>} : memref<4x64xi32, #tpu.memory_space<vmem>>, vector<1x16xi32>,
    %get3A_1064 = arith.constant 79 : i32
    %get3A_1065 = arith.index_cast %get3A_1064 : i32 to index
    %get3A_1066 = arith.constant 16 : index
    %get3A_1067 = tpu.vector_load %arg7[%get3A_1065, %get3A_1066] {strides = array<i32>} : memref<80x64xi32, #tpu.memory_space<vmem>>, vector<1x16xi32>,
    %get3A_1068 = vector.shape_cast %get3A_1067 : vector<1x16xi32> to vector<16xi32>
    %and3A_1069 = arith.constant 16383 : i32
    %and3A_1070 = vector.broadcast %and3A_1069 : i32 to vector<16xi32>
    %and3A_1071 = arith.andi %get3A_1068, %and3A_1070 : vector<16xi32>
    %swap3A_1072 = arith.constant 3 : i32
    %swap3A_1073 = arith.index_cast %swap3A_1072 : i32 to index
    %swap3A_1074 = arith.constant 16 : index
    %swap3A_1075 = tpu.vector_load %arg8[%swap3A_1073, %swap3A_1074] {strides = array<i32>} : memref<4x64xi32, #tpu.memory_space<vmem>>, vector<1x16xi32>,
    %swap3A_1076 = vector.shape_cast %swap3A_1075 : vector<1x16xi32> to vector<16xi32>
    %swap3A_1077 = vector.shape_cast %and3A_1071 : vector<16xi32> to vector<1x16xi32>
    tpu.vector_store %arg8[%swap3A_1073, %swap3A_1074], %swap3A_1077 {strides = array<i32>} : memref<4x64xi32, #tpu.memory_space<vmem>>, vector<1x16xi32>,
    %shift_right_logical3A_1078 = arith.constant 14 : i32
    %shift_right_logical3A_1079 = vector.broadcast %shift_right_logical3A_1078 : i32 to vector<16xi32>
    %shift_right_logical3A_1080 = arith.shrui %get3A_1068, %shift_right_logical3A_1079 : vector<16xi32>
    %swap3A_1081 = arith.constant 3 : i32
    %swap3A_1082 = arith.index_cast %swap3A_1081 : i32 to index
    %swap3A_1083 = arith.constant 16 : index
    %swap3A_1084 = tpu.vector_load %arg9[%swap3A_1082, %swap3A_1083] {strides = array<i32>} : memref<4x64xi32, #tpu.memory_space<vmem>>, vector<1x16xi32>,
    %swap3A_1085 = vector.shape_cast %swap3A_1084 : vector<1x16xi32> to vector<16xi32>
    %swap3A_1086 = vector.shape_cast %shift_right_logical3A_1080 : vector<16xi32> to vector<1x16xi32>
    tpu.vector_store %arg9[%swap3A_1082, %swap3A_1083], %swap3A_1086 {strides = array<i32>} : memref<4x64xi32, #tpu.memory_space<vmem>>, vector<1x16xi32>,
    %get3A_1087 = arith.constant 79 : i32
    %get3A_1088 = arith.index_cast %get3A_1087 : i32 to index
    %get3A_1089 = arith.constant 32 : index
    %get3A_1090 = tpu.vector_load %arg7[%get3A_1088, %get3A_1089] {strides = array<i32>} : memref<80x64xi32, #tpu.memory_space<vmem>>, vector<1x16xi32>,
    %get3A_1091 = vector.shape_cast %get3A_1090 : vector<1x16xi32> to vector<16xi32>
    %and3A_1092 = arith.constant 16383 : i32
    %and3A_1093 = vector.broadcast %and3A_1092 : i32 to vector<16xi32>
    %and3A_1094 = arith.andi %get3A_1091, %and3A_1093 : vector<16xi32>
    %swap3A_1095 = arith.constant 3 : i32
    %swap3A_1096 = arith.index_cast %swap3A_1095 : i32 to index
    %swap3A_1097 = arith.constant 32 : index
    %swap3A_1098 = tpu.vector_load %arg8[%swap3A_1096, %swap3A_1097] {strides = array<i32>} : memref<4x64xi32, #tpu.memory_space<vmem>>, vector<1x16xi32>,
    %swap3A_1099 = vector.shape_cast %swap3A_1098 : vector<1x16xi32> to vector<16xi32>
    %swap3A_1100 = vector.shape_cast %and3A_1094 : vector<16xi32> to vector<1x16xi32>
    tpu.vector_store %arg8[%swap3A_1096, %swap3A_1097], %swap3A_1100 {strides = array<i32>} : memref<4x64xi32, #tpu.memory_space<vmem>>, vector<1x16xi32>,
    %shift_right_logical3A_1101 = arith.constant 14 : i32
    %shift_right_logical3A_1102 = vector.broadcast %shift_right_logical3A_1101 : i32 to vector<16xi32>
    %shift_right_logical3A_1103 = arith.shrui %get3A_1091, %shift_right_logical3A_1102 : vector<16xi32>
    %swap3A_1104 = arith.constant 3 : i32
    %swap3A_1105 = arith.index_cast %swap3A_1104 : i32 to index
    %swap3A_1106 = arith.constant 32 : index
    %swap3A_1107 = tpu.vector_load %arg9[%swap3A_1105, %swap3A_1106] {strides = array<i32>} : memref<4x64xi32, #tpu.memory_space<vmem>>, vector<1x16xi32>,
    %swap3A_1108 = vector.shape_cast %swap3A_1107 : vector<1x16xi32> to vector<16xi32>
    %swap3A_1109 = vector.shape_cast %shift_right_logical3A_1103 : vector<16xi32> to vector<1x16xi32>
    tpu.vector_store %arg9[%swap3A_1105, %swap3A_1106], %swap3A_1109 {strides = array<i32>} : memref<4x64xi32, #tpu.memory_space<vmem>>, vector<1x16xi32>,
    %get3A_1110 = arith.constant 79 : i32
    %get3A_1111 = arith.index_cast %get3A_1110 : i32 to index
    %get3A_1112 = arith.constant 48 : index
    %get3A_1113 = tpu.vector_load %arg7[%get3A_1111, %get3A_1112] {strides = array<i32>} : memref<80x64xi32, #tpu.memory_space<vmem>>, vector<1x16xi32>,
    %get3A_1114 = vector.shape_cast %get3A_1113 : vector<1x16xi32> to vector<16xi32>
    %and3A_1115 = arith.constant 16383 : i32
    %and3A_1116 = vector.broadcast %and3A_1115 : i32 to vector<16xi32>
    %and3A_1117 = arith.andi %get3A_1114, %and3A_1116 : vector<16xi32>
    %swap3A_1118 = arith.constant 3 : i32
    %swap3A_1119 = arith.index_cast %swap3A_1118 : i32 to index
    %swap3A_1120 = arith.constant 48 : index
    %swap3A_1121 = tpu.vector_load %arg8[%swap3A_1119, %swap3A_1120] {strides = array<i32>} : memref<4x64xi32, #tpu.memory_space<vmem>>, vector<1x16xi32>,
    %swap3A_1122 = vector.shape_cast %swap3A_1121 : vector<1x16xi32> to vector<16xi32>
    %swap3A_1123 = vector.shape_cast %and3A_1117 : vector<16xi32> to vector<1x16xi32>
    tpu.vector_store %arg8[%swap3A_1119, %swap3A_1120], %swap3A_1123 {strides = array<i32>} : memref<4x64xi32, #tpu.memory_space<vmem>>, vector<1x16xi32>,
    %shift_right_logical3A_1124 = arith.constant 14 : i32
    %shift_right_logical3A_1125 = vector.broadcast %shift_right_logical3A_1124 : i32 to vector<16xi32>
    %shift_right_logical3A_1126 = arith.shrui %get3A_1114, %shift_right_logical3A_1125 : vector<16xi32>
    %swap3A_1127 = arith.constant 3 : i32
    %swap3A_1128 = arith.index_cast %swap3A_1127 : i32 to index
    %swap3A_1129 = arith.constant 48 : index
    %swap3A_1130 = tpu.vector_load %arg9[%swap3A_1128, %swap3A_1129] {strides = array<i32>} : memref<4x64xi32, #tpu.memory_space<vmem>>, vector<1x16xi32>,
    %swap3A_1131 = vector.shape_cast %swap3A_1130 : vector<1x16xi32> to vector<16xi32>
    %swap3A_1132 = vector.shape_cast %shift_right_logical3A_1126 : vector<16xi32> to vector<1x16xi32>
    tpu.vector_store %arg9[%swap3A_1128, %swap3A_1129], %swap3A_1132 {strides = array<i32>} : memref<4x64xi32, #tpu.memory_space<vmem>>, vector<1x16xi32>,
    %dma_start3A_1133 = arith.constant 3 : i32
    %dma_start3A_1134 = arith.constant 3 : i32
    %dma_start3A_1135 = arith.constant 0 : i32
    %dma_start3A_1136 = arith.constant 0 : i32
    %dma_start3A_1137 = tpu.memref_slice %arg10[%dma_start3A_1134, %dma_start3A_1135, %dma_start3A_1136] : memref<4x64x128xf32, #tpu.memory_space<vmem>> -> memref<1x64x128xf32, #tpu.memory_space<vmem>>
    %dma_start3A_1138 = tpu.memref_squeeze %dma_start3A_1137 : memref<1x64x128xf32, #tpu.memory_space<vmem>> -> memref<64x128xf32, #tpu.memory_space<vmem>>
    %dma_start3A_1139 = arith.constant 0 : i32
    %dma_start3A_1140 = tpu.memref_slice %arg8[%dma_start3A_1133, %dma_start3A_1139] : memref<4x64xi32, #tpu.memory_space<vmem>> -> memref<1x64xi32, #tpu.memory_space<vmem>>
    %dma_start3A_1141 = tpu.memref_squeeze %dma_start3A_1140 : memref<1x64xi32, #tpu.memory_space<vmem>> -> memref<64xi32, #tpu.memory_space<vmem>>
    %dma_start3A_1142 = arith.constant 0 : i32
    %dma_start3A_1143 = arith.constant 0 : i32
    %dma_start3A_1144 = tpu.memref_slice %arg2[%dma_start3A_1142, %dma_start3A_1143] : memref<10000x128xf32, #tpu.memory_space<hbm>> -> memref<10000x128xf32, #tpu.memory_space<hbm>>
    tpu.enqueue_indirect_dma source(%dma_start3A_1144 : memref<10000x128xf32, #tpu.memory_space<hbm>>) target(%dma_start3A_1138 : memref<64x128xf32, #tpu.memory_space<vmem>>) offsets(%dma_start3A_1141 : memref<64xi32, #tpu.memory_space<vmem>>) semaphore(%arg14 : memref<!tpu.dma_semaphore, #tpu.memory_space<semaphore_mem>>)
    %dma_wait3A_1145 = arith.constant 2 : i32
    %dma_wait3A_1146 = arith.constant 2 : i32
    %dma_wait3A_1147 = arith.constant 0 : i32
    %dma_wait3A_1148 = arith.constant 0 : i32
    %dma_wait3A_1149 = tpu.memref_slice %arg10[%dma_wait3A_1146, %dma_wait3A_1147, %dma_wait3A_1148] : memref<4x64x128xf32, #tpu.memory_space<vmem>> -> memref<1x64x128xf32, #tpu.memory_space<vmem>>
    %dma_wait3A_1150 = tpu.memref_squeeze %dma_wait3A_1149 : memref<1x64x128xf32, #tpu.memory_space<vmem>> -> memref<64x128xf32, #tpu.memory_space<vmem>>
    %dma_wait3A_1151 = arith.constant 0 : i32
    %dma_wait3A_1152 = tpu.memref_slice %arg8[%dma_wait3A_1145, %dma_wait3A_1151] : memref<4x64xi32, #tpu.memory_space<vmem>> -> memref<1x64xi32, #tpu.memory_space<vmem>>
    %dma_wait3A_1153 = tpu.memref_squeeze %dma_wait3A_1152 : memref<1x64xi32, #tpu.memory_space<vmem>> -> memref<64xi32, #tpu.memory_space<vmem>>
    %dma_wait3A_1154 = arith.constant 0 : i32
    %dma_wait3A_1155 = arith.constant 0 : i32
    %dma_wait3A_1156 = tpu.memref_slice %arg2[%dma_wait3A_1154, %dma_wait3A_1155] : memref<10000x128xf32, #tpu.memory_space<hbm>> -> memref<10000x128xf32, #tpu.memory_space<hbm>>
    tpu.wait_indirect_dma semaphore(%arg13 : memref<!tpu.dma_semaphore, #tpu.memory_space<semaphore_mem>>) src(%dma_wait3A_1156 : memref<10000x128xf32, #tpu.memory_space<hbm>>) dst(%dma_wait3A_1150 : memref<64x128xf32, #tpu.memory_space<vmem>>)
    %dma_start3A_1157 = arith.constant 2 : i32
    %dma_start3A_1158 = arith.constant 2 : i32
    %dma_start3A_1159 = arith.constant 0 : i32
    %dma_start3A_1160 = arith.constant 0 : i32
    %dma_start3A_1161 = tpu.memref_slice %arg10[%dma_start3A_1157, %dma_start3A_1159, %dma_start3A_1160] : memref<4x64x128xf32, #tpu.memory_space<vmem>> -> memref<1x64x128xf32, #tpu.memory_space<vmem>>
    %dma_start3A_1162 = tpu.memref_squeeze %dma_start3A_1161 : memref<1x64x128xf32, #tpu.memory_space<vmem>> -> memref<64x128xf32, #tpu.memory_space<vmem>>
    %dma_start3A_1163 = arith.constant 0 : i32
    %dma_start3A_1164 = tpu.memref_slice %arg9[%dma_start3A_1158, %dma_start3A_1163] : memref<4x64xi32, #tpu.memory_space<vmem>> -> memref<1x64xi32, #tpu.memory_space<vmem>>
    %dma_start3A_1165 = tpu.memref_squeeze %dma_start3A_1164 : memref<1x64xi32, #tpu.memory_space<vmem>> -> memref<64xi32, #tpu.memory_space<vmem>>
    %dma_start3A_1166 = arith.constant 0 : i32
    %dma_start3A_1167 = arith.constant 0 : i32
    %dma_start3A_1168 = tpu.memref_slice %arg6[%dma_start3A_1166, %dma_start3A_1167] : memref<10240x128xf32, #tpu.memory_space<vmem_shared>> -> memref<10240x128xf32, #tpu.memory_space<vmem_shared>>
    tpu.enqueue_indirect_dma source(%dma_start3A_1162 : memref<64x128xf32, #tpu.memory_space<vmem>>) target(%dma_start3A_1168 : memref<10240x128xf32, #tpu.memory_space<vmem_shared>>) offsets(%dma_start3A_1165 : memref<64xi32, #tpu.memory_space<vmem>>) semaphore(%arg17 : memref<!tpu.dma_semaphore, #tpu.memory_space<semaphore_mem>>) {add = true}
    %dma_start3A_1169 = arith.constant 2 : i32
    %dma_start3A_1170 = arith.constant 0 : i32
    %dma_start3A_1171 = tpu.memref_slice %arg9[%dma_start3A_1169, %dma_start3A_1170] : memref<4x64xi32, #tpu.memory_space<vmem>> -> memref<1x64xi32, #tpu.memory_space<vmem>>
    %dma_start3A_1172 = tpu.memref_squeeze %dma_start3A_1171 : memref<1x64xi32, #tpu.memory_space<vmem>> -> memref<64xi32, #tpu.memory_space<vmem>>
    %dma_start3A_1173 = arith.constant 0 : i32
    %dma_start3A_1174 = tpu.memref_slice %arg20[%dma_start3A_1173] : memref<10240xf32, #tpu.memory_space<vmem_shared>> -> memref<10240xf32, #tpu.memory_space<vmem_shared>>
    tpu.enqueue_indirect_dma source(%arg21 : memref<64xf32, #tpu.memory_space<vmem>>) target(%dma_start3A_1174 : memref<10240xf32, #tpu.memory_space<vmem_shared>>) offsets(%dma_start3A_1172 : memref<64xi32, #tpu.memory_space<vmem>>) semaphore(%arg19 : memref<!tpu.dma_semaphore, #tpu.memory_space<semaphore_mem>>) {add = true}
    %dma_wait3A_1175 = arith.constant 0 : i32
    %dma_wait3A_1176 = arith.constant 0 : i32
    %dma_wait3A_1177 = arith.constant 0 : i32
    %dma_wait3A_1178 = arith.constant 0 : i32
    %dma_wait3A_1179 = tpu.memref_slice %arg10[%dma_wait3A_1175, %dma_wait3A_1177, %dma_wait3A_1178] : memref<4x64x128xf32, #tpu.memory_space<vmem>> -> memref<1x64x128xf32, #tpu.memory_space<vmem>>
    %dma_wait3A_1180 = tpu.memref_squeeze %dma_wait3A_1179 : memref<1x64x128xf32, #tpu.memory_space<vmem>> -> memref<64x128xf32, #tpu.memory_space<vmem>>
    %dma_wait3A_1181 = arith.constant 0 : i32
    %dma_wait3A_1182 = tpu.memref_slice %arg9[%dma_wait3A_1176, %dma_wait3A_1181] : memref<4x64xi32, #tpu.memory_space<vmem>> -> memref<1x64xi32, #tpu.memory_space<vmem>>
    %dma_wait3A_1183 = tpu.memref_squeeze %dma_wait3A_1182 : memref<1x64xi32, #tpu.memory_space<vmem>> -> memref<64xi32, #tpu.memory_space<vmem>>
    %dma_wait3A_1184 = arith.constant 0 : i32
    %dma_wait3A_1185 = arith.constant 0 : i32
    %dma_wait3A_1186 = tpu.memref_slice %arg6[%dma_wait3A_1184, %dma_wait3A_1185] : memref<10240x128xf32, #tpu.memory_space<vmem_shared>> -> memref<10240x128xf32, #tpu.memory_space<vmem_shared>>
    tpu.wait_indirect_dma semaphore(%arg15 : memref<!tpu.dma_semaphore, #tpu.memory_space<semaphore_mem>>) src(%dma_wait3A_1180 : memref<64x128xf32, #tpu.memory_space<vmem>>) dst(%dma_wait3A_1186 : memref<10240x128xf32, #tpu.memory_space<vmem_shared>>)
    %dma_wait3A_1187 = arith.constant 0 : i32
    %dma_wait3A_1188 = arith.constant 0 : i32
    %dma_wait3A_1189 = tpu.memref_slice %arg9[%dma_wait3A_1187, %dma_wait3A_1188] : memref<4x64xi32, #tpu.memory_space<vmem>> -> memref<1x64xi32, #tpu.memory_space<vmem>>
    %dma_wait3A_1190 = tpu.memref_squeeze %dma_wait3A_1189 : memref<1x64xi32, #tpu.memory_space<vmem>> -> memref<64xi32, #tpu.memory_space<vmem>>
    %dma_wait3A_1191 = arith.constant 0 : i32
    %dma_wait3A_1192 = tpu.memref_slice %arg20[%dma_wait3A_1191] : memref<10240xf32, #tpu.memory_space<vmem_shared>> -> memref<10240xf32, #tpu.memory_space<vmem_shared>>
    tpu.wait_indirect_dma semaphore(%arg19 : memref<!tpu.dma_semaphore, #tpu.memory_space<semaphore_mem>>) src(%arg21 : memref<64xf32, #tpu.memory_space<vmem>>) dst(%dma_wait3A_1192 : memref<10240xf32, #tpu.memory_space<vmem_shared>>)
    %dma_wait3A_1193 = arith.constant 3 : i32
    %dma_wait3A_1194 = arith.constant 3 : i32
    %dma_wait3A_1195 = arith.constant 0 : i32
    %dma_wait3A_1196 = arith.constant 0 : i32
    %dma_wait3A_1197 = tpu.memref_slice %arg10[%dma_wait3A_1194, %dma_wait3A_1195, %dma_wait3A_1196] : memref<4x64x128xf32, #tpu.memory_space<vmem>> -> memref<1x64x128xf32, #tpu.memory_space<vmem>>
    %dma_wait3A_1198 = tpu.memref_squeeze %dma_wait3A_1197 : memref<1x64x128xf32, #tpu.memory_space<vmem>> -> memref<64x128xf32, #tpu.memory_space<vmem>>
    %dma_wait3A_1199 = arith.constant 0 : i32
    %dma_wait3A_1200 = tpu.memref_slice %arg8[%dma_wait3A_1193, %dma_wait3A_1199] : memref<4x64xi32, #tpu.memory_space<vmem>> -> memref<1x64xi32, #tpu.memory_space<vmem>>
    %dma_wait3A_1201 = tpu.memref_squeeze %dma_wait3A_1200 : memref<1x64xi32, #tpu.memory_space<vmem>> -> memref<64xi32, #tpu.memory_space<vmem>>
    %dma_wait3A_1202 = arith.constant 0 : i32
    %dma_wait3A_1203 = arith.constant 0 : i32
    %dma_wait3A_1204 = tpu.memref_slice %arg2[%dma_wait3A_1202, %dma_wait3A_1203] : memref<10000x128xf32, #tpu.memory_space<hbm>> -> memref<10000x128xf32, #tpu.memory_space<hbm>>
    tpu.wait_indirect_dma semaphore(%arg14 : memref<!tpu.dma_semaphore, #tpu.memory_space<semaphore_mem>>) src(%dma_wait3A_1204 : memref<10000x128xf32, #tpu.memory_space<hbm>>) dst(%dma_wait3A_1198 : memref<64x128xf32, #tpu.memory_space<vmem>>)
    %dma_start3A_1205 = arith.constant 3 : i32
    %dma_start3A_1206 = arith.constant 3 : i32
    %dma_start3A_1207 = arith.constant 0 : i32
    %dma_start3A_1208 = arith.constant 0 : i32
    %dma_start3A_1209 = tpu.memref_slice %arg10[%dma_start3A_1205, %dma_start3A_1207, %dma_start3A_1208] : memref<4x64x128xf32, #tpu.memory_space<vmem>> -> memref<1x64x128xf32, #tpu.memory_space<vmem>>
    %dma_start3A_1210 = tpu.memref_squeeze %dma_start3A_1209 : memref<1x64x128xf32, #tpu.memory_space<vmem>> -> memref<64x128xf32, #tpu.memory_space<vmem>>
    %dma_start3A_1211 = arith.constant 0 : i32
    %dma_start3A_1212 = tpu.memref_slice %arg9[%dma_start3A_1206, %dma_start3A_1211] : memref<4x64xi32, #tpu.memory_space<vmem>> -> memref<1x64xi32, #tpu.memory_space<vmem>>
    %dma_start3A_1213 = tpu.memref_squeeze %dma_start3A_1212 : memref<1x64xi32, #tpu.memory_space<vmem>> -> memref<64xi32, #tpu.memory_space<vmem>>
    %dma_start3A_1214 = arith.constant 0 : i32
    %dma_start3A_1215 = arith.constant 0 : i32
    %dma_start3A_1216 = tpu.memref_slice %arg6[%dma_start3A_1214, %dma_start3A_1215] : memref<10240x128xf32, #tpu.memory_space<vmem_shared>> -> memref<10240x128xf32, #tpu.memory_space<vmem_shared>>
    tpu.enqueue_indirect_dma source(%dma_start3A_1210 : memref<64x128xf32, #tpu.memory_space<vmem>>) target(%dma_start3A_1216 : memref<10240x128xf32, #tpu.memory_space<vmem_shared>>) offsets(%dma_start3A_1213 : memref<64xi32, #tpu.memory_space<vmem>>) semaphore(%arg18 : memref<!tpu.dma_semaphore, #tpu.memory_space<semaphore_mem>>) {add = true}
    %dma_start3A_1217 = arith.constant 3 : i32
    %dma_start3A_1218 = arith.constant 0 : i32
    %dma_start3A_1219 = tpu.memref_slice %arg9[%dma_start3A_1217, %dma_start3A_1218] : memref<4x64xi32, #tpu.memory_space<vmem>> -> memref<1x64xi32, #tpu.memory_space<vmem>>
    %dma_start3A_1220 = tpu.memref_squeeze %dma_start3A_1219 : memref<1x64xi32, #tpu.memory_space<vmem>> -> memref<64xi32, #tpu.memory_space<vmem>>
    %dma_start3A_1221 = arith.constant 0 : i32
    %dma_start3A_1222 = tpu.memref_slice %arg20[%dma_start3A_1221] : memref<10240xf32, #tpu.memory_space<vmem_shared>> -> memref<10240xf32, #tpu.memory_space<vmem_shared>>
    tpu.enqueue_indirect_dma source(%arg21 : memref<64xf32, #tpu.memory_space<vmem>>) target(%dma_start3A_1222 : memref<10240xf32, #tpu.memory_space<vmem_shared>>) offsets(%dma_start3A_1220 : memref<64xi32, #tpu.memory_space<vmem>>) semaphore(%arg19 : memref<!tpu.dma_semaphore, #tpu.memory_space<semaphore_mem>>) {add = true}
    %dma_wait3A_1223 = arith.constant 1 : i32
    %dma_wait3A_1224 = arith.constant 1 : i32
    %dma_wait3A_1225 = arith.constant 0 : i32
    %dma_wait3A_1226 = arith.constant 0 : i32
    %dma_wait3A_1227 = tpu.memref_slice %arg10[%dma_wait3A_1223, %dma_wait3A_1225, %dma_wait3A_1226] : memref<4x64x128xf32, #tpu.memory_space<vmem>> -> memref<1x64x128xf32, #tpu.memory_space<vmem>>
    %dma_wait3A_1228 = tpu.memref_squeeze %dma_wait3A_1227 : memref<1x64x128xf32, #tpu.memory_space<vmem>> -> memref<64x128xf32, #tpu.memory_space<vmem>>
    %dma_wait3A_1229 = arith.constant 0 : i32
    %dma_wait3A_1230 = tpu.memref_slice %arg9[%dma_wait3A_1224, %dma_wait3A_1229] : memref<4x64xi32, #tpu.memory_space<vmem>> -> memref<1x64xi32, #tpu.memory_space<vmem>>
    %dma_wait3A_1231 = tpu.memref_squeeze %dma_wait3A_1230 : memref<1x64xi32, #tpu.memory_space<vmem>> -> memref<64xi32, #tpu.memory_space<vmem>>
    %dma_wait3A_1232 = arith.constant 0 : i32
    %dma_wait3A_1233 = arith.constant 0 : i32
    %dma_wait3A_1234 = tpu.memref_slice %arg6[%dma_wait3A_1232, %dma_wait3A_1233] : memref<10240x128xf32, #tpu.memory_space<vmem_shared>> -> memref<10240x128xf32, #tpu.memory_space<vmem_shared>>
    tpu.wait_indirect_dma semaphore(%arg16 : memref<!tpu.dma_semaphore, #tpu.memory_space<semaphore_mem>>) src(%dma_wait3A_1228 : memref<64x128xf32, #tpu.memory_space<vmem>>) dst(%dma_wait3A_1234 : memref<10240x128xf32, #tpu.memory_space<vmem_shared>>)
    %dma_wait3A_1235 = arith.constant 1 : i32
    %dma_wait3A_1236 = arith.constant 0 : i32
    %dma_wait3A_1237 = tpu.memref_slice %arg9[%dma_wait3A_1235, %dma_wait3A_1236] : memref<4x64xi32, #tpu.memory_space<vmem>> -> memref<1x64xi32, #tpu.memory_space<vmem>>
    %dma_wait3A_1238 = tpu.memref_squeeze %dma_wait3A_1237 : memref<1x64xi32, #tpu.memory_space<vmem>> -> memref<64xi32, #tpu.memory_space<vmem>>
    %dma_wait3A_1239 = arith.constant 0 : i32
    %dma_wait3A_1240 = tpu.memref_slice %arg20[%dma_wait3A_1239] : memref<10240xf32, #tpu.memory_space<vmem_shared>> -> memref<10240xf32, #tpu.memory_space<vmem_shared>>
    tpu.wait_indirect_dma semaphore(%arg19 : memref<!tpu.dma_semaphore, #tpu.memory_space<semaphore_mem>>) src(%arg21 : memref<64xf32, #tpu.memory_space<vmem>>) dst(%dma_wait3A_1240 : memref<10240xf32, #tpu.memory_space<vmem_shared>>)
    %dma_wait3A_1241 = arith.constant 2 : i32
    %dma_wait3A_1242 = arith.constant 2 : i32
    %dma_wait3A_1243 = arith.constant 0 : i32
    %dma_wait3A_1244 = arith.constant 0 : i32
    %dma_wait3A_1245 = tpu.memref_slice %arg10[%dma_wait3A_1241, %dma_wait3A_1243, %dma_wait3A_1244] : memref<4x64x128xf32, #tpu.memory_space<vmem>> -> memref<1x64x128xf32, #tpu.memory_space<vmem>>
    %dma_wait3A_1246 = tpu.memref_squeeze %dma_wait3A_1245 : memref<1x64x128xf32, #tpu.memory_space<vmem>> -> memref<64x128xf32, #tpu.memory_space<vmem>>
    %dma_wait3A_1247 = arith.constant 0 : i32
    %dma_wait3A_1248 = tpu.memref_slice %arg9[%dma_wait3A_1242, %dma_wait3A_1247] : memref<4x64xi32, #tpu.memory_space<vmem>> -> memref<1x64xi32, #tpu.memory_space<vmem>>
    %dma_wait3A_1249 = tpu.memref_squeeze %dma_wait3A_1248 : memref<1x64xi32, #tpu.memory_space<vmem>> -> memref<64xi32, #tpu.memory_space<vmem>>
    %dma_wait3A_1250 = arith.constant 0 : i32
    %dma_wait3A_1251 = arith.constant 0 : i32
    %dma_wait3A_1252 = tpu.memref_slice %arg6[%dma_wait3A_1250, %dma_wait3A_1251] : memref<10240x128xf32, #tpu.memory_space<vmem_shared>> -> memref<10240x128xf32, #tpu.memory_space<vmem_shared>>
    tpu.wait_indirect_dma semaphore(%arg17 : memref<!tpu.dma_semaphore, #tpu.memory_space<semaphore_mem>>) src(%dma_wait3A_1246 : memref<64x128xf32, #tpu.memory_space<vmem>>) dst(%dma_wait3A_1252 : memref<10240x128xf32, #tpu.memory_space<vmem_shared>>)
    %dma_wait3A_1253 = arith.constant 2 : i32
    %dma_wait3A_1254 = arith.constant 0 : i32
    %dma_wait3A_1255 = tpu.memref_slice %arg9[%dma_wait3A_1253, %dma_wait3A_1254] : memref<4x64xi32, #tpu.memory_space<vmem>> -> memref<1x64xi32, #tpu.memory_space<vmem>>
    %dma_wait3A_1256 = tpu.memref_squeeze %dma_wait3A_1255 : memref<1x64xi32, #tpu.memory_space<vmem>> -> memref<64xi32, #tpu.memory_space<vmem>>
    %dma_wait3A_1257 = arith.constant 0 : i32
    %dma_wait3A_1258 = tpu.memref_slice %arg20[%dma_wait3A_1257] : memref<10240xf32, #tpu.memory_space<vmem_shared>> -> memref<10240xf32, #tpu.memory_space<vmem_shared>>
    tpu.wait_indirect_dma semaphore(%arg19 : memref<!tpu.dma_semaphore, #tpu.memory_space<semaphore_mem>>) src(%arg21 : memref<64xf32, #tpu.memory_space<vmem>>) dst(%dma_wait3A_1258 : memref<10240xf32, #tpu.memory_space<vmem_shared>>)
    %dma_wait3A_1259 = arith.constant 3 : i32
    %dma_wait3A_1260 = arith.constant 3 : i32
    %dma_wait3A_1261 = arith.constant 0 : i32
    %dma_wait3A_1262 = arith.constant 0 : i32
    %dma_wait3A_1263 = tpu.memref_slice %arg10[%dma_wait3A_1259, %dma_wait3A_1261, %dma_wait3A_1262] : memref<4x64x128xf32, #tpu.memory_space<vmem>> -> memref<1x64x128xf32, #tpu.memory_space<vmem>>
    %dma_wait3A_1264 = tpu.memref_squeeze %dma_wait3A_1263 : memref<1x64x128xf32, #tpu.memory_space<vmem>> -> memref<64x128xf32, #tpu.memory_space<vmem>>
    %dma_wait3A_1265 = arith.constant 0 : i32
    %dma_wait3A_1266 = tpu.memref_slice %arg9[%dma_wait3A_1260, %dma_wait3A_1265] : memref<4x64xi32, #tpu.memory_space<vmem>> -> memref<1x64xi32, #tpu.memory_space<vmem>>
    %dma_wait3A_1267 = tpu.memref_squeeze %dma_wait3A_1266 : memref<1x64xi32, #tpu.memory_space<vmem>> -> memref<64xi32, #tpu.memory_space<vmem>>
    %dma_wait3A_1268 = arith.constant 0 : i32
    %dma_wait3A_1269 = arith.constant 0 : i32
    %dma_wait3A_1270 = tpu.memref_slice %arg6[%dma_wait3A_1268, %dma_wait3A_1269] : memref<10240x128xf32, #tpu.memory_space<vmem_shared>> -> memref<10240x128xf32, #tpu.memory_space<vmem_shared>>
    tpu.wait_indirect_dma semaphore(%arg18 : memref<!tpu.dma_semaphore, #tpu.memory_space<semaphore_mem>>) src(%dma_wait3A_1264 : memref<64x128xf32, #tpu.memory_space<vmem>>) dst(%dma_wait3A_1270 : memref<10240x128xf32, #tpu.memory_space<vmem_shared>>)
    %dma_wait3A_1271 = arith.constant 3 : i32
    %dma_wait3A_1272 = arith.constant 0 : i32
    %dma_wait3A_1273 = tpu.memref_slice %arg9[%dma_wait3A_1271, %dma_wait3A_1272] : memref<4x64xi32, #tpu.memory_space<vmem>> -> memref<1x64xi32, #tpu.memory_space<vmem>>
    %dma_wait3A_1274 = tpu.memref_squeeze %dma_wait3A_1273 : memref<1x64xi32, #tpu.memory_space<vmem>> -> memref<64xi32, #tpu.memory_space<vmem>>
    %dma_wait3A_1275 = arith.constant 0 : i32
    %dma_wait3A_1276 = tpu.memref_slice %arg20[%dma_wait3A_1275] : memref<10240xf32, #tpu.memory_space<vmem_shared>> -> memref<10240xf32, #tpu.memory_space<vmem_shared>>
    tpu.wait_indirect_dma semaphore(%arg19 : memref<!tpu.dma_semaphore, #tpu.memory_space<semaphore_mem>>) src(%arg21 : memref<64xf32, #tpu.memory_space<vmem>>) dst(%dma_wait3A_1276 : memref<10240xf32, #tpu.memory_space<vmem_shared>>)
    %barrier3A_1277 = arith.constant 0 : index
    tpu.barrier barrier_id(%barrier3A_1277)
    "tpu.region"() ({
      %run_scoped3A = tpu.sem_alloc : memref<!tpu.dma_semaphore, #tpu.memory_space<semaphore_mem>>
      %dma_start3A_1278 = arith.constant 0 : i32
      %dma_start3A_1279 = tpu.memref_slice %arg4[%arg0, %mul3A_2, %dma_start3A_1278] : memref<2x10240x128xf32, #tpu.memory_space<hbm>> -> memref<1x640x128xf32, #tpu.memory_space<hbm>>
      %dma_start3A_1280 = tpu.memref_squeeze %dma_start3A_1279 : memref<1x640x128xf32, #tpu.memory_space<hbm>> -> memref<640x128xf32, #tpu.memory_space<hbm>>
      %dma_start3A_1281 = arith.constant 0 : i32
      %dma_start3A_1282 = tpu.memref_slice %arg6[%mul3A_2, %dma_start3A_1281] : memref<10240x128xf32, #tpu.memory_space<vmem_shared>> -> memref<640x128xf32, #tpu.memory_space<vmem_shared>>
      tpu.enqueue_dma source(%dma_start3A_1282 : memref<640x128xf32, #tpu.memory_space<vmem_shared>>) target(%dma_start3A_1280 : memref<640x128xf32, #tpu.memory_space<hbm>>) target_semaphore(%run_scoped3A : memref<!tpu.dma_semaphore, #tpu.memory_space<semaphore_mem>>)
      %dma_wait3A_1283 = arith.constant 0 : i32
      %dma_wait3A_1284 = tpu.memref_slice %arg4[%arg0, %mul3A_2, %dma_wait3A_1283] : memref<2x10240x128xf32, #tpu.memory_space<hbm>> -> memref<1x640x128xf32, #tpu.memory_space<hbm>>
      %dma_wait3A_1285 = tpu.memref_squeeze %dma_wait3A_1284 : memref<1x640x128xf32, #tpu.memory_space<hbm>> -> memref<640x128xf32, #tpu.memory_space<hbm>>
      %dma_wait3A_1286 = arith.constant 0 : i32
      %dma_wait3A_1287 = tpu.memref_slice %arg6[%mul3A_2, %dma_wait3A_1286] : memref<10240x128xf32, #tpu.memory_space<vmem_shared>> -> memref<640x128xf32, #tpu.memory_space<vmem_shared>>
      tpu.wait_dma2 semaphore(%run_scoped3A : memref<!tpu.dma_semaphore, #tpu.memory_space<semaphore_mem>>) src(%dma_wait3A_1287 : memref<640x128xf32, #tpu.memory_space<vmem_shared>>) dst(%dma_wait3A_1285 : memref<640x128xf32, #tpu.memory_space<hbm>>)
      tpu.yield
    }) : () -> ()
    "tpu.region"() ({
      %run_scoped3A = tpu.sem_alloc : memref<!tpu.dma_semaphore, #tpu.memory_space<semaphore_mem>>
      %dma_start3A_1278 = tpu.memref_slice %arg5[%arg0, %mul3A_2] : memref<2x10240xf32, #tpu.memory_space<hbm>> -> memref<1x640xf32, #tpu.memory_space<hbm>>
      %dma_start3A_1279 = tpu.memref_squeeze %dma_start3A_1278 : memref<1x640xf32, #tpu.memory_space<hbm>> -> memref<640xf32, #tpu.memory_space<hbm>>
      %dma_start3A_1280 = tpu.memref_slice %arg20[%mul3A_2] : memref<10240xf32, #tpu.memory_space<vmem_shared>> -> memref<640xf32, #tpu.memory_space<vmem_shared>>
      tpu.enqueue_dma source(%dma_start3A_1280 : memref<640xf32, #tpu.memory_space<vmem_shared>>) target(%dma_start3A_1279 : memref<640xf32, #tpu.memory_space<hbm>>) target_semaphore(%run_scoped3A : memref<!tpu.dma_semaphore, #tpu.memory_space<semaphore_mem>>)
      %dma_wait3A_1281 = tpu.memref_slice %arg5[%arg0, %mul3A_2] : memref<2x10240xf32, #tpu.memory_space<hbm>> -> memref<1x640xf32, #tpu.memory_space<hbm>>
      %dma_wait3A_1282 = tpu.memref_squeeze %dma_wait3A_1281 : memref<1x640xf32, #tpu.memory_space<hbm>> -> memref<640xf32, #tpu.memory_space<hbm>>
      %dma_wait3A_1283 = tpu.memref_slice %arg20[%mul3A_2] : memref<10240xf32, #tpu.memory_space<vmem_shared>> -> memref<640xf32, #tpu.memory_space<vmem_shared>>
      tpu.wait_dma2 semaphore(%run_scoped3A : memref<!tpu.dma_semaphore, #tpu.memory_space<semaphore_mem>>) src(%dma_wait3A_1283 : memref<640xf32, #tpu.memory_space<vmem_shared>>) dst(%dma_wait3A_1282 : memref<640xf32, #tpu.memory_space<hbm>>)
      tpu.yield
    }) : () -> ()
    return
  }
}

#map = affine_map<(d0, d1) -> (0, 0)>
#map1 = affine_map<(d0, d1) -> (0, 0, 0)>
module attributes {stable_mosaic.version = 14 : i64} {
  func.func @body(%arg0: i32, %arg1: i32, %arg2: memref<10000x128xf32, #tpu.memory_space<hbm>>, %arg3: memref<32x80x64xi32, #tpu.memory_space<hbm>>, %arg4: memref<2x10240x128xf32, #tpu.memory_space<hbm>>, %arg5: memref<10240x128xf32, #tpu.memory_space<vmem_shared>>, %arg6: memref<80x64xi32, #tpu.memory_space<vmem>>, %arg7: memref<4x64xi32, #tpu.memory_space<vmem>>, %arg8: memref<4x64xi32, #tpu.memory_space<vmem>>, %arg9: memref<4x64x128xf32, #tpu.memory_space<vmem>>, %arg10: memref<!tpu.dma_semaphore, #tpu.memory_space<semaphore_mem>>, %arg11: memref<!tpu.dma_semaphore, #tpu.memory_space<semaphore_mem>>, %arg12: memref<!tpu.dma_semaphore, #tpu.memory_space<semaphore_mem>>, %arg13: memref<!tpu.dma_semaphore, #tpu.memory_space<semaphore_mem>>, %arg14: memref<!tpu.dma_semaphore, #tpu.memory_space<semaphore_mem>>, %arg15: memref<!tpu.dma_semaphore, #tpu.memory_space<semaphore_mem>>, %arg16: memref<!tpu.dma_semaphore, #tpu.memory_space<semaphore_mem>>, %arg17: memref<!tpu.dma_semaphore, #tpu.memory_space<semaphore_mem>>, %arg18: memref<!tpu.dma_semaphore, #tpu.memory_space<semaphore_mem>>) attributes {dimension_semantics = [#tpu.dimension_semantics<core_parallel>, #tpu.dimension_semantics<subcore_parallel>], iteration_bounds = array<i64: 2, 16>, scalar_prefetch = 0 : i64, scratch_operands = 14 : i64, tpu.core_type = #tpu.core_type<sc_vector_subcore>, window_params = [{transform_indices = #map}, {transform_indices = #map1}, {transform_indices = #map1}]} {
    %mul3A = arith.constant 16 : i32
    %mul3A_0 = arith.muli %arg0, %mul3A : i32
    %add3A = arith.addi %mul3A_0, %arg1 : i32
    %mul3A_1 = arith.constant 640 : i32
    %mul3A_2 = arith.muli %arg1, %mul3A_1 : i32
    %dma_start3A = arith.constant 0 : i32
    %dma_start3A_3 = arith.constant 0 : i32
    %dma_start3A_4 = tpu.memref_slice %arg3[%add3A, %dma_start3A, %dma_start3A_3] : memref<32x80x64xi32, #tpu.memory_space<hbm>> -> memref<1x80x64xi32, #tpu.memory_space<hbm>>
    %dma_start3A_5 = tpu.memref_squeeze %dma_start3A_4 : memref<1x80x64xi32, #tpu.memory_space<hbm>> -> memref<80x64xi32, #tpu.memory_space<hbm>>
    %dma_start3A_6 = arith.constant 0 : i32
    %dma_start3A_7 = arith.constant 0 : i32
    %dma_start3A_8 = tpu.memref_slice %arg3[%add3A, %dma_start3A_6, %dma_start3A_7] : memref<32x80x64xi32, #tpu.memory_space<hbm>> -> memref<1x80x64xi32, #tpu.memory_space<hbm>>
    %dma_start3A_9 = tpu.memref_squeeze %dma_start3A_8 : memref<1x80x64xi32, #tpu.memory_space<hbm>> -> memref<80x64xi32, #tpu.memory_space<hbm>>
    tpu.enqueue_dma source(%dma_start3A_9 : memref<80x64xi32, #tpu.memory_space<hbm>>) target(%arg6 : memref<80x64xi32, #tpu.memory_space<vmem>>) target_semaphore(%arg10 : memref<!tpu.dma_semaphore, #tpu.memory_space<semaphore_mem>>)
    %broadcast_in_dim3A = arith.constant 0.000000e+00 : f32
    %broadcast_in_dim3A_10 = vector.broadcast %broadcast_in_dim3A : f32 to vector<16xf32>
    %scan3A = arith.constant 0 : i32
    %scan3A_11 = arith.constant 0 : i32
    %scan3A_12 = arith.constant 64 : i32
    %scan3A_13 = arith.addi %scan3A_11, %scan3A_12 : i32
    %scan3A_14 = arith.constant 1 : i32
    scf.for %scan3A_1158 = %scan3A_11 to %scan3A_13 step %scan3A_14  : i32 {
      %swap3A_1159 = arith.constant 0 : i32
      %swap3A_1160 = arith.index_cast %swap3A_1159 : i32 to index
      %swap3A_1161 = arith.index_cast %scan3A_1158 : i32 to index
      %swap3A_1162 = arith.constant 0 : index
      %swap3A_1163 = tpu.vector_load %arg9[%swap3A_1160, %swap3A_1161, %swap3A_1162] {strides = array<i32>} : memref<4x64x128xf32, #tpu.memory_space<vmem>>, vector<1x1x16xf32>,
      %swap3A_1164 = vector.shape_cast %swap3A_1163 : vector<1x1x16xf32> to vector<16xf32>
      %swap3A_1165 = vector.shape_cast %broadcast_in_dim3A_10 : vector<16xf32> to vector<1x1x16xf32>
      tpu.vector_store %arg9[%swap3A_1160, %swap3A_1161, %swap3A_1162], %swap3A_1165 {strides = array<i32>} : memref<4x64x128xf32, #tpu.memory_space<vmem>>, vector<1x1x16xf32>,
      %swap3A_1166 = arith.constant 0 : i32
      %swap3A_1167 = arith.index_cast %swap3A_1166 : i32 to index
      %swap3A_1168 = arith.index_cast %scan3A_1158 : i32 to index
      %swap3A_1169 = arith.constant 16 : index
      %swap3A_1170 = tpu.vector_load %arg9[%swap3A_1167, %swap3A_1168, %swap3A_1169] {strides = array<i32>} : memref<4x64x128xf32, #tpu.memory_space<vmem>>, vector<1x1x16xf32>,
      %swap3A_1171 = vector.shape_cast %swap3A_1170 : vector<1x1x16xf32> to vector<16xf32>
      %swap3A_1172 = vector.shape_cast %broadcast_in_dim3A_10 : vector<16xf32> to vector<1x1x16xf32>
      tpu.vector_store %arg9[%swap3A_1167, %swap3A_1168, %swap3A_1169], %swap3A_1172 {strides = array<i32>} : memref<4x64x128xf32, #tpu.memory_space<vmem>>, vector<1x1x16xf32>,
      %swap3A_1173 = arith.constant 0 : i32
      %swap3A_1174 = arith.index_cast %swap3A_1173 : i32 to index
      %swap3A_1175 = arith.index_cast %scan3A_1158 : i32 to index
      %swap3A_1176 = arith.constant 32 : index
      %swap3A_1177 = tpu.vector_load %arg9[%swap3A_1174, %swap3A_1175, %swap3A_1176] {strides = array<i32>} : memref<4x64x128xf32, #tpu.memory_space<vmem>>, vector<1x1x16xf32>,
      %swap3A_1178 = vector.shape_cast %swap3A_1177 : vector<1x1x16xf32> to vector<16xf32>
      %swap3A_1179 = vector.shape_cast %broadcast_in_dim3A_10 : vector<16xf32> to vector<1x1x16xf32>
      tpu.vector_store %arg9[%swap3A_1174, %swap3A_1175, %swap3A_1176], %swap3A_1179 {strides = array<i32>} : memref<4x64x128xf32, #tpu.memory_space<vmem>>, vector<1x1x16xf32>,
      %swap3A_1180 = arith.constant 0 : i32
      %swap3A_1181 = arith.index_cast %swap3A_1180 : i32 to index
      %swap3A_1182 = arith.index_cast %scan3A_1158 : i32 to index
      %swap3A_1183 = arith.constant 48 : index
      %swap3A_1184 = tpu.vector_load %arg9[%swap3A_1181, %swap3A_1182, %swap3A_1183] {strides = array<i32>} : memref<4x64x128xf32, #tpu.memory_space<vmem>>, vector<1x1x16xf32>,
      %swap3A_1185 = vector.shape_cast %swap3A_1184 : vector<1x1x16xf32> to vector<16xf32>
      %swap3A_1186 = vector.shape_cast %broadcast_in_dim3A_10 : vector<16xf32> to vector<1x1x16xf32>
      tpu.vector_store %arg9[%swap3A_1181, %swap3A_1182, %swap3A_1183], %swap3A_1186 {strides = array<i32>} : memref<4x64x128xf32, #tpu.memory_space<vmem>>, vector<1x1x16xf32>,
      %swap3A_1187 = arith.constant 0 : i32
      %swap3A_1188 = arith.index_cast %swap3A_1187 : i32 to index
      %swap3A_1189 = arith.index_cast %scan3A_1158 : i32 to index
      %swap3A_1190 = arith.constant 64 : index
      %swap3A_1191 = tpu.vector_load %arg9[%swap3A_1188, %swap3A_1189, %swap3A_1190] {strides = array<i32>} : memref<4x64x128xf32, #tpu.memory_space<vmem>>, vector<1x1x16xf32>,
      %swap3A_1192 = vector.shape_cast %swap3A_1191 : vector<1x1x16xf32> to vector<16xf32>
      %swap3A_1193 = vector.shape_cast %broadcast_in_dim3A_10 : vector<16xf32> to vector<1x1x16xf32>
      tpu.vector_store %arg9[%swap3A_1188, %swap3A_1189, %swap3A_1190], %swap3A_1193 {strides = array<i32>} : memref<4x64x128xf32, #tpu.memory_space<vmem>>, vector<1x1x16xf32>,
      %swap3A_1194 = arith.constant 0 : i32
      %swap3A_1195 = arith.index_cast %swap3A_1194 : i32 to index
      %swap3A_1196 = arith.index_cast %scan3A_1158 : i32 to index
      %swap3A_1197 = arith.constant 80 : index
      %swap3A_1198 = tpu.vector_load %arg9[%swap3A_1195, %swap3A_1196, %swap3A_1197] {strides = array<i32>} : memref<4x64x128xf32, #tpu.memory_space<vmem>>, vector<1x1x16xf32>,
      %swap3A_1199 = vector.shape_cast %swap3A_1198 : vector<1x1x16xf32> to vector<16xf32>
      %swap3A_1200 = vector.shape_cast %broadcast_in_dim3A_10 : vector<16xf32> to vector<1x1x16xf32>
      tpu.vector_store %arg9[%swap3A_1195, %swap3A_1196, %swap3A_1197], %swap3A_1200 {strides = array<i32>} : memref<4x64x128xf32, #tpu.memory_space<vmem>>, vector<1x1x16xf32>,
      %swap3A_1201 = arith.constant 0 : i32
      %swap3A_1202 = arith.index_cast %swap3A_1201 : i32 to index
      %swap3A_1203 = arith.index_cast %scan3A_1158 : i32 to index
      %swap3A_1204 = arith.constant 96 : index
      %swap3A_1205 = tpu.vector_load %arg9[%swap3A_1202, %swap3A_1203, %swap3A_1204] {strides = array<i32>} : memref<4x64x128xf32, #tpu.memory_space<vmem>>, vector<1x1x16xf32>,
      %swap3A_1206 = vector.shape_cast %swap3A_1205 : vector<1x1x16xf32> to vector<16xf32>
      %swap3A_1207 = vector.shape_cast %broadcast_in_dim3A_10 : vector<16xf32> to vector<1x1x16xf32>
      tpu.vector_store %arg9[%swap3A_1202, %swap3A_1203, %swap3A_1204], %swap3A_1207 {strides = array<i32>} : memref<4x64x128xf32, #tpu.memory_space<vmem>>, vector<1x1x16xf32>,
      %swap3A_1208 = arith.constant 0 : i32
      %swap3A_1209 = arith.index_cast %swap3A_1208 : i32 to index
      %swap3A_1210 = arith.index_cast %scan3A_1158 : i32 to index
      %swap3A_1211 = arith.constant 112 : index
      %swap3A_1212 = tpu.vector_load %arg9[%swap3A_1209, %swap3A_1210, %swap3A_1211] {strides = array<i32>} : memref<4x64x128xf32, #tpu.memory_space<vmem>>, vector<1x1x16xf32>,
      %swap3A_1213 = vector.shape_cast %swap3A_1212 : vector<1x1x16xf32> to vector<16xf32>
      %swap3A_1214 = vector.shape_cast %broadcast_in_dim3A_10 : vector<16xf32> to vector<1x1x16xf32>
      tpu.vector_store %arg9[%swap3A_1209, %swap3A_1210, %swap3A_1211], %swap3A_1214 {strides = array<i32>} : memref<4x64x128xf32, #tpu.memory_space<vmem>>, vector<1x1x16xf32>,
    }
    %scan3A_15 = arith.constant 64 : i32
    %scan3A_16 = arith.constant 0 : i32
    %scan3A_17 = arith.constant 0 : i32
    %scan3A_18 = arith.constant 10 : i32
    %scan3A_19 = arith.addi %scan3A_17, %scan3A_18 : i32
    %scan3A_20 = arith.constant 1 : i32
    scf.for %scan3A_1158 = %scan3A_17 to %scan3A_19 step %scan3A_20  : i32 {
      %mul3A_1159 = arith.constant 64 : i32
      %mul3A_1160 = arith.muli %scan3A_1158, %mul3A_1159 : i32
      %add3A_1161 = arith.addi %mul3A_2, %mul3A_1160 : i32
      %dma_start3A_1162 = arith.constant 0 : i32
      %dma_start3A_1163 = arith.constant 0 : i32
      %dma_start3A_1164 = arith.constant 0 : i32
      %dma_start3A_1165 = tpu.memref_slice %arg9[%dma_start3A_1162, %dma_start3A_1163, %dma_start3A_1164] : memref<4x64x128xf32, #tpu.memory_space<vmem>> -> memref<1x64x128xf32, #tpu.memory_space<vmem>>
      %dma_start3A_1166 = tpu.memref_squeeze %dma_start3A_1165 : memref<1x64x128xf32, #tpu.memory_space<vmem>> -> memref<64x128xf32, #tpu.memory_space<vmem>>
      %dma_start3A_1167 = arith.constant 0 : i32
      %dma_start3A_1168 = tpu.memref_slice %arg5[%add3A_1161, %dma_start3A_1167] : memref<10240x128xf32, #tpu.memory_space<vmem_shared>> -> memref<64x128xf32, #tpu.memory_space<vmem_shared>>
      %dma_start3A_1169 = arith.constant 0 : i32
      %dma_start3A_1170 = tpu.memref_slice %arg5[%add3A_1161, %dma_start3A_1169] : memref<10240x128xf32, #tpu.memory_space<vmem_shared>> -> memref<64x128xf32, #tpu.memory_space<vmem_shared>>
      %dma_start3A_1171 = arith.constant 0 : i32
      %dma_start3A_1172 = arith.constant 0 : i32
      %dma_start3A_1173 = tpu.memref_slice %arg9[%dma_start3A_1162, %dma_start3A_1171, %dma_start3A_1172] : memref<4x64x128xf32, #tpu.memory_space<vmem>> -> memref<1x64x128xf32, #tpu.memory_space<vmem>>
      %dma_start3A_1174 = tpu.memref_squeeze %dma_start3A_1173 : memref<1x64x128xf32, #tpu.memory_space<vmem>> -> memref<64x128xf32, #tpu.memory_space<vmem>>
      tpu.enqueue_dma source(%dma_start3A_1174 : memref<64x128xf32, #tpu.memory_space<vmem>>) target(%dma_start3A_1170 : memref<64x128xf32, #tpu.memory_space<vmem_shared>>) target_semaphore(%arg14 : memref<!tpu.dma_semaphore, #tpu.memory_space<semaphore_mem>>)
    }
    %scan3A_21 = arith.constant 10 : i32
    %scan3A_22 = arith.constant 0 : i32
    %scan3A_23 = arith.constant 0 : i32
    %scan3A_24 = arith.constant 10 : i32
    %scan3A_25 = arith.addi %scan3A_23, %scan3A_24 : i32
    %scan3A_26 = arith.constant 1 : i32
    scf.for %scan3A_1158 = %scan3A_23 to %scan3A_25 step %scan3A_26  : i32 {
      %mul3A_1159 = arith.constant 64 : i32
      %mul3A_1160 = arith.muli %scan3A_1158, %mul3A_1159 : i32
      %add3A_1161 = arith.addi %mul3A_2, %mul3A_1160 : i32
      %dma_wait3A_1162 = arith.constant 0 : i32
      %dma_wait3A_1163 = arith.constant 0 : i32
      %dma_wait3A_1164 = arith.constant 0 : i32
      %dma_wait3A_1165 = tpu.memref_slice %arg9[%dma_wait3A_1162, %dma_wait3A_1163, %dma_wait3A_1164] : memref<4x64x128xf32, #tpu.memory_space<vmem>> -> memref<1x64x128xf32, #tpu.memory_space<vmem>>
      %dma_wait3A_1166 = tpu.memref_squeeze %dma_wait3A_1165 : memref<1x64x128xf32, #tpu.memory_space<vmem>> -> memref<64x128xf32, #tpu.memory_space<vmem>>
      %dma_wait3A_1167 = arith.constant 0 : i32
      %dma_wait3A_1168 = tpu.memref_slice %arg5[%add3A_1161, %dma_wait3A_1167] : memref<10240x128xf32, #tpu.memory_space<vmem_shared>> -> memref<64x128xf32, #tpu.memory_space<vmem_shared>>
      %dma_wait3A_1169 = arith.constant 0 : i32
      %dma_wait3A_1170 = tpu.memref_slice %arg5[%add3A_1161, %dma_wait3A_1169] : memref<10240x128xf32, #tpu.memory_space<vmem_shared>> -> memref<64x128xf32, #tpu.memory_space<vmem_shared>>
      %dma_wait3A_1171 = arith.constant 0 : i32
      %dma_wait3A_1172 = arith.constant 0 : i32
      %dma_wait3A_1173 = tpu.memref_slice %arg9[%dma_wait3A_1162, %dma_wait3A_1171, %dma_wait3A_1172] : memref<4x64x128xf32, #tpu.memory_space<vmem>> -> memref<1x64x128xf32, #tpu.memory_space<vmem>>
      %dma_wait3A_1174 = tpu.memref_squeeze %dma_wait3A_1173 : memref<1x64x128xf32, #tpu.memory_space<vmem>> -> memref<64x128xf32, #tpu.memory_space<vmem>>
      tpu.wait_dma2 semaphore(%arg14 : memref<!tpu.dma_semaphore, #tpu.memory_space<semaphore_mem>>) src(%dma_wait3A_1174 : memref<64x128xf32, #tpu.memory_space<vmem>>) dst(%dma_wait3A_1170 : memref<64x128xf32, #tpu.memory_space<vmem_shared>>)
    }
    %scan3A_27 = arith.constant 10 : i32
    %dma_wait3A = arith.constant 0 : i32
    %dma_wait3A_28 = arith.constant 0 : i32
    %dma_wait3A_29 = tpu.memref_slice %arg3[%add3A, %dma_wait3A, %dma_wait3A_28] : memref<32x80x64xi32, #tpu.memory_space<hbm>> -> memref<1x80x64xi32, #tpu.memory_space<hbm>>
    %dma_wait3A_30 = tpu.memref_squeeze %dma_wait3A_29 : memref<1x80x64xi32, #tpu.memory_space<hbm>> -> memref<80x64xi32, #tpu.memory_space<hbm>>
    %dma_wait3A_31 = arith.constant 0 : i32
    %dma_wait3A_32 = arith.constant 0 : i32
    %dma_wait3A_33 = tpu.memref_slice %arg3[%add3A, %dma_wait3A_31, %dma_wait3A_32] : memref<32x80x64xi32, #tpu.memory_space<hbm>> -> memref<1x80x64xi32, #tpu.memory_space<hbm>>
    %dma_wait3A_34 = tpu.memref_squeeze %dma_wait3A_33 : memref<1x80x64xi32, #tpu.memory_space<hbm>> -> memref<80x64xi32, #tpu.memory_space<hbm>>
    tpu.wait_dma2 semaphore(%arg10 : memref<!tpu.dma_semaphore, #tpu.memory_space<semaphore_mem>>) src(%dma_wait3A_34 : memref<80x64xi32, #tpu.memory_space<hbm>>) dst(%arg6 : memref<80x64xi32, #tpu.memory_space<vmem>>)
    %barrier3A = arith.constant 0 : index
    tpu.barrier barrier_id(%barrier3A)
    %get3A = arith.constant 0 : i32
    %get3A_35 = arith.index_cast %get3A : i32 to index
    %get3A_36 = arith.constant 0 : index
    %get3A_37 = tpu.vector_load %arg6[%get3A_35, %get3A_36] {strides = array<i32>} : memref<80x64xi32, #tpu.memory_space<vmem>>, vector<1x16xi32>,
    %get3A_38 = vector.shape_cast %get3A_37 : vector<1x16xi32> to vector<16xi32>
    %and3A = arith.constant 16383 : i32
    %and3A_39 = vector.broadcast %and3A : i32 to vector<16xi32>
    %and3A_40 = arith.andi %get3A_38, %and3A_39 : vector<16xi32>
    %swap3A = arith.constant 0 : i32
    %swap3A_41 = arith.index_cast %swap3A : i32 to index
    %swap3A_42 = arith.constant 0 : index
    %swap3A_43 = tpu.vector_load %arg7[%swap3A_41, %swap3A_42] {strides = array<i32>} : memref<4x64xi32, #tpu.memory_space<vmem>>, vector<1x16xi32>,
    %swap3A_44 = vector.shape_cast %swap3A_43 : vector<1x16xi32> to vector<16xi32>
    %swap3A_45 = vector.shape_cast %and3A_40 : vector<16xi32> to vector<1x16xi32>
    tpu.vector_store %arg7[%swap3A_41, %swap3A_42], %swap3A_45 {strides = array<i32>} : memref<4x64xi32, #tpu.memory_space<vmem>>, vector<1x16xi32>,
    %shift_right_logical3A = arith.constant 14 : i32
    %shift_right_logical3A_46 = vector.broadcast %shift_right_logical3A : i32 to vector<16xi32>
    %shift_right_logical3A_47 = arith.shrui %get3A_38, %shift_right_logical3A_46 : vector<16xi32>
    %swap3A_48 = arith.constant 0 : i32
    %swap3A_49 = arith.index_cast %swap3A_48 : i32 to index
    %swap3A_50 = arith.constant 0 : index
    %swap3A_51 = tpu.vector_load %arg8[%swap3A_49, %swap3A_50] {strides = array<i32>} : memref<4x64xi32, #tpu.memory_space<vmem>>, vector<1x16xi32>,
    %swap3A_52 = vector.shape_cast %swap3A_51 : vector<1x16xi32> to vector<16xi32>
    %swap3A_53 = vector.shape_cast %shift_right_logical3A_47 : vector<16xi32> to vector<1x16xi32>
    tpu.vector_store %arg8[%swap3A_49, %swap3A_50], %swap3A_53 {strides = array<i32>} : memref<4x64xi32, #tpu.memory_space<vmem>>, vector<1x16xi32>,
    %get3A_54 = arith.constant 0 : i32
    %get3A_55 = arith.index_cast %get3A_54 : i32 to index
    %get3A_56 = arith.constant 16 : index
    %get3A_57 = tpu.vector_load %arg6[%get3A_55, %get3A_56] {strides = array<i32>} : memref<80x64xi32, #tpu.memory_space<vmem>>, vector<1x16xi32>,
    %get3A_58 = vector.shape_cast %get3A_57 : vector<1x16xi32> to vector<16xi32>
    %and3A_59 = arith.constant 16383 : i32
    %and3A_60 = vector.broadcast %and3A_59 : i32 to vector<16xi32>
    %and3A_61 = arith.andi %get3A_58, %and3A_60 : vector<16xi32>
    %swap3A_62 = arith.constant 0 : i32
    %swap3A_63 = arith.index_cast %swap3A_62 : i32 to index
    %swap3A_64 = arith.constant 16 : index
    %swap3A_65 = tpu.vector_load %arg7[%swap3A_63, %swap3A_64] {strides = array<i32>} : memref<4x64xi32, #tpu.memory_space<vmem>>, vector<1x16xi32>,
    %swap3A_66 = vector.shape_cast %swap3A_65 : vector<1x16xi32> to vector<16xi32>
    %swap3A_67 = vector.shape_cast %and3A_61 : vector<16xi32> to vector<1x16xi32>
    tpu.vector_store %arg7[%swap3A_63, %swap3A_64], %swap3A_67 {strides = array<i32>} : memref<4x64xi32, #tpu.memory_space<vmem>>, vector<1x16xi32>,
    %shift_right_logical3A_68 = arith.constant 14 : i32
    %shift_right_logical3A_69 = vector.broadcast %shift_right_logical3A_68 : i32 to vector<16xi32>
    %shift_right_logical3A_70 = arith.shrui %get3A_58, %shift_right_logical3A_69 : vector<16xi32>
    %swap3A_71 = arith.constant 0 : i32
    %swap3A_72 = arith.index_cast %swap3A_71 : i32 to index
    %swap3A_73 = arith.constant 16 : index
    %swap3A_74 = tpu.vector_load %arg8[%swap3A_72, %swap3A_73] {strides = array<i32>} : memref<4x64xi32, #tpu.memory_space<vmem>>, vector<1x16xi32>,
    %swap3A_75 = vector.shape_cast %swap3A_74 : vector<1x16xi32> to vector<16xi32>
    %swap3A_76 = vector.shape_cast %shift_right_logical3A_70 : vector<16xi32> to vector<1x16xi32>
    tpu.vector_store %arg8[%swap3A_72, %swap3A_73], %swap3A_76 {strides = array<i32>} : memref<4x64xi32, #tpu.memory_space<vmem>>, vector<1x16xi32>,
    %get3A_77 = arith.constant 0 : i32
    %get3A_78 = arith.index_cast %get3A_77 : i32 to index
    %get3A_79 = arith.constant 32 : index
    %get3A_80 = tpu.vector_load %arg6[%get3A_78, %get3A_79] {strides = array<i32>} : memref<80x64xi32, #tpu.memory_space<vmem>>, vector<1x16xi32>,
    %get3A_81 = vector.shape_cast %get3A_80 : vector<1x16xi32> to vector<16xi32>
    %and3A_82 = arith.constant 16383 : i32
    %and3A_83 = vector.broadcast %and3A_82 : i32 to vector<16xi32>
    %and3A_84 = arith.andi %get3A_81, %and3A_83 : vector<16xi32>
    %swap3A_85 = arith.constant 0 : i32
    %swap3A_86 = arith.index_cast %swap3A_85 : i32 to index
    %swap3A_87 = arith.constant 32 : index
    %swap3A_88 = tpu.vector_load %arg7[%swap3A_86, %swap3A_87] {strides = array<i32>} : memref<4x64xi32, #tpu.memory_space<vmem>>, vector<1x16xi32>,
    %swap3A_89 = vector.shape_cast %swap3A_88 : vector<1x16xi32> to vector<16xi32>
    %swap3A_90 = vector.shape_cast %and3A_84 : vector<16xi32> to vector<1x16xi32>
    tpu.vector_store %arg7[%swap3A_86, %swap3A_87], %swap3A_90 {strides = array<i32>} : memref<4x64xi32, #tpu.memory_space<vmem>>, vector<1x16xi32>,
    %shift_right_logical3A_91 = arith.constant 14 : i32
    %shift_right_logical3A_92 = vector.broadcast %shift_right_logical3A_91 : i32 to vector<16xi32>
    %shift_right_logical3A_93 = arith.shrui %get3A_81, %shift_right_logical3A_92 : vector<16xi32>
    %swap3A_94 = arith.constant 0 : i32
    %swap3A_95 = arith.index_cast %swap3A_94 : i32 to index
    %swap3A_96 = arith.constant 32 : index
    %swap3A_97 = tpu.vector_load %arg8[%swap3A_95, %swap3A_96] {strides = array<i32>} : memref<4x64xi32, #tpu.memory_space<vmem>>, vector<1x16xi32>,
    %swap3A_98 = vector.shape_cast %swap3A_97 : vector<1x16xi32> to vector<16xi32>
    %swap3A_99 = vector.shape_cast %shift_right_logical3A_93 : vector<16xi32> to vector<1x16xi32>
    tpu.vector_store %arg8[%swap3A_95, %swap3A_96], %swap3A_99 {strides = array<i32>} : memref<4x64xi32, #tpu.memory_space<vmem>>, vector<1x16xi32>,
    %get3A_100 = arith.constant 0 : i32
    %get3A_101 = arith.index_cast %get3A_100 : i32 to index
    %get3A_102 = arith.constant 48 : index
    %get3A_103 = tpu.vector_load %arg6[%get3A_101, %get3A_102] {strides = array<i32>} : memref<80x64xi32, #tpu.memory_space<vmem>>, vector<1x16xi32>,
    %get3A_104 = vector.shape_cast %get3A_103 : vector<1x16xi32> to vector<16xi32>
    %and3A_105 = arith.constant 16383 : i32
    %and3A_106 = vector.broadcast %and3A_105 : i32 to vector<16xi32>
    %and3A_107 = arith.andi %get3A_104, %and3A_106 : vector<16xi32>
    %swap3A_108 = arith.constant 0 : i32
    %swap3A_109 = arith.index_cast %swap3A_108 : i32 to index
    %swap3A_110 = arith.constant 48 : index
    %swap3A_111 = tpu.vector_load %arg7[%swap3A_109, %swap3A_110] {strides = array<i32>} : memref<4x64xi32, #tpu.memory_space<vmem>>, vector<1x16xi32>,
    %swap3A_112 = vector.shape_cast %swap3A_111 : vector<1x16xi32> to vector<16xi32>
    %swap3A_113 = vector.shape_cast %and3A_107 : vector<16xi32> to vector<1x16xi32>
    tpu.vector_store %arg7[%swap3A_109, %swap3A_110], %swap3A_113 {strides = array<i32>} : memref<4x64xi32, #tpu.memory_space<vmem>>, vector<1x16xi32>,
    %shift_right_logical3A_114 = arith.constant 14 : i32
    %shift_right_logical3A_115 = vector.broadcast %shift_right_logical3A_114 : i32 to vector<16xi32>
    %shift_right_logical3A_116 = arith.shrui %get3A_104, %shift_right_logical3A_115 : vector<16xi32>
    %swap3A_117 = arith.constant 0 : i32
    %swap3A_118 = arith.index_cast %swap3A_117 : i32 to index
    %swap3A_119 = arith.constant 48 : index
    %swap3A_120 = tpu.vector_load %arg8[%swap3A_118, %swap3A_119] {strides = array<i32>} : memref<4x64xi32, #tpu.memory_space<vmem>>, vector<1x16xi32>,
    %swap3A_121 = vector.shape_cast %swap3A_120 : vector<1x16xi32> to vector<16xi32>
    %swap3A_122 = vector.shape_cast %shift_right_logical3A_116 : vector<16xi32> to vector<1x16xi32>
    tpu.vector_store %arg8[%swap3A_118, %swap3A_119], %swap3A_122 {strides = array<i32>} : memref<4x64xi32, #tpu.memory_space<vmem>>, vector<1x16xi32>,
    %dma_start3A_123 = arith.constant 0 : i32
    %dma_start3A_124 = arith.constant 0 : i32
    %dma_start3A_125 = arith.constant 0 : i32
    %dma_start3A_126 = arith.constant 0 : i32
    %dma_start3A_127 = tpu.memref_slice %arg9[%dma_start3A_124, %dma_start3A_125, %dma_start3A_126] : memref<4x64x128xf32, #tpu.memory_space<vmem>> -> memref<1x64x128xf32, #tpu.memory_space<vmem>>
    %dma_start3A_128 = tpu.memref_squeeze %dma_start3A_127 : memref<1x64x128xf32, #tpu.memory_space<vmem>> -> memref<64x128xf32, #tpu.memory_space<vmem>>
    %dma_start3A_129 = arith.constant 0 : i32
    %dma_start3A_130 = tpu.memref_slice %arg7[%dma_start3A_123, %dma_start3A_129] : memref<4x64xi32, #tpu.memory_space<vmem>> -> memref<1x64xi32, #tpu.memory_space<vmem>>
    %dma_start3A_131 = tpu.memref_squeeze %dma_start3A_130 : memref<1x64xi32, #tpu.memory_space<vmem>> -> memref<64xi32, #tpu.memory_space<vmem>>
    %dma_start3A_132 = arith.constant 0 : i32
    %dma_start3A_133 = arith.constant 0 : i32
    %dma_start3A_134 = tpu.memref_slice %arg2[%dma_start3A_132, %dma_start3A_133] : memref<10000x128xf32, #tpu.memory_space<hbm>> -> memref<10000x128xf32, #tpu.memory_space<hbm>>
    tpu.enqueue_indirect_dma source(%dma_start3A_134 : memref<10000x128xf32, #tpu.memory_space<hbm>>) target(%dma_start3A_128 : memref<64x128xf32, #tpu.memory_space<vmem>>) offsets(%dma_start3A_131 : memref<64xi32, #tpu.memory_space<vmem>>) semaphore(%arg10 : memref<!tpu.dma_semaphore, #tpu.memory_space<semaphore_mem>>)
    %get3A_135 = arith.constant 1 : i32
    %get3A_136 = arith.index_cast %get3A_135 : i32 to index
    %get3A_137 = arith.constant 0 : index
    %get3A_138 = tpu.vector_load %arg6[%get3A_136, %get3A_137] {strides = array<i32>} : memref<80x64xi32, #tpu.memory_space<vmem>>, vector<1x16xi32>,
    %get3A_139 = vector.shape_cast %get3A_138 : vector<1x16xi32> to vector<16xi32>
    %and3A_140 = arith.constant 16383 : i32
    %and3A_141 = vector.broadcast %and3A_140 : i32 to vector<16xi32>
    %and3A_142 = arith.andi %get3A_139, %and3A_141 : vector<16xi32>
    %swap3A_143 = arith.constant 1 : i32
    %swap3A_144 = arith.index_cast %swap3A_143 : i32 to index
    %swap3A_145 = arith.constant 0 : index
    %swap3A_146 = tpu.vector_load %arg7[%swap3A_144, %swap3A_145] {strides = array<i32>} : memref<4x64xi32, #tpu.memory_space<vmem>>, vector<1x16xi32>,
    %swap3A_147 = vector.shape_cast %swap3A_146 : vector<1x16xi32> to vector<16xi32>
    %swap3A_148 = vector.shape_cast %and3A_142 : vector<16xi32> to vector<1x16xi32>
    tpu.vector_store %arg7[%swap3A_144, %swap3A_145], %swap3A_148 {strides = array<i32>} : memref<4x64xi32, #tpu.memory_space<vmem>>, vector<1x16xi32>,
    %shift_right_logical3A_149 = arith.constant 14 : i32
    %shift_right_logical3A_150 = vector.broadcast %shift_right_logical3A_149 : i32 to vector<16xi32>
    %shift_right_logical3A_151 = arith.shrui %get3A_139, %shift_right_logical3A_150 : vector<16xi32>
    %swap3A_152 = arith.constant 1 : i32
    %swap3A_153 = arith.index_cast %swap3A_152 : i32 to index
    %swap3A_154 = arith.constant 0 : index
    %swap3A_155 = tpu.vector_load %arg8[%swap3A_153, %swap3A_154] {strides = array<i32>} : memref<4x64xi32, #tpu.memory_space<vmem>>, vector<1x16xi32>,
    %swap3A_156 = vector.shape_cast %swap3A_155 : vector<1x16xi32> to vector<16xi32>
    %swap3A_157 = vector.shape_cast %shift_right_logical3A_151 : vector<16xi32> to vector<1x16xi32>
    tpu.vector_store %arg8[%swap3A_153, %swap3A_154], %swap3A_157 {strides = array<i32>} : memref<4x64xi32, #tpu.memory_space<vmem>>, vector<1x16xi32>,
    %get3A_158 = arith.constant 1 : i32
    %get3A_159 = arith.index_cast %get3A_158 : i32 to index
    %get3A_160 = arith.constant 16 : index
    %get3A_161 = tpu.vector_load %arg6[%get3A_159, %get3A_160] {strides = array<i32>} : memref<80x64xi32, #tpu.memory_space<vmem>>, vector<1x16xi32>,
    %get3A_162 = vector.shape_cast %get3A_161 : vector<1x16xi32> to vector<16xi32>
    %and3A_163 = arith.constant 16383 : i32
    %and3A_164 = vector.broadcast %and3A_163 : i32 to vector<16xi32>
    %and3A_165 = arith.andi %get3A_162, %and3A_164 : vector<16xi32>
    %swap3A_166 = arith.constant 1 : i32
    %swap3A_167 = arith.index_cast %swap3A_166 : i32 to index
    %swap3A_168 = arith.constant 16 : index
    %swap3A_169 = tpu.vector_load %arg7[%swap3A_167, %swap3A_168] {strides = array<i32>} : memref<4x64xi32, #tpu.memory_space<vmem>>, vector<1x16xi32>,
    %swap3A_170 = vector.shape_cast %swap3A_169 : vector<1x16xi32> to vector<16xi32>
    %swap3A_171 = vector.shape_cast %and3A_165 : vector<16xi32> to vector<1x16xi32>
    tpu.vector_store %arg7[%swap3A_167, %swap3A_168], %swap3A_171 {strides = array<i32>} : memref<4x64xi32, #tpu.memory_space<vmem>>, vector<1x16xi32>,
    %shift_right_logical3A_172 = arith.constant 14 : i32
    %shift_right_logical3A_173 = vector.broadcast %shift_right_logical3A_172 : i32 to vector<16xi32>
    %shift_right_logical3A_174 = arith.shrui %get3A_162, %shift_right_logical3A_173 : vector<16xi32>
    %swap3A_175 = arith.constant 1 : i32
    %swap3A_176 = arith.index_cast %swap3A_175 : i32 to index
    %swap3A_177 = arith.constant 16 : index
    %swap3A_178 = tpu.vector_load %arg8[%swap3A_176, %swap3A_177] {strides = array<i32>} : memref<4x64xi32, #tpu.memory_space<vmem>>, vector<1x16xi32>,
    %swap3A_179 = vector.shape_cast %swap3A_178 : vector<1x16xi32> to vector<16xi32>
    %swap3A_180 = vector.shape_cast %shift_right_logical3A_174 : vector<16xi32> to vector<1x16xi32>
    tpu.vector_store %arg8[%swap3A_176, %swap3A_177], %swap3A_180 {strides = array<i32>} : memref<4x64xi32, #tpu.memory_space<vmem>>, vector<1x16xi32>,
    %get3A_181 = arith.constant 1 : i32
    %get3A_182 = arith.index_cast %get3A_181 : i32 to index
    %get3A_183 = arith.constant 32 : index
    %get3A_184 = tpu.vector_load %arg6[%get3A_182, %get3A_183] {strides = array<i32>} : memref<80x64xi32, #tpu.memory_space<vmem>>, vector<1x16xi32>,
    %get3A_185 = vector.shape_cast %get3A_184 : vector<1x16xi32> to vector<16xi32>
    %and3A_186 = arith.constant 16383 : i32
    %and3A_187 = vector.broadcast %and3A_186 : i32 to vector<16xi32>
    %and3A_188 = arith.andi %get3A_185, %and3A_187 : vector<16xi32>
    %swap3A_189 = arith.constant 1 : i32
    %swap3A_190 = arith.index_cast %swap3A_189 : i32 to index
    %swap3A_191 = arith.constant 32 : index
    %swap3A_192 = tpu.vector_load %arg7[%swap3A_190, %swap3A_191] {strides = array<i32>} : memref<4x64xi32, #tpu.memory_space<vmem>>, vector<1x16xi32>,
    %swap3A_193 = vector.shape_cast %swap3A_192 : vector<1x16xi32> to vector<16xi32>
    %swap3A_194 = vector.shape_cast %and3A_188 : vector<16xi32> to vector<1x16xi32>
    tpu.vector_store %arg7[%swap3A_190, %swap3A_191], %swap3A_194 {strides = array<i32>} : memref<4x64xi32, #tpu.memory_space<vmem>>, vector<1x16xi32>,
    %shift_right_logical3A_195 = arith.constant 14 : i32
    %shift_right_logical3A_196 = vector.broadcast %shift_right_logical3A_195 : i32 to vector<16xi32>
    %shift_right_logical3A_197 = arith.shrui %get3A_185, %shift_right_logical3A_196 : vector<16xi32>
    %swap3A_198 = arith.constant 1 : i32
    %swap3A_199 = arith.index_cast %swap3A_198 : i32 to index
    %swap3A_200 = arith.constant 32 : index
    %swap3A_201 = tpu.vector_load %arg8[%swap3A_199, %swap3A_200] {strides = array<i32>} : memref<4x64xi32, #tpu.memory_space<vmem>>, vector<1x16xi32>,
    %swap3A_202 = vector.shape_cast %swap3A_201 : vector<1x16xi32> to vector<16xi32>
    %swap3A_203 = vector.shape_cast %shift_right_logical3A_197 : vector<16xi32> to vector<1x16xi32>
    tpu.vector_store %arg8[%swap3A_199, %swap3A_200], %swap3A_203 {strides = array<i32>} : memref<4x64xi32, #tpu.memory_space<vmem>>, vector<1x16xi32>,
    %get3A_204 = arith.constant 1 : i32
    %get3A_205 = arith.index_cast %get3A_204 : i32 to index
    %get3A_206 = arith.constant 48 : index
    %get3A_207 = tpu.vector_load %arg6[%get3A_205, %get3A_206] {strides = array<i32>} : memref<80x64xi32, #tpu.memory_space<vmem>>, vector<1x16xi32>,
    %get3A_208 = vector.shape_cast %get3A_207 : vector<1x16xi32> to vector<16xi32>
    %and3A_209 = arith.constant 16383 : i32
    %and3A_210 = vector.broadcast %and3A_209 : i32 to vector<16xi32>
    %and3A_211 = arith.andi %get3A_208, %and3A_210 : vector<16xi32>
    %swap3A_212 = arith.constant 1 : i32
    %swap3A_213 = arith.index_cast %swap3A_212 : i32 to index
    %swap3A_214 = arith.constant 48 : index
    %swap3A_215 = tpu.vector_load %arg7[%swap3A_213, %swap3A_214] {strides = array<i32>} : memref<4x64xi32, #tpu.memory_space<vmem>>, vector<1x16xi32>,
    %swap3A_216 = vector.shape_cast %swap3A_215 : vector<1x16xi32> to vector<16xi32>
    %swap3A_217 = vector.shape_cast %and3A_211 : vector<16xi32> to vector<1x16xi32>
    tpu.vector_store %arg7[%swap3A_213, %swap3A_214], %swap3A_217 {strides = array<i32>} : memref<4x64xi32, #tpu.memory_space<vmem>>, vector<1x16xi32>,
    %shift_right_logical3A_218 = arith.constant 14 : i32
    %shift_right_logical3A_219 = vector.broadcast %shift_right_logical3A_218 : i32 to vector<16xi32>
    %shift_right_logical3A_220 = arith.shrui %get3A_208, %shift_right_logical3A_219 : vector<16xi32>
    %swap3A_221 = arith.constant 1 : i32
    %swap3A_222 = arith.index_cast %swap3A_221 : i32 to index
    %swap3A_223 = arith.constant 48 : index
    %swap3A_224 = tpu.vector_load %arg8[%swap3A_222, %swap3A_223] {strides = array<i32>} : memref<4x64xi32, #tpu.memory_space<vmem>>, vector<1x16xi32>,
    %swap3A_225 = vector.shape_cast %swap3A_224 : vector<1x16xi32> to vector<16xi32>
    %swap3A_226 = vector.shape_cast %shift_right_logical3A_220 : vector<16xi32> to vector<1x16xi32>
    tpu.vector_store %arg8[%swap3A_222, %swap3A_223], %swap3A_226 {strides = array<i32>} : memref<4x64xi32, #tpu.memory_space<vmem>>, vector<1x16xi32>,
    %dma_start3A_227 = arith.constant 1 : i32
    %dma_start3A_228 = arith.constant 1 : i32
    %dma_start3A_229 = arith.constant 0 : i32
    %dma_start3A_230 = arith.constant 0 : i32
    %dma_start3A_231 = tpu.memref_slice %arg9[%dma_start3A_228, %dma_start3A_229, %dma_start3A_230] : memref<4x64x128xf32, #tpu.memory_space<vmem>> -> memref<1x64x128xf32, #tpu.memory_space<vmem>>
    %dma_start3A_232 = tpu.memref_squeeze %dma_start3A_231 : memref<1x64x128xf32, #tpu.memory_space<vmem>> -> memref<64x128xf32, #tpu.memory_space<vmem>>
    %dma_start3A_233 = arith.constant 0 : i32
    %dma_start3A_234 = tpu.memref_slice %arg7[%dma_start3A_227, %dma_start3A_233] : memref<4x64xi32, #tpu.memory_space<vmem>> -> memref<1x64xi32, #tpu.memory_space<vmem>>
    %dma_start3A_235 = tpu.memref_squeeze %dma_start3A_234 : memref<1x64xi32, #tpu.memory_space<vmem>> -> memref<64xi32, #tpu.memory_space<vmem>>
    %dma_start3A_236 = arith.constant 0 : i32
    %dma_start3A_237 = arith.constant 0 : i32
    %dma_start3A_238 = tpu.memref_slice %arg2[%dma_start3A_236, %dma_start3A_237] : memref<10000x128xf32, #tpu.memory_space<hbm>> -> memref<10000x128xf32, #tpu.memory_space<hbm>>
    tpu.enqueue_indirect_dma source(%dma_start3A_238 : memref<10000x128xf32, #tpu.memory_space<hbm>>) target(%dma_start3A_232 : memref<64x128xf32, #tpu.memory_space<vmem>>) offsets(%dma_start3A_235 : memref<64xi32, #tpu.memory_space<vmem>>) semaphore(%arg11 : memref<!tpu.dma_semaphore, #tpu.memory_space<semaphore_mem>>)
    %dma_wait3A_239 = arith.constant 0 : i32
    %dma_wait3A_240 = arith.constant 0 : i32
    %dma_wait3A_241 = arith.constant 0 : i32
    %dma_wait3A_242 = arith.constant 0 : i32
    %dma_wait3A_243 = tpu.memref_slice %arg9[%dma_wait3A_240, %dma_wait3A_241, %dma_wait3A_242] : memref<4x64x128xf32, #tpu.memory_space<vmem>> -> memref<1x64x128xf32, #tpu.memory_space<vmem>>
    %dma_wait3A_244 = tpu.memref_squeeze %dma_wait3A_243 : memref<1x64x128xf32, #tpu.memory_space<vmem>> -> memref<64x128xf32, #tpu.memory_space<vmem>>
    %dma_wait3A_245 = arith.constant 0 : i32
    %dma_wait3A_246 = tpu.memref_slice %arg7[%dma_wait3A_239, %dma_wait3A_245] : memref<4x64xi32, #tpu.memory_space<vmem>> -> memref<1x64xi32, #tpu.memory_space<vmem>>
    %dma_wait3A_247 = tpu.memref_squeeze %dma_wait3A_246 : memref<1x64xi32, #tpu.memory_space<vmem>> -> memref<64xi32, #tpu.memory_space<vmem>>
    %dma_wait3A_248 = arith.constant 0 : i32
    %dma_wait3A_249 = arith.constant 0 : i32
    %dma_wait3A_250 = tpu.memref_slice %arg2[%dma_wait3A_248, %dma_wait3A_249] : memref<10000x128xf32, #tpu.memory_space<hbm>> -> memref<10000x128xf32, #tpu.memory_space<hbm>>
    tpu.wait_indirect_dma semaphore(%arg10 : memref<!tpu.dma_semaphore, #tpu.memory_space<semaphore_mem>>) src(%dma_wait3A_250 : memref<10000x128xf32, #tpu.memory_space<hbm>>) dst(%dma_wait3A_244 : memref<64x128xf32, #tpu.memory_space<vmem>>)
    %dma_start3A_251 = arith.constant 0 : i32
    %dma_start3A_252 = arith.constant 0 : i32
    %dma_start3A_253 = arith.constant 0 : i32
    %dma_start3A_254 = arith.constant 0 : i32
    %dma_start3A_255 = tpu.memref_slice %arg9[%dma_start3A_251, %dma_start3A_253, %dma_start3A_254] : memref<4x64x128xf32, #tpu.memory_space<vmem>> -> memref<1x64x128xf32, #tpu.memory_space<vmem>>
    %dma_start3A_256 = tpu.memref_squeeze %dma_start3A_255 : memref<1x64x128xf32, #tpu.memory_space<vmem>> -> memref<64x128xf32, #tpu.memory_space<vmem>>
    %dma_start3A_257 = arith.constant 0 : i32
    %dma_start3A_258 = tpu.memref_slice %arg8[%dma_start3A_252, %dma_start3A_257] : memref<4x64xi32, #tpu.memory_space<vmem>> -> memref<1x64xi32, #tpu.memory_space<vmem>>
    %dma_start3A_259 = tpu.memref_squeeze %dma_start3A_258 : memref<1x64xi32, #tpu.memory_space<vmem>> -> memref<64xi32, #tpu.memory_space<vmem>>
    %dma_start3A_260 = arith.constant 0 : i32
    %dma_start3A_261 = arith.constant 0 : i32
    %dma_start3A_262 = tpu.memref_slice %arg5[%dma_start3A_260, %dma_start3A_261] : memref<10240x128xf32, #tpu.memory_space<vmem_shared>> -> memref<10240x128xf32, #tpu.memory_space<vmem_shared>>
    tpu.enqueue_indirect_dma source(%dma_start3A_256 : memref<64x128xf32, #tpu.memory_space<vmem>>) target(%dma_start3A_262 : memref<10240x128xf32, #tpu.memory_space<vmem_shared>>) offsets(%dma_start3A_259 : memref<64xi32, #tpu.memory_space<vmem>>) semaphore(%arg14 : memref<!tpu.dma_semaphore, #tpu.memory_space<semaphore_mem>>) {add = true}
    %get3A_263 = arith.constant 2 : i32
    %get3A_264 = arith.index_cast %get3A_263 : i32 to index
    %get3A_265 = arith.constant 0 : index
    %get3A_266 = tpu.vector_load %arg6[%get3A_264, %get3A_265] {strides = array<i32>} : memref<80x64xi32, #tpu.memory_space<vmem>>, vector<1x16xi32>,
    %get3A_267 = vector.shape_cast %get3A_266 : vector<1x16xi32> to vector<16xi32>
    %and3A_268 = arith.constant 16383 : i32
    %and3A_269 = vector.broadcast %and3A_268 : i32 to vector<16xi32>
    %and3A_270 = arith.andi %get3A_267, %and3A_269 : vector<16xi32>
    %swap3A_271 = arith.constant 2 : i32
    %swap3A_272 = arith.index_cast %swap3A_271 : i32 to index
    %swap3A_273 = arith.constant 0 : index
    %swap3A_274 = tpu.vector_load %arg7[%swap3A_272, %swap3A_273] {strides = array<i32>} : memref<4x64xi32, #tpu.memory_space<vmem>>, vector<1x16xi32>,
    %swap3A_275 = vector.shape_cast %swap3A_274 : vector<1x16xi32> to vector<16xi32>
    %swap3A_276 = vector.shape_cast %and3A_270 : vector<16xi32> to vector<1x16xi32>
    tpu.vector_store %arg7[%swap3A_272, %swap3A_273], %swap3A_276 {strides = array<i32>} : memref<4x64xi32, #tpu.memory_space<vmem>>, vector<1x16xi32>,
    %shift_right_logical3A_277 = arith.constant 14 : i32
    %shift_right_logical3A_278 = vector.broadcast %shift_right_logical3A_277 : i32 to vector<16xi32>
    %shift_right_logical3A_279 = arith.shrui %get3A_267, %shift_right_logical3A_278 : vector<16xi32>
    %swap3A_280 = arith.constant 2 : i32
    %swap3A_281 = arith.index_cast %swap3A_280 : i32 to index
    %swap3A_282 = arith.constant 0 : index
    %swap3A_283 = tpu.vector_load %arg8[%swap3A_281, %swap3A_282] {strides = array<i32>} : memref<4x64xi32, #tpu.memory_space<vmem>>, vector<1x16xi32>,
    %swap3A_284 = vector.shape_cast %swap3A_283 : vector<1x16xi32> to vector<16xi32>
    %swap3A_285 = vector.shape_cast %shift_right_logical3A_279 : vector<16xi32> to vector<1x16xi32>
    tpu.vector_store %arg8[%swap3A_281, %swap3A_282], %swap3A_285 {strides = array<i32>} : memref<4x64xi32, #tpu.memory_space<vmem>>, vector<1x16xi32>,
    %get3A_286 = arith.constant 2 : i32
    %get3A_287 = arith.index_cast %get3A_286 : i32 to index
    %get3A_288 = arith.constant 16 : index
    %get3A_289 = tpu.vector_load %arg6[%get3A_287, %get3A_288] {strides = array<i32>} : memref<80x64xi32, #tpu.memory_space<vmem>>, vector<1x16xi32>,
    %get3A_290 = vector.shape_cast %get3A_289 : vector<1x16xi32> to vector<16xi32>
    %and3A_291 = arith.constant 16383 : i32
    %and3A_292 = vector.broadcast %and3A_291 : i32 to vector<16xi32>
    %and3A_293 = arith.andi %get3A_290, %and3A_292 : vector<16xi32>
    %swap3A_294 = arith.constant 2 : i32
    %swap3A_295 = arith.index_cast %swap3A_294 : i32 to index
    %swap3A_296 = arith.constant 16 : index
    %swap3A_297 = tpu.vector_load %arg7[%swap3A_295, %swap3A_296] {strides = array<i32>} : memref<4x64xi32, #tpu.memory_space<vmem>>, vector<1x16xi32>,
    %swap3A_298 = vector.shape_cast %swap3A_297 : vector<1x16xi32> to vector<16xi32>
    %swap3A_299 = vector.shape_cast %and3A_293 : vector<16xi32> to vector<1x16xi32>
    tpu.vector_store %arg7[%swap3A_295, %swap3A_296], %swap3A_299 {strides = array<i32>} : memref<4x64xi32, #tpu.memory_space<vmem>>, vector<1x16xi32>,
    %shift_right_logical3A_300 = arith.constant 14 : i32
    %shift_right_logical3A_301 = vector.broadcast %shift_right_logical3A_300 : i32 to vector<16xi32>
    %shift_right_logical3A_302 = arith.shrui %get3A_290, %shift_right_logical3A_301 : vector<16xi32>
    %swap3A_303 = arith.constant 2 : i32
    %swap3A_304 = arith.index_cast %swap3A_303 : i32 to index
    %swap3A_305 = arith.constant 16 : index
    %swap3A_306 = tpu.vector_load %arg8[%swap3A_304, %swap3A_305] {strides = array<i32>} : memref<4x64xi32, #tpu.memory_space<vmem>>, vector<1x16xi32>,
    %swap3A_307 = vector.shape_cast %swap3A_306 : vector<1x16xi32> to vector<16xi32>
    %swap3A_308 = vector.shape_cast %shift_right_logical3A_302 : vector<16xi32> to vector<1x16xi32>
    tpu.vector_store %arg8[%swap3A_304, %swap3A_305], %swap3A_308 {strides = array<i32>} : memref<4x64xi32, #tpu.memory_space<vmem>>, vector<1x16xi32>,
    %get3A_309 = arith.constant 2 : i32
    %get3A_310 = arith.index_cast %get3A_309 : i32 to index
    %get3A_311 = arith.constant 32 : index
    %get3A_312 = tpu.vector_load %arg6[%get3A_310, %get3A_311] {strides = array<i32>} : memref<80x64xi32, #tpu.memory_space<vmem>>, vector<1x16xi32>,
    %get3A_313 = vector.shape_cast %get3A_312 : vector<1x16xi32> to vector<16xi32>
    %and3A_314 = arith.constant 16383 : i32
    %and3A_315 = vector.broadcast %and3A_314 : i32 to vector<16xi32>
    %and3A_316 = arith.andi %get3A_313, %and3A_315 : vector<16xi32>
    %swap3A_317 = arith.constant 2 : i32
    %swap3A_318 = arith.index_cast %swap3A_317 : i32 to index
    %swap3A_319 = arith.constant 32 : index
    %swap3A_320 = tpu.vector_load %arg7[%swap3A_318, %swap3A_319] {strides = array<i32>} : memref<4x64xi32, #tpu.memory_space<vmem>>, vector<1x16xi32>,
    %swap3A_321 = vector.shape_cast %swap3A_320 : vector<1x16xi32> to vector<16xi32>
    %swap3A_322 = vector.shape_cast %and3A_316 : vector<16xi32> to vector<1x16xi32>
    tpu.vector_store %arg7[%swap3A_318, %swap3A_319], %swap3A_322 {strides = array<i32>} : memref<4x64xi32, #tpu.memory_space<vmem>>, vector<1x16xi32>,
    %shift_right_logical3A_323 = arith.constant 14 : i32
    %shift_right_logical3A_324 = vector.broadcast %shift_right_logical3A_323 : i32 to vector<16xi32>
    %shift_right_logical3A_325 = arith.shrui %get3A_313, %shift_right_logical3A_324 : vector<16xi32>
    %swap3A_326 = arith.constant 2 : i32
    %swap3A_327 = arith.index_cast %swap3A_326 : i32 to index
    %swap3A_328 = arith.constant 32 : index
    %swap3A_329 = tpu.vector_load %arg8[%swap3A_327, %swap3A_328] {strides = array<i32>} : memref<4x64xi32, #tpu.memory_space<vmem>>, vector<1x16xi32>,
    %swap3A_330 = vector.shape_cast %swap3A_329 : vector<1x16xi32> to vector<16xi32>
    %swap3A_331 = vector.shape_cast %shift_right_logical3A_325 : vector<16xi32> to vector<1x16xi32>
    tpu.vector_store %arg8[%swap3A_327, %swap3A_328], %swap3A_331 {strides = array<i32>} : memref<4x64xi32, #tpu.memory_space<vmem>>, vector<1x16xi32>,
    %get3A_332 = arith.constant 2 : i32
    %get3A_333 = arith.index_cast %get3A_332 : i32 to index
    %get3A_334 = arith.constant 48 : index
    %get3A_335 = tpu.vector_load %arg6[%get3A_333, %get3A_334] {strides = array<i32>} : memref<80x64xi32, #tpu.memory_space<vmem>>, vector<1x16xi32>,
    %get3A_336 = vector.shape_cast %get3A_335 : vector<1x16xi32> to vector<16xi32>
    %and3A_337 = arith.constant 16383 : i32
    %and3A_338 = vector.broadcast %and3A_337 : i32 to vector<16xi32>
    %and3A_339 = arith.andi %get3A_336, %and3A_338 : vector<16xi32>
    %swap3A_340 = arith.constant 2 : i32
    %swap3A_341 = arith.index_cast %swap3A_340 : i32 to index
    %swap3A_342 = arith.constant 48 : index
    %swap3A_343 = tpu.vector_load %arg7[%swap3A_341, %swap3A_342] {strides = array<i32>} : memref<4x64xi32, #tpu.memory_space<vmem>>, vector<1x16xi32>,
    %swap3A_344 = vector.shape_cast %swap3A_343 : vector<1x16xi32> to vector<16xi32>
    %swap3A_345 = vector.shape_cast %and3A_339 : vector<16xi32> to vector<1x16xi32>
    tpu.vector_store %arg7[%swap3A_341, %swap3A_342], %swap3A_345 {strides = array<i32>} : memref<4x64xi32, #tpu.memory_space<vmem>>, vector<1x16xi32>,
    %shift_right_logical3A_346 = arith.constant 14 : i32
    %shift_right_logical3A_347 = vector.broadcast %shift_right_logical3A_346 : i32 to vector<16xi32>
    %shift_right_logical3A_348 = arith.shrui %get3A_336, %shift_right_logical3A_347 : vector<16xi32>
    %swap3A_349 = arith.constant 2 : i32
    %swap3A_350 = arith.index_cast %swap3A_349 : i32 to index
    %swap3A_351 = arith.constant 48 : index
    %swap3A_352 = tpu.vector_load %arg8[%swap3A_350, %swap3A_351] {strides = array<i32>} : memref<4x64xi32, #tpu.memory_space<vmem>>, vector<1x16xi32>,
    %swap3A_353 = vector.shape_cast %swap3A_352 : vector<1x16xi32> to vector<16xi32>
    %swap3A_354 = vector.shape_cast %shift_right_logical3A_348 : vector<16xi32> to vector<1x16xi32>
    tpu.vector_store %arg8[%swap3A_350, %swap3A_351], %swap3A_354 {strides = array<i32>} : memref<4x64xi32, #tpu.memory_space<vmem>>, vector<1x16xi32>,
    %dma_start3A_355 = arith.constant 2 : i32
    %dma_start3A_356 = arith.constant 2 : i32
    %dma_start3A_357 = arith.constant 0 : i32
    %dma_start3A_358 = arith.constant 0 : i32
    %dma_start3A_359 = tpu.memref_slice %arg9[%dma_start3A_356, %dma_start3A_357, %dma_start3A_358] : memref<4x64x128xf32, #tpu.memory_space<vmem>> -> memref<1x64x128xf32, #tpu.memory_space<vmem>>
    %dma_start3A_360 = tpu.memref_squeeze %dma_start3A_359 : memref<1x64x128xf32, #tpu.memory_space<vmem>> -> memref<64x128xf32, #tpu.memory_space<vmem>>
    %dma_start3A_361 = arith.constant 0 : i32
    %dma_start3A_362 = tpu.memref_slice %arg7[%dma_start3A_355, %dma_start3A_361] : memref<4x64xi32, #tpu.memory_space<vmem>> -> memref<1x64xi32, #tpu.memory_space<vmem>>
    %dma_start3A_363 = tpu.memref_squeeze %dma_start3A_362 : memref<1x64xi32, #tpu.memory_space<vmem>> -> memref<64xi32, #tpu.memory_space<vmem>>
    %dma_start3A_364 = arith.constant 0 : i32
    %dma_start3A_365 = arith.constant 0 : i32
    %dma_start3A_366 = tpu.memref_slice %arg2[%dma_start3A_364, %dma_start3A_365] : memref<10000x128xf32, #tpu.memory_space<hbm>> -> memref<10000x128xf32, #tpu.memory_space<hbm>>
    tpu.enqueue_indirect_dma source(%dma_start3A_366 : memref<10000x128xf32, #tpu.memory_space<hbm>>) target(%dma_start3A_360 : memref<64x128xf32, #tpu.memory_space<vmem>>) offsets(%dma_start3A_363 : memref<64xi32, #tpu.memory_space<vmem>>) semaphore(%arg12 : memref<!tpu.dma_semaphore, #tpu.memory_space<semaphore_mem>>)
    %dma_wait3A_367 = arith.constant 1 : i32
    %dma_wait3A_368 = arith.constant 1 : i32
    %dma_wait3A_369 = arith.constant 0 : i32
    %dma_wait3A_370 = arith.constant 0 : i32
    %dma_wait3A_371 = tpu.memref_slice %arg9[%dma_wait3A_368, %dma_wait3A_369, %dma_wait3A_370] : memref<4x64x128xf32, #tpu.memory_space<vmem>> -> memref<1x64x128xf32, #tpu.memory_space<vmem>>
    %dma_wait3A_372 = tpu.memref_squeeze %dma_wait3A_371 : memref<1x64x128xf32, #tpu.memory_space<vmem>> -> memref<64x128xf32, #tpu.memory_space<vmem>>
    %dma_wait3A_373 = arith.constant 0 : i32
    %dma_wait3A_374 = tpu.memref_slice %arg7[%dma_wait3A_367, %dma_wait3A_373] : memref<4x64xi32, #tpu.memory_space<vmem>> -> memref<1x64xi32, #tpu.memory_space<vmem>>
    %dma_wait3A_375 = tpu.memref_squeeze %dma_wait3A_374 : memref<1x64xi32, #tpu.memory_space<vmem>> -> memref<64xi32, #tpu.memory_space<vmem>>
    %dma_wait3A_376 = arith.constant 0 : i32
    %dma_wait3A_377 = arith.constant 0 : i32
    %dma_wait3A_378 = tpu.memref_slice %arg2[%dma_wait3A_376, %dma_wait3A_377] : memref<10000x128xf32, #tpu.memory_space<hbm>> -> memref<10000x128xf32, #tpu.memory_space<hbm>>
    tpu.wait_indirect_dma semaphore(%arg11 : memref<!tpu.dma_semaphore, #tpu.memory_space<semaphore_mem>>) src(%dma_wait3A_378 : memref<10000x128xf32, #tpu.memory_space<hbm>>) dst(%dma_wait3A_372 : memref<64x128xf32, #tpu.memory_space<vmem>>)
    %dma_start3A_379 = arith.constant 1 : i32
    %dma_start3A_380 = arith.constant 1 : i32
    %dma_start3A_381 = arith.constant 0 : i32
    %dma_start3A_382 = arith.constant 0 : i32
    %dma_start3A_383 = tpu.memref_slice %arg9[%dma_start3A_379, %dma_start3A_381, %dma_start3A_382] : memref<4x64x128xf32, #tpu.memory_space<vmem>> -> memref<1x64x128xf32, #tpu.memory_space<vmem>>
    %dma_start3A_384 = tpu.memref_squeeze %dma_start3A_383 : memref<1x64x128xf32, #tpu.memory_space<vmem>> -> memref<64x128xf32, #tpu.memory_space<vmem>>
    %dma_start3A_385 = arith.constant 0 : i32
    %dma_start3A_386 = tpu.memref_slice %arg8[%dma_start3A_380, %dma_start3A_385] : memref<4x64xi32, #tpu.memory_space<vmem>> -> memref<1x64xi32, #tpu.memory_space<vmem>>
    %dma_start3A_387 = tpu.memref_squeeze %dma_start3A_386 : memref<1x64xi32, #tpu.memory_space<vmem>> -> memref<64xi32, #tpu.memory_space<vmem>>
    %dma_start3A_388 = arith.constant 0 : i32
    %dma_start3A_389 = arith.constant 0 : i32
    %dma_start3A_390 = tpu.memref_slice %arg5[%dma_start3A_388, %dma_start3A_389] : memref<10240x128xf32, #tpu.memory_space<vmem_shared>> -> memref<10240x128xf32, #tpu.memory_space<vmem_shared>>
    tpu.enqueue_indirect_dma source(%dma_start3A_384 : memref<64x128xf32, #tpu.memory_space<vmem>>) target(%dma_start3A_390 : memref<10240x128xf32, #tpu.memory_space<vmem_shared>>) offsets(%dma_start3A_387 : memref<64xi32, #tpu.memory_space<vmem>>) semaphore(%arg15 : memref<!tpu.dma_semaphore, #tpu.memory_space<semaphore_mem>>) {add = true}
    %get3A_391 = arith.constant 3 : i32
    %get3A_392 = arith.index_cast %get3A_391 : i32 to index
    %get3A_393 = arith.constant 0 : index
    %get3A_394 = tpu.vector_load %arg6[%get3A_392, %get3A_393] {strides = array<i32>} : memref<80x64xi32, #tpu.memory_space<vmem>>, vector<1x16xi32>,
    %get3A_395 = vector.shape_cast %get3A_394 : vector<1x16xi32> to vector<16xi32>
    %and3A_396 = arith.constant 16383 : i32
    %and3A_397 = vector.broadcast %and3A_396 : i32 to vector<16xi32>
    %and3A_398 = arith.andi %get3A_395, %and3A_397 : vector<16xi32>
    %swap3A_399 = arith.constant 3 : i32
    %swap3A_400 = arith.index_cast %swap3A_399 : i32 to index
    %swap3A_401 = arith.constant 0 : index
    %swap3A_402 = tpu.vector_load %arg7[%swap3A_400, %swap3A_401] {strides = array<i32>} : memref<4x64xi32, #tpu.memory_space<vmem>>, vector<1x16xi32>,
    %swap3A_403 = vector.shape_cast %swap3A_402 : vector<1x16xi32> to vector<16xi32>
    %swap3A_404 = vector.shape_cast %and3A_398 : vector<16xi32> to vector<1x16xi32>
    tpu.vector_store %arg7[%swap3A_400, %swap3A_401], %swap3A_404 {strides = array<i32>} : memref<4x64xi32, #tpu.memory_space<vmem>>, vector<1x16xi32>,
    %shift_right_logical3A_405 = arith.constant 14 : i32
    %shift_right_logical3A_406 = vector.broadcast %shift_right_logical3A_405 : i32 to vector<16xi32>
    %shift_right_logical3A_407 = arith.shrui %get3A_395, %shift_right_logical3A_406 : vector<16xi32>
    %swap3A_408 = arith.constant 3 : i32
    %swap3A_409 = arith.index_cast %swap3A_408 : i32 to index
    %swap3A_410 = arith.constant 0 : index
    %swap3A_411 = tpu.vector_load %arg8[%swap3A_409, %swap3A_410] {strides = array<i32>} : memref<4x64xi32, #tpu.memory_space<vmem>>, vector<1x16xi32>,
    %swap3A_412 = vector.shape_cast %swap3A_411 : vector<1x16xi32> to vector<16xi32>
    %swap3A_413 = vector.shape_cast %shift_right_logical3A_407 : vector<16xi32> to vector<1x16xi32>
    tpu.vector_store %arg8[%swap3A_409, %swap3A_410], %swap3A_413 {strides = array<i32>} : memref<4x64xi32, #tpu.memory_space<vmem>>, vector<1x16xi32>,
    %get3A_414 = arith.constant 3 : i32
    %get3A_415 = arith.index_cast %get3A_414 : i32 to index
    %get3A_416 = arith.constant 16 : index
    %get3A_417 = tpu.vector_load %arg6[%get3A_415, %get3A_416] {strides = array<i32>} : memref<80x64xi32, #tpu.memory_space<vmem>>, vector<1x16xi32>,
    %get3A_418 = vector.shape_cast %get3A_417 : vector<1x16xi32> to vector<16xi32>
    %and3A_419 = arith.constant 16383 : i32
    %and3A_420 = vector.broadcast %and3A_419 : i32 to vector<16xi32>
    %and3A_421 = arith.andi %get3A_418, %and3A_420 : vector<16xi32>
    %swap3A_422 = arith.constant 3 : i32
    %swap3A_423 = arith.index_cast %swap3A_422 : i32 to index
    %swap3A_424 = arith.constant 16 : index
    %swap3A_425 = tpu.vector_load %arg7[%swap3A_423, %swap3A_424] {strides = array<i32>} : memref<4x64xi32, #tpu.memory_space<vmem>>, vector<1x16xi32>,
    %swap3A_426 = vector.shape_cast %swap3A_425 : vector<1x16xi32> to vector<16xi32>
    %swap3A_427 = vector.shape_cast %and3A_421 : vector<16xi32> to vector<1x16xi32>
    tpu.vector_store %arg7[%swap3A_423, %swap3A_424], %swap3A_427 {strides = array<i32>} : memref<4x64xi32, #tpu.memory_space<vmem>>, vector<1x16xi32>,
    %shift_right_logical3A_428 = arith.constant 14 : i32
    %shift_right_logical3A_429 = vector.broadcast %shift_right_logical3A_428 : i32 to vector<16xi32>
    %shift_right_logical3A_430 = arith.shrui %get3A_418, %shift_right_logical3A_429 : vector<16xi32>
    %swap3A_431 = arith.constant 3 : i32
    %swap3A_432 = arith.index_cast %swap3A_431 : i32 to index
    %swap3A_433 = arith.constant 16 : index
    %swap3A_434 = tpu.vector_load %arg8[%swap3A_432, %swap3A_433] {strides = array<i32>} : memref<4x64xi32, #tpu.memory_space<vmem>>, vector<1x16xi32>,
    %swap3A_435 = vector.shape_cast %swap3A_434 : vector<1x16xi32> to vector<16xi32>
    %swap3A_436 = vector.shape_cast %shift_right_logical3A_430 : vector<16xi32> to vector<1x16xi32>
    tpu.vector_store %arg8[%swap3A_432, %swap3A_433], %swap3A_436 {strides = array<i32>} : memref<4x64xi32, #tpu.memory_space<vmem>>, vector<1x16xi32>,
    %get3A_437 = arith.constant 3 : i32
    %get3A_438 = arith.index_cast %get3A_437 : i32 to index
    %get3A_439 = arith.constant 32 : index
    %get3A_440 = tpu.vector_load %arg6[%get3A_438, %get3A_439] {strides = array<i32>} : memref<80x64xi32, #tpu.memory_space<vmem>>, vector<1x16xi32>,
    %get3A_441 = vector.shape_cast %get3A_440 : vector<1x16xi32> to vector<16xi32>
    %and3A_442 = arith.constant 16383 : i32
    %and3A_443 = vector.broadcast %and3A_442 : i32 to vector<16xi32>
    %and3A_444 = arith.andi %get3A_441, %and3A_443 : vector<16xi32>
    %swap3A_445 = arith.constant 3 : i32
    %swap3A_446 = arith.index_cast %swap3A_445 : i32 to index
    %swap3A_447 = arith.constant 32 : index
    %swap3A_448 = tpu.vector_load %arg7[%swap3A_446, %swap3A_447] {strides = array<i32>} : memref<4x64xi32, #tpu.memory_space<vmem>>, vector<1x16xi32>,
    %swap3A_449 = vector.shape_cast %swap3A_448 : vector<1x16xi32> to vector<16xi32>
    %swap3A_450 = vector.shape_cast %and3A_444 : vector<16xi32> to vector<1x16xi32>
    tpu.vector_store %arg7[%swap3A_446, %swap3A_447], %swap3A_450 {strides = array<i32>} : memref<4x64xi32, #tpu.memory_space<vmem>>, vector<1x16xi32>,
    %shift_right_logical3A_451 = arith.constant 14 : i32
    %shift_right_logical3A_452 = vector.broadcast %shift_right_logical3A_451 : i32 to vector<16xi32>
    %shift_right_logical3A_453 = arith.shrui %get3A_441, %shift_right_logical3A_452 : vector<16xi32>
    %swap3A_454 = arith.constant 3 : i32
    %swap3A_455 = arith.index_cast %swap3A_454 : i32 to index
    %swap3A_456 = arith.constant 32 : index
    %swap3A_457 = tpu.vector_load %arg8[%swap3A_455, %swap3A_456] {strides = array<i32>} : memref<4x64xi32, #tpu.memory_space<vmem>>, vector<1x16xi32>,
    %swap3A_458 = vector.shape_cast %swap3A_457 : vector<1x16xi32> to vector<16xi32>
    %swap3A_459 = vector.shape_cast %shift_right_logical3A_453 : vector<16xi32> to vector<1x16xi32>
    tpu.vector_store %arg8[%swap3A_455, %swap3A_456], %swap3A_459 {strides = array<i32>} : memref<4x64xi32, #tpu.memory_space<vmem>>, vector<1x16xi32>,
    %get3A_460 = arith.constant 3 : i32
    %get3A_461 = arith.index_cast %get3A_460 : i32 to index
    %get3A_462 = arith.constant 48 : index
    %get3A_463 = tpu.vector_load %arg6[%get3A_461, %get3A_462] {strides = array<i32>} : memref<80x64xi32, #tpu.memory_space<vmem>>, vector<1x16xi32>,
    %get3A_464 = vector.shape_cast %get3A_463 : vector<1x16xi32> to vector<16xi32>
    %and3A_465 = arith.constant 16383 : i32
    %and3A_466 = vector.broadcast %and3A_465 : i32 to vector<16xi32>
    %and3A_467 = arith.andi %get3A_464, %and3A_466 : vector<16xi32>
    %swap3A_468 = arith.constant 3 : i32
    %swap3A_469 = arith.index_cast %swap3A_468 : i32 to index
    %swap3A_470 = arith.constant 48 : index
    %swap3A_471 = tpu.vector_load %arg7[%swap3A_469, %swap3A_470] {strides = array<i32>} : memref<4x64xi32, #tpu.memory_space<vmem>>, vector<1x16xi32>,
    %swap3A_472 = vector.shape_cast %swap3A_471 : vector<1x16xi32> to vector<16xi32>
    %swap3A_473 = vector.shape_cast %and3A_467 : vector<16xi32> to vector<1x16xi32>
    tpu.vector_store %arg7[%swap3A_469, %swap3A_470], %swap3A_473 {strides = array<i32>} : memref<4x64xi32, #tpu.memory_space<vmem>>, vector<1x16xi32>,
    %shift_right_logical3A_474 = arith.constant 14 : i32
    %shift_right_logical3A_475 = vector.broadcast %shift_right_logical3A_474 : i32 to vector<16xi32>
    %shift_right_logical3A_476 = arith.shrui %get3A_464, %shift_right_logical3A_475 : vector<16xi32>
    %swap3A_477 = arith.constant 3 : i32
    %swap3A_478 = arith.index_cast %swap3A_477 : i32 to index
    %swap3A_479 = arith.constant 48 : index
    %swap3A_480 = tpu.vector_load %arg8[%swap3A_478, %swap3A_479] {strides = array<i32>} : memref<4x64xi32, #tpu.memory_space<vmem>>, vector<1x16xi32>,
    %swap3A_481 = vector.shape_cast %swap3A_480 : vector<1x16xi32> to vector<16xi32>
    %swap3A_482 = vector.shape_cast %shift_right_logical3A_476 : vector<16xi32> to vector<1x16xi32>
    tpu.vector_store %arg8[%swap3A_478, %swap3A_479], %swap3A_482 {strides = array<i32>} : memref<4x64xi32, #tpu.memory_space<vmem>>, vector<1x16xi32>,
    %dma_start3A_483 = arith.constant 3 : i32
    %dma_start3A_484 = arith.constant 3 : i32
    %dma_start3A_485 = arith.constant 0 : i32
    %dma_start3A_486 = arith.constant 0 : i32
    %dma_start3A_487 = tpu.memref_slice %arg9[%dma_start3A_484, %dma_start3A_485, %dma_start3A_486] : memref<4x64x128xf32, #tpu.memory_space<vmem>> -> memref<1x64x128xf32, #tpu.memory_space<vmem>>
    %dma_start3A_488 = tpu.memref_squeeze %dma_start3A_487 : memref<1x64x128xf32, #tpu.memory_space<vmem>> -> memref<64x128xf32, #tpu.memory_space<vmem>>
    %dma_start3A_489 = arith.constant 0 : i32
    %dma_start3A_490 = tpu.memref_slice %arg7[%dma_start3A_483, %dma_start3A_489] : memref<4x64xi32, #tpu.memory_space<vmem>> -> memref<1x64xi32, #tpu.memory_space<vmem>>
    %dma_start3A_491 = tpu.memref_squeeze %dma_start3A_490 : memref<1x64xi32, #tpu.memory_space<vmem>> -> memref<64xi32, #tpu.memory_space<vmem>>
    %dma_start3A_492 = arith.constant 0 : i32
    %dma_start3A_493 = arith.constant 0 : i32
    %dma_start3A_494 = tpu.memref_slice %arg2[%dma_start3A_492, %dma_start3A_493] : memref<10000x128xf32, #tpu.memory_space<hbm>> -> memref<10000x128xf32, #tpu.memory_space<hbm>>
    tpu.enqueue_indirect_dma source(%dma_start3A_494 : memref<10000x128xf32, #tpu.memory_space<hbm>>) target(%dma_start3A_488 : memref<64x128xf32, #tpu.memory_space<vmem>>) offsets(%dma_start3A_491 : memref<64xi32, #tpu.memory_space<vmem>>) semaphore(%arg13 : memref<!tpu.dma_semaphore, #tpu.memory_space<semaphore_mem>>)
    %dma_wait3A_495 = arith.constant 2 : i32
    %dma_wait3A_496 = arith.constant 2 : i32
    %dma_wait3A_497 = arith.constant 0 : i32
    %dma_wait3A_498 = arith.constant 0 : i32
    %dma_wait3A_499 = tpu.memref_slice %arg9[%dma_wait3A_496, %dma_wait3A_497, %dma_wait3A_498] : memref<4x64x128xf32, #tpu.memory_space<vmem>> -> memref<1x64x128xf32, #tpu.memory_space<vmem>>
    %dma_wait3A_500 = tpu.memref_squeeze %dma_wait3A_499 : memref<1x64x128xf32, #tpu.memory_space<vmem>> -> memref<64x128xf32, #tpu.memory_space<vmem>>
    %dma_wait3A_501 = arith.constant 0 : i32
    %dma_wait3A_502 = tpu.memref_slice %arg7[%dma_wait3A_495, %dma_wait3A_501] : memref<4x64xi32, #tpu.memory_space<vmem>> -> memref<1x64xi32, #tpu.memory_space<vmem>>
    %dma_wait3A_503 = tpu.memref_squeeze %dma_wait3A_502 : memref<1x64xi32, #tpu.memory_space<vmem>> -> memref<64xi32, #tpu.memory_space<vmem>>
    %dma_wait3A_504 = arith.constant 0 : i32
    %dma_wait3A_505 = arith.constant 0 : i32
    %dma_wait3A_506 = tpu.memref_slice %arg2[%dma_wait3A_504, %dma_wait3A_505] : memref<10000x128xf32, #tpu.memory_space<hbm>> -> memref<10000x128xf32, #tpu.memory_space<hbm>>
    tpu.wait_indirect_dma semaphore(%arg12 : memref<!tpu.dma_semaphore, #tpu.memory_space<semaphore_mem>>) src(%dma_wait3A_506 : memref<10000x128xf32, #tpu.memory_space<hbm>>) dst(%dma_wait3A_500 : memref<64x128xf32, #tpu.memory_space<vmem>>)
    %dma_start3A_507 = arith.constant 2 : i32
    %dma_start3A_508 = arith.constant 2 : i32
    %dma_start3A_509 = arith.constant 0 : i32
    %dma_start3A_510 = arith.constant 0 : i32
    %dma_start3A_511 = tpu.memref_slice %arg9[%dma_start3A_507, %dma_start3A_509, %dma_start3A_510] : memref<4x64x128xf32, #tpu.memory_space<vmem>> -> memref<1x64x128xf32, #tpu.memory_space<vmem>>
    %dma_start3A_512 = tpu.memref_squeeze %dma_start3A_511 : memref<1x64x128xf32, #tpu.memory_space<vmem>> -> memref<64x128xf32, #tpu.memory_space<vmem>>
    %dma_start3A_513 = arith.constant 0 : i32
    %dma_start3A_514 = tpu.memref_slice %arg8[%dma_start3A_508, %dma_start3A_513] : memref<4x64xi32, #tpu.memory_space<vmem>> -> memref<1x64xi32, #tpu.memory_space<vmem>>
    %dma_start3A_515 = tpu.memref_squeeze %dma_start3A_514 : memref<1x64xi32, #tpu.memory_space<vmem>> -> memref<64xi32, #tpu.memory_space<vmem>>
    %dma_start3A_516 = arith.constant 0 : i32
    %dma_start3A_517 = arith.constant 0 : i32
    %dma_start3A_518 = tpu.memref_slice %arg5[%dma_start3A_516, %dma_start3A_517] : memref<10240x128xf32, #tpu.memory_space<vmem_shared>> -> memref<10240x128xf32, #tpu.memory_space<vmem_shared>>
    tpu.enqueue_indirect_dma source(%dma_start3A_512 : memref<64x128xf32, #tpu.memory_space<vmem>>) target(%dma_start3A_518 : memref<10240x128xf32, #tpu.memory_space<vmem_shared>>) offsets(%dma_start3A_515 : memref<64xi32, #tpu.memory_space<vmem>>) semaphore(%arg16 : memref<!tpu.dma_semaphore, #tpu.memory_space<semaphore_mem>>) {add = true}
    %dma_wait3A_519 = arith.constant 0 : i32
    %dma_wait3A_520 = arith.constant 0 : i32
    %dma_wait3A_521 = arith.constant 0 : i32
    %dma_wait3A_522 = arith.constant 0 : i32
    %dma_wait3A_523 = tpu.memref_slice %arg9[%dma_wait3A_519, %dma_wait3A_521, %dma_wait3A_522] : memref<4x64x128xf32, #tpu.memory_space<vmem>> -> memref<1x64x128xf32, #tpu.memory_space<vmem>>
    %dma_wait3A_524 = tpu.memref_squeeze %dma_wait3A_523 : memref<1x64x128xf32, #tpu.memory_space<vmem>> -> memref<64x128xf32, #tpu.memory_space<vmem>>
    %dma_wait3A_525 = arith.constant 0 : i32
    %dma_wait3A_526 = tpu.memref_slice %arg8[%dma_wait3A_520, %dma_wait3A_525] : memref<4x64xi32, #tpu.memory_space<vmem>> -> memref<1x64xi32, #tpu.memory_space<vmem>>
    %dma_wait3A_527 = tpu.memref_squeeze %dma_wait3A_526 : memref<1x64xi32, #tpu.memory_space<vmem>> -> memref<64xi32, #tpu.memory_space<vmem>>
    %dma_wait3A_528 = arith.constant 0 : i32
    %dma_wait3A_529 = arith.constant 0 : i32
    %dma_wait3A_530 = tpu.memref_slice %arg5[%dma_wait3A_528, %dma_wait3A_529] : memref<10240x128xf32, #tpu.memory_space<vmem_shared>> -> memref<10240x128xf32, #tpu.memory_space<vmem_shared>>
    tpu.wait_indirect_dma semaphore(%arg14 : memref<!tpu.dma_semaphore, #tpu.memory_space<semaphore_mem>>) src(%dma_wait3A_524 : memref<64x128xf32, #tpu.memory_space<vmem>>) dst(%dma_wait3A_530 : memref<10240x128xf32, #tpu.memory_space<vmem_shared>>)
    %get3A_531 = arith.constant 4 : i32
    %get3A_532 = arith.index_cast %get3A_531 : i32 to index
    %get3A_533 = arith.constant 0 : index
    %get3A_534 = tpu.vector_load %arg6[%get3A_532, %get3A_533] {strides = array<i32>} : memref<80x64xi32, #tpu.memory_space<vmem>>, vector<1x16xi32>,
    %get3A_535 = vector.shape_cast %get3A_534 : vector<1x16xi32> to vector<16xi32>
    %and3A_536 = arith.constant 16383 : i32
    %and3A_537 = vector.broadcast %and3A_536 : i32 to vector<16xi32>
    %and3A_538 = arith.andi %get3A_535, %and3A_537 : vector<16xi32>
    %swap3A_539 = arith.constant 0 : i32
    %swap3A_540 = arith.index_cast %swap3A_539 : i32 to index
    %swap3A_541 = arith.constant 0 : index
    %swap3A_542 = tpu.vector_load %arg7[%swap3A_540, %swap3A_541] {strides = array<i32>} : memref<4x64xi32, #tpu.memory_space<vmem>>, vector<1x16xi32>,
    %swap3A_543 = vector.shape_cast %swap3A_542 : vector<1x16xi32> to vector<16xi32>
    %swap3A_544 = vector.shape_cast %and3A_538 : vector<16xi32> to vector<1x16xi32>
    tpu.vector_store %arg7[%swap3A_540, %swap3A_541], %swap3A_544 {strides = array<i32>} : memref<4x64xi32, #tpu.memory_space<vmem>>, vector<1x16xi32>,
    %shift_right_logical3A_545 = arith.constant 14 : i32
    %shift_right_logical3A_546 = vector.broadcast %shift_right_logical3A_545 : i32 to vector<16xi32>
    %shift_right_logical3A_547 = arith.shrui %get3A_535, %shift_right_logical3A_546 : vector<16xi32>
    %swap3A_548 = arith.constant 0 : i32
    %swap3A_549 = arith.index_cast %swap3A_548 : i32 to index
    %swap3A_550 = arith.constant 0 : index
    %swap3A_551 = tpu.vector_load %arg8[%swap3A_549, %swap3A_550] {strides = array<i32>} : memref<4x64xi32, #tpu.memory_space<vmem>>, vector<1x16xi32>,
    %swap3A_552 = vector.shape_cast %swap3A_551 : vector<1x16xi32> to vector<16xi32>
    %swap3A_553 = vector.shape_cast %shift_right_logical3A_547 : vector<16xi32> to vector<1x16xi32>
    tpu.vector_store %arg8[%swap3A_549, %swap3A_550], %swap3A_553 {strides = array<i32>} : memref<4x64xi32, #tpu.memory_space<vmem>>, vector<1x16xi32>,
    %get3A_554 = arith.constant 4 : i32
    %get3A_555 = arith.index_cast %get3A_554 : i32 to index
    %get3A_556 = arith.constant 16 : index
    %get3A_557 = tpu.vector_load %arg6[%get3A_555, %get3A_556] {strides = array<i32>} : memref<80x64xi32, #tpu.memory_space<vmem>>, vector<1x16xi32>,
    %get3A_558 = vector.shape_cast %get3A_557 : vector<1x16xi32> to vector<16xi32>
    %and3A_559 = arith.constant 16383 : i32
    %and3A_560 = vector.broadcast %and3A_559 : i32 to vector<16xi32>
    %and3A_561 = arith.andi %get3A_558, %and3A_560 : vector<16xi32>
    %swap3A_562 = arith.constant 0 : i32
    %swap3A_563 = arith.index_cast %swap3A_562 : i32 to index
    %swap3A_564 = arith.constant 16 : index
    %swap3A_565 = tpu.vector_load %arg7[%swap3A_563, %swap3A_564] {strides = array<i32>} : memref<4x64xi32, #tpu.memory_space<vmem>>, vector<1x16xi32>,
    %swap3A_566 = vector.shape_cast %swap3A_565 : vector<1x16xi32> to vector<16xi32>
    %swap3A_567 = vector.shape_cast %and3A_561 : vector<16xi32> to vector<1x16xi32>
    tpu.vector_store %arg7[%swap3A_563, %swap3A_564], %swap3A_567 {strides = array<i32>} : memref<4x64xi32, #tpu.memory_space<vmem>>, vector<1x16xi32>,
    %shift_right_logical3A_568 = arith.constant 14 : i32
    %shift_right_logical3A_569 = vector.broadcast %shift_right_logical3A_568 : i32 to vector<16xi32>
    %shift_right_logical3A_570 = arith.shrui %get3A_558, %shift_right_logical3A_569 : vector<16xi32>
    %swap3A_571 = arith.constant 0 : i32
    %swap3A_572 = arith.index_cast %swap3A_571 : i32 to index
    %swap3A_573 = arith.constant 16 : index
    %swap3A_574 = tpu.vector_load %arg8[%swap3A_572, %swap3A_573] {strides = array<i32>} : memref<4x64xi32, #tpu.memory_space<vmem>>, vector<1x16xi32>,
    %swap3A_575 = vector.shape_cast %swap3A_574 : vector<1x16xi32> to vector<16xi32>
    %swap3A_576 = vector.shape_cast %shift_right_logical3A_570 : vector<16xi32> to vector<1x16xi32>
    tpu.vector_store %arg8[%swap3A_572, %swap3A_573], %swap3A_576 {strides = array<i32>} : memref<4x64xi32, #tpu.memory_space<vmem>>, vector<1x16xi32>,
    %get3A_577 = arith.constant 4 : i32
    %get3A_578 = arith.index_cast %get3A_577 : i32 to index
    %get3A_579 = arith.constant 32 : index
    %get3A_580 = tpu.vector_load %arg6[%get3A_578, %get3A_579] {strides = array<i32>} : memref<80x64xi32, #tpu.memory_space<vmem>>, vector<1x16xi32>,
    %get3A_581 = vector.shape_cast %get3A_580 : vector<1x16xi32> to vector<16xi32>
    %and3A_582 = arith.constant 16383 : i32
    %and3A_583 = vector.broadcast %and3A_582 : i32 to vector<16xi32>
    %and3A_584 = arith.andi %get3A_581, %and3A_583 : vector<16xi32>
    %swap3A_585 = arith.constant 0 : i32
    %swap3A_586 = arith.index_cast %swap3A_585 : i32 to index
    %swap3A_587 = arith.constant 32 : index
    %swap3A_588 = tpu.vector_load %arg7[%swap3A_586, %swap3A_587] {strides = array<i32>} : memref<4x64xi32, #tpu.memory_space<vmem>>, vector<1x16xi32>,
    %swap3A_589 = vector.shape_cast %swap3A_588 : vector<1x16xi32> to vector<16xi32>
    %swap3A_590 = vector.shape_cast %and3A_584 : vector<16xi32> to vector<1x16xi32>
    tpu.vector_store %arg7[%swap3A_586, %swap3A_587], %swap3A_590 {strides = array<i32>} : memref<4x64xi32, #tpu.memory_space<vmem>>, vector<1x16xi32>,
    %shift_right_logical3A_591 = arith.constant 14 : i32
    %shift_right_logical3A_592 = vector.broadcast %shift_right_logical3A_591 : i32 to vector<16xi32>
    %shift_right_logical3A_593 = arith.shrui %get3A_581, %shift_right_logical3A_592 : vector<16xi32>
    %swap3A_594 = arith.constant 0 : i32
    %swap3A_595 = arith.index_cast %swap3A_594 : i32 to index
    %swap3A_596 = arith.constant 32 : index
    %swap3A_597 = tpu.vector_load %arg8[%swap3A_595, %swap3A_596] {strides = array<i32>} : memref<4x64xi32, #tpu.memory_space<vmem>>, vector<1x16xi32>,
    %swap3A_598 = vector.shape_cast %swap3A_597 : vector<1x16xi32> to vector<16xi32>
    %swap3A_599 = vector.shape_cast %shift_right_logical3A_593 : vector<16xi32> to vector<1x16xi32>
    tpu.vector_store %arg8[%swap3A_595, %swap3A_596], %swap3A_599 {strides = array<i32>} : memref<4x64xi32, #tpu.memory_space<vmem>>, vector<1x16xi32>,
    %get3A_600 = arith.constant 4 : i32
    %get3A_601 = arith.index_cast %get3A_600 : i32 to index
    %get3A_602 = arith.constant 48 : index
    %get3A_603 = tpu.vector_load %arg6[%get3A_601, %get3A_602] {strides = array<i32>} : memref<80x64xi32, #tpu.memory_space<vmem>>, vector<1x16xi32>,
    %get3A_604 = vector.shape_cast %get3A_603 : vector<1x16xi32> to vector<16xi32>
    %and3A_605 = arith.constant 16383 : i32
    %and3A_606 = vector.broadcast %and3A_605 : i32 to vector<16xi32>
    %and3A_607 = arith.andi %get3A_604, %and3A_606 : vector<16xi32>
    %swap3A_608 = arith.constant 0 : i32
    %swap3A_609 = arith.index_cast %swap3A_608 : i32 to index
    %swap3A_610 = arith.constant 48 : index
    %swap3A_611 = tpu.vector_load %arg7[%swap3A_609, %swap3A_610] {strides = array<i32>} : memref<4x64xi32, #tpu.memory_space<vmem>>, vector<1x16xi32>,
    %swap3A_612 = vector.shape_cast %swap3A_611 : vector<1x16xi32> to vector<16xi32>
    %swap3A_613 = vector.shape_cast %and3A_607 : vector<16xi32> to vector<1x16xi32>
    tpu.vector_store %arg7[%swap3A_609, %swap3A_610], %swap3A_613 {strides = array<i32>} : memref<4x64xi32, #tpu.memory_space<vmem>>, vector<1x16xi32>,
    %shift_right_logical3A_614 = arith.constant 14 : i32
    %shift_right_logical3A_615 = vector.broadcast %shift_right_logical3A_614 : i32 to vector<16xi32>
    %shift_right_logical3A_616 = arith.shrui %get3A_604, %shift_right_logical3A_615 : vector<16xi32>
    %swap3A_617 = arith.constant 0 : i32
    %swap3A_618 = arith.index_cast %swap3A_617 : i32 to index
    %swap3A_619 = arith.constant 48 : index
    %swap3A_620 = tpu.vector_load %arg8[%swap3A_618, %swap3A_619] {strides = array<i32>} : memref<4x64xi32, #tpu.memory_space<vmem>>, vector<1x16xi32>,
    %swap3A_621 = vector.shape_cast %swap3A_620 : vector<1x16xi32> to vector<16xi32>
    %swap3A_622 = vector.shape_cast %shift_right_logical3A_616 : vector<16xi32> to vector<1x16xi32>
    tpu.vector_store %arg8[%swap3A_618, %swap3A_619], %swap3A_622 {strides = array<i32>} : memref<4x64xi32, #tpu.memory_space<vmem>>, vector<1x16xi32>,
    %dma_start3A_623 = arith.constant 0 : i32
    %dma_start3A_624 = arith.constant 0 : i32
    %dma_start3A_625 = arith.constant 0 : i32
    %dma_start3A_626 = arith.constant 0 : i32
    %dma_start3A_627 = tpu.memref_slice %arg9[%dma_start3A_624, %dma_start3A_625, %dma_start3A_626] : memref<4x64x128xf32, #tpu.memory_space<vmem>> -> memref<1x64x128xf32, #tpu.memory_space<vmem>>
    %dma_start3A_628 = tpu.memref_squeeze %dma_start3A_627 : memref<1x64x128xf32, #tpu.memory_space<vmem>> -> memref<64x128xf32, #tpu.memory_space<vmem>>
    %dma_start3A_629 = arith.constant 0 : i32
    %dma_start3A_630 = tpu.memref_slice %arg7[%dma_start3A_623, %dma_start3A_629] : memref<4x64xi32, #tpu.memory_space<vmem>> -> memref<1x64xi32, #tpu.memory_space<vmem>>
    %dma_start3A_631 = tpu.memref_squeeze %dma_start3A_630 : memref<1x64xi32, #tpu.memory_space<vmem>> -> memref<64xi32, #tpu.memory_space<vmem>>
    %dma_start3A_632 = arith.constant 0 : i32
    %dma_start3A_633 = arith.constant 0 : i32
    %dma_start3A_634 = tpu.memref_slice %arg2[%dma_start3A_632, %dma_start3A_633] : memref<10000x128xf32, #tpu.memory_space<hbm>> -> memref<10000x128xf32, #tpu.memory_space<hbm>>
    tpu.enqueue_indirect_dma source(%dma_start3A_634 : memref<10000x128xf32, #tpu.memory_space<hbm>>) target(%dma_start3A_628 : memref<64x128xf32, #tpu.memory_space<vmem>>) offsets(%dma_start3A_631 : memref<64xi32, #tpu.memory_space<vmem>>) semaphore(%arg10 : memref<!tpu.dma_semaphore, #tpu.memory_space<semaphore_mem>>)
    %dma_wait3A_635 = arith.constant 3 : i32
    %dma_wait3A_636 = arith.constant 3 : i32
    %dma_wait3A_637 = arith.constant 0 : i32
    %dma_wait3A_638 = arith.constant 0 : i32
    %dma_wait3A_639 = tpu.memref_slice %arg9[%dma_wait3A_636, %dma_wait3A_637, %dma_wait3A_638] : memref<4x64x128xf32, #tpu.memory_space<vmem>> -> memref<1x64x128xf32, #tpu.memory_space<vmem>>
    %dma_wait3A_640 = tpu.memref_squeeze %dma_wait3A_639 : memref<1x64x128xf32, #tpu.memory_space<vmem>> -> memref<64x128xf32, #tpu.memory_space<vmem>>
    %dma_wait3A_641 = arith.constant 0 : i32
    %dma_wait3A_642 = tpu.memref_slice %arg7[%dma_wait3A_635, %dma_wait3A_641] : memref<4x64xi32, #tpu.memory_space<vmem>> -> memref<1x64xi32, #tpu.memory_space<vmem>>
    %dma_wait3A_643 = tpu.memref_squeeze %dma_wait3A_642 : memref<1x64xi32, #tpu.memory_space<vmem>> -> memref<64xi32, #tpu.memory_space<vmem>>
    %dma_wait3A_644 = arith.constant 0 : i32
    %dma_wait3A_645 = arith.constant 0 : i32
    %dma_wait3A_646 = tpu.memref_slice %arg2[%dma_wait3A_644, %dma_wait3A_645] : memref<10000x128xf32, #tpu.memory_space<hbm>> -> memref<10000x128xf32, #tpu.memory_space<hbm>>
    tpu.wait_indirect_dma semaphore(%arg13 : memref<!tpu.dma_semaphore, #tpu.memory_space<semaphore_mem>>) src(%dma_wait3A_646 : memref<10000x128xf32, #tpu.memory_space<hbm>>) dst(%dma_wait3A_640 : memref<64x128xf32, #tpu.memory_space<vmem>>)
    %dma_start3A_647 = arith.constant 3 : i32
    %dma_start3A_648 = arith.constant 3 : i32
    %dma_start3A_649 = arith.constant 0 : i32
    %dma_start3A_650 = arith.constant 0 : i32
    %dma_start3A_651 = tpu.memref_slice %arg9[%dma_start3A_647, %dma_start3A_649, %dma_start3A_650] : memref<4x64x128xf32, #tpu.memory_space<vmem>> -> memref<1x64x128xf32, #tpu.memory_space<vmem>>
    %dma_start3A_652 = tpu.memref_squeeze %dma_start3A_651 : memref<1x64x128xf32, #tpu.memory_space<vmem>> -> memref<64x128xf32, #tpu.memory_space<vmem>>
    %dma_start3A_653 = arith.constant 0 : i32
    %dma_start3A_654 = tpu.memref_slice %arg8[%dma_start3A_648, %dma_start3A_653] : memref<4x64xi32, #tpu.memory_space<vmem>> -> memref<1x64xi32, #tpu.memory_space<vmem>>
    %dma_start3A_655 = tpu.memref_squeeze %dma_start3A_654 : memref<1x64xi32, #tpu.memory_space<vmem>> -> memref<64xi32, #tpu.memory_space<vmem>>
    %dma_start3A_656 = arith.constant 0 : i32
    %dma_start3A_657 = arith.constant 0 : i32
    %dma_start3A_658 = tpu.memref_slice %arg5[%dma_start3A_656, %dma_start3A_657] : memref<10240x128xf32, #tpu.memory_space<vmem_shared>> -> memref<10240x128xf32, #tpu.memory_space<vmem_shared>>
    tpu.enqueue_indirect_dma source(%dma_start3A_652 : memref<64x128xf32, #tpu.memory_space<vmem>>) target(%dma_start3A_658 : memref<10240x128xf32, #tpu.memory_space<vmem_shared>>) offsets(%dma_start3A_655 : memref<64xi32, #tpu.memory_space<vmem>>) semaphore(%arg17 : memref<!tpu.dma_semaphore, #tpu.memory_space<semaphore_mem>>) {add = true}
    %dma_wait3A_659 = arith.constant 1 : i32
    %dma_wait3A_660 = arith.constant 1 : i32
    %dma_wait3A_661 = arith.constant 0 : i32
    %dma_wait3A_662 = arith.constant 0 : i32
    %dma_wait3A_663 = tpu.memref_slice %arg9[%dma_wait3A_659, %dma_wait3A_661, %dma_wait3A_662] : memref<4x64x128xf32, #tpu.memory_space<vmem>> -> memref<1x64x128xf32, #tpu.memory_space<vmem>>
    %dma_wait3A_664 = tpu.memref_squeeze %dma_wait3A_663 : memref<1x64x128xf32, #tpu.memory_space<vmem>> -> memref<64x128xf32, #tpu.memory_space<vmem>>
    %dma_wait3A_665 = arith.constant 0 : i32
    %dma_wait3A_666 = tpu.memref_slice %arg8[%dma_wait3A_660, %dma_wait3A_665] : memref<4x64xi32, #tpu.memory_space<vmem>> -> memref<1x64xi32, #tpu.memory_space<vmem>>
    %dma_wait3A_667 = tpu.memref_squeeze %dma_wait3A_666 : memref<1x64xi32, #tpu.memory_space<vmem>> -> memref<64xi32, #tpu.memory_space<vmem>>
    %dma_wait3A_668 = arith.constant 0 : i32
    %dma_wait3A_669 = arith.constant 0 : i32
    %dma_wait3A_670 = tpu.memref_slice %arg5[%dma_wait3A_668, %dma_wait3A_669] : memref<10240x128xf32, #tpu.memory_space<vmem_shared>> -> memref<10240x128xf32, #tpu.memory_space<vmem_shared>>
    tpu.wait_indirect_dma semaphore(%arg15 : memref<!tpu.dma_semaphore, #tpu.memory_space<semaphore_mem>>) src(%dma_wait3A_664 : memref<64x128xf32, #tpu.memory_space<vmem>>) dst(%dma_wait3A_670 : memref<10240x128xf32, #tpu.memory_space<vmem_shared>>)
    %get3A_671 = arith.constant 5 : i32
    %get3A_672 = arith.index_cast %get3A_671 : i32 to index
    %get3A_673 = arith.constant 0 : index
    %get3A_674 = tpu.vector_load %arg6[%get3A_672, %get3A_673] {strides = array<i32>} : memref<80x64xi32, #tpu.memory_space<vmem>>, vector<1x16xi32>,
    %get3A_675 = vector.shape_cast %get3A_674 : vector<1x16xi32> to vector<16xi32>
    %and3A_676 = arith.constant 16383 : i32
    %and3A_677 = vector.broadcast %and3A_676 : i32 to vector<16xi32>
    %and3A_678 = arith.andi %get3A_675, %and3A_677 : vector<16xi32>
    %swap3A_679 = arith.constant 1 : i32
    %swap3A_680 = arith.index_cast %swap3A_679 : i32 to index
    %swap3A_681 = arith.constant 0 : index
    %swap3A_682 = tpu.vector_load %arg7[%swap3A_680, %swap3A_681] {strides = array<i32>} : memref<4x64xi32, #tpu.memory_space<vmem>>, vector<1x16xi32>,
    %swap3A_683 = vector.shape_cast %swap3A_682 : vector<1x16xi32> to vector<16xi32>
    %swap3A_684 = vector.shape_cast %and3A_678 : vector<16xi32> to vector<1x16xi32>
    tpu.vector_store %arg7[%swap3A_680, %swap3A_681], %swap3A_684 {strides = array<i32>} : memref<4x64xi32, #tpu.memory_space<vmem>>, vector<1x16xi32>,
    %shift_right_logical3A_685 = arith.constant 14 : i32
    %shift_right_logical3A_686 = vector.broadcast %shift_right_logical3A_685 : i32 to vector<16xi32>
    %shift_right_logical3A_687 = arith.shrui %get3A_675, %shift_right_logical3A_686 : vector<16xi32>
    %swap3A_688 = arith.constant 1 : i32
    %swap3A_689 = arith.index_cast %swap3A_688 : i32 to index
    %swap3A_690 = arith.constant 0 : index
    %swap3A_691 = tpu.vector_load %arg8[%swap3A_689, %swap3A_690] {strides = array<i32>} : memref<4x64xi32, #tpu.memory_space<vmem>>, vector<1x16xi32>,
    %swap3A_692 = vector.shape_cast %swap3A_691 : vector<1x16xi32> to vector<16xi32>
    %swap3A_693 = vector.shape_cast %shift_right_logical3A_687 : vector<16xi32> to vector<1x16xi32>
    tpu.vector_store %arg8[%swap3A_689, %swap3A_690], %swap3A_693 {strides = array<i32>} : memref<4x64xi32, #tpu.memory_space<vmem>>, vector<1x16xi32>,
    %get3A_694 = arith.constant 5 : i32
    %get3A_695 = arith.index_cast %get3A_694 : i32 to index
    %get3A_696 = arith.constant 16 : index
    %get3A_697 = tpu.vector_load %arg6[%get3A_695, %get3A_696] {strides = array<i32>} : memref<80x64xi32, #tpu.memory_space<vmem>>, vector<1x16xi32>,
    %get3A_698 = vector.shape_cast %get3A_697 : vector<1x16xi32> to vector<16xi32>
    %and3A_699 = arith.constant 16383 : i32
    %and3A_700 = vector.broadcast %and3A_699 : i32 to vector<16xi32>
    %and3A_701 = arith.andi %get3A_698, %and3A_700 : vector<16xi32>
    %swap3A_702 = arith.constant 1 : i32
    %swap3A_703 = arith.index_cast %swap3A_702 : i32 to index
    %swap3A_704 = arith.constant 16 : index
    %swap3A_705 = tpu.vector_load %arg7[%swap3A_703, %swap3A_704] {strides = array<i32>} : memref<4x64xi32, #tpu.memory_space<vmem>>, vector<1x16xi32>,
    %swap3A_706 = vector.shape_cast %swap3A_705 : vector<1x16xi32> to vector<16xi32>
    %swap3A_707 = vector.shape_cast %and3A_701 : vector<16xi32> to vector<1x16xi32>
    tpu.vector_store %arg7[%swap3A_703, %swap3A_704], %swap3A_707 {strides = array<i32>} : memref<4x64xi32, #tpu.memory_space<vmem>>, vector<1x16xi32>,
    %shift_right_logical3A_708 = arith.constant 14 : i32
    %shift_right_logical3A_709 = vector.broadcast %shift_right_logical3A_708 : i32 to vector<16xi32>
    %shift_right_logical3A_710 = arith.shrui %get3A_698, %shift_right_logical3A_709 : vector<16xi32>
    %swap3A_711 = arith.constant 1 : i32
    %swap3A_712 = arith.index_cast %swap3A_711 : i32 to index
    %swap3A_713 = arith.constant 16 : index
    %swap3A_714 = tpu.vector_load %arg8[%swap3A_712, %swap3A_713] {strides = array<i32>} : memref<4x64xi32, #tpu.memory_space<vmem>>, vector<1x16xi32>,
    %swap3A_715 = vector.shape_cast %swap3A_714 : vector<1x16xi32> to vector<16xi32>
    %swap3A_716 = vector.shape_cast %shift_right_logical3A_710 : vector<16xi32> to vector<1x16xi32>
    tpu.vector_store %arg8[%swap3A_712, %swap3A_713], %swap3A_716 {strides = array<i32>} : memref<4x64xi32, #tpu.memory_space<vmem>>, vector<1x16xi32>,
    %get3A_717 = arith.constant 5 : i32
    %get3A_718 = arith.index_cast %get3A_717 : i32 to index
    %get3A_719 = arith.constant 32 : index
    %get3A_720 = tpu.vector_load %arg6[%get3A_718, %get3A_719] {strides = array<i32>} : memref<80x64xi32, #tpu.memory_space<vmem>>, vector<1x16xi32>,
    %get3A_721 = vector.shape_cast %get3A_720 : vector<1x16xi32> to vector<16xi32>
    %and3A_722 = arith.constant 16383 : i32
    %and3A_723 = vector.broadcast %and3A_722 : i32 to vector<16xi32>
    %and3A_724 = arith.andi %get3A_721, %and3A_723 : vector<16xi32>
    %swap3A_725 = arith.constant 1 : i32
    %swap3A_726 = arith.index_cast %swap3A_725 : i32 to index
    %swap3A_727 = arith.constant 32 : index
    %swap3A_728 = tpu.vector_load %arg7[%swap3A_726, %swap3A_727] {strides = array<i32>} : memref<4x64xi32, #tpu.memory_space<vmem>>, vector<1x16xi32>,
    %swap3A_729 = vector.shape_cast %swap3A_728 : vector<1x16xi32> to vector<16xi32>
    %swap3A_730 = vector.shape_cast %and3A_724 : vector<16xi32> to vector<1x16xi32>
    tpu.vector_store %arg7[%swap3A_726, %swap3A_727], %swap3A_730 {strides = array<i32>} : memref<4x64xi32, #tpu.memory_space<vmem>>, vector<1x16xi32>,
    %shift_right_logical3A_731 = arith.constant 14 : i32
    %shift_right_logical3A_732 = vector.broadcast %shift_right_logical3A_731 : i32 to vector<16xi32>
    %shift_right_logical3A_733 = arith.shrui %get3A_721, %shift_right_logical3A_732 : vector<16xi32>
    %swap3A_734 = arith.constant 1 : i32
    %swap3A_735 = arith.index_cast %swap3A_734 : i32 to index
    %swap3A_736 = arith.constant 32 : index
    %swap3A_737 = tpu.vector_load %arg8[%swap3A_735, %swap3A_736] {strides = array<i32>} : memref<4x64xi32, #tpu.memory_space<vmem>>, vector<1x16xi32>,
    %swap3A_738 = vector.shape_cast %swap3A_737 : vector<1x16xi32> to vector<16xi32>
    %swap3A_739 = vector.shape_cast %shift_right_logical3A_733 : vector<16xi32> to vector<1x16xi32>
    tpu.vector_store %arg8[%swap3A_735, %swap3A_736], %swap3A_739 {strides = array<i32>} : memref<4x64xi32, #tpu.memory_space<vmem>>, vector<1x16xi32>,
    %get3A_740 = arith.constant 5 : i32
    %get3A_741 = arith.index_cast %get3A_740 : i32 to index
    %get3A_742 = arith.constant 48 : index
    %get3A_743 = tpu.vector_load %arg6[%get3A_741, %get3A_742] {strides = array<i32>} : memref<80x64xi32, #tpu.memory_space<vmem>>, vector<1x16xi32>,
    %get3A_744 = vector.shape_cast %get3A_743 : vector<1x16xi32> to vector<16xi32>
    %and3A_745 = arith.constant 16383 : i32
    %and3A_746 = vector.broadcast %and3A_745 : i32 to vector<16xi32>
    %and3A_747 = arith.andi %get3A_744, %and3A_746 : vector<16xi32>
    %swap3A_748 = arith.constant 1 : i32
    %swap3A_749 = arith.index_cast %swap3A_748 : i32 to index
    %swap3A_750 = arith.constant 48 : index
    %swap3A_751 = tpu.vector_load %arg7[%swap3A_749, %swap3A_750] {strides = array<i32>} : memref<4x64xi32, #tpu.memory_space<vmem>>, vector<1x16xi32>,
    %swap3A_752 = vector.shape_cast %swap3A_751 : vector<1x16xi32> to vector<16xi32>
    %swap3A_753 = vector.shape_cast %and3A_747 : vector<16xi32> to vector<1x16xi32>
    tpu.vector_store %arg7[%swap3A_749, %swap3A_750], %swap3A_753 {strides = array<i32>} : memref<4x64xi32, #tpu.memory_space<vmem>>, vector<1x16xi32>,
    %shift_right_logical3A_754 = arith.constant 14 : i32
    %shift_right_logical3A_755 = vector.broadcast %shift_right_logical3A_754 : i32 to vector<16xi32>
    %shift_right_logical3A_756 = arith.shrui %get3A_744, %shift_right_logical3A_755 : vector<16xi32>
    %swap3A_757 = arith.constant 1 : i32
    %swap3A_758 = arith.index_cast %swap3A_757 : i32 to index
    %swap3A_759 = arith.constant 48 : index
    %swap3A_760 = tpu.vector_load %arg8[%swap3A_758, %swap3A_759] {strides = array<i32>} : memref<4x64xi32, #tpu.memory_space<vmem>>, vector<1x16xi32>,
    %swap3A_761 = vector.shape_cast %swap3A_760 : vector<1x16xi32> to vector<16xi32>
    %swap3A_762 = vector.shape_cast %shift_right_logical3A_756 : vector<16xi32> to vector<1x16xi32>
    tpu.vector_store %arg8[%swap3A_758, %swap3A_759], %swap3A_762 {strides = array<i32>} : memref<4x64xi32, #tpu.memory_space<vmem>>, vector<1x16xi32>,
    %dma_start3A_763 = arith.constant 1 : i32
    %dma_start3A_764 = arith.constant 1 : i32
    %dma_start3A_765 = arith.constant 0 : i32
    %dma_start3A_766 = arith.constant 0 : i32
    %dma_start3A_767 = tpu.memref_slice %arg9[%dma_start3A_764, %dma_start3A_765, %dma_start3A_766] : memref<4x64x128xf32, #tpu.memory_space<vmem>> -> memref<1x64x128xf32, #tpu.memory_space<vmem>>
    %dma_start3A_768 = tpu.memref_squeeze %dma_start3A_767 : memref<1x64x128xf32, #tpu.memory_space<vmem>> -> memref<64x128xf32, #tpu.memory_space<vmem>>
    %dma_start3A_769 = arith.constant 0 : i32
    %dma_start3A_770 = tpu.memref_slice %arg7[%dma_start3A_763, %dma_start3A_769] : memref<4x64xi32, #tpu.memory_space<vmem>> -> memref<1x64xi32, #tpu.memory_space<vmem>>
    %dma_start3A_771 = tpu.memref_squeeze %dma_start3A_770 : memref<1x64xi32, #tpu.memory_space<vmem>> -> memref<64xi32, #tpu.memory_space<vmem>>
    %dma_start3A_772 = arith.constant 0 : i32
    %dma_start3A_773 = arith.constant 0 : i32
    %dma_start3A_774 = tpu.memref_slice %arg2[%dma_start3A_772, %dma_start3A_773] : memref<10000x128xf32, #tpu.memory_space<hbm>> -> memref<10000x128xf32, #tpu.memory_space<hbm>>
    tpu.enqueue_indirect_dma source(%dma_start3A_774 : memref<10000x128xf32, #tpu.memory_space<hbm>>) target(%dma_start3A_768 : memref<64x128xf32, #tpu.memory_space<vmem>>) offsets(%dma_start3A_771 : memref<64xi32, #tpu.memory_space<vmem>>) semaphore(%arg11 : memref<!tpu.dma_semaphore, #tpu.memory_space<semaphore_mem>>)
    %scan3A_775 = arith.constant 0 : i32
    %scan3A_776 = arith.constant 1 : i32
    %scan3A_777 = arith.constant 18 : i32
    %scan3A_778 = arith.addi %scan3A_776, %scan3A_777 : i32
    %scan3A_779 = arith.constant 1 : i32
    scf.for %scan3A_1158 = %scan3A_776 to %scan3A_778 step %scan3A_779  : i32 {
      %mul3A_1159 = arith.constant 4 : i32
      %mul3A_1160 = arith.muli %scan3A_1158, %mul3A_1159 : i32
      %add3A_1161 = arith.constant 0 : i32
      %add3A_1162 = arith.addi %mul3A_1160, %add3A_1161 : i32
      %dma_wait3A_1163 = arith.constant 0 : i32
      %dma_wait3A_1164 = arith.constant 0 : i32
      %dma_wait3A_1165 = arith.constant 0 : i32
      %dma_wait3A_1166 = arith.constant 0 : i32
      %dma_wait3A_1167 = tpu.memref_slice %arg9[%dma_wait3A_1164, %dma_wait3A_1165, %dma_wait3A_1166] : memref<4x64x128xf32, #tpu.memory_space<vmem>> -> memref<1x64x128xf32, #tpu.memory_space<vmem>>
      %dma_wait3A_1168 = tpu.memref_squeeze %dma_wait3A_1167 : memref<1x64x128xf32, #tpu.memory_space<vmem>> -> memref<64x128xf32, #tpu.memory_space<vmem>>
      %dma_wait3A_1169 = arith.constant 0 : i32
      %dma_wait3A_1170 = tpu.memref_slice %arg7[%dma_wait3A_1163, %dma_wait3A_1169] : memref<4x64xi32, #tpu.memory_space<vmem>> -> memref<1x64xi32, #tpu.memory_space<vmem>>
      %dma_wait3A_1171 = tpu.memref_squeeze %dma_wait3A_1170 : memref<1x64xi32, #tpu.memory_space<vmem>> -> memref<64xi32, #tpu.memory_space<vmem>>
      %dma_wait3A_1172 = arith.constant 0 : i32
      %dma_wait3A_1173 = arith.constant 0 : i32
      %dma_wait3A_1174 = tpu.memref_slice %arg2[%dma_wait3A_1172, %dma_wait3A_1173] : memref<10000x128xf32, #tpu.memory_space<hbm>> -> memref<10000x128xf32, #tpu.memory_space<hbm>>
      tpu.wait_indirect_dma semaphore(%arg10 : memref<!tpu.dma_semaphore, #tpu.memory_space<semaphore_mem>>) src(%dma_wait3A_1174 : memref<10000x128xf32, #tpu.memory_space<hbm>>) dst(%dma_wait3A_1168 : memref<64x128xf32, #tpu.memory_space<vmem>>)
      %dma_start3A_1175 = arith.constant 0 : i32
      %dma_start3A_1176 = arith.constant 0 : i32
      %dma_start3A_1177 = arith.constant 0 : i32
      %dma_start3A_1178 = arith.constant 0 : i32
      %dma_start3A_1179 = tpu.memref_slice %arg9[%dma_start3A_1175, %dma_start3A_1177, %dma_start3A_1178] : memref<4x64x128xf32, #tpu.memory_space<vmem>> -> memref<1x64x128xf32, #tpu.memory_space<vmem>>
      %dma_start3A_1180 = tpu.memref_squeeze %dma_start3A_1179 : memref<1x64x128xf32, #tpu.memory_space<vmem>> -> memref<64x128xf32, #tpu.memory_space<vmem>>
      %dma_start3A_1181 = arith.constant 0 : i32
      %dma_start3A_1182 = tpu.memref_slice %arg8[%dma_start3A_1176, %dma_start3A_1181] : memref<4x64xi32, #tpu.memory_space<vmem>> -> memref<1x64xi32, #tpu.memory_space<vmem>>
      %dma_start3A_1183 = tpu.memref_squeeze %dma_start3A_1182 : memref<1x64xi32, #tpu.memory_space<vmem>> -> memref<64xi32, #tpu.memory_space<vmem>>
      %dma_start3A_1184 = arith.constant 0 : i32
      %dma_start3A_1185 = arith.constant 0 : i32
      %dma_start3A_1186 = tpu.memref_slice %arg5[%dma_start3A_1184, %dma_start3A_1185] : memref<10240x128xf32, #tpu.memory_space<vmem_shared>> -> memref<10240x128xf32, #tpu.memory_space<vmem_shared>>
      tpu.enqueue_indirect_dma source(%dma_start3A_1180 : memref<64x128xf32, #tpu.memory_space<vmem>>) target(%dma_start3A_1186 : memref<10240x128xf32, #tpu.memory_space<vmem_shared>>) offsets(%dma_start3A_1183 : memref<64xi32, #tpu.memory_space<vmem>>) semaphore(%arg14 : memref<!tpu.dma_semaphore, #tpu.memory_space<semaphore_mem>>) {add = true}
      %dma_wait3A_1187 = arith.constant 2 : i32
      %dma_wait3A_1188 = arith.constant 2 : i32
      %dma_wait3A_1189 = arith.constant 0 : i32
      %dma_wait3A_1190 = arith.constant 0 : i32
      %dma_wait3A_1191 = tpu.memref_slice %arg9[%dma_wait3A_1187, %dma_wait3A_1189, %dma_wait3A_1190] : memref<4x64x128xf32, #tpu.memory_space<vmem>> -> memref<1x64x128xf32, #tpu.memory_space<vmem>>
      %dma_wait3A_1192 = tpu.memref_squeeze %dma_wait3A_1191 : memref<1x64x128xf32, #tpu.memory_space<vmem>> -> memref<64x128xf32, #tpu.memory_space<vmem>>
      %dma_wait3A_1193 = arith.constant 0 : i32
      %dma_wait3A_1194 = tpu.memref_slice %arg8[%dma_wait3A_1188, %dma_wait3A_1193] : memref<4x64xi32, #tpu.memory_space<vmem>> -> memref<1x64xi32, #tpu.memory_space<vmem>>
      %dma_wait3A_1195 = tpu.memref_squeeze %dma_wait3A_1194 : memref<1x64xi32, #tpu.memory_space<vmem>> -> memref<64xi32, #tpu.memory_space<vmem>>
      %dma_wait3A_1196 = arith.constant 0 : i32
      %dma_wait3A_1197 = arith.constant 0 : i32
      %dma_wait3A_1198 = tpu.memref_slice %arg5[%dma_wait3A_1196, %dma_wait3A_1197] : memref<10240x128xf32, #tpu.memory_space<vmem_shared>> -> memref<10240x128xf32, #tpu.memory_space<vmem_shared>>
      tpu.wait_indirect_dma semaphore(%arg16 : memref<!tpu.dma_semaphore, #tpu.memory_space<semaphore_mem>>) src(%dma_wait3A_1192 : memref<64x128xf32, #tpu.memory_space<vmem>>) dst(%dma_wait3A_1198 : memref<10240x128xf32, #tpu.memory_space<vmem_shared>>)
      %add3A_1199 = arith.constant 2 : i32
      %add3A_1200 = arith.addi %add3A_1162, %add3A_1199 : i32
      %get3A_1201 = arith.index_cast %add3A_1200 : i32 to index
      %get3A_1202 = arith.constant 0 : index
      %get3A_1203 = tpu.vector_load %arg6[%get3A_1201, %get3A_1202] {strides = array<i32>} : memref<80x64xi32, #tpu.memory_space<vmem>>, vector<1x16xi32>,
      %get3A_1204 = vector.shape_cast %get3A_1203 : vector<1x16xi32> to vector<16xi32>
      %and3A_1205 = arith.constant 16383 : i32
      %and3A_1206 = vector.broadcast %and3A_1205 : i32 to vector<16xi32>
      %and3A_1207 = arith.andi %get3A_1204, %and3A_1206 : vector<16xi32>
      %swap3A_1208 = arith.constant 2 : i32
      %swap3A_1209 = arith.index_cast %swap3A_1208 : i32 to index
      %swap3A_1210 = arith.constant 0 : index
      %swap3A_1211 = tpu.vector_load %arg7[%swap3A_1209, %swap3A_1210] {strides = array<i32>} : memref<4x64xi32, #tpu.memory_space<vmem>>, vector<1x16xi32>,
      %swap3A_1212 = vector.shape_cast %swap3A_1211 : vector<1x16xi32> to vector<16xi32>
      %swap3A_1213 = vector.shape_cast %and3A_1207 : vector<16xi32> to vector<1x16xi32>
      tpu.vector_store %arg7[%swap3A_1209, %swap3A_1210], %swap3A_1213 {strides = array<i32>} : memref<4x64xi32, #tpu.memory_space<vmem>>, vector<1x16xi32>,
      %shift_right_logical3A_1214 = arith.constant 14 : i32
      %shift_right_logical3A_1215 = vector.broadcast %shift_right_logical3A_1214 : i32 to vector<16xi32>
      %shift_right_logical3A_1216 = arith.shrui %get3A_1204, %shift_right_logical3A_1215 : vector<16xi32>
      %swap3A_1217 = arith.constant 2 : i32
      %swap3A_1218 = arith.index_cast %swap3A_1217 : i32 to index
      %swap3A_1219 = arith.constant 0 : index
      %swap3A_1220 = tpu.vector_load %arg8[%swap3A_1218, %swap3A_1219] {strides = array<i32>} : memref<4x64xi32, #tpu.memory_space<vmem>>, vector<1x16xi32>,
      %swap3A_1221 = vector.shape_cast %swap3A_1220 : vector<1x16xi32> to vector<16xi32>
      %swap3A_1222 = vector.shape_cast %shift_right_logical3A_1216 : vector<16xi32> to vector<1x16xi32>
      tpu.vector_store %arg8[%swap3A_1218, %swap3A_1219], %swap3A_1222 {strides = array<i32>} : memref<4x64xi32, #tpu.memory_space<vmem>>, vector<1x16xi32>,
      %get3A_1223 = arith.index_cast %add3A_1200 : i32 to index
      %get3A_1224 = arith.constant 16 : index
      %get3A_1225 = tpu.vector_load %arg6[%get3A_1223, %get3A_1224] {strides = array<i32>} : memref<80x64xi32, #tpu.memory_space<vmem>>, vector<1x16xi32>,
      %get3A_1226 = vector.shape_cast %get3A_1225 : vector<1x16xi32> to vector<16xi32>
      %and3A_1227 = arith.constant 16383 : i32
      %and3A_1228 = vector.broadcast %and3A_1227 : i32 to vector<16xi32>
      %and3A_1229 = arith.andi %get3A_1226, %and3A_1228 : vector<16xi32>
      %swap3A_1230 = arith.constant 2 : i32
      %swap3A_1231 = arith.index_cast %swap3A_1230 : i32 to index
      %swap3A_1232 = arith.constant 16 : index
      %swap3A_1233 = tpu.vector_load %arg7[%swap3A_1231, %swap3A_1232] {strides = array<i32>} : memref<4x64xi32, #tpu.memory_space<vmem>>, vector<1x16xi32>,
      %swap3A_1234 = vector.shape_cast %swap3A_1233 : vector<1x16xi32> to vector<16xi32>
      %swap3A_1235 = vector.shape_cast %and3A_1229 : vector<16xi32> to vector<1x16xi32>
      tpu.vector_store %arg7[%swap3A_1231, %swap3A_1232], %swap3A_1235 {strides = array<i32>} : memref<4x64xi32, #tpu.memory_space<vmem>>, vector<1x16xi32>,
      %shift_right_logical3A_1236 = arith.constant 14 : i32
      %shift_right_logical3A_1237 = vector.broadcast %shift_right_logical3A_1236 : i32 to vector<16xi32>
      %shift_right_logical3A_1238 = arith.shrui %get3A_1226, %shift_right_logical3A_1237 : vector<16xi32>
      %swap3A_1239 = arith.constant 2 : i32
      %swap3A_1240 = arith.index_cast %swap3A_1239 : i32 to index
      %swap3A_1241 = arith.constant 16 : index
      %swap3A_1242 = tpu.vector_load %arg8[%swap3A_1240, %swap3A_1241] {strides = array<i32>} : memref<4x64xi32, #tpu.memory_space<vmem>>, vector<1x16xi32>,
      %swap3A_1243 = vector.shape_cast %swap3A_1242 : vector<1x16xi32> to vector<16xi32>
      %swap3A_1244 = vector.shape_cast %shift_right_logical3A_1238 : vector<16xi32> to vector<1x16xi32>
      tpu.vector_store %arg8[%swap3A_1240, %swap3A_1241], %swap3A_1244 {strides = array<i32>} : memref<4x64xi32, #tpu.memory_space<vmem>>, vector<1x16xi32>,
      %get3A_1245 = arith.index_cast %add3A_1200 : i32 to index
      %get3A_1246 = arith.constant 32 : index
      %get3A_1247 = tpu.vector_load %arg6[%get3A_1245, %get3A_1246] {strides = array<i32>} : memref<80x64xi32, #tpu.memory_space<vmem>>, vector<1x16xi32>,
      %get3A_1248 = vector.shape_cast %get3A_1247 : vector<1x16xi32> to vector<16xi32>
      %and3A_1249 = arith.constant 16383 : i32
      %and3A_1250 = vector.broadcast %and3A_1249 : i32 to vector<16xi32>
      %and3A_1251 = arith.andi %get3A_1248, %and3A_1250 : vector<16xi32>
      %swap3A_1252 = arith.constant 2 : i32
      %swap3A_1253 = arith.index_cast %swap3A_1252 : i32 to index
      %swap3A_1254 = arith.constant 32 : index
      %swap3A_1255 = tpu.vector_load %arg7[%swap3A_1253, %swap3A_1254] {strides = array<i32>} : memref<4x64xi32, #tpu.memory_space<vmem>>, vector<1x16xi32>,
      %swap3A_1256 = vector.shape_cast %swap3A_1255 : vector<1x16xi32> to vector<16xi32>
      %swap3A_1257 = vector.shape_cast %and3A_1251 : vector<16xi32> to vector<1x16xi32>
      tpu.vector_store %arg7[%swap3A_1253, %swap3A_1254], %swap3A_1257 {strides = array<i32>} : memref<4x64xi32, #tpu.memory_space<vmem>>, vector<1x16xi32>,
      %shift_right_logical3A_1258 = arith.constant 14 : i32
      %shift_right_logical3A_1259 = vector.broadcast %shift_right_logical3A_1258 : i32 to vector<16xi32>
      %shift_right_logical3A_1260 = arith.shrui %get3A_1248, %shift_right_logical3A_1259 : vector<16xi32>
      %swap3A_1261 = arith.constant 2 : i32
      %swap3A_1262 = arith.index_cast %swap3A_1261 : i32 to index
      %swap3A_1263 = arith.constant 32 : index
      %swap3A_1264 = tpu.vector_load %arg8[%swap3A_1262, %swap3A_1263] {strides = array<i32>} : memref<4x64xi32, #tpu.memory_space<vmem>>, vector<1x16xi32>,
      %swap3A_1265 = vector.shape_cast %swap3A_1264 : vector<1x16xi32> to vector<16xi32>
      %swap3A_1266 = vector.shape_cast %shift_right_logical3A_1260 : vector<16xi32> to vector<1x16xi32>
      tpu.vector_store %arg8[%swap3A_1262, %swap3A_1263], %swap3A_1266 {strides = array<i32>} : memref<4x64xi32, #tpu.memory_space<vmem>>, vector<1x16xi32>,
      %get3A_1267 = arith.index_cast %add3A_1200 : i32 to index
      %get3A_1268 = arith.constant 48 : index
      %get3A_1269 = tpu.vector_load %arg6[%get3A_1267, %get3A_1268] {strides = array<i32>} : memref<80x64xi32, #tpu.memory_space<vmem>>, vector<1x16xi32>,
      %get3A_1270 = vector.shape_cast %get3A_1269 : vector<1x16xi32> to vector<16xi32>
      %and3A_1271 = arith.constant 16383 : i32
      %and3A_1272 = vector.broadcast %and3A_1271 : i32 to vector<16xi32>
      %and3A_1273 = arith.andi %get3A_1270, %and3A_1272 : vector<16xi32>
      %swap3A_1274 = arith.constant 2 : i32
      %swap3A_1275 = arith.index_cast %swap3A_1274 : i32 to index
      %swap3A_1276 = arith.constant 48 : index
      %swap3A_1277 = tpu.vector_load %arg7[%swap3A_1275, %swap3A_1276] {strides = array<i32>} : memref<4x64xi32, #tpu.memory_space<vmem>>, vector<1x16xi32>,
      %swap3A_1278 = vector.shape_cast %swap3A_1277 : vector<1x16xi32> to vector<16xi32>
      %swap3A_1279 = vector.shape_cast %and3A_1273 : vector<16xi32> to vector<1x16xi32>
      tpu.vector_store %arg7[%swap3A_1275, %swap3A_1276], %swap3A_1279 {strides = array<i32>} : memref<4x64xi32, #tpu.memory_space<vmem>>, vector<1x16xi32>,
      %shift_right_logical3A_1280 = arith.constant 14 : i32
      %shift_right_logical3A_1281 = vector.broadcast %shift_right_logical3A_1280 : i32 to vector<16xi32>
      %shift_right_logical3A_1282 = arith.shrui %get3A_1270, %shift_right_logical3A_1281 : vector<16xi32>
      %swap3A_1283 = arith.constant 2 : i32
      %swap3A_1284 = arith.index_cast %swap3A_1283 : i32 to index
      %swap3A_1285 = arith.constant 48 : index
      %swap3A_1286 = tpu.vector_load %arg8[%swap3A_1284, %swap3A_1285] {strides = array<i32>} : memref<4x64xi32, #tpu.memory_space<vmem>>, vector<1x16xi32>,
      %swap3A_1287 = vector.shape_cast %swap3A_1286 : vector<1x16xi32> to vector<16xi32>
      %swap3A_1288 = vector.shape_cast %shift_right_logical3A_1282 : vector<16xi32> to vector<1x16xi32>
      tpu.vector_store %arg8[%swap3A_1284, %swap3A_1285], %swap3A_1288 {strides = array<i32>} : memref<4x64xi32, #tpu.memory_space<vmem>>, vector<1x16xi32>,
      %dma_start3A_1289 = arith.constant 2 : i32
      %dma_start3A_1290 = arith.constant 2 : i32
      %dma_start3A_1291 = arith.constant 0 : i32
      %dma_start3A_1292 = arith.constant 0 : i32
      %dma_start3A_1293 = tpu.memref_slice %arg9[%dma_start3A_1290, %dma_start3A_1291, %dma_start3A_1292] : memref<4x64x128xf32, #tpu.memory_space<vmem>> -> memref<1x64x128xf32, #tpu.memory_space<vmem>>
      %dma_start3A_1294 = tpu.memref_squeeze %dma_start3A_1293 : memref<1x64x128xf32, #tpu.memory_space<vmem>> -> memref<64x128xf32, #tpu.memory_space<vmem>>
      %dma_start3A_1295 = arith.constant 0 : i32
      %dma_start3A_1296 = tpu.memref_slice %arg7[%dma_start3A_1289, %dma_start3A_1295] : memref<4x64xi32, #tpu.memory_space<vmem>> -> memref<1x64xi32, #tpu.memory_space<vmem>>
      %dma_start3A_1297 = tpu.memref_squeeze %dma_start3A_1296 : memref<1x64xi32, #tpu.memory_space<vmem>> -> memref<64xi32, #tpu.memory_space<vmem>>
      %dma_start3A_1298 = arith.constant 0 : i32
      %dma_start3A_1299 = arith.constant 0 : i32
      %dma_start3A_1300 = tpu.memref_slice %arg2[%dma_start3A_1298, %dma_start3A_1299] : memref<10000x128xf32, #tpu.memory_space<hbm>> -> memref<10000x128xf32, #tpu.memory_space<hbm>>
      tpu.enqueue_indirect_dma source(%dma_start3A_1300 : memref<10000x128xf32, #tpu.memory_space<hbm>>) target(%dma_start3A_1294 : memref<64x128xf32, #tpu.memory_space<vmem>>) offsets(%dma_start3A_1297 : memref<64xi32, #tpu.memory_space<vmem>>) semaphore(%arg12 : memref<!tpu.dma_semaphore, #tpu.memory_space<semaphore_mem>>)
      %mul3A_1301 = arith.constant 4 : i32
      %mul3A_1302 = arith.muli %scan3A_1158, %mul3A_1301 : i32
      %add3A_1303 = arith.constant 1 : i32
      %add3A_1304 = arith.addi %mul3A_1302, %add3A_1303 : i32
      %dma_wait3A_1305 = arith.constant 1 : i32
      %dma_wait3A_1306 = arith.constant 1 : i32
      %dma_wait3A_1307 = arith.constant 0 : i32
      %dma_wait3A_1308 = arith.constant 0 : i32
      %dma_wait3A_1309 = tpu.memref_slice %arg9[%dma_wait3A_1306, %dma_wait3A_1307, %dma_wait3A_1308] : memref<4x64x128xf32, #tpu.memory_space<vmem>> -> memref<1x64x128xf32, #tpu.memory_space<vmem>>
      %dma_wait3A_1310 = tpu.memref_squeeze %dma_wait3A_1309 : memref<1x64x128xf32, #tpu.memory_space<vmem>> -> memref<64x128xf32, #tpu.memory_space<vmem>>
      %dma_wait3A_1311 = arith.constant 0 : i32
      %dma_wait3A_1312 = tpu.memref_slice %arg7[%dma_wait3A_1305, %dma_wait3A_1311] : memref<4x64xi32, #tpu.memory_space<vmem>> -> memref<1x64xi32, #tpu.memory_space<vmem>>
      %dma_wait3A_1313 = tpu.memref_squeeze %dma_wait3A_1312 : memref<1x64xi32, #tpu.memory_space<vmem>> -> memref<64xi32, #tpu.memory_space<vmem>>
      %dma_wait3A_1314 = arith.constant 0 : i32
      %dma_wait3A_1315 = arith.constant 0 : i32
      %dma_wait3A_1316 = tpu.memref_slice %arg2[%dma_wait3A_1314, %dma_wait3A_1315] : memref<10000x128xf32, #tpu.memory_space<hbm>> -> memref<10000x128xf32, #tpu.memory_space<hbm>>
      tpu.wait_indirect_dma semaphore(%arg11 : memref<!tpu.dma_semaphore, #tpu.memory_space<semaphore_mem>>) src(%dma_wait3A_1316 : memref<10000x128xf32, #tpu.memory_space<hbm>>) dst(%dma_wait3A_1310 : memref<64x128xf32, #tpu.memory_space<vmem>>)
      %dma_start3A_1317 = arith.constant 1 : i32
      %dma_start3A_1318 = arith.constant 1 : i32
      %dma_start3A_1319 = arith.constant 0 : i32
      %dma_start3A_1320 = arith.constant 0 : i32
      %dma_start3A_1321 = tpu.memref_slice %arg9[%dma_start3A_1317, %dma_start3A_1319, %dma_start3A_1320] : memref<4x64x128xf32, #tpu.memory_space<vmem>> -> memref<1x64x128xf32, #tpu.memory_space<vmem>>
      %dma_start3A_1322 = tpu.memref_squeeze %dma_start3A_1321 : memref<1x64x128xf32, #tpu.memory_space<vmem>> -> memref<64x128xf32, #tpu.memory_space<vmem>>
      %dma_start3A_1323 = arith.constant 0 : i32
      %dma_start3A_1324 = tpu.memref_slice %arg8[%dma_start3A_1318, %dma_start3A_1323] : memref<4x64xi32, #tpu.memory_space<vmem>> -> memref<1x64xi32, #tpu.memory_space<vmem>>
      %dma_start3A_1325 = tpu.memref_squeeze %dma_start3A_1324 : memref<1x64xi32, #tpu.memory_space<vmem>> -> memref<64xi32, #tpu.memory_space<vmem>>
      %dma_start3A_1326 = arith.constant 0 : i32
      %dma_start3A_1327 = arith.constant 0 : i32
      %dma_start3A_1328 = tpu.memref_slice %arg5[%dma_start3A_1326, %dma_start3A_1327] : memref<10240x128xf32, #tpu.memory_space<vmem_shared>> -> memref<10240x128xf32, #tpu.memory_space<vmem_shared>>
      tpu.enqueue_indirect_dma source(%dma_start3A_1322 : memref<64x128xf32, #tpu.memory_space<vmem>>) target(%dma_start3A_1328 : memref<10240x128xf32, #tpu.memory_space<vmem_shared>>) offsets(%dma_start3A_1325 : memref<64xi32, #tpu.memory_space<vmem>>) semaphore(%arg15 : memref<!tpu.dma_semaphore, #tpu.memory_space<semaphore_mem>>) {add = true}
      %dma_wait3A_1329 = arith.constant 3 : i32
      %dma_wait3A_1330 = arith.constant 3 : i32
      %dma_wait3A_1331 = arith.constant 0 : i32
      %dma_wait3A_1332 = arith.constant 0 : i32
      %dma_wait3A_1333 = tpu.memref_slice %arg9[%dma_wait3A_1329, %dma_wait3A_1331, %dma_wait3A_1332] : memref<4x64x128xf32, #tpu.memory_space<vmem>> -> memref<1x64x128xf32, #tpu.memory_space<vmem>>
      %dma_wait3A_1334 = tpu.memref_squeeze %dma_wait3A_1333 : memref<1x64x128xf32, #tpu.memory_space<vmem>> -> memref<64x128xf32, #tpu.memory_space<vmem>>
      %dma_wait3A_1335 = arith.constant 0 : i32
      %dma_wait3A_1336 = tpu.memref_slice %arg8[%dma_wait3A_1330, %dma_wait3A_1335] : memref<4x64xi32, #tpu.memory_space<vmem>> -> memref<1x64xi32, #tpu.memory_space<vmem>>
      %dma_wait3A_1337 = tpu.memref_squeeze %dma_wait3A_1336 : memref<1x64xi32, #tpu.memory_space<vmem>> -> memref<64xi32, #tpu.memory_space<vmem>>
      %dma_wait3A_1338 = arith.constant 0 : i32
      %dma_wait3A_1339 = arith.constant 0 : i32
      %dma_wait3A_1340 = tpu.memref_slice %arg5[%dma_wait3A_1338, %dma_wait3A_1339] : memref<10240x128xf32, #tpu.memory_space<vmem_shared>> -> memref<10240x128xf32, #tpu.memory_space<vmem_shared>>
      tpu.wait_indirect_dma semaphore(%arg17 : memref<!tpu.dma_semaphore, #tpu.memory_space<semaphore_mem>>) src(%dma_wait3A_1334 : memref<64x128xf32, #tpu.memory_space<vmem>>) dst(%dma_wait3A_1340 : memref<10240x128xf32, #tpu.memory_space<vmem_shared>>)
      %add3A_1341 = arith.constant 2 : i32
      %add3A_1342 = arith.addi %add3A_1304, %add3A_1341 : i32
      %get3A_1343 = arith.index_cast %add3A_1342 : i32 to index
      %get3A_1344 = arith.constant 0 : index
      %get3A_1345 = tpu.vector_load %arg6[%get3A_1343, %get3A_1344] {strides = array<i32>} : memref<80x64xi32, #tpu.memory_space<vmem>>, vector<1x16xi32>,
      %get3A_1346 = vector.shape_cast %get3A_1345 : vector<1x16xi32> to vector<16xi32>
      %and3A_1347 = arith.constant 16383 : i32
      %and3A_1348 = vector.broadcast %and3A_1347 : i32 to vector<16xi32>
      %and3A_1349 = arith.andi %get3A_1346, %and3A_1348 : vector<16xi32>
      %swap3A_1350 = arith.constant 3 : i32
      %swap3A_1351 = arith.index_cast %swap3A_1350 : i32 to index
      %swap3A_1352 = arith.constant 0 : index
      %swap3A_1353 = tpu.vector_load %arg7[%swap3A_1351, %swap3A_1352] {strides = array<i32>} : memref<4x64xi32, #tpu.memory_space<vmem>>, vector<1x16xi32>,
      %swap3A_1354 = vector.shape_cast %swap3A_1353 : vector<1x16xi32> to vector<16xi32>
      %swap3A_1355 = vector.shape_cast %and3A_1349 : vector<16xi32> to vector<1x16xi32>
      tpu.vector_store %arg7[%swap3A_1351, %swap3A_1352], %swap3A_1355 {strides = array<i32>} : memref<4x64xi32, #tpu.memory_space<vmem>>, vector<1x16xi32>,
      %shift_right_logical3A_1356 = arith.constant 14 : i32
      %shift_right_logical3A_1357 = vector.broadcast %shift_right_logical3A_1356 : i32 to vector<16xi32>
      %shift_right_logical3A_1358 = arith.shrui %get3A_1346, %shift_right_logical3A_1357 : vector<16xi32>
      %swap3A_1359 = arith.constant 3 : i32
      %swap3A_1360 = arith.index_cast %swap3A_1359 : i32 to index
      %swap3A_1361 = arith.constant 0 : index
      %swap3A_1362 = tpu.vector_load %arg8[%swap3A_1360, %swap3A_1361] {strides = array<i32>} : memref<4x64xi32, #tpu.memory_space<vmem>>, vector<1x16xi32>,
      %swap3A_1363 = vector.shape_cast %swap3A_1362 : vector<1x16xi32> to vector<16xi32>
      %swap3A_1364 = vector.shape_cast %shift_right_logical3A_1358 : vector<16xi32> to vector<1x16xi32>
      tpu.vector_store %arg8[%swap3A_1360, %swap3A_1361], %swap3A_1364 {strides = array<i32>} : memref<4x64xi32, #tpu.memory_space<vmem>>, vector<1x16xi32>,
      %get3A_1365 = arith.index_cast %add3A_1342 : i32 to index
      %get3A_1366 = arith.constant 16 : index
      %get3A_1367 = tpu.vector_load %arg6[%get3A_1365, %get3A_1366] {strides = array<i32>} : memref<80x64xi32, #tpu.memory_space<vmem>>, vector<1x16xi32>,
      %get3A_1368 = vector.shape_cast %get3A_1367 : vector<1x16xi32> to vector<16xi32>
      %and3A_1369 = arith.constant 16383 : i32
      %and3A_1370 = vector.broadcast %and3A_1369 : i32 to vector<16xi32>
      %and3A_1371 = arith.andi %get3A_1368, %and3A_1370 : vector<16xi32>
      %swap3A_1372 = arith.constant 3 : i32
      %swap3A_1373 = arith.index_cast %swap3A_1372 : i32 to index
      %swap3A_1374 = arith.constant 16 : index
      %swap3A_1375 = tpu.vector_load %arg7[%swap3A_1373, %swap3A_1374] {strides = array<i32>} : memref<4x64xi32, #tpu.memory_space<vmem>>, vector<1x16xi32>,
      %swap3A_1376 = vector.shape_cast %swap3A_1375 : vector<1x16xi32> to vector<16xi32>
      %swap3A_1377 = vector.shape_cast %and3A_1371 : vector<16xi32> to vector<1x16xi32>
      tpu.vector_store %arg7[%swap3A_1373, %swap3A_1374], %swap3A_1377 {strides = array<i32>} : memref<4x64xi32, #tpu.memory_space<vmem>>, vector<1x16xi32>,
      %shift_right_logical3A_1378 = arith.constant 14 : i32
      %shift_right_logical3A_1379 = vector.broadcast %shift_right_logical3A_1378 : i32 to vector<16xi32>
      %shift_right_logical3A_1380 = arith.shrui %get3A_1368, %shift_right_logical3A_1379 : vector<16xi32>
      %swap3A_1381 = arith.constant 3 : i32
      %swap3A_1382 = arith.index_cast %swap3A_1381 : i32 to index
      %swap3A_1383 = arith.constant 16 : index
      %swap3A_1384 = tpu.vector_load %arg8[%swap3A_1382, %swap3A_1383] {strides = array<i32>} : memref<4x64xi32, #tpu.memory_space<vmem>>, vector<1x16xi32>,
      %swap3A_1385 = vector.shape_cast %swap3A_1384 : vector<1x16xi32> to vector<16xi32>
      %swap3A_1386 = vector.shape_cast %shift_right_logical3A_1380 : vector<16xi32> to vector<1x16xi32>
      tpu.vector_store %arg8[%swap3A_1382, %swap3A_1383], %swap3A_1386 {strides = array<i32>} : memref<4x64xi32, #tpu.memory_space<vmem>>, vector<1x16xi32>,
      %get3A_1387 = arith.index_cast %add3A_1342 : i32 to index
      %get3A_1388 = arith.constant 32 : index
      %get3A_1389 = tpu.vector_load %arg6[%get3A_1387, %get3A_1388] {strides = array<i32>} : memref<80x64xi32, #tpu.memory_space<vmem>>, vector<1x16xi32>,
      %get3A_1390 = vector.shape_cast %get3A_1389 : vector<1x16xi32> to vector<16xi32>
      %and3A_1391 = arith.constant 16383 : i32
      %and3A_1392 = vector.broadcast %and3A_1391 : i32 to vector<16xi32>
      %and3A_1393 = arith.andi %get3A_1390, %and3A_1392 : vector<16xi32>
      %swap3A_1394 = arith.constant 3 : i32
      %swap3A_1395 = arith.index_cast %swap3A_1394 : i32 to index
      %swap3A_1396 = arith.constant 32 : index
      %swap3A_1397 = tpu.vector_load %arg7[%swap3A_1395, %swap3A_1396] {strides = array<i32>} : memref<4x64xi32, #tpu.memory_space<vmem>>, vector<1x16xi32>,
      %swap3A_1398 = vector.shape_cast %swap3A_1397 : vector<1x16xi32> to vector<16xi32>
      %swap3A_1399 = vector.shape_cast %and3A_1393 : vector<16xi32> to vector<1x16xi32>
      tpu.vector_store %arg7[%swap3A_1395, %swap3A_1396], %swap3A_1399 {strides = array<i32>} : memref<4x64xi32, #tpu.memory_space<vmem>>, vector<1x16xi32>,
      %shift_right_logical3A_1400 = arith.constant 14 : i32
      %shift_right_logical3A_1401 = vector.broadcast %shift_right_logical3A_1400 : i32 to vector<16xi32>
      %shift_right_logical3A_1402 = arith.shrui %get3A_1390, %shift_right_logical3A_1401 : vector<16xi32>
      %swap3A_1403 = arith.constant 3 : i32
      %swap3A_1404 = arith.index_cast %swap3A_1403 : i32 to index
      %swap3A_1405 = arith.constant 32 : index
      %swap3A_1406 = tpu.vector_load %arg8[%swap3A_1404, %swap3A_1405] {strides = array<i32>} : memref<4x64xi32, #tpu.memory_space<vmem>>, vector<1x16xi32>,
      %swap3A_1407 = vector.shape_cast %swap3A_1406 : vector<1x16xi32> to vector<16xi32>
      %swap3A_1408 = vector.shape_cast %shift_right_logical3A_1402 : vector<16xi32> to vector<1x16xi32>
      tpu.vector_store %arg8[%swap3A_1404, %swap3A_1405], %swap3A_1408 {strides = array<i32>} : memref<4x64xi32, #tpu.memory_space<vmem>>, vector<1x16xi32>,
      %get3A_1409 = arith.index_cast %add3A_1342 : i32 to index
      %get3A_1410 = arith.constant 48 : index
      %get3A_1411 = tpu.vector_load %arg6[%get3A_1409, %get3A_1410] {strides = array<i32>} : memref<80x64xi32, #tpu.memory_space<vmem>>, vector<1x16xi32>,
      %get3A_1412 = vector.shape_cast %get3A_1411 : vector<1x16xi32> to vector<16xi32>
      %and3A_1413 = arith.constant 16383 : i32
      %and3A_1414 = vector.broadcast %and3A_1413 : i32 to vector<16xi32>
      %and3A_1415 = arith.andi %get3A_1412, %and3A_1414 : vector<16xi32>
      %swap3A_1416 = arith.constant 3 : i32
      %swap3A_1417 = arith.index_cast %swap3A_1416 : i32 to index
      %swap3A_1418 = arith.constant 48 : index
      %swap3A_1419 = tpu.vector_load %arg7[%swap3A_1417, %swap3A_1418] {strides = array<i32>} : memref<4x64xi32, #tpu.memory_space<vmem>>, vector<1x16xi32>,
      %swap3A_1420 = vector.shape_cast %swap3A_1419 : vector<1x16xi32> to vector<16xi32>
      %swap3A_1421 = vector.shape_cast %and3A_1415 : vector<16xi32> to vector<1x16xi32>
      tpu.vector_store %arg7[%swap3A_1417, %swap3A_1418], %swap3A_1421 {strides = array<i32>} : memref<4x64xi32, #tpu.memory_space<vmem>>, vector<1x16xi32>,
      %shift_right_logical3A_1422 = arith.constant 14 : i32
      %shift_right_logical3A_1423 = vector.broadcast %shift_right_logical3A_1422 : i32 to vector<16xi32>
      %shift_right_logical3A_1424 = arith.shrui %get3A_1412, %shift_right_logical3A_1423 : vector<16xi32>
      %swap3A_1425 = arith.constant 3 : i32
      %swap3A_1426 = arith.index_cast %swap3A_1425 : i32 to index
      %swap3A_1427 = arith.constant 48 : index
      %swap3A_1428 = tpu.vector_load %arg8[%swap3A_1426, %swap3A_1427] {strides = array<i32>} : memref<4x64xi32, #tpu.memory_space<vmem>>, vector<1x16xi32>,
      %swap3A_1429 = vector.shape_cast %swap3A_1428 : vector<1x16xi32> to vector<16xi32>
      %swap3A_1430 = vector.shape_cast %shift_right_logical3A_1424 : vector<16xi32> to vector<1x16xi32>
      tpu.vector_store %arg8[%swap3A_1426, %swap3A_1427], %swap3A_1430 {strides = array<i32>} : memref<4x64xi32, #tpu.memory_space<vmem>>, vector<1x16xi32>,
      %dma_start3A_1431 = arith.constant 3 : i32
      %dma_start3A_1432 = arith.constant 3 : i32
      %dma_start3A_1433 = arith.constant 0 : i32
      %dma_start3A_1434 = arith.constant 0 : i32
      %dma_start3A_1435 = tpu.memref_slice %arg9[%dma_start3A_1432, %dma_start3A_1433, %dma_start3A_1434] : memref<4x64x128xf32, #tpu.memory_space<vmem>> -> memref<1x64x128xf32, #tpu.memory_space<vmem>>
      %dma_start3A_1436 = tpu.memref_squeeze %dma_start3A_1435 : memref<1x64x128xf32, #tpu.memory_space<vmem>> -> memref<64x128xf32, #tpu.memory_space<vmem>>
      %dma_start3A_1437 = arith.constant 0 : i32
      %dma_start3A_1438 = tpu.memref_slice %arg7[%dma_start3A_1431, %dma_start3A_1437] : memref<4x64xi32, #tpu.memory_space<vmem>> -> memref<1x64xi32, #tpu.memory_space<vmem>>
      %dma_start3A_1439 = tpu.memref_squeeze %dma_start3A_1438 : memref<1x64xi32, #tpu.memory_space<vmem>> -> memref<64xi32, #tpu.memory_space<vmem>>
      %dma_start3A_1440 = arith.constant 0 : i32
      %dma_start3A_1441 = arith.constant 0 : i32
      %dma_start3A_1442 = tpu.memref_slice %arg2[%dma_start3A_1440, %dma_start3A_1441] : memref<10000x128xf32, #tpu.memory_space<hbm>> -> memref<10000x128xf32, #tpu.memory_space<hbm>>
      tpu.enqueue_indirect_dma source(%dma_start3A_1442 : memref<10000x128xf32, #tpu.memory_space<hbm>>) target(%dma_start3A_1436 : memref<64x128xf32, #tpu.memory_space<vmem>>) offsets(%dma_start3A_1439 : memref<64xi32, #tpu.memory_space<vmem>>) semaphore(%arg13 : memref<!tpu.dma_semaphore, #tpu.memory_space<semaphore_mem>>)
      %mul3A_1443 = arith.constant 4 : i32
      %mul3A_1444 = arith.muli %scan3A_1158, %mul3A_1443 : i32
      %add3A_1445 = arith.constant 2 : i32
      %add3A_1446 = arith.addi %mul3A_1444, %add3A_1445 : i32
      %dma_wait3A_1447 = arith.constant 2 : i32
      %dma_wait3A_1448 = arith.constant 2 : i32
      %dma_wait3A_1449 = arith.constant 0 : i32
      %dma_wait3A_1450 = arith.constant 0 : i32
      %dma_wait3A_1451 = tpu.memref_slice %arg9[%dma_wait3A_1448, %dma_wait3A_1449, %dma_wait3A_1450] : memref<4x64x128xf32, #tpu.memory_space<vmem>> -> memref<1x64x128xf32, #tpu.memory_space<vmem>>
      %dma_wait3A_1452 = tpu.memref_squeeze %dma_wait3A_1451 : memref<1x64x128xf32, #tpu.memory_space<vmem>> -> memref<64x128xf32, #tpu.memory_space<vmem>>
      %dma_wait3A_1453 = arith.constant 0 : i32
      %dma_wait3A_1454 = tpu.memref_slice %arg7[%dma_wait3A_1447, %dma_wait3A_1453] : memref<4x64xi32, #tpu.memory_space<vmem>> -> memref<1x64xi32, #tpu.memory_space<vmem>>
      %dma_wait3A_1455 = tpu.memref_squeeze %dma_wait3A_1454 : memref<1x64xi32, #tpu.memory_space<vmem>> -> memref<64xi32, #tpu.memory_space<vmem>>
      %dma_wait3A_1456 = arith.constant 0 : i32
      %dma_wait3A_1457 = arith.constant 0 : i32
      %dma_wait3A_1458 = tpu.memref_slice %arg2[%dma_wait3A_1456, %dma_wait3A_1457] : memref<10000x128xf32, #tpu.memory_space<hbm>> -> memref<10000x128xf32, #tpu.memory_space<hbm>>
      tpu.wait_indirect_dma semaphore(%arg12 : memref<!tpu.dma_semaphore, #tpu.memory_space<semaphore_mem>>) src(%dma_wait3A_1458 : memref<10000x128xf32, #tpu.memory_space<hbm>>) dst(%dma_wait3A_1452 : memref<64x128xf32, #tpu.memory_space<vmem>>)
      %dma_start3A_1459 = arith.constant 2 : i32
      %dma_start3A_1460 = arith.constant 2 : i32
      %dma_start3A_1461 = arith.constant 0 : i32
      %dma_start3A_1462 = arith.constant 0 : i32
      %dma_start3A_1463 = tpu.memref_slice %arg9[%dma_start3A_1459, %dma_start3A_1461, %dma_start3A_1462] : memref<4x64x128xf32, #tpu.memory_space<vmem>> -> memref<1x64x128xf32, #tpu.memory_space<vmem>>
      %dma_start3A_1464 = tpu.memref_squeeze %dma_start3A_1463 : memref<1x64x128xf32, #tpu.memory_space<vmem>> -> memref<64x128xf32, #tpu.memory_space<vmem>>
      %dma_start3A_1465 = arith.constant 0 : i32
      %dma_start3A_1466 = tpu.memref_slice %arg8[%dma_start3A_1460, %dma_start3A_1465] : memref<4x64xi32, #tpu.memory_space<vmem>> -> memref<1x64xi32, #tpu.memory_space<vmem>>
      %dma_start3A_1467 = tpu.memref_squeeze %dma_start3A_1466 : memref<1x64xi32, #tpu.memory_space<vmem>> -> memref<64xi32, #tpu.memory_space<vmem>>
      %dma_start3A_1468 = arith.constant 0 : i32
      %dma_start3A_1469 = arith.constant 0 : i32
      %dma_start3A_1470 = tpu.memref_slice %arg5[%dma_start3A_1468, %dma_start3A_1469] : memref<10240x128xf32, #tpu.memory_space<vmem_shared>> -> memref<10240x128xf32, #tpu.memory_space<vmem_shared>>
      tpu.enqueue_indirect_dma source(%dma_start3A_1464 : memref<64x128xf32, #tpu.memory_space<vmem>>) target(%dma_start3A_1470 : memref<10240x128xf32, #tpu.memory_space<vmem_shared>>) offsets(%dma_start3A_1467 : memref<64xi32, #tpu.memory_space<vmem>>) semaphore(%arg16 : memref<!tpu.dma_semaphore, #tpu.memory_space<semaphore_mem>>) {add = true}
      %dma_wait3A_1471 = arith.constant 0 : i32
      %dma_wait3A_1472 = arith.constant 0 : i32
      %dma_wait3A_1473 = arith.constant 0 : i32
      %dma_wait3A_1474 = arith.constant 0 : i32
      %dma_wait3A_1475 = tpu.memref_slice %arg9[%dma_wait3A_1471, %dma_wait3A_1473, %dma_wait3A_1474] : memref<4x64x128xf32, #tpu.memory_space<vmem>> -> memref<1x64x128xf32, #tpu.memory_space<vmem>>
      %dma_wait3A_1476 = tpu.memref_squeeze %dma_wait3A_1475 : memref<1x64x128xf32, #tpu.memory_space<vmem>> -> memref<64x128xf32, #tpu.memory_space<vmem>>
      %dma_wait3A_1477 = arith.constant 0 : i32
      %dma_wait3A_1478 = tpu.memref_slice %arg8[%dma_wait3A_1472, %dma_wait3A_1477] : memref<4x64xi32, #tpu.memory_space<vmem>> -> memref<1x64xi32, #tpu.memory_space<vmem>>
      %dma_wait3A_1479 = tpu.memref_squeeze %dma_wait3A_1478 : memref<1x64xi32, #tpu.memory_space<vmem>> -> memref<64xi32, #tpu.memory_space<vmem>>
      %dma_wait3A_1480 = arith.constant 0 : i32
      %dma_wait3A_1481 = arith.constant 0 : i32
      %dma_wait3A_1482 = tpu.memref_slice %arg5[%dma_wait3A_1480, %dma_wait3A_1481] : memref<10240x128xf32, #tpu.memory_space<vmem_shared>> -> memref<10240x128xf32, #tpu.memory_space<vmem_shared>>
      tpu.wait_indirect_dma semaphore(%arg14 : memref<!tpu.dma_semaphore, #tpu.memory_space<semaphore_mem>>) src(%dma_wait3A_1476 : memref<64x128xf32, #tpu.memory_space<vmem>>) dst(%dma_wait3A_1482 : memref<10240x128xf32, #tpu.memory_space<vmem_shared>>)
      %add3A_1483 = arith.constant 2 : i32
      %add3A_1484 = arith.addi %add3A_1446, %add3A_1483 : i32
      %get3A_1485 = arith.index_cast %add3A_1484 : i32 to index
      %get3A_1486 = arith.constant 0 : index
      %get3A_1487 = tpu.vector_load %arg6[%get3A_1485, %get3A_1486] {strides = array<i32>} : memref<80x64xi32, #tpu.memory_space<vmem>>, vector<1x16xi32>,
      %get3A_1488 = vector.shape_cast %get3A_1487 : vector<1x16xi32> to vector<16xi32>
      %and3A_1489 = arith.constant 16383 : i32
      %and3A_1490 = vector.broadcast %and3A_1489 : i32 to vector<16xi32>
      %and3A_1491 = arith.andi %get3A_1488, %and3A_1490 : vector<16xi32>
      %swap3A_1492 = arith.constant 0 : i32
      %swap3A_1493 = arith.index_cast %swap3A_1492 : i32 to index
      %swap3A_1494 = arith.constant 0 : index
      %swap3A_1495 = tpu.vector_load %arg7[%swap3A_1493, %swap3A_1494] {strides = array<i32>} : memref<4x64xi32, #tpu.memory_space<vmem>>, vector<1x16xi32>,
      %swap3A_1496 = vector.shape_cast %swap3A_1495 : vector<1x16xi32> to vector<16xi32>
      %swap3A_1497 = vector.shape_cast %and3A_1491 : vector<16xi32> to vector<1x16xi32>
      tpu.vector_store %arg7[%swap3A_1493, %swap3A_1494], %swap3A_1497 {strides = array<i32>} : memref<4x64xi32, #tpu.memory_space<vmem>>, vector<1x16xi32>,
      %shift_right_logical3A_1498 = arith.constant 14 : i32
      %shift_right_logical3A_1499 = vector.broadcast %shift_right_logical3A_1498 : i32 to vector<16xi32>
      %shift_right_logical3A_1500 = arith.shrui %get3A_1488, %shift_right_logical3A_1499 : vector<16xi32>
      %swap3A_1501 = arith.constant 0 : i32
      %swap3A_1502 = arith.index_cast %swap3A_1501 : i32 to index
      %swap3A_1503 = arith.constant 0 : index
      %swap3A_1504 = tpu.vector_load %arg8[%swap3A_1502, %swap3A_1503] {strides = array<i32>} : memref<4x64xi32, #tpu.memory_space<vmem>>, vector<1x16xi32>,
      %swap3A_1505 = vector.shape_cast %swap3A_1504 : vector<1x16xi32> to vector<16xi32>
      %swap3A_1506 = vector.shape_cast %shift_right_logical3A_1500 : vector<16xi32> to vector<1x16xi32>
      tpu.vector_store %arg8[%swap3A_1502, %swap3A_1503], %swap3A_1506 {strides = array<i32>} : memref<4x64xi32, #tpu.memory_space<vmem>>, vector<1x16xi32>,
      %get3A_1507 = arith.index_cast %add3A_1484 : i32 to index
      %get3A_1508 = arith.constant 16 : index
      %get3A_1509 = tpu.vector_load %arg6[%get3A_1507, %get3A_1508] {strides = array<i32>} : memref<80x64xi32, #tpu.memory_space<vmem>>, vector<1x16xi32>,
      %get3A_1510 = vector.shape_cast %get3A_1509 : vector<1x16xi32> to vector<16xi32>
      %and3A_1511 = arith.constant 16383 : i32
      %and3A_1512 = vector.broadcast %and3A_1511 : i32 to vector<16xi32>
      %and3A_1513 = arith.andi %get3A_1510, %and3A_1512 : vector<16xi32>
      %swap3A_1514 = arith.constant 0 : i32
      %swap3A_1515 = arith.index_cast %swap3A_1514 : i32 to index
      %swap3A_1516 = arith.constant 16 : index
      %swap3A_1517 = tpu.vector_load %arg7[%swap3A_1515, %swap3A_1516] {strides = array<i32>} : memref<4x64xi32, #tpu.memory_space<vmem>>, vector<1x16xi32>,
      %swap3A_1518 = vector.shape_cast %swap3A_1517 : vector<1x16xi32> to vector<16xi32>
      %swap3A_1519 = vector.shape_cast %and3A_1513 : vector<16xi32> to vector<1x16xi32>
      tpu.vector_store %arg7[%swap3A_1515, %swap3A_1516], %swap3A_1519 {strides = array<i32>} : memref<4x64xi32, #tpu.memory_space<vmem>>, vector<1x16xi32>,
      %shift_right_logical3A_1520 = arith.constant 14 : i32
      %shift_right_logical3A_1521 = vector.broadcast %shift_right_logical3A_1520 : i32 to vector<16xi32>
      %shift_right_logical3A_1522 = arith.shrui %get3A_1510, %shift_right_logical3A_1521 : vector<16xi32>
      %swap3A_1523 = arith.constant 0 : i32
      %swap3A_1524 = arith.index_cast %swap3A_1523 : i32 to index
      %swap3A_1525 = arith.constant 16 : index
      %swap3A_1526 = tpu.vector_load %arg8[%swap3A_1524, %swap3A_1525] {strides = array<i32>} : memref<4x64xi32, #tpu.memory_space<vmem>>, vector<1x16xi32>,
      %swap3A_1527 = vector.shape_cast %swap3A_1526 : vector<1x16xi32> to vector<16xi32>
      %swap3A_1528 = vector.shape_cast %shift_right_logical3A_1522 : vector<16xi32> to vector<1x16xi32>
      tpu.vector_store %arg8[%swap3A_1524, %swap3A_1525], %swap3A_1528 {strides = array<i32>} : memref<4x64xi32, #tpu.memory_space<vmem>>, vector<1x16xi32>,
      %get3A_1529 = arith.index_cast %add3A_1484 : i32 to index
      %get3A_1530 = arith.constant 32 : index
      %get3A_1531 = tpu.vector_load %arg6[%get3A_1529, %get3A_1530] {strides = array<i32>} : memref<80x64xi32, #tpu.memory_space<vmem>>, vector<1x16xi32>,
      %get3A_1532 = vector.shape_cast %get3A_1531 : vector<1x16xi32> to vector<16xi32>
      %and3A_1533 = arith.constant 16383 : i32
      %and3A_1534 = vector.broadcast %and3A_1533 : i32 to vector<16xi32>
      %and3A_1535 = arith.andi %get3A_1532, %and3A_1534 : vector<16xi32>
      %swap3A_1536 = arith.constant 0 : i32
      %swap3A_1537 = arith.index_cast %swap3A_1536 : i32 to index
      %swap3A_1538 = arith.constant 32 : index
      %swap3A_1539 = tpu.vector_load %arg7[%swap3A_1537, %swap3A_1538] {strides = array<i32>} : memref<4x64xi32, #tpu.memory_space<vmem>>, vector<1x16xi32>,
      %swap3A_1540 = vector.shape_cast %swap3A_1539 : vector<1x16xi32> to vector<16xi32>
      %swap3A_1541 = vector.shape_cast %and3A_1535 : vector<16xi32> to vector<1x16xi32>
      tpu.vector_store %arg7[%swap3A_1537, %swap3A_1538], %swap3A_1541 {strides = array<i32>} : memref<4x64xi32, #tpu.memory_space<vmem>>, vector<1x16xi32>,
      %shift_right_logical3A_1542 = arith.constant 14 : i32
      %shift_right_logical3A_1543 = vector.broadcast %shift_right_logical3A_1542 : i32 to vector<16xi32>
      %shift_right_logical3A_1544 = arith.shrui %get3A_1532, %shift_right_logical3A_1543 : vector<16xi32>
      %swap3A_1545 = arith.constant 0 : i32
      %swap3A_1546 = arith.index_cast %swap3A_1545 : i32 to index
      %swap3A_1547 = arith.constant 32 : index
      %swap3A_1548 = tpu.vector_load %arg8[%swap3A_1546, %swap3A_1547] {strides = array<i32>} : memref<4x64xi32, #tpu.memory_space<vmem>>, vector<1x16xi32>,
      %swap3A_1549 = vector.shape_cast %swap3A_1548 : vector<1x16xi32> to vector<16xi32>
      %swap3A_1550 = vector.shape_cast %shift_right_logical3A_1544 : vector<16xi32> to vector<1x16xi32>
      tpu.vector_store %arg8[%swap3A_1546, %swap3A_1547], %swap3A_1550 {strides = array<i32>} : memref<4x64xi32, #tpu.memory_space<vmem>>, vector<1x16xi32>,
      %get3A_1551 = arith.index_cast %add3A_1484 : i32 to index
      %get3A_1552 = arith.constant 48 : index
      %get3A_1553 = tpu.vector_load %arg6[%get3A_1551, %get3A_1552] {strides = array<i32>} : memref<80x64xi32, #tpu.memory_space<vmem>>, vector<1x16xi32>,
      %get3A_1554 = vector.shape_cast %get3A_1553 : vector<1x16xi32> to vector<16xi32>
      %and3A_1555 = arith.constant 16383 : i32
      %and3A_1556 = vector.broadcast %and3A_1555 : i32 to vector<16xi32>
      %and3A_1557 = arith.andi %get3A_1554, %and3A_1556 : vector<16xi32>
      %swap3A_1558 = arith.constant 0 : i32
      %swap3A_1559 = arith.index_cast %swap3A_1558 : i32 to index
      %swap3A_1560 = arith.constant 48 : index
      %swap3A_1561 = tpu.vector_load %arg7[%swap3A_1559, %swap3A_1560] {strides = array<i32>} : memref<4x64xi32, #tpu.memory_space<vmem>>, vector<1x16xi32>,
      %swap3A_1562 = vector.shape_cast %swap3A_1561 : vector<1x16xi32> to vector<16xi32>
      %swap3A_1563 = vector.shape_cast %and3A_1557 : vector<16xi32> to vector<1x16xi32>
      tpu.vector_store %arg7[%swap3A_1559, %swap3A_1560], %swap3A_1563 {strides = array<i32>} : memref<4x64xi32, #tpu.memory_space<vmem>>, vector<1x16xi32>,
      %shift_right_logical3A_1564 = arith.constant 14 : i32
      %shift_right_logical3A_1565 = vector.broadcast %shift_right_logical3A_1564 : i32 to vector<16xi32>
      %shift_right_logical3A_1566 = arith.shrui %get3A_1554, %shift_right_logical3A_1565 : vector<16xi32>
      %swap3A_1567 = arith.constant 0 : i32
      %swap3A_1568 = arith.index_cast %swap3A_1567 : i32 to index
      %swap3A_1569 = arith.constant 48 : index
      %swap3A_1570 = tpu.vector_load %arg8[%swap3A_1568, %swap3A_1569] {strides = array<i32>} : memref<4x64xi32, #tpu.memory_space<vmem>>, vector<1x16xi32>,
      %swap3A_1571 = vector.shape_cast %swap3A_1570 : vector<1x16xi32> to vector<16xi32>
      %swap3A_1572 = vector.shape_cast %shift_right_logical3A_1566 : vector<16xi32> to vector<1x16xi32>
      tpu.vector_store %arg8[%swap3A_1568, %swap3A_1569], %swap3A_1572 {strides = array<i32>} : memref<4x64xi32, #tpu.memory_space<vmem>>, vector<1x16xi32>,
      %dma_start3A_1573 = arith.constant 0 : i32
      %dma_start3A_1574 = arith.constant 0 : i32
      %dma_start3A_1575 = arith.constant 0 : i32
      %dma_start3A_1576 = arith.constant 0 : i32
      %dma_start3A_1577 = tpu.memref_slice %arg9[%dma_start3A_1574, %dma_start3A_1575, %dma_start3A_1576] : memref<4x64x128xf32, #tpu.memory_space<vmem>> -> memref<1x64x128xf32, #tpu.memory_space<vmem>>
      %dma_start3A_1578 = tpu.memref_squeeze %dma_start3A_1577 : memref<1x64x128xf32, #tpu.memory_space<vmem>> -> memref<64x128xf32, #tpu.memory_space<vmem>>
      %dma_start3A_1579 = arith.constant 0 : i32
      %dma_start3A_1580 = tpu.memref_slice %arg7[%dma_start3A_1573, %dma_start3A_1579] : memref<4x64xi32, #tpu.memory_space<vmem>> -> memref<1x64xi32, #tpu.memory_space<vmem>>
      %dma_start3A_1581 = tpu.memref_squeeze %dma_start3A_1580 : memref<1x64xi32, #tpu.memory_space<vmem>> -> memref<64xi32, #tpu.memory_space<vmem>>
      %dma_start3A_1582 = arith.constant 0 : i32
      %dma_start3A_1583 = arith.constant 0 : i32
      %dma_start3A_1584 = tpu.memref_slice %arg2[%dma_start3A_1582, %dma_start3A_1583] : memref<10000x128xf32, #tpu.memory_space<hbm>> -> memref<10000x128xf32, #tpu.memory_space<hbm>>
      tpu.enqueue_indirect_dma source(%dma_start3A_1584 : memref<10000x128xf32, #tpu.memory_space<hbm>>) target(%dma_start3A_1578 : memref<64x128xf32, #tpu.memory_space<vmem>>) offsets(%dma_start3A_1581 : memref<64xi32, #tpu.memory_space<vmem>>) semaphore(%arg10 : memref<!tpu.dma_semaphore, #tpu.memory_space<semaphore_mem>>)
      %mul3A_1585 = arith.constant 4 : i32
      %mul3A_1586 = arith.muli %scan3A_1158, %mul3A_1585 : i32
      %add3A_1587 = arith.constant 3 : i32
      %add3A_1588 = arith.addi %mul3A_1586, %add3A_1587 : i32
      %dma_wait3A_1589 = arith.constant 3 : i32
      %dma_wait3A_1590 = arith.constant 3 : i32
      %dma_wait3A_1591 = arith.constant 0 : i32
      %dma_wait3A_1592 = arith.constant 0 : i32
      %dma_wait3A_1593 = tpu.memref_slice %arg9[%dma_wait3A_1590, %dma_wait3A_1591, %dma_wait3A_1592] : memref<4x64x128xf32, #tpu.memory_space<vmem>> -> memref<1x64x128xf32, #tpu.memory_space<vmem>>
      %dma_wait3A_1594 = tpu.memref_squeeze %dma_wait3A_1593 : memref<1x64x128xf32, #tpu.memory_space<vmem>> -> memref<64x128xf32, #tpu.memory_space<vmem>>
      %dma_wait3A_1595 = arith.constant 0 : i32
      %dma_wait3A_1596 = tpu.memref_slice %arg7[%dma_wait3A_1589, %dma_wait3A_1595] : memref<4x64xi32, #tpu.memory_space<vmem>> -> memref<1x64xi32, #tpu.memory_space<vmem>>
      %dma_wait3A_1597 = tpu.memref_squeeze %dma_wait3A_1596 : memref<1x64xi32, #tpu.memory_space<vmem>> -> memref<64xi32, #tpu.memory_space<vmem>>
      %dma_wait3A_1598 = arith.constant 0 : i32
      %dma_wait3A_1599 = arith.constant 0 : i32
      %dma_wait3A_1600 = tpu.memref_slice %arg2[%dma_wait3A_1598, %dma_wait3A_1599] : memref<10000x128xf32, #tpu.memory_space<hbm>> -> memref<10000x128xf32, #tpu.memory_space<hbm>>
      tpu.wait_indirect_dma semaphore(%arg13 : memref<!tpu.dma_semaphore, #tpu.memory_space<semaphore_mem>>) src(%dma_wait3A_1600 : memref<10000x128xf32, #tpu.memory_space<hbm>>) dst(%dma_wait3A_1594 : memref<64x128xf32, #tpu.memory_space<vmem>>)
      %dma_start3A_1601 = arith.constant 3 : i32
      %dma_start3A_1602 = arith.constant 3 : i32
      %dma_start3A_1603 = arith.constant 0 : i32
      %dma_start3A_1604 = arith.constant 0 : i32
      %dma_start3A_1605 = tpu.memref_slice %arg9[%dma_start3A_1601, %dma_start3A_1603, %dma_start3A_1604] : memref<4x64x128xf32, #tpu.memory_space<vmem>> -> memref<1x64x128xf32, #tpu.memory_space<vmem>>
      %dma_start3A_1606 = tpu.memref_squeeze %dma_start3A_1605 : memref<1x64x128xf32, #tpu.memory_space<vmem>> -> memref<64x128xf32, #tpu.memory_space<vmem>>
      %dma_start3A_1607 = arith.constant 0 : i32
      %dma_start3A_1608 = tpu.memref_slice %arg8[%dma_start3A_1602, %dma_start3A_1607] : memref<4x64xi32, #tpu.memory_space<vmem>> -> memref<1x64xi32, #tpu.memory_space<vmem>>
      %dma_start3A_1609 = tpu.memref_squeeze %dma_start3A_1608 : memref<1x64xi32, #tpu.memory_space<vmem>> -> memref<64xi32, #tpu.memory_space<vmem>>
      %dma_start3A_1610 = arith.constant 0 : i32
      %dma_start3A_1611 = arith.constant 0 : i32
      %dma_start3A_1612 = tpu.memref_slice %arg5[%dma_start3A_1610, %dma_start3A_1611] : memref<10240x128xf32, #tpu.memory_space<vmem_shared>> -> memref<10240x128xf32, #tpu.memory_space<vmem_shared>>
      tpu.enqueue_indirect_dma source(%dma_start3A_1606 : memref<64x128xf32, #tpu.memory_space<vmem>>) target(%dma_start3A_1612 : memref<10240x128xf32, #tpu.memory_space<vmem_shared>>) offsets(%dma_start3A_1609 : memref<64xi32, #tpu.memory_space<vmem>>) semaphore(%arg17 : memref<!tpu.dma_semaphore, #tpu.memory_space<semaphore_mem>>) {add = true}
      %dma_wait3A_1613 = arith.constant 1 : i32
      %dma_wait3A_1614 = arith.constant 1 : i32
      %dma_wait3A_1615 = arith.constant 0 : i32
      %dma_wait3A_1616 = arith.constant 0 : i32
      %dma_wait3A_1617 = tpu.memref_slice %arg9[%dma_wait3A_1613, %dma_wait3A_1615, %dma_wait3A_1616] : memref<4x64x128xf32, #tpu.memory_space<vmem>> -> memref<1x64x128xf32, #tpu.memory_space<vmem>>
      %dma_wait3A_1618 = tpu.memref_squeeze %dma_wait3A_1617 : memref<1x64x128xf32, #tpu.memory_space<vmem>> -> memref<64x128xf32, #tpu.memory_space<vmem>>
      %dma_wait3A_1619 = arith.constant 0 : i32
      %dma_wait3A_1620 = tpu.memref_slice %arg8[%dma_wait3A_1614, %dma_wait3A_1619] : memref<4x64xi32, #tpu.memory_space<vmem>> -> memref<1x64xi32, #tpu.memory_space<vmem>>
      %dma_wait3A_1621 = tpu.memref_squeeze %dma_wait3A_1620 : memref<1x64xi32, #tpu.memory_space<vmem>> -> memref<64xi32, #tpu.memory_space<vmem>>
      %dma_wait3A_1622 = arith.constant 0 : i32
      %dma_wait3A_1623 = arith.constant 0 : i32
      %dma_wait3A_1624 = tpu.memref_slice %arg5[%dma_wait3A_1622, %dma_wait3A_1623] : memref<10240x128xf32, #tpu.memory_space<vmem_shared>> -> memref<10240x128xf32, #tpu.memory_space<vmem_shared>>
      tpu.wait_indirect_dma semaphore(%arg15 : memref<!tpu.dma_semaphore, #tpu.memory_space<semaphore_mem>>) src(%dma_wait3A_1618 : memref<64x128xf32, #tpu.memory_space<vmem>>) dst(%dma_wait3A_1624 : memref<10240x128xf32, #tpu.memory_space<vmem_shared>>)
      %add3A_1625 = arith.constant 2 : i32
      %add3A_1626 = arith.addi %add3A_1588, %add3A_1625 : i32
      %get3A_1627 = arith.index_cast %add3A_1626 : i32 to index
      %get3A_1628 = arith.constant 0 : index
      %get3A_1629 = tpu.vector_load %arg6[%get3A_1627, %get3A_1628] {strides = array<i32>} : memref<80x64xi32, #tpu.memory_space<vmem>>, vector<1x16xi32>,
      %get3A_1630 = vector.shape_cast %get3A_1629 : vector<1x16xi32> to vector<16xi32>
      %and3A_1631 = arith.constant 16383 : i32
      %and3A_1632 = vector.broadcast %and3A_1631 : i32 to vector<16xi32>
      %and3A_1633 = arith.andi %get3A_1630, %and3A_1632 : vector<16xi32>
      %swap3A_1634 = arith.constant 1 : i32
      %swap3A_1635 = arith.index_cast %swap3A_1634 : i32 to index
      %swap3A_1636 = arith.constant 0 : index
      %swap3A_1637 = tpu.vector_load %arg7[%swap3A_1635, %swap3A_1636] {strides = array<i32>} : memref<4x64xi32, #tpu.memory_space<vmem>>, vector<1x16xi32>,
      %swap3A_1638 = vector.shape_cast %swap3A_1637 : vector<1x16xi32> to vector<16xi32>
      %swap3A_1639 = vector.shape_cast %and3A_1633 : vector<16xi32> to vector<1x16xi32>
      tpu.vector_store %arg7[%swap3A_1635, %swap3A_1636], %swap3A_1639 {strides = array<i32>} : memref<4x64xi32, #tpu.memory_space<vmem>>, vector<1x16xi32>,
      %shift_right_logical3A_1640 = arith.constant 14 : i32
      %shift_right_logical3A_1641 = vector.broadcast %shift_right_logical3A_1640 : i32 to vector<16xi32>
      %shift_right_logical3A_1642 = arith.shrui %get3A_1630, %shift_right_logical3A_1641 : vector<16xi32>
      %swap3A_1643 = arith.constant 1 : i32
      %swap3A_1644 = arith.index_cast %swap3A_1643 : i32 to index
      %swap3A_1645 = arith.constant 0 : index
      %swap3A_1646 = tpu.vector_load %arg8[%swap3A_1644, %swap3A_1645] {strides = array<i32>} : memref<4x64xi32, #tpu.memory_space<vmem>>, vector<1x16xi32>,
      %swap3A_1647 = vector.shape_cast %swap3A_1646 : vector<1x16xi32> to vector<16xi32>
      %swap3A_1648 = vector.shape_cast %shift_right_logical3A_1642 : vector<16xi32> to vector<1x16xi32>
      tpu.vector_store %arg8[%swap3A_1644, %swap3A_1645], %swap3A_1648 {strides = array<i32>} : memref<4x64xi32, #tpu.memory_space<vmem>>, vector<1x16xi32>,
      %get3A_1649 = arith.index_cast %add3A_1626 : i32 to index
      %get3A_1650 = arith.constant 16 : index
      %get3A_1651 = tpu.vector_load %arg6[%get3A_1649, %get3A_1650] {strides = array<i32>} : memref<80x64xi32, #tpu.memory_space<vmem>>, vector<1x16xi32>,
      %get3A_1652 = vector.shape_cast %get3A_1651 : vector<1x16xi32> to vector<16xi32>
      %and3A_1653 = arith.constant 16383 : i32
      %and3A_1654 = vector.broadcast %and3A_1653 : i32 to vector<16xi32>
      %and3A_1655 = arith.andi %get3A_1652, %and3A_1654 : vector<16xi32>
      %swap3A_1656 = arith.constant 1 : i32
      %swap3A_1657 = arith.index_cast %swap3A_1656 : i32 to index
      %swap3A_1658 = arith.constant 16 : index
      %swap3A_1659 = tpu.vector_load %arg7[%swap3A_1657, %swap3A_1658] {strides = array<i32>} : memref<4x64xi32, #tpu.memory_space<vmem>>, vector<1x16xi32>,
      %swap3A_1660 = vector.shape_cast %swap3A_1659 : vector<1x16xi32> to vector<16xi32>
      %swap3A_1661 = vector.shape_cast %and3A_1655 : vector<16xi32> to vector<1x16xi32>
      tpu.vector_store %arg7[%swap3A_1657, %swap3A_1658], %swap3A_1661 {strides = array<i32>} : memref<4x64xi32, #tpu.memory_space<vmem>>, vector<1x16xi32>,
      %shift_right_logical3A_1662 = arith.constant 14 : i32
      %shift_right_logical3A_1663 = vector.broadcast %shift_right_logical3A_1662 : i32 to vector<16xi32>
      %shift_right_logical3A_1664 = arith.shrui %get3A_1652, %shift_right_logical3A_1663 : vector<16xi32>
      %swap3A_1665 = arith.constant 1 : i32
      %swap3A_1666 = arith.index_cast %swap3A_1665 : i32 to index
      %swap3A_1667 = arith.constant 16 : index
      %swap3A_1668 = tpu.vector_load %arg8[%swap3A_1666, %swap3A_1667] {strides = array<i32>} : memref<4x64xi32, #tpu.memory_space<vmem>>, vector<1x16xi32>,
      %swap3A_1669 = vector.shape_cast %swap3A_1668 : vector<1x16xi32> to vector<16xi32>
      %swap3A_1670 = vector.shape_cast %shift_right_logical3A_1664 : vector<16xi32> to vector<1x16xi32>
      tpu.vector_store %arg8[%swap3A_1666, %swap3A_1667], %swap3A_1670 {strides = array<i32>} : memref<4x64xi32, #tpu.memory_space<vmem>>, vector<1x16xi32>,
      %get3A_1671 = arith.index_cast %add3A_1626 : i32 to index
      %get3A_1672 = arith.constant 32 : index
      %get3A_1673 = tpu.vector_load %arg6[%get3A_1671, %get3A_1672] {strides = array<i32>} : memref<80x64xi32, #tpu.memory_space<vmem>>, vector<1x16xi32>,
      %get3A_1674 = vector.shape_cast %get3A_1673 : vector<1x16xi32> to vector<16xi32>
      %and3A_1675 = arith.constant 16383 : i32
      %and3A_1676 = vector.broadcast %and3A_1675 : i32 to vector<16xi32>
      %and3A_1677 = arith.andi %get3A_1674, %and3A_1676 : vector<16xi32>
      %swap3A_1678 = arith.constant 1 : i32
      %swap3A_1679 = arith.index_cast %swap3A_1678 : i32 to index
      %swap3A_1680 = arith.constant 32 : index
      %swap3A_1681 = tpu.vector_load %arg7[%swap3A_1679, %swap3A_1680] {strides = array<i32>} : memref<4x64xi32, #tpu.memory_space<vmem>>, vector<1x16xi32>,
      %swap3A_1682 = vector.shape_cast %swap3A_1681 : vector<1x16xi32> to vector<16xi32>
      %swap3A_1683 = vector.shape_cast %and3A_1677 : vector<16xi32> to vector<1x16xi32>
      tpu.vector_store %arg7[%swap3A_1679, %swap3A_1680], %swap3A_1683 {strides = array<i32>} : memref<4x64xi32, #tpu.memory_space<vmem>>, vector<1x16xi32>,
      %shift_right_logical3A_1684 = arith.constant 14 : i32
      %shift_right_logical3A_1685 = vector.broadcast %shift_right_logical3A_1684 : i32 to vector<16xi32>
      %shift_right_logical3A_1686 = arith.shrui %get3A_1674, %shift_right_logical3A_1685 : vector<16xi32>
      %swap3A_1687 = arith.constant 1 : i32
      %swap3A_1688 = arith.index_cast %swap3A_1687 : i32 to index
      %swap3A_1689 = arith.constant 32 : index
      %swap3A_1690 = tpu.vector_load %arg8[%swap3A_1688, %swap3A_1689] {strides = array<i32>} : memref<4x64xi32, #tpu.memory_space<vmem>>, vector<1x16xi32>,
      %swap3A_1691 = vector.shape_cast %swap3A_1690 : vector<1x16xi32> to vector<16xi32>
      %swap3A_1692 = vector.shape_cast %shift_right_logical3A_1686 : vector<16xi32> to vector<1x16xi32>
      tpu.vector_store %arg8[%swap3A_1688, %swap3A_1689], %swap3A_1692 {strides = array<i32>} : memref<4x64xi32, #tpu.memory_space<vmem>>, vector<1x16xi32>,
      %get3A_1693 = arith.index_cast %add3A_1626 : i32 to index
      %get3A_1694 = arith.constant 48 : index
      %get3A_1695 = tpu.vector_load %arg6[%get3A_1693, %get3A_1694] {strides = array<i32>} : memref<80x64xi32, #tpu.memory_space<vmem>>, vector<1x16xi32>,
      %get3A_1696 = vector.shape_cast %get3A_1695 : vector<1x16xi32> to vector<16xi32>
      %and3A_1697 = arith.constant 16383 : i32
      %and3A_1698 = vector.broadcast %and3A_1697 : i32 to vector<16xi32>
      %and3A_1699 = arith.andi %get3A_1696, %and3A_1698 : vector<16xi32>
      %swap3A_1700 = arith.constant 1 : i32
      %swap3A_1701 = arith.index_cast %swap3A_1700 : i32 to index
      %swap3A_1702 = arith.constant 48 : index
      %swap3A_1703 = tpu.vector_load %arg7[%swap3A_1701, %swap3A_1702] {strides = array<i32>} : memref<4x64xi32, #tpu.memory_space<vmem>>, vector<1x16xi32>,
      %swap3A_1704 = vector.shape_cast %swap3A_1703 : vector<1x16xi32> to vector<16xi32>
      %swap3A_1705 = vector.shape_cast %and3A_1699 : vector<16xi32> to vector<1x16xi32>
      tpu.vector_store %arg7[%swap3A_1701, %swap3A_1702], %swap3A_1705 {strides = array<i32>} : memref<4x64xi32, #tpu.memory_space<vmem>>, vector<1x16xi32>,
      %shift_right_logical3A_1706 = arith.constant 14 : i32
      %shift_right_logical3A_1707 = vector.broadcast %shift_right_logical3A_1706 : i32 to vector<16xi32>
      %shift_right_logical3A_1708 = arith.shrui %get3A_1696, %shift_right_logical3A_1707 : vector<16xi32>
      %swap3A_1709 = arith.constant 1 : i32
      %swap3A_1710 = arith.index_cast %swap3A_1709 : i32 to index
      %swap3A_1711 = arith.constant 48 : index
      %swap3A_1712 = tpu.vector_load %arg8[%swap3A_1710, %swap3A_1711] {strides = array<i32>} : memref<4x64xi32, #tpu.memory_space<vmem>>, vector<1x16xi32>,
      %swap3A_1713 = vector.shape_cast %swap3A_1712 : vector<1x16xi32> to vector<16xi32>
      %swap3A_1714 = vector.shape_cast %shift_right_logical3A_1708 : vector<16xi32> to vector<1x16xi32>
      tpu.vector_store %arg8[%swap3A_1710, %swap3A_1711], %swap3A_1714 {strides = array<i32>} : memref<4x64xi32, #tpu.memory_space<vmem>>, vector<1x16xi32>,
      %dma_start3A_1715 = arith.constant 1 : i32
      %dma_start3A_1716 = arith.constant 1 : i32
      %dma_start3A_1717 = arith.constant 0 : i32
      %dma_start3A_1718 = arith.constant 0 : i32
      %dma_start3A_1719 = tpu.memref_slice %arg9[%dma_start3A_1716, %dma_start3A_1717, %dma_start3A_1718] : memref<4x64x128xf32, #tpu.memory_space<vmem>> -> memref<1x64x128xf32, #tpu.memory_space<vmem>>
      %dma_start3A_1720 = tpu.memref_squeeze %dma_start3A_1719 : memref<1x64x128xf32, #tpu.memory_space<vmem>> -> memref<64x128xf32, #tpu.memory_space<vmem>>
      %dma_start3A_1721 = arith.constant 0 : i32
      %dma_start3A_1722 = tpu.memref_slice %arg7[%dma_start3A_1715, %dma_start3A_1721] : memref<4x64xi32, #tpu.memory_space<vmem>> -> memref<1x64xi32, #tpu.memory_space<vmem>>
      %dma_start3A_1723 = tpu.memref_squeeze %dma_start3A_1722 : memref<1x64xi32, #tpu.memory_space<vmem>> -> memref<64xi32, #tpu.memory_space<vmem>>
      %dma_start3A_1724 = arith.constant 0 : i32
      %dma_start3A_1725 = arith.constant 0 : i32
      %dma_start3A_1726 = tpu.memref_slice %arg2[%dma_start3A_1724, %dma_start3A_1725] : memref<10000x128xf32, #tpu.memory_space<hbm>> -> memref<10000x128xf32, #tpu.memory_space<hbm>>
      tpu.enqueue_indirect_dma source(%dma_start3A_1726 : memref<10000x128xf32, #tpu.memory_space<hbm>>) target(%dma_start3A_1720 : memref<64x128xf32, #tpu.memory_space<vmem>>) offsets(%dma_start3A_1723 : memref<64xi32, #tpu.memory_space<vmem>>) semaphore(%arg11 : memref<!tpu.dma_semaphore, #tpu.memory_space<semaphore_mem>>)
    }
    %scan3A_780 = arith.constant 18 : i32
    %dma_wait3A_781 = arith.constant 0 : i32
    %dma_wait3A_782 = arith.constant 0 : i32
    %dma_wait3A_783 = arith.constant 0 : i32
    %dma_wait3A_784 = arith.constant 0 : i32
    %dma_wait3A_785 = tpu.memref_slice %arg9[%dma_wait3A_782, %dma_wait3A_783, %dma_wait3A_784] : memref<4x64x128xf32, #tpu.memory_space<vmem>> -> memref<1x64x128xf32, #tpu.memory_space<vmem>>
    %dma_wait3A_786 = tpu.memref_squeeze %dma_wait3A_785 : memref<1x64x128xf32, #tpu.memory_space<vmem>> -> memref<64x128xf32, #tpu.memory_space<vmem>>
    %dma_wait3A_787 = arith.constant 0 : i32
    %dma_wait3A_788 = tpu.memref_slice %arg7[%dma_wait3A_781, %dma_wait3A_787] : memref<4x64xi32, #tpu.memory_space<vmem>> -> memref<1x64xi32, #tpu.memory_space<vmem>>
    %dma_wait3A_789 = tpu.memref_squeeze %dma_wait3A_788 : memref<1x64xi32, #tpu.memory_space<vmem>> -> memref<64xi32, #tpu.memory_space<vmem>>
    %dma_wait3A_790 = arith.constant 0 : i32
    %dma_wait3A_791 = arith.constant 0 : i32
    %dma_wait3A_792 = tpu.memref_slice %arg2[%dma_wait3A_790, %dma_wait3A_791] : memref<10000x128xf32, #tpu.memory_space<hbm>> -> memref<10000x128xf32, #tpu.memory_space<hbm>>
    tpu.wait_indirect_dma semaphore(%arg10 : memref<!tpu.dma_semaphore, #tpu.memory_space<semaphore_mem>>) src(%dma_wait3A_792 : memref<10000x128xf32, #tpu.memory_space<hbm>>) dst(%dma_wait3A_786 : memref<64x128xf32, #tpu.memory_space<vmem>>)
    %dma_start3A_793 = arith.constant 0 : i32
    %dma_start3A_794 = arith.constant 0 : i32
    %dma_start3A_795 = arith.constant 0 : i32
    %dma_start3A_796 = arith.constant 0 : i32
    %dma_start3A_797 = tpu.memref_slice %arg9[%dma_start3A_793, %dma_start3A_795, %dma_start3A_796] : memref<4x64x128xf32, #tpu.memory_space<vmem>> -> memref<1x64x128xf32, #tpu.memory_space<vmem>>
    %dma_start3A_798 = tpu.memref_squeeze %dma_start3A_797 : memref<1x64x128xf32, #tpu.memory_space<vmem>> -> memref<64x128xf32, #tpu.memory_space<vmem>>
    %dma_start3A_799 = arith.constant 0 : i32
    %dma_start3A_800 = tpu.memref_slice %arg8[%dma_start3A_794, %dma_start3A_799] : memref<4x64xi32, #tpu.memory_space<vmem>> -> memref<1x64xi32, #tpu.memory_space<vmem>>
    %dma_start3A_801 = tpu.memref_squeeze %dma_start3A_800 : memref<1x64xi32, #tpu.memory_space<vmem>> -> memref<64xi32, #tpu.memory_space<vmem>>
    %dma_start3A_802 = arith.constant 0 : i32
    %dma_start3A_803 = arith.constant 0 : i32
    %dma_start3A_804 = tpu.memref_slice %arg5[%dma_start3A_802, %dma_start3A_803] : memref<10240x128xf32, #tpu.memory_space<vmem_shared>> -> memref<10240x128xf32, #tpu.memory_space<vmem_shared>>
    tpu.enqueue_indirect_dma source(%dma_start3A_798 : memref<64x128xf32, #tpu.memory_space<vmem>>) target(%dma_start3A_804 : memref<10240x128xf32, #tpu.memory_space<vmem_shared>>) offsets(%dma_start3A_801 : memref<64xi32, #tpu.memory_space<vmem>>) semaphore(%arg14 : memref<!tpu.dma_semaphore, #tpu.memory_space<semaphore_mem>>) {add = true}
    %dma_wait3A_805 = arith.constant 2 : i32
    %dma_wait3A_806 = arith.constant 2 : i32
    %dma_wait3A_807 = arith.constant 0 : i32
    %dma_wait3A_808 = arith.constant 0 : i32
    %dma_wait3A_809 = tpu.memref_slice %arg9[%dma_wait3A_805, %dma_wait3A_807, %dma_wait3A_808] : memref<4x64x128xf32, #tpu.memory_space<vmem>> -> memref<1x64x128xf32, #tpu.memory_space<vmem>>
    %dma_wait3A_810 = tpu.memref_squeeze %dma_wait3A_809 : memref<1x64x128xf32, #tpu.memory_space<vmem>> -> memref<64x128xf32, #tpu.memory_space<vmem>>
    %dma_wait3A_811 = arith.constant 0 : i32
    %dma_wait3A_812 = tpu.memref_slice %arg8[%dma_wait3A_806, %dma_wait3A_811] : memref<4x64xi32, #tpu.memory_space<vmem>> -> memref<1x64xi32, #tpu.memory_space<vmem>>
    %dma_wait3A_813 = tpu.memref_squeeze %dma_wait3A_812 : memref<1x64xi32, #tpu.memory_space<vmem>> -> memref<64xi32, #tpu.memory_space<vmem>>
    %dma_wait3A_814 = arith.constant 0 : i32
    %dma_wait3A_815 = arith.constant 0 : i32
    %dma_wait3A_816 = tpu.memref_slice %arg5[%dma_wait3A_814, %dma_wait3A_815] : memref<10240x128xf32, #tpu.memory_space<vmem_shared>> -> memref<10240x128xf32, #tpu.memory_space<vmem_shared>>
    tpu.wait_indirect_dma semaphore(%arg16 : memref<!tpu.dma_semaphore, #tpu.memory_space<semaphore_mem>>) src(%dma_wait3A_810 : memref<64x128xf32, #tpu.memory_space<vmem>>) dst(%dma_wait3A_816 : memref<10240x128xf32, #tpu.memory_space<vmem_shared>>)
    %get3A_817 = arith.constant 78 : i32
    %get3A_818 = arith.index_cast %get3A_817 : i32 to index
    %get3A_819 = arith.constant 0 : index
    %get3A_820 = tpu.vector_load %arg6[%get3A_818, %get3A_819] {strides = array<i32>} : memref<80x64xi32, #tpu.memory_space<vmem>>, vector<1x16xi32>,
    %get3A_821 = vector.shape_cast %get3A_820 : vector<1x16xi32> to vector<16xi32>
    %and3A_822 = arith.constant 16383 : i32
    %and3A_823 = vector.broadcast %and3A_822 : i32 to vector<16xi32>
    %and3A_824 = arith.andi %get3A_821, %and3A_823 : vector<16xi32>
    %swap3A_825 = arith.constant 2 : i32
    %swap3A_826 = arith.index_cast %swap3A_825 : i32 to index
    %swap3A_827 = arith.constant 0 : index
    %swap3A_828 = tpu.vector_load %arg7[%swap3A_826, %swap3A_827] {strides = array<i32>} : memref<4x64xi32, #tpu.memory_space<vmem>>, vector<1x16xi32>,
    %swap3A_829 = vector.shape_cast %swap3A_828 : vector<1x16xi32> to vector<16xi32>
    %swap3A_830 = vector.shape_cast %and3A_824 : vector<16xi32> to vector<1x16xi32>
    tpu.vector_store %arg7[%swap3A_826, %swap3A_827], %swap3A_830 {strides = array<i32>} : memref<4x64xi32, #tpu.memory_space<vmem>>, vector<1x16xi32>,
    %shift_right_logical3A_831 = arith.constant 14 : i32
    %shift_right_logical3A_832 = vector.broadcast %shift_right_logical3A_831 : i32 to vector<16xi32>
    %shift_right_logical3A_833 = arith.shrui %get3A_821, %shift_right_logical3A_832 : vector<16xi32>
    %swap3A_834 = arith.constant 2 : i32
    %swap3A_835 = arith.index_cast %swap3A_834 : i32 to index
    %swap3A_836 = arith.constant 0 : index
    %swap3A_837 = tpu.vector_load %arg8[%swap3A_835, %swap3A_836] {strides = array<i32>} : memref<4x64xi32, #tpu.memory_space<vmem>>, vector<1x16xi32>,
    %swap3A_838 = vector.shape_cast %swap3A_837 : vector<1x16xi32> to vector<16xi32>
    %swap3A_839 = vector.shape_cast %shift_right_logical3A_833 : vector<16xi32> to vector<1x16xi32>
    tpu.vector_store %arg8[%swap3A_835, %swap3A_836], %swap3A_839 {strides = array<i32>} : memref<4x64xi32, #tpu.memory_space<vmem>>, vector<1x16xi32>,
    %get3A_840 = arith.constant 78 : i32
    %get3A_841 = arith.index_cast %get3A_840 : i32 to index
    %get3A_842 = arith.constant 16 : index
    %get3A_843 = tpu.vector_load %arg6[%get3A_841, %get3A_842] {strides = array<i32>} : memref<80x64xi32, #tpu.memory_space<vmem>>, vector<1x16xi32>,
    %get3A_844 = vector.shape_cast %get3A_843 : vector<1x16xi32> to vector<16xi32>
    %and3A_845 = arith.constant 16383 : i32
    %and3A_846 = vector.broadcast %and3A_845 : i32 to vector<16xi32>
    %and3A_847 = arith.andi %get3A_844, %and3A_846 : vector<16xi32>
    %swap3A_848 = arith.constant 2 : i32
    %swap3A_849 = arith.index_cast %swap3A_848 : i32 to index
    %swap3A_850 = arith.constant 16 : index
    %swap3A_851 = tpu.vector_load %arg7[%swap3A_849, %swap3A_850] {strides = array<i32>} : memref<4x64xi32, #tpu.memory_space<vmem>>, vector<1x16xi32>,
    %swap3A_852 = vector.shape_cast %swap3A_851 : vector<1x16xi32> to vector<16xi32>
    %swap3A_853 = vector.shape_cast %and3A_847 : vector<16xi32> to vector<1x16xi32>
    tpu.vector_store %arg7[%swap3A_849, %swap3A_850], %swap3A_853 {strides = array<i32>} : memref<4x64xi32, #tpu.memory_space<vmem>>, vector<1x16xi32>,
    %shift_right_logical3A_854 = arith.constant 14 : i32
    %shift_right_logical3A_855 = vector.broadcast %shift_right_logical3A_854 : i32 to vector<16xi32>
    %shift_right_logical3A_856 = arith.shrui %get3A_844, %shift_right_logical3A_855 : vector<16xi32>
    %swap3A_857 = arith.constant 2 : i32
    %swap3A_858 = arith.index_cast %swap3A_857 : i32 to index
    %swap3A_859 = arith.constant 16 : index
    %swap3A_860 = tpu.vector_load %arg8[%swap3A_858, %swap3A_859] {strides = array<i32>} : memref<4x64xi32, #tpu.memory_space<vmem>>, vector<1x16xi32>,
    %swap3A_861 = vector.shape_cast %swap3A_860 : vector<1x16xi32> to vector<16xi32>
    %swap3A_862 = vector.shape_cast %shift_right_logical3A_856 : vector<16xi32> to vector<1x16xi32>
    tpu.vector_store %arg8[%swap3A_858, %swap3A_859], %swap3A_862 {strides = array<i32>} : memref<4x64xi32, #tpu.memory_space<vmem>>, vector<1x16xi32>,
    %get3A_863 = arith.constant 78 : i32
    %get3A_864 = arith.index_cast %get3A_863 : i32 to index
    %get3A_865 = arith.constant 32 : index
    %get3A_866 = tpu.vector_load %arg6[%get3A_864, %get3A_865] {strides = array<i32>} : memref<80x64xi32, #tpu.memory_space<vmem>>, vector<1x16xi32>,
    %get3A_867 = vector.shape_cast %get3A_866 : vector<1x16xi32> to vector<16xi32>
    %and3A_868 = arith.constant 16383 : i32
    %and3A_869 = vector.broadcast %and3A_868 : i32 to vector<16xi32>
    %and3A_870 = arith.andi %get3A_867, %and3A_869 : vector<16xi32>
    %swap3A_871 = arith.constant 2 : i32
    %swap3A_872 = arith.index_cast %swap3A_871 : i32 to index
    %swap3A_873 = arith.constant 32 : index
    %swap3A_874 = tpu.vector_load %arg7[%swap3A_872, %swap3A_873] {strides = array<i32>} : memref<4x64xi32, #tpu.memory_space<vmem>>, vector<1x16xi32>,
    %swap3A_875 = vector.shape_cast %swap3A_874 : vector<1x16xi32> to vector<16xi32>
    %swap3A_876 = vector.shape_cast %and3A_870 : vector<16xi32> to vector<1x16xi32>
    tpu.vector_store %arg7[%swap3A_872, %swap3A_873], %swap3A_876 {strides = array<i32>} : memref<4x64xi32, #tpu.memory_space<vmem>>, vector<1x16xi32>,
    %shift_right_logical3A_877 = arith.constant 14 : i32
    %shift_right_logical3A_878 = vector.broadcast %shift_right_logical3A_877 : i32 to vector<16xi32>
    %shift_right_logical3A_879 = arith.shrui %get3A_867, %shift_right_logical3A_878 : vector<16xi32>
    %swap3A_880 = arith.constant 2 : i32
    %swap3A_881 = arith.index_cast %swap3A_880 : i32 to index
    %swap3A_882 = arith.constant 32 : index
    %swap3A_883 = tpu.vector_load %arg8[%swap3A_881, %swap3A_882] {strides = array<i32>} : memref<4x64xi32, #tpu.memory_space<vmem>>, vector<1x16xi32>,
    %swap3A_884 = vector.shape_cast %swap3A_883 : vector<1x16xi32> to vector<16xi32>
    %swap3A_885 = vector.shape_cast %shift_right_logical3A_879 : vector<16xi32> to vector<1x16xi32>
    tpu.vector_store %arg8[%swap3A_881, %swap3A_882], %swap3A_885 {strides = array<i32>} : memref<4x64xi32, #tpu.memory_space<vmem>>, vector<1x16xi32>,
    %get3A_886 = arith.constant 78 : i32
    %get3A_887 = arith.index_cast %get3A_886 : i32 to index
    %get3A_888 = arith.constant 48 : index
    %get3A_889 = tpu.vector_load %arg6[%get3A_887, %get3A_888] {strides = array<i32>} : memref<80x64xi32, #tpu.memory_space<vmem>>, vector<1x16xi32>,
    %get3A_890 = vector.shape_cast %get3A_889 : vector<1x16xi32> to vector<16xi32>
    %and3A_891 = arith.constant 16383 : i32
    %and3A_892 = vector.broadcast %and3A_891 : i32 to vector<16xi32>
    %and3A_893 = arith.andi %get3A_890, %and3A_892 : vector<16xi32>
    %swap3A_894 = arith.constant 2 : i32
    %swap3A_895 = arith.index_cast %swap3A_894 : i32 to index
    %swap3A_896 = arith.constant 48 : index
    %swap3A_897 = tpu.vector_load %arg7[%swap3A_895, %swap3A_896] {strides = array<i32>} : memref<4x64xi32, #tpu.memory_space<vmem>>, vector<1x16xi32>,
    %swap3A_898 = vector.shape_cast %swap3A_897 : vector<1x16xi32> to vector<16xi32>
    %swap3A_899 = vector.shape_cast %and3A_893 : vector<16xi32> to vector<1x16xi32>
    tpu.vector_store %arg7[%swap3A_895, %swap3A_896], %swap3A_899 {strides = array<i32>} : memref<4x64xi32, #tpu.memory_space<vmem>>, vector<1x16xi32>,
    %shift_right_logical3A_900 = arith.constant 14 : i32
    %shift_right_logical3A_901 = vector.broadcast %shift_right_logical3A_900 : i32 to vector<16xi32>
    %shift_right_logical3A_902 = arith.shrui %get3A_890, %shift_right_logical3A_901 : vector<16xi32>
    %swap3A_903 = arith.constant 2 : i32
    %swap3A_904 = arith.index_cast %swap3A_903 : i32 to index
    %swap3A_905 = arith.constant 48 : index
    %swap3A_906 = tpu.vector_load %arg8[%swap3A_904, %swap3A_905] {strides = array<i32>} : memref<4x64xi32, #tpu.memory_space<vmem>>, vector<1x16xi32>,
    %swap3A_907 = vector.shape_cast %swap3A_906 : vector<1x16xi32> to vector<16xi32>
    %swap3A_908 = vector.shape_cast %shift_right_logical3A_902 : vector<16xi32> to vector<1x16xi32>
    tpu.vector_store %arg8[%swap3A_904, %swap3A_905], %swap3A_908 {strides = array<i32>} : memref<4x64xi32, #tpu.memory_space<vmem>>, vector<1x16xi32>,
    %dma_start3A_909 = arith.constant 2 : i32
    %dma_start3A_910 = arith.constant 2 : i32
    %dma_start3A_911 = arith.constant 0 : i32
    %dma_start3A_912 = arith.constant 0 : i32
    %dma_start3A_913 = tpu.memref_slice %arg9[%dma_start3A_910, %dma_start3A_911, %dma_start3A_912] : memref<4x64x128xf32, #tpu.memory_space<vmem>> -> memref<1x64x128xf32, #tpu.memory_space<vmem>>
    %dma_start3A_914 = tpu.memref_squeeze %dma_start3A_913 : memref<1x64x128xf32, #tpu.memory_space<vmem>> -> memref<64x128xf32, #tpu.memory_space<vmem>>
    %dma_start3A_915 = arith.constant 0 : i32
    %dma_start3A_916 = tpu.memref_slice %arg7[%dma_start3A_909, %dma_start3A_915] : memref<4x64xi32, #tpu.memory_space<vmem>> -> memref<1x64xi32, #tpu.memory_space<vmem>>
    %dma_start3A_917 = tpu.memref_squeeze %dma_start3A_916 : memref<1x64xi32, #tpu.memory_space<vmem>> -> memref<64xi32, #tpu.memory_space<vmem>>
    %dma_start3A_918 = arith.constant 0 : i32
    %dma_start3A_919 = arith.constant 0 : i32
    %dma_start3A_920 = tpu.memref_slice %arg2[%dma_start3A_918, %dma_start3A_919] : memref<10000x128xf32, #tpu.memory_space<hbm>> -> memref<10000x128xf32, #tpu.memory_space<hbm>>
    tpu.enqueue_indirect_dma source(%dma_start3A_920 : memref<10000x128xf32, #tpu.memory_space<hbm>>) target(%dma_start3A_914 : memref<64x128xf32, #tpu.memory_space<vmem>>) offsets(%dma_start3A_917 : memref<64xi32, #tpu.memory_space<vmem>>) semaphore(%arg12 : memref<!tpu.dma_semaphore, #tpu.memory_space<semaphore_mem>>)
    %dma_wait3A_921 = arith.constant 1 : i32
    %dma_wait3A_922 = arith.constant 1 : i32
    %dma_wait3A_923 = arith.constant 0 : i32
    %dma_wait3A_924 = arith.constant 0 : i32
    %dma_wait3A_925 = tpu.memref_slice %arg9[%dma_wait3A_922, %dma_wait3A_923, %dma_wait3A_924] : memref<4x64x128xf32, #tpu.memory_space<vmem>> -> memref<1x64x128xf32, #tpu.memory_space<vmem>>
    %dma_wait3A_926 = tpu.memref_squeeze %dma_wait3A_925 : memref<1x64x128xf32, #tpu.memory_space<vmem>> -> memref<64x128xf32, #tpu.memory_space<vmem>>
    %dma_wait3A_927 = arith.constant 0 : i32
    %dma_wait3A_928 = tpu.memref_slice %arg7[%dma_wait3A_921, %dma_wait3A_927] : memref<4x64xi32, #tpu.memory_space<vmem>> -> memref<1x64xi32, #tpu.memory_space<vmem>>
    %dma_wait3A_929 = tpu.memref_squeeze %dma_wait3A_928 : memref<1x64xi32, #tpu.memory_space<vmem>> -> memref<64xi32, #tpu.memory_space<vmem>>
    %dma_wait3A_930 = arith.constant 0 : i32
    %dma_wait3A_931 = arith.constant 0 : i32
    %dma_wait3A_932 = tpu.memref_slice %arg2[%dma_wait3A_930, %dma_wait3A_931] : memref<10000x128xf32, #tpu.memory_space<hbm>> -> memref<10000x128xf32, #tpu.memory_space<hbm>>
    tpu.wait_indirect_dma semaphore(%arg11 : memref<!tpu.dma_semaphore, #tpu.memory_space<semaphore_mem>>) src(%dma_wait3A_932 : memref<10000x128xf32, #tpu.memory_space<hbm>>) dst(%dma_wait3A_926 : memref<64x128xf32, #tpu.memory_space<vmem>>)
    %dma_start3A_933 = arith.constant 1 : i32
    %dma_start3A_934 = arith.constant 1 : i32
    %dma_start3A_935 = arith.constant 0 : i32
    %dma_start3A_936 = arith.constant 0 : i32
    %dma_start3A_937 = tpu.memref_slice %arg9[%dma_start3A_933, %dma_start3A_935, %dma_start3A_936] : memref<4x64x128xf32, #tpu.memory_space<vmem>> -> memref<1x64x128xf32, #tpu.memory_space<vmem>>
    %dma_start3A_938 = tpu.memref_squeeze %dma_start3A_937 : memref<1x64x128xf32, #tpu.memory_space<vmem>> -> memref<64x128xf32, #tpu.memory_space<vmem>>
    %dma_start3A_939 = arith.constant 0 : i32
    %dma_start3A_940 = tpu.memref_slice %arg8[%dma_start3A_934, %dma_start3A_939] : memref<4x64xi32, #tpu.memory_space<vmem>> -> memref<1x64xi32, #tpu.memory_space<vmem>>
    %dma_start3A_941 = tpu.memref_squeeze %dma_start3A_940 : memref<1x64xi32, #tpu.memory_space<vmem>> -> memref<64xi32, #tpu.memory_space<vmem>>
    %dma_start3A_942 = arith.constant 0 : i32
    %dma_start3A_943 = arith.constant 0 : i32
    %dma_start3A_944 = tpu.memref_slice %arg5[%dma_start3A_942, %dma_start3A_943] : memref<10240x128xf32, #tpu.memory_space<vmem_shared>> -> memref<10240x128xf32, #tpu.memory_space<vmem_shared>>
    tpu.enqueue_indirect_dma source(%dma_start3A_938 : memref<64x128xf32, #tpu.memory_space<vmem>>) target(%dma_start3A_944 : memref<10240x128xf32, #tpu.memory_space<vmem_shared>>) offsets(%dma_start3A_941 : memref<64xi32, #tpu.memory_space<vmem>>) semaphore(%arg15 : memref<!tpu.dma_semaphore, #tpu.memory_space<semaphore_mem>>) {add = true}
    %dma_wait3A_945 = arith.constant 3 : i32
    %dma_wait3A_946 = arith.constant 3 : i32
    %dma_wait3A_947 = arith.constant 0 : i32
    %dma_wait3A_948 = arith.constant 0 : i32
    %dma_wait3A_949 = tpu.memref_slice %arg9[%dma_wait3A_945, %dma_wait3A_947, %dma_wait3A_948] : memref<4x64x128xf32, #tpu.memory_space<vmem>> -> memref<1x64x128xf32, #tpu.memory_space<vmem>>
    %dma_wait3A_950 = tpu.memref_squeeze %dma_wait3A_949 : memref<1x64x128xf32, #tpu.memory_space<vmem>> -> memref<64x128xf32, #tpu.memory_space<vmem>>
    %dma_wait3A_951 = arith.constant 0 : i32
    %dma_wait3A_952 = tpu.memref_slice %arg8[%dma_wait3A_946, %dma_wait3A_951] : memref<4x64xi32, #tpu.memory_space<vmem>> -> memref<1x64xi32, #tpu.memory_space<vmem>>
    %dma_wait3A_953 = tpu.memref_squeeze %dma_wait3A_952 : memref<1x64xi32, #tpu.memory_space<vmem>> -> memref<64xi32, #tpu.memory_space<vmem>>
    %dma_wait3A_954 = arith.constant 0 : i32
    %dma_wait3A_955 = arith.constant 0 : i32
    %dma_wait3A_956 = tpu.memref_slice %arg5[%dma_wait3A_954, %dma_wait3A_955] : memref<10240x128xf32, #tpu.memory_space<vmem_shared>> -> memref<10240x128xf32, #tpu.memory_space<vmem_shared>>
    tpu.wait_indirect_dma semaphore(%arg17 : memref<!tpu.dma_semaphore, #tpu.memory_space<semaphore_mem>>) src(%dma_wait3A_950 : memref<64x128xf32, #tpu.memory_space<vmem>>) dst(%dma_wait3A_956 : memref<10240x128xf32, #tpu.memory_space<vmem_shared>>)
    %get3A_957 = arith.constant 79 : i32
    %get3A_958 = arith.index_cast %get3A_957 : i32 to index
    %get3A_959 = arith.constant 0 : index
    %get3A_960 = tpu.vector_load %arg6[%get3A_958, %get3A_959] {strides = array<i32>} : memref<80x64xi32, #tpu.memory_space<vmem>>, vector<1x16xi32>,
    %get3A_961 = vector.shape_cast %get3A_960 : vector<1x16xi32> to vector<16xi32>
    %and3A_962 = arith.constant 16383 : i32
    %and3A_963 = vector.broadcast %and3A_962 : i32 to vector<16xi32>
    %and3A_964 = arith.andi %get3A_961, %and3A_963 : vector<16xi32>
    %swap3A_965 = arith.constant 3 : i32
    %swap3A_966 = arith.index_cast %swap3A_965 : i32 to index
    %swap3A_967 = arith.constant 0 : index
    %swap3A_968 = tpu.vector_load %arg7[%swap3A_966, %swap3A_967] {strides = array<i32>} : memref<4x64xi32, #tpu.memory_space<vmem>>, vector<1x16xi32>,
    %swap3A_969 = vector.shape_cast %swap3A_968 : vector<1x16xi32> to vector<16xi32>
    %swap3A_970 = vector.shape_cast %and3A_964 : vector<16xi32> to vector<1x16xi32>
    tpu.vector_store %arg7[%swap3A_966, %swap3A_967], %swap3A_970 {strides = array<i32>} : memref<4x64xi32, #tpu.memory_space<vmem>>, vector<1x16xi32>,
    %shift_right_logical3A_971 = arith.constant 14 : i32
    %shift_right_logical3A_972 = vector.broadcast %shift_right_logical3A_971 : i32 to vector<16xi32>
    %shift_right_logical3A_973 = arith.shrui %get3A_961, %shift_right_logical3A_972 : vector<16xi32>
    %swap3A_974 = arith.constant 3 : i32
    %swap3A_975 = arith.index_cast %swap3A_974 : i32 to index
    %swap3A_976 = arith.constant 0 : index
    %swap3A_977 = tpu.vector_load %arg8[%swap3A_975, %swap3A_976] {strides = array<i32>} : memref<4x64xi32, #tpu.memory_space<vmem>>, vector<1x16xi32>,
    %swap3A_978 = vector.shape_cast %swap3A_977 : vector<1x16xi32> to vector<16xi32>
    %swap3A_979 = vector.shape_cast %shift_right_logical3A_973 : vector<16xi32> to vector<1x16xi32>
    tpu.vector_store %arg8[%swap3A_975, %swap3A_976], %swap3A_979 {strides = array<i32>} : memref<4x64xi32, #tpu.memory_space<vmem>>, vector<1x16xi32>,
    %get3A_980 = arith.constant 79 : i32
    %get3A_981 = arith.index_cast %get3A_980 : i32 to index
    %get3A_982 = arith.constant 16 : index
    %get3A_983 = tpu.vector_load %arg6[%get3A_981, %get3A_982] {strides = array<i32>} : memref<80x64xi32, #tpu.memory_space<vmem>>, vector<1x16xi32>,
    %get3A_984 = vector.shape_cast %get3A_983 : vector<1x16xi32> to vector<16xi32>
    %and3A_985 = arith.constant 16383 : i32
    %and3A_986 = vector.broadcast %and3A_985 : i32 to vector<16xi32>
    %and3A_987 = arith.andi %get3A_984, %and3A_986 : vector<16xi32>
    %swap3A_988 = arith.constant 3 : i32
    %swap3A_989 = arith.index_cast %swap3A_988 : i32 to index
    %swap3A_990 = arith.constant 16 : index
    %swap3A_991 = tpu.vector_load %arg7[%swap3A_989, %swap3A_990] {strides = array<i32>} : memref<4x64xi32, #tpu.memory_space<vmem>>, vector<1x16xi32>,
    %swap3A_992 = vector.shape_cast %swap3A_991 : vector<1x16xi32> to vector<16xi32>
    %swap3A_993 = vector.shape_cast %and3A_987 : vector<16xi32> to vector<1x16xi32>
    tpu.vector_store %arg7[%swap3A_989, %swap3A_990], %swap3A_993 {strides = array<i32>} : memref<4x64xi32, #tpu.memory_space<vmem>>, vector<1x16xi32>,
    %shift_right_logical3A_994 = arith.constant 14 : i32
    %shift_right_logical3A_995 = vector.broadcast %shift_right_logical3A_994 : i32 to vector<16xi32>
    %shift_right_logical3A_996 = arith.shrui %get3A_984, %shift_right_logical3A_995 : vector<16xi32>
    %swap3A_997 = arith.constant 3 : i32
    %swap3A_998 = arith.index_cast %swap3A_997 : i32 to index
    %swap3A_999 = arith.constant 16 : index
    %swap3A_1000 = tpu.vector_load %arg8[%swap3A_998, %swap3A_999] {strides = array<i32>} : memref<4x64xi32, #tpu.memory_space<vmem>>, vector<1x16xi32>,
    %swap3A_1001 = vector.shape_cast %swap3A_1000 : vector<1x16xi32> to vector<16xi32>
    %swap3A_1002 = vector.shape_cast %shift_right_logical3A_996 : vector<16xi32> to vector<1x16xi32>
    tpu.vector_store %arg8[%swap3A_998, %swap3A_999], %swap3A_1002 {strides = array<i32>} : memref<4x64xi32, #tpu.memory_space<vmem>>, vector<1x16xi32>,
    %get3A_1003 = arith.constant 79 : i32
    %get3A_1004 = arith.index_cast %get3A_1003 : i32 to index
    %get3A_1005 = arith.constant 32 : index
    %get3A_1006 = tpu.vector_load %arg6[%get3A_1004, %get3A_1005] {strides = array<i32>} : memref<80x64xi32, #tpu.memory_space<vmem>>, vector<1x16xi32>,
    %get3A_1007 = vector.shape_cast %get3A_1006 : vector<1x16xi32> to vector<16xi32>
    %and3A_1008 = arith.constant 16383 : i32
    %and3A_1009 = vector.broadcast %and3A_1008 : i32 to vector<16xi32>
    %and3A_1010 = arith.andi %get3A_1007, %and3A_1009 : vector<16xi32>
    %swap3A_1011 = arith.constant 3 : i32
    %swap3A_1012 = arith.index_cast %swap3A_1011 : i32 to index
    %swap3A_1013 = arith.constant 32 : index
    %swap3A_1014 = tpu.vector_load %arg7[%swap3A_1012, %swap3A_1013] {strides = array<i32>} : memref<4x64xi32, #tpu.memory_space<vmem>>, vector<1x16xi32>,
    %swap3A_1015 = vector.shape_cast %swap3A_1014 : vector<1x16xi32> to vector<16xi32>
    %swap3A_1016 = vector.shape_cast %and3A_1010 : vector<16xi32> to vector<1x16xi32>
    tpu.vector_store %arg7[%swap3A_1012, %swap3A_1013], %swap3A_1016 {strides = array<i32>} : memref<4x64xi32, #tpu.memory_space<vmem>>, vector<1x16xi32>,
    %shift_right_logical3A_1017 = arith.constant 14 : i32
    %shift_right_logical3A_1018 = vector.broadcast %shift_right_logical3A_1017 : i32 to vector<16xi32>
    %shift_right_logical3A_1019 = arith.shrui %get3A_1007, %shift_right_logical3A_1018 : vector<16xi32>
    %swap3A_1020 = arith.constant 3 : i32
    %swap3A_1021 = arith.index_cast %swap3A_1020 : i32 to index
    %swap3A_1022 = arith.constant 32 : index
    %swap3A_1023 = tpu.vector_load %arg8[%swap3A_1021, %swap3A_1022] {strides = array<i32>} : memref<4x64xi32, #tpu.memory_space<vmem>>, vector<1x16xi32>,
    %swap3A_1024 = vector.shape_cast %swap3A_1023 : vector<1x16xi32> to vector<16xi32>
    %swap3A_1025 = vector.shape_cast %shift_right_logical3A_1019 : vector<16xi32> to vector<1x16xi32>
    tpu.vector_store %arg8[%swap3A_1021, %swap3A_1022], %swap3A_1025 {strides = array<i32>} : memref<4x64xi32, #tpu.memory_space<vmem>>, vector<1x16xi32>,
    %get3A_1026 = arith.constant 79 : i32
    %get3A_1027 = arith.index_cast %get3A_1026 : i32 to index
    %get3A_1028 = arith.constant 48 : index
    %get3A_1029 = tpu.vector_load %arg6[%get3A_1027, %get3A_1028] {strides = array<i32>} : memref<80x64xi32, #tpu.memory_space<vmem>>, vector<1x16xi32>,
    %get3A_1030 = vector.shape_cast %get3A_1029 : vector<1x16xi32> to vector<16xi32>
    %and3A_1031 = arith.constant 16383 : i32
    %and3A_1032 = vector.broadcast %and3A_1031 : i32 to vector<16xi32>
    %and3A_1033 = arith.andi %get3A_1030, %and3A_1032 : vector<16xi32>
    %swap3A_1034 = arith.constant 3 : i32
    %swap3A_1035 = arith.index_cast %swap3A_1034 : i32 to index
    %swap3A_1036 = arith.constant 48 : index
    %swap3A_1037 = tpu.vector_load %arg7[%swap3A_1035, %swap3A_1036] {strides = array<i32>} : memref<4x64xi32, #tpu.memory_space<vmem>>, vector<1x16xi32>,
    %swap3A_1038 = vector.shape_cast %swap3A_1037 : vector<1x16xi32> to vector<16xi32>
    %swap3A_1039 = vector.shape_cast %and3A_1033 : vector<16xi32> to vector<1x16xi32>
    tpu.vector_store %arg7[%swap3A_1035, %swap3A_1036], %swap3A_1039 {strides = array<i32>} : memref<4x64xi32, #tpu.memory_space<vmem>>, vector<1x16xi32>,
    %shift_right_logical3A_1040 = arith.constant 14 : i32
    %shift_right_logical3A_1041 = vector.broadcast %shift_right_logical3A_1040 : i32 to vector<16xi32>
    %shift_right_logical3A_1042 = arith.shrui %get3A_1030, %shift_right_logical3A_1041 : vector<16xi32>
    %swap3A_1043 = arith.constant 3 : i32
    %swap3A_1044 = arith.index_cast %swap3A_1043 : i32 to index
    %swap3A_1045 = arith.constant 48 : index
    %swap3A_1046 = tpu.vector_load %arg8[%swap3A_1044, %swap3A_1045] {strides = array<i32>} : memref<4x64xi32, #tpu.memory_space<vmem>>, vector<1x16xi32>,
    %swap3A_1047 = vector.shape_cast %swap3A_1046 : vector<1x16xi32> to vector<16xi32>
    %swap3A_1048 = vector.shape_cast %shift_right_logical3A_1042 : vector<16xi32> to vector<1x16xi32>
    tpu.vector_store %arg8[%swap3A_1044, %swap3A_1045], %swap3A_1048 {strides = array<i32>} : memref<4x64xi32, #tpu.memory_space<vmem>>, vector<1x16xi32>,
    %dma_start3A_1049 = arith.constant 3 : i32
    %dma_start3A_1050 = arith.constant 3 : i32
    %dma_start3A_1051 = arith.constant 0 : i32
    %dma_start3A_1052 = arith.constant 0 : i32
    %dma_start3A_1053 = tpu.memref_slice %arg9[%dma_start3A_1050, %dma_start3A_1051, %dma_start3A_1052] : memref<4x64x128xf32, #tpu.memory_space<vmem>> -> memref<1x64x128xf32, #tpu.memory_space<vmem>>
    %dma_start3A_1054 = tpu.memref_squeeze %dma_start3A_1053 : memref<1x64x128xf32, #tpu.memory_space<vmem>> -> memref<64x128xf32, #tpu.memory_space<vmem>>
    %dma_start3A_1055 = arith.constant 0 : i32
    %dma_start3A_1056 = tpu.memref_slice %arg7[%dma_start3A_1049, %dma_start3A_1055] : memref<4x64xi32, #tpu.memory_space<vmem>> -> memref<1x64xi32, #tpu.memory_space<vmem>>
    %dma_start3A_1057 = tpu.memref_squeeze %dma_start3A_1056 : memref<1x64xi32, #tpu.memory_space<vmem>> -> memref<64xi32, #tpu.memory_space<vmem>>
    %dma_start3A_1058 = arith.constant 0 : i32
    %dma_start3A_1059 = arith.constant 0 : i32
    %dma_start3A_1060 = tpu.memref_slice %arg2[%dma_start3A_1058, %dma_start3A_1059] : memref<10000x128xf32, #tpu.memory_space<hbm>> -> memref<10000x128xf32, #tpu.memory_space<hbm>>
    tpu.enqueue_indirect_dma source(%dma_start3A_1060 : memref<10000x128xf32, #tpu.memory_space<hbm>>) target(%dma_start3A_1054 : memref<64x128xf32, #tpu.memory_space<vmem>>) offsets(%dma_start3A_1057 : memref<64xi32, #tpu.memory_space<vmem>>) semaphore(%arg13 : memref<!tpu.dma_semaphore, #tpu.memory_space<semaphore_mem>>)
    %dma_wait3A_1061 = arith.constant 2 : i32
    %dma_wait3A_1062 = arith.constant 2 : i32
    %dma_wait3A_1063 = arith.constant 0 : i32
    %dma_wait3A_1064 = arith.constant 0 : i32
    %dma_wait3A_1065 = tpu.memref_slice %arg9[%dma_wait3A_1062, %dma_wait3A_1063, %dma_wait3A_1064] : memref<4x64x128xf32, #tpu.memory_space<vmem>> -> memref<1x64x128xf32, #tpu.memory_space<vmem>>
    %dma_wait3A_1066 = tpu.memref_squeeze %dma_wait3A_1065 : memref<1x64x128xf32, #tpu.memory_space<vmem>> -> memref<64x128xf32, #tpu.memory_space<vmem>>
    %dma_wait3A_1067 = arith.constant 0 : i32
    %dma_wait3A_1068 = tpu.memref_slice %arg7[%dma_wait3A_1061, %dma_wait3A_1067] : memref<4x64xi32, #tpu.memory_space<vmem>> -> memref<1x64xi32, #tpu.memory_space<vmem>>
    %dma_wait3A_1069 = tpu.memref_squeeze %dma_wait3A_1068 : memref<1x64xi32, #tpu.memory_space<vmem>> -> memref<64xi32, #tpu.memory_space<vmem>>
    %dma_wait3A_1070 = arith.constant 0 : i32
    %dma_wait3A_1071 = arith.constant 0 : i32
    %dma_wait3A_1072 = tpu.memref_slice %arg2[%dma_wait3A_1070, %dma_wait3A_1071] : memref<10000x128xf32, #tpu.memory_space<hbm>> -> memref<10000x128xf32, #tpu.memory_space<hbm>>
    tpu.wait_indirect_dma semaphore(%arg12 : memref<!tpu.dma_semaphore, #tpu.memory_space<semaphore_mem>>) src(%dma_wait3A_1072 : memref<10000x128xf32, #tpu.memory_space<hbm>>) dst(%dma_wait3A_1066 : memref<64x128xf32, #tpu.memory_space<vmem>>)
    %dma_start3A_1073 = arith.constant 2 : i32
    %dma_start3A_1074 = arith.constant 2 : i32
    %dma_start3A_1075 = arith.constant 0 : i32
    %dma_start3A_1076 = arith.constant 0 : i32
    %dma_start3A_1077 = tpu.memref_slice %arg9[%dma_start3A_1073, %dma_start3A_1075, %dma_start3A_1076] : memref<4x64x128xf32, #tpu.memory_space<vmem>> -> memref<1x64x128xf32, #tpu.memory_space<vmem>>
    %dma_start3A_1078 = tpu.memref_squeeze %dma_start3A_1077 : memref<1x64x128xf32, #tpu.memory_space<vmem>> -> memref<64x128xf32, #tpu.memory_space<vmem>>
    %dma_start3A_1079 = arith.constant 0 : i32
    %dma_start3A_1080 = tpu.memref_slice %arg8[%dma_start3A_1074, %dma_start3A_1079] : memref<4x64xi32, #tpu.memory_space<vmem>> -> memref<1x64xi32, #tpu.memory_space<vmem>>
    %dma_start3A_1081 = tpu.memref_squeeze %dma_start3A_1080 : memref<1x64xi32, #tpu.memory_space<vmem>> -> memref<64xi32, #tpu.memory_space<vmem>>
    %dma_start3A_1082 = arith.constant 0 : i32
    %dma_start3A_1083 = arith.constant 0 : i32
    %dma_start3A_1084 = tpu.memref_slice %arg5[%dma_start3A_1082, %dma_start3A_1083] : memref<10240x128xf32, #tpu.memory_space<vmem_shared>> -> memref<10240x128xf32, #tpu.memory_space<vmem_shared>>
    tpu.enqueue_indirect_dma source(%dma_start3A_1078 : memref<64x128xf32, #tpu.memory_space<vmem>>) target(%dma_start3A_1084 : memref<10240x128xf32, #tpu.memory_space<vmem_shared>>) offsets(%dma_start3A_1081 : memref<64xi32, #tpu.memory_space<vmem>>) semaphore(%arg16 : memref<!tpu.dma_semaphore, #tpu.memory_space<semaphore_mem>>) {add = true}
    %dma_wait3A_1085 = arith.constant 0 : i32
    %dma_wait3A_1086 = arith.constant 0 : i32
    %dma_wait3A_1087 = arith.constant 0 : i32
    %dma_wait3A_1088 = arith.constant 0 : i32
    %dma_wait3A_1089 = tpu.memref_slice %arg9[%dma_wait3A_1085, %dma_wait3A_1087, %dma_wait3A_1088] : memref<4x64x128xf32, #tpu.memory_space<vmem>> -> memref<1x64x128xf32, #tpu.memory_space<vmem>>
    %dma_wait3A_1090 = tpu.memref_squeeze %dma_wait3A_1089 : memref<1x64x128xf32, #tpu.memory_space<vmem>> -> memref<64x128xf32, #tpu.memory_space<vmem>>
    %dma_wait3A_1091 = arith.constant 0 : i32
    %dma_wait3A_1092 = tpu.memref_slice %arg8[%dma_wait3A_1086, %dma_wait3A_1091] : memref<4x64xi32, #tpu.memory_space<vmem>> -> memref<1x64xi32, #tpu.memory_space<vmem>>
    %dma_wait3A_1093 = tpu.memref_squeeze %dma_wait3A_1092 : memref<1x64xi32, #tpu.memory_space<vmem>> -> memref<64xi32, #tpu.memory_space<vmem>>
    %dma_wait3A_1094 = arith.constant 0 : i32
    %dma_wait3A_1095 = arith.constant 0 : i32
    %dma_wait3A_1096 = tpu.memref_slice %arg5[%dma_wait3A_1094, %dma_wait3A_1095] : memref<10240x128xf32, #tpu.memory_space<vmem_shared>> -> memref<10240x128xf32, #tpu.memory_space<vmem_shared>>
    tpu.wait_indirect_dma semaphore(%arg14 : memref<!tpu.dma_semaphore, #tpu.memory_space<semaphore_mem>>) src(%dma_wait3A_1090 : memref<64x128xf32, #tpu.memory_space<vmem>>) dst(%dma_wait3A_1096 : memref<10240x128xf32, #tpu.memory_space<vmem_shared>>)
    %dma_wait3A_1097 = arith.constant 3 : i32
    %dma_wait3A_1098 = arith.constant 3 : i32
    %dma_wait3A_1099 = arith.constant 0 : i32
    %dma_wait3A_1100 = arith.constant 0 : i32
    %dma_wait3A_1101 = tpu.memref_slice %arg9[%dma_wait3A_1098, %dma_wait3A_1099, %dma_wait3A_1100] : memref<4x64x128xf32, #tpu.memory_space<vmem>> -> memref<1x64x128xf32, #tpu.memory_space<vmem>>
    %dma_wait3A_1102 = tpu.memref_squeeze %dma_wait3A_1101 : memref<1x64x128xf32, #tpu.memory_space<vmem>> -> memref<64x128xf32, #tpu.memory_space<vmem>>
    %dma_wait3A_1103 = arith.constant 0 : i32
    %dma_wait3A_1104 = tpu.memref_slice %arg7[%dma_wait3A_1097, %dma_wait3A_1103] : memref<4x64xi32, #tpu.memory_space<vmem>> -> memref<1x64xi32, #tpu.memory_space<vmem>>
    %dma_wait3A_1105 = tpu.memref_squeeze %dma_wait3A_1104 : memref<1x64xi32, #tpu.memory_space<vmem>> -> memref<64xi32, #tpu.memory_space<vmem>>
    %dma_wait3A_1106 = arith.constant 0 : i32
    %dma_wait3A_1107 = arith.constant 0 : i32
    %dma_wait3A_1108 = tpu.memref_slice %arg2[%dma_wait3A_1106, %dma_wait3A_1107] : memref<10000x128xf32, #tpu.memory_space<hbm>> -> memref<10000x128xf32, #tpu.memory_space<hbm>>
    tpu.wait_indirect_dma semaphore(%arg13 : memref<!tpu.dma_semaphore, #tpu.memory_space<semaphore_mem>>) src(%dma_wait3A_1108 : memref<10000x128xf32, #tpu.memory_space<hbm>>) dst(%dma_wait3A_1102 : memref<64x128xf32, #tpu.memory_space<vmem>>)
    %dma_start3A_1109 = arith.constant 3 : i32
    %dma_start3A_1110 = arith.constant 3 : i32
    %dma_start3A_1111 = arith.constant 0 : i32
    %dma_start3A_1112 = arith.constant 0 : i32
    %dma_start3A_1113 = tpu.memref_slice %arg9[%dma_start3A_1109, %dma_start3A_1111, %dma_start3A_1112] : memref<4x64x128xf32, #tpu.memory_space<vmem>> -> memref<1x64x128xf32, #tpu.memory_space<vmem>>
    %dma_start3A_1114 = tpu.memref_squeeze %dma_start3A_1113 : memref<1x64x128xf32, #tpu.memory_space<vmem>> -> memref<64x128xf32, #tpu.memory_space<vmem>>
    %dma_start3A_1115 = arith.constant 0 : i32
    %dma_start3A_1116 = tpu.memref_slice %arg8[%dma_start3A_1110, %dma_start3A_1115] : memref<4x64xi32, #tpu.memory_space<vmem>> -> memref<1x64xi32, #tpu.memory_space<vmem>>
    %dma_start3A_1117 = tpu.memref_squeeze %dma_start3A_1116 : memref<1x64xi32, #tpu.memory_space<vmem>> -> memref<64xi32, #tpu.memory_space<vmem>>
    %dma_start3A_1118 = arith.constant 0 : i32
    %dma_start3A_1119 = arith.constant 0 : i32
    %dma_start3A_1120 = tpu.memref_slice %arg5[%dma_start3A_1118, %dma_start3A_1119] : memref<10240x128xf32, #tpu.memory_space<vmem_shared>> -> memref<10240x128xf32, #tpu.memory_space<vmem_shared>>
    tpu.enqueue_indirect_dma source(%dma_start3A_1114 : memref<64x128xf32, #tpu.memory_space<vmem>>) target(%dma_start3A_1120 : memref<10240x128xf32, #tpu.memory_space<vmem_shared>>) offsets(%dma_start3A_1117 : memref<64xi32, #tpu.memory_space<vmem>>) semaphore(%arg17 : memref<!tpu.dma_semaphore, #tpu.memory_space<semaphore_mem>>) {add = true}
    %dma_wait3A_1121 = arith.constant 1 : i32
    %dma_wait3A_1122 = arith.constant 1 : i32
    %dma_wait3A_1123 = arith.constant 0 : i32
    %dma_wait3A_1124 = arith.constant 0 : i32
    %dma_wait3A_1125 = tpu.memref_slice %arg9[%dma_wait3A_1121, %dma_wait3A_1123, %dma_wait3A_1124] : memref<4x64x128xf32, #tpu.memory_space<vmem>> -> memref<1x64x128xf32, #tpu.memory_space<vmem>>
    %dma_wait3A_1126 = tpu.memref_squeeze %dma_wait3A_1125 : memref<1x64x128xf32, #tpu.memory_space<vmem>> -> memref<64x128xf32, #tpu.memory_space<vmem>>
    %dma_wait3A_1127 = arith.constant 0 : i32
    %dma_wait3A_1128 = tpu.memref_slice %arg8[%dma_wait3A_1122, %dma_wait3A_1127] : memref<4x64xi32, #tpu.memory_space<vmem>> -> memref<1x64xi32, #tpu.memory_space<vmem>>
    %dma_wait3A_1129 = tpu.memref_squeeze %dma_wait3A_1128 : memref<1x64xi32, #tpu.memory_space<vmem>> -> memref<64xi32, #tpu.memory_space<vmem>>
    %dma_wait3A_1130 = arith.constant 0 : i32
    %dma_wait3A_1131 = arith.constant 0 : i32
    %dma_wait3A_1132 = tpu.memref_slice %arg5[%dma_wait3A_1130, %dma_wait3A_1131] : memref<10240x128xf32, #tpu.memory_space<vmem_shared>> -> memref<10240x128xf32, #tpu.memory_space<vmem_shared>>
    tpu.wait_indirect_dma semaphore(%arg15 : memref<!tpu.dma_semaphore, #tpu.memory_space<semaphore_mem>>) src(%dma_wait3A_1126 : memref<64x128xf32, #tpu.memory_space<vmem>>) dst(%dma_wait3A_1132 : memref<10240x128xf32, #tpu.memory_space<vmem_shared>>)
    %dma_wait3A_1133 = arith.constant 2 : i32
    %dma_wait3A_1134 = arith.constant 2 : i32
    %dma_wait3A_1135 = arith.constant 0 : i32
    %dma_wait3A_1136 = arith.constant 0 : i32
    %dma_wait3A_1137 = tpu.memref_slice %arg9[%dma_wait3A_1133, %dma_wait3A_1135, %dma_wait3A_1136] : memref<4x64x128xf32, #tpu.memory_space<vmem>> -> memref<1x64x128xf32, #tpu.memory_space<vmem>>
    %dma_wait3A_1138 = tpu.memref_squeeze %dma_wait3A_1137 : memref<1x64x128xf32, #tpu.memory_space<vmem>> -> memref<64x128xf32, #tpu.memory_space<vmem>>
    %dma_wait3A_1139 = arith.constant 0 : i32
    %dma_wait3A_1140 = tpu.memref_slice %arg8[%dma_wait3A_1134, %dma_wait3A_1139] : memref<4x64xi32, #tpu.memory_space<vmem>> -> memref<1x64xi32, #tpu.memory_space<vmem>>
    %dma_wait3A_1141 = tpu.memref_squeeze %dma_wait3A_1140 : memref<1x64xi32, #tpu.memory_space<vmem>> -> memref<64xi32, #tpu.memory_space<vmem>>
    %dma_wait3A_1142 = arith.constant 0 : i32
    %dma_wait3A_1143 = arith.constant 0 : i32
    %dma_wait3A_1144 = tpu.memref_slice %arg5[%dma_wait3A_1142, %dma_wait3A_1143] : memref<10240x128xf32, #tpu.memory_space<vmem_shared>> -> memref<10240x128xf32, #tpu.memory_space<vmem_shared>>
    tpu.wait_indirect_dma semaphore(%arg16 : memref<!tpu.dma_semaphore, #tpu.memory_space<semaphore_mem>>) src(%dma_wait3A_1138 : memref<64x128xf32, #tpu.memory_space<vmem>>) dst(%dma_wait3A_1144 : memref<10240x128xf32, #tpu.memory_space<vmem_shared>>)
    %dma_wait3A_1145 = arith.constant 3 : i32
    %dma_wait3A_1146 = arith.constant 3 : i32
    %dma_wait3A_1147 = arith.constant 0 : i32
    %dma_wait3A_1148 = arith.constant 0 : i32
    %dma_wait3A_1149 = tpu.memref_slice %arg9[%dma_wait3A_1145, %dma_wait3A_1147, %dma_wait3A_1148] : memref<4x64x128xf32, #tpu.memory_space<vmem>> -> memref<1x64x128xf32, #tpu.memory_space<vmem>>
    %dma_wait3A_1150 = tpu.memref_squeeze %dma_wait3A_1149 : memref<1x64x128xf32, #tpu.memory_space<vmem>> -> memref<64x128xf32, #tpu.memory_space<vmem>>
    %dma_wait3A_1151 = arith.constant 0 : i32
    %dma_wait3A_1152 = tpu.memref_slice %arg8[%dma_wait3A_1146, %dma_wait3A_1151] : memref<4x64xi32, #tpu.memory_space<vmem>> -> memref<1x64xi32, #tpu.memory_space<vmem>>
    %dma_wait3A_1153 = tpu.memref_squeeze %dma_wait3A_1152 : memref<1x64xi32, #tpu.memory_space<vmem>> -> memref<64xi32, #tpu.memory_space<vmem>>
    %dma_wait3A_1154 = arith.constant 0 : i32
    %dma_wait3A_1155 = arith.constant 0 : i32
    %dma_wait3A_1156 = tpu.memref_slice %arg5[%dma_wait3A_1154, %dma_wait3A_1155] : memref<10240x128xf32, #tpu.memory_space<vmem_shared>> -> memref<10240x128xf32, #tpu.memory_space<vmem_shared>>
    tpu.wait_indirect_dma semaphore(%arg17 : memref<!tpu.dma_semaphore, #tpu.memory_space<semaphore_mem>>) src(%dma_wait3A_1150 : memref<64x128xf32, #tpu.memory_space<vmem>>) dst(%dma_wait3A_1156 : memref<10240x128xf32, #tpu.memory_space<vmem_shared>>)
    %barrier3A_1157 = arith.constant 0 : index
    tpu.barrier barrier_id(%barrier3A_1157)
    "tpu.region"() ({
      %run_scoped3A = tpu.sem_alloc : memref<!tpu.dma_semaphore, #tpu.memory_space<semaphore_mem>>
      %dma_start3A_1158 = arith.constant 0 : i32
      %dma_start3A_1159 = tpu.memref_slice %arg4[%arg0, %mul3A_2, %dma_start3A_1158] : memref<2x10240x128xf32, #tpu.memory_space<hbm>> -> memref<1x640x128xf32, #tpu.memory_space<hbm>>
      %dma_start3A_1160 = tpu.memref_squeeze %dma_start3A_1159 : memref<1x640x128xf32, #tpu.memory_space<hbm>> -> memref<640x128xf32, #tpu.memory_space<hbm>>
      %dma_start3A_1161 = arith.constant 0 : i32
      %dma_start3A_1162 = tpu.memref_slice %arg5[%mul3A_2, %dma_start3A_1161] : memref<10240x128xf32, #tpu.memory_space<vmem_shared>> -> memref<640x128xf32, #tpu.memory_space<vmem_shared>>
      tpu.enqueue_dma source(%dma_start3A_1162 : memref<640x128xf32, #tpu.memory_space<vmem_shared>>) target(%dma_start3A_1160 : memref<640x128xf32, #tpu.memory_space<hbm>>) target_semaphore(%run_scoped3A : memref<!tpu.dma_semaphore, #tpu.memory_space<semaphore_mem>>)
      %dma_wait3A_1163 = arith.constant 0 : i32
      %dma_wait3A_1164 = tpu.memref_slice %arg4[%arg0, %mul3A_2, %dma_wait3A_1163] : memref<2x10240x128xf32, #tpu.memory_space<hbm>> -> memref<1x640x128xf32, #tpu.memory_space<hbm>>
      %dma_wait3A_1165 = tpu.memref_squeeze %dma_wait3A_1164 : memref<1x640x128xf32, #tpu.memory_space<hbm>> -> memref<640x128xf32, #tpu.memory_space<hbm>>
      %dma_wait3A_1166 = arith.constant 0 : i32
      %dma_wait3A_1167 = tpu.memref_slice %arg5[%mul3A_2, %dma_wait3A_1166] : memref<10240x128xf32, #tpu.memory_space<vmem_shared>> -> memref<640x128xf32, #tpu.memory_space<vmem_shared>>
      tpu.wait_dma2 semaphore(%run_scoped3A : memref<!tpu.dma_semaphore, #tpu.memory_space<semaphore_mem>>) src(%dma_wait3A_1167 : memref<640x128xf32, #tpu.memory_space<vmem_shared>>) dst(%dma_wait3A_1165 : memref<640x128xf32, #tpu.memory_space<hbm>>)
      tpu.yield
    }) : () -> ()
    return
  }
}

module attributes {stable_mosaic.version = 14 : i64} {
  func.func @_mm_body(%arg0: i32, %arg1: memref<1000x312xf32, #tpu.memory_space<vmem>>, %arg2: memref<312x128xf32, #tpu.memory_space<vmem>>, %arg3: memref<1000x128xf32, #tpu.memory_space<vmem>>) attributes {dimension_semantics = [#tpu.dimension_semantics<arbitrary>], iteration_bounds = array<i64: 10>, scalar_prefetch = 0 : i64, scratch_operands = 0 : i64, tpu.core_type = #tpu.core_type<tc>, window_params = [{transform_indices = @transform_0, window_bounds = array<i64: 1000, 312>}, {pipeline_mode = #tpu.pipeline_mode<synchronous>, transform_indices = @transform_1, window_bounds = array<i64: 312, 128>}, {transform_indices = @transform_2, window_bounds = array<i64: 1000, 128>}]} {
    %get3A = arith.constant 0 : index
    %get3A_0 = arith.constant 0 : index
    %get3A_1 = vector.load %arg1[%get3A, %get3A_0] : memref<1000x312xf32, #tpu.memory_space<vmem>>, vector<1000x312xf32>
    %get3A_2 = arith.constant 0 : index
    %get3A_3 = arith.constant 0 : index
    %get3A_4 = vector.load %arg2[%get3A_2, %get3A_3] : memref<312x128xf32, #tpu.memory_space<vmem>>, vector<312x128xf32>
    %dot_general3A = arith.constant dense<0.000000e+00> : vector<1000x128xf32>
    %dot_general3A_5 = tpu.matmul %get3A_1, %get3A_4, %dot_general3A {dimension_numbers = #tpu.dot_dimension_numbers<[1], [0], [0], [1], [0, 0, 1, 1], [], []>, transpose_lhs_hint = false} : vector<1000x312xf32>, vector<312x128xf32>, vector<1000x128xf32> -> vector<1000x128xf32>
    %swap3A = arith.constant 0 : index
    %swap3A_6 = arith.constant 0 : index
    %swap3A_7 = vector.load %arg3[%swap3A, %swap3A_6] : memref<1000x128xf32, #tpu.memory_space<vmem>>, vector<1000x128xf32>
    tpu.vector_store %arg3[%swap3A, %swap3A_6], %dot_general3A_5 {strides = array<i32>} : memref<1000x128xf32, #tpu.memory_space<vmem>>, vector<1000x128xf32>,
    return
  }
  func.func @transform_0(%arg0: i32) -> (i32, i32) {
    %c0_i32 = arith.constant 0 : i32
    %c0_i32_0 = arith.constant 0 : i32
    return %arg0, %c0_i32 : i32, i32
  }
  func.func @transform_1(%arg0: i32) -> (i32, i32) {
    %c0_i32 = arith.constant 0 : i32
    %c0_i32_0 = arith.constant 0 : i32
    %c0_i32_1 = arith.constant 0 : i32
    return %c0_i32, %c0_i32_0 : i32, i32
  }
  func.func @transform_2(%arg0: i32) -> (i32, i32) {
    %c0_i32 = arith.constant 0 : i32
    %c0_i32_0 = arith.constant 0 : i32
    return %arg0, %c0_i32 : i32, i32
  }
}

module attributes {stable_mosaic.version = 14 : i64} {
  func.func @_mm_bias_body(%arg0: i32, %arg1: memref<1000x312xf32, #tpu.memory_space<vmem>>, %arg2: memref<312x128xf32, #tpu.memory_space<vmem>>, %arg3: memref<1x128xf32, #tpu.memory_space<vmem>>, %arg4: memref<1000x128xf32, #tpu.memory_space<vmem>>) attributes {dimension_semantics = [#tpu.dimension_semantics<arbitrary>], iteration_bounds = array<i64: 10>, scalar_prefetch = 0 : i64, scratch_operands = 0 : i64, tpu.core_type = #tpu.core_type<tc>, window_params = [{transform_indices = @transform_0, window_bounds = array<i64: 1000, 312>}, {pipeline_mode = #tpu.pipeline_mode<synchronous>, transform_indices = @transform_1, window_bounds = array<i64: 312, 128>}, {pipeline_mode = #tpu.pipeline_mode<synchronous>, transform_indices = @transform_2, window_bounds = array<i64: 1, 128>}, {transform_indices = @transform_3, window_bounds = array<i64: 1000, 128>}]} {
    %get3A = arith.constant 0 : index
    %get3A_0 = arith.constant 0 : index
    %get3A_1 = vector.load %arg1[%get3A, %get3A_0] : memref<1000x312xf32, #tpu.memory_space<vmem>>, vector<1000x312xf32>
    %get3A_2 = arith.constant 0 : index
    %get3A_3 = arith.constant 0 : index
    %get3A_4 = vector.load %arg2[%get3A_2, %get3A_3] : memref<312x128xf32, #tpu.memory_space<vmem>>, vector<312x128xf32>
    %dot_general3A = arith.constant dense<0.000000e+00> : vector<1000x128xf32>
    %dot_general3A_5 = tpu.matmul %get3A_1, %get3A_4, %dot_general3A {dimension_numbers = #tpu.dot_dimension_numbers<[1], [0], [0], [1], [0, 0, 1, 1], [], []>, transpose_lhs_hint = false} : vector<1000x312xf32>, vector<312x128xf32>, vector<1000x128xf32> -> vector<1000x128xf32>
    %get3A_6 = arith.constant 0 : index
    %get3A_7 = arith.constant 0 : index
    %get3A_8 = vector.load %arg3[%get3A_6, %get3A_7] : memref<1x128xf32, #tpu.memory_space<vmem>>, vector<1x128xf32>
    %add3A = vector.broadcast %get3A_8 : vector<1x128xf32> to vector<1000x128xf32>
    %add3A_9 = arith.addf %dot_general3A_5, %add3A : vector<1000x128xf32>
    %swap3A = arith.constant 0 : index
    %swap3A_10 = arith.constant 0 : index
    %swap3A_11 = vector.load %arg4[%swap3A, %swap3A_10] : memref<1000x128xf32, #tpu.memory_space<vmem>>, vector<1000x128xf32>
    tpu.vector_store %arg4[%swap3A, %swap3A_10], %add3A_9 {strides = array<i32>} : memref<1000x128xf32, #tpu.memory_space<vmem>>, vector<1000x128xf32>,
    return
  }
  func.func @transform_0(%arg0: i32) -> (i32, i32) {
    %c0_i32 = arith.constant 0 : i32
    %c0_i32_0 = arith.constant 0 : i32
    return %arg0, %c0_i32 : i32, i32
  }
  func.func @transform_1(%arg0: i32) -> (i32, i32) {
    %c0_i32 = arith.constant 0 : i32
    %c0_i32_0 = arith.constant 0 : i32
    %c0_i32_1 = arith.constant 0 : i32
    return %c0_i32, %c0_i32_0 : i32, i32
  }
  func.func @transform_2(%arg0: i32) -> (i32, i32) {
    %c0_i32 = arith.constant 0 : i32
    %c0_i32_0 = arith.constant 0 : i32
    %c0_i32_1 = arith.constant 0 : i32
    return %c0_i32, %c0_i32_0 : i32, i32
  }
  func.func @transform_3(%arg0: i32) -> (i32, i32) {
    %c0_i32 = arith.constant 0 : i32
    %c0_i32_0 = arith.constant 0 : i32
    return %arg0, %c0_i32 : i32, i32
  }
}

module attributes {stable_mosaic.version = 14 : i64} {
  func.func @_mid_body(%arg0: i32, %arg1: memref<2x1000x128xf32, #tpu.memory_space<vmem>>, %arg2: memref<2x1000x1xf32, #tpu.memory_space<vmem>>, %arg3: memref<1000x128xf32, #tpu.memory_space<vmem>>, %arg4: memref<128x128xf32, #tpu.memory_space<vmem>>, %arg5: memref<128x128xf32, #tpu.memory_space<vmem>>, %arg6: memref<1x128xf32, #tpu.memory_space<vmem>>, %arg7: memref<1000x128xf32, #tpu.memory_space<vmem>>, %arg8: memref<1000x128xf32, #tpu.memory_space<vmem>>) attributes {dimension_semantics = [#tpu.dimension_semantics<arbitrary>], iteration_bounds = array<i64: 10>, scalar_prefetch = 0 : i64, scratch_operands = 0 : i64, tpu.core_type = #tpu.core_type<tc>, window_params = [{transform_indices = @transform_0, window_bounds = array<i64: 2, 1000, 128>}, {transform_indices = @transform_1, window_bounds = array<i64: 2, 1000, 1>}, {transform_indices = @transform_2, window_bounds = array<i64: 1000, 128>}, {pipeline_mode = #tpu.pipeline_mode<synchronous>, transform_indices = @transform_3, window_bounds = array<i64: 128, 128>}, {pipeline_mode = #tpu.pipeline_mode<synchronous>, transform_indices = @transform_4, window_bounds = array<i64: 128, 128>}, {pipeline_mode = #tpu.pipeline_mode<synchronous>, transform_indices = @transform_5, window_bounds = array<i64: 1, 128>}, {transform_indices = @transform_6, window_bounds = array<i64: 1000, 128>}, {transform_indices = @transform_7, window_bounds = array<i64: 1000, 128>}]} {
    %get3A = arith.constant 0 : index
    %get3A_0 = arith.constant 0 : index
    %get3A_1 = arith.constant 0 : index
    %get3A_2 = vector.load %arg1[%get3A, %get3A_0, %get3A_1] : memref<2x1000x128xf32, #tpu.memory_space<vmem>>, vector<1x1000x128xf32>
    %get3A_3 = vector.shape_cast %get3A_2 : vector<1x1000x128xf32> to vector<1000x128xf32>
    %get3A_4 = arith.constant 1 : index
    %get3A_5 = arith.constant 0 : index
    %get3A_6 = arith.constant 0 : index
    %get3A_7 = vector.load %arg1[%get3A_4, %get3A_5, %get3A_6] : memref<2x1000x128xf32, #tpu.memory_space<vmem>>, vector<1x1000x128xf32>
    %get3A_8 = vector.shape_cast %get3A_7 : vector<1x1000x128xf32> to vector<1000x128xf32>
    %add3A = arith.addf %get3A_3, %get3A_8 : vector<1000x128xf32>
    %get3A_9 = arith.constant 0 : index
    %get3A_10 = arith.constant 0 : index
    %get3A_11 = arith.constant 0 : index
    %get3A_12 = vector.load %arg2[%get3A_9, %get3A_10, %get3A_11] : memref<2x1000x1xf32, #tpu.memory_space<vmem>>, vector<1x1000x1xf32>
    %get3A_13 = vector.shape_cast %get3A_12 : vector<1x1000x1xf32> to vector<1000x1xf32>
    %get3A_14 = arith.constant 1 : index
    %get3A_15 = arith.constant 0 : index
    %get3A_16 = arith.constant 0 : index
    %get3A_17 = vector.load %arg2[%get3A_14, %get3A_15, %get3A_16] : memref<2x1000x1xf32, #tpu.memory_space<vmem>>, vector<1x1000x1xf32>
    %get3A_18 = vector.shape_cast %get3A_17 : vector<1x1000x1xf32> to vector<1000x1xf32>
    %add3A_19 = arith.addf %get3A_13, %get3A_18 : vector<1000x1xf32>
    %max3A = arith.constant 1.000000e+00 : f32
    %max3A_20 = vector.broadcast %max3A : f32 to vector<1000x1xf32>
    %max3A_21 = arith.maximumf %add3A_19, %max3A_20 : vector<1000x1xf32>
    %div3A = arith.constant 1.000000e+00 : f32
    %div3A_22 = vector.broadcast %div3A : f32 to vector<1000x1xf32>
    %div3A_23 = arith.divf %div3A_22, %max3A_21 : vector<1000x1xf32>
    %mul3A = vector.broadcast %div3A_23 : vector<1000x1xf32> to vector<1000x128xf32>
    %mul3A_24 = arith.mulf %add3A, %mul3A : vector<1000x128xf32>
    %get3A_25 = arith.constant 0 : index
    %get3A_26 = arith.constant 0 : index
    %get3A_27 = vector.load %arg3[%get3A_25, %get3A_26] : memref<1000x128xf32, #tpu.memory_space<vmem>>, vector<1000x128xf32>
    %add3A_28 = arith.addf %mul3A_24, %get3A_27 : vector<1000x128xf32>
    %max3A_29 = arith.constant 0.000000e+00 : f32
    %max3A_30 = vector.broadcast %max3A_29 : f32 to vector<1000x128xf32>
    %max3A_31 = arith.maximumf %add3A_28, %max3A_30 : vector<1000x128xf32>
    %get3A_32 = arith.constant 0 : index
    %get3A_33 = arith.constant 0 : index
    %get3A_34 = vector.load %arg4[%get3A_32, %get3A_33] : memref<128x128xf32, #tpu.memory_space<vmem>>, vector<128x128xf32>
    %dot_general3A = arith.constant dense<0.000000e+00> : vector<1000x128xf32>
    %dot_general3A_35 = tpu.matmul %max3A_31, %get3A_34, %dot_general3A {dimension_numbers = #tpu.dot_dimension_numbers<[1], [0], [0], [1], [0, 0, 1, 1], [], []>, transpose_lhs_hint = false} : vector<1000x128xf32>, vector<128x128xf32>, vector<1000x128xf32> -> vector<1000x128xf32>
    %swap3A = arith.constant 0 : index
    %swap3A_36 = arith.constant 0 : index
    %swap3A_37 = vector.load %arg7[%swap3A, %swap3A_36] : memref<1000x128xf32, #tpu.memory_space<vmem>>, vector<1000x128xf32>
    tpu.vector_store %arg7[%swap3A, %swap3A_36], %dot_general3A_35 {strides = array<i32>} : memref<1000x128xf32, #tpu.memory_space<vmem>>, vector<1000x128xf32>,
    %get3A_38 = arith.constant 0 : index
    %get3A_39 = arith.constant 0 : index
    %get3A_40 = vector.load %arg5[%get3A_38, %get3A_39] : memref<128x128xf32, #tpu.memory_space<vmem>>, vector<128x128xf32>
    %dot_general3A_41 = arith.constant dense<0.000000e+00> : vector<1000x128xf32>
    %dot_general3A_42 = tpu.matmul %max3A_31, %get3A_40, %dot_general3A_41 {dimension_numbers = #tpu.dot_dimension_numbers<[1], [0], [0], [1], [0, 0, 1, 1], [], []>, transpose_lhs_hint = false} : vector<1000x128xf32>, vector<128x128xf32>, vector<1000x128xf32> -> vector<1000x128xf32>
    %get3A_43 = arith.constant 0 : index
    %get3A_44 = arith.constant 0 : index
    %get3A_45 = vector.load %arg6[%get3A_43, %get3A_44] : memref<1x128xf32, #tpu.memory_space<vmem>>, vector<1x128xf32>
    %add3A_46 = vector.broadcast %get3A_45 : vector<1x128xf32> to vector<1000x128xf32>
    %add3A_47 = arith.addf %dot_general3A_42, %add3A_46 : vector<1000x128xf32>
    %swap3A_48 = arith.constant 0 : index
    %swap3A_49 = arith.constant 0 : index
    %swap3A_50 = vector.load %arg8[%swap3A_48, %swap3A_49] : memref<1000x128xf32, #tpu.memory_space<vmem>>, vector<1000x128xf32>
    tpu.vector_store %arg8[%swap3A_48, %swap3A_49], %add3A_47 {strides = array<i32>} : memref<1000x128xf32, #tpu.memory_space<vmem>>, vector<1000x128xf32>,
    return
  }
  func.func @transform_0(%arg0: i32) -> (i32, i32, i32) {
    %c0_i32 = arith.constant 0 : i32
    %c0_i32_0 = arith.constant 0 : i32
    %c0_i32_1 = arith.constant 0 : i32
    return %c0_i32, %arg0, %c0_i32_0 : i32, i32, i32
  }
  func.func @transform_1(%arg0: i32) -> (i32, i32, i32) {
    %c0_i32 = arith.constant 0 : i32
    %c0_i32_0 = arith.constant 0 : i32
    %c0_i32_1 = arith.constant 0 : i32
    return %c0_i32, %arg0, %c0_i32_0 : i32, i32, i32
  }
  func.func @transform_2(%arg0: i32) -> (i32, i32) {
    %c0_i32 = arith.constant 0 : i32
    %c0_i32_0 = arith.constant 0 : i32
    return %arg0, %c0_i32 : i32, i32
  }
  func.func @transform_3(%arg0: i32) -> (i32, i32) {
    %c0_i32 = arith.constant 0 : i32
    %c0_i32_0 = arith.constant 0 : i32
    %c0_i32_1 = arith.constant 0 : i32
    return %c0_i32, %c0_i32_0 : i32, i32
  }
  func.func @transform_4(%arg0: i32) -> (i32, i32) {
    %c0_i32 = arith.constant 0 : i32
    %c0_i32_0 = arith.constant 0 : i32
    %c0_i32_1 = arith.constant 0 : i32
    return %c0_i32, %c0_i32_0 : i32, i32
  }
  func.func @transform_5(%arg0: i32) -> (i32, i32) {
    %c0_i32 = arith.constant 0 : i32
    %c0_i32_0 = arith.constant 0 : i32
    %c0_i32_1 = arith.constant 0 : i32
    return %c0_i32, %c0_i32_0 : i32, i32
  }
  func.func @transform_6(%arg0: i32) -> (i32, i32) {
    %c0_i32 = arith.constant 0 : i32
    %c0_i32_0 = arith.constant 0 : i32
    return %arg0, %c0_i32 : i32, i32
  }
  func.func @transform_7(%arg0: i32) -> (i32, i32) {
    %c0_i32 = arith.constant 0 : i32
    %c0_i32_0 = arith.constant 0 : i32
    return %arg0, %c0_i32 : i32, i32
  }
}

module attributes {stable_mosaic.version = 14 : i64} {
  func.func @_final_body(%arg0: i32, %arg1: memref<2x1000x128xf32, #tpu.memory_space<vmem>>, %arg2: memref<2x1000x1xf32, #tpu.memory_space<vmem>>, %arg3: memref<1000x128xf32, #tpu.memory_space<vmem>>, %arg4: memref<1000x128xf32, #tpu.memory_space<vmem>>) attributes {dimension_semantics = [#tpu.dimension_semantics<arbitrary>], iteration_bounds = array<i64: 10>, scalar_prefetch = 0 : i64, scratch_operands = 0 : i64, tpu.core_type = #tpu.core_type<tc>, window_params = [{transform_indices = @transform_0, window_bounds = array<i64: 2, 1000, 128>}, {transform_indices = @transform_1, window_bounds = array<i64: 2, 1000, 1>}, {transform_indices = @transform_2, window_bounds = array<i64: 1000, 128>}, {transform_indices = @transform_3, window_bounds = array<i64: 1000, 128>}]} {
    %get3A = arith.constant 0 : index
    %get3A_0 = arith.constant 0 : index
    %get3A_1 = arith.constant 0 : index
    %get3A_2 = vector.load %arg1[%get3A, %get3A_0, %get3A_1] : memref<2x1000x128xf32, #tpu.memory_space<vmem>>, vector<1x1000x128xf32>
    %get3A_3 = vector.shape_cast %get3A_2 : vector<1x1000x128xf32> to vector<1000x128xf32>
    %get3A_4 = arith.constant 1 : index
    %get3A_5 = arith.constant 0 : index
    %get3A_6 = arith.constant 0 : index
    %get3A_7 = vector.load %arg1[%get3A_4, %get3A_5, %get3A_6] : memref<2x1000x128xf32, #tpu.memory_space<vmem>>, vector<1x1000x128xf32>
    %get3A_8 = vector.shape_cast %get3A_7 : vector<1x1000x128xf32> to vector<1000x128xf32>
    %add3A = arith.addf %get3A_3, %get3A_8 : vector<1000x128xf32>
    %get3A_9 = arith.constant 0 : index
    %get3A_10 = arith.constant 0 : index
    %get3A_11 = arith.constant 0 : index
    %get3A_12 = vector.load %arg2[%get3A_9, %get3A_10, %get3A_11] : memref<2x1000x1xf32, #tpu.memory_space<vmem>>, vector<1x1000x1xf32>
    %get3A_13 = vector.shape_cast %get3A_12 : vector<1x1000x1xf32> to vector<1000x1xf32>
    %get3A_14 = arith.constant 1 : index
    %get3A_15 = arith.constant 0 : index
    %get3A_16 = arith.constant 0 : index
    %get3A_17 = vector.load %arg2[%get3A_14, %get3A_15, %get3A_16] : memref<2x1000x1xf32, #tpu.memory_space<vmem>>, vector<1x1000x1xf32>
    %get3A_18 = vector.shape_cast %get3A_17 : vector<1x1000x1xf32> to vector<1000x1xf32>
    %add3A_19 = arith.addf %get3A_13, %get3A_18 : vector<1000x1xf32>
    %max3A = arith.constant 1.000000e+00 : f32
    %max3A_20 = vector.broadcast %max3A : f32 to vector<1000x1xf32>
    %max3A_21 = arith.maximumf %add3A_19, %max3A_20 : vector<1000x1xf32>
    %div3A = arith.constant 1.000000e+00 : f32
    %div3A_22 = vector.broadcast %div3A : f32 to vector<1000x1xf32>
    %div3A_23 = arith.divf %div3A_22, %max3A_21 : vector<1000x1xf32>
    %mul3A = vector.broadcast %div3A_23 : vector<1000x1xf32> to vector<1000x128xf32>
    %mul3A_24 = arith.mulf %add3A, %mul3A : vector<1000x128xf32>
    %get3A_25 = arith.constant 0 : index
    %get3A_26 = arith.constant 0 : index
    %get3A_27 = vector.load %arg3[%get3A_25, %get3A_26] : memref<1000x128xf32, #tpu.memory_space<vmem>>, vector<1000x128xf32>
    %add3A_28 = arith.addf %mul3A_24, %get3A_27 : vector<1000x128xf32>
    %swap3A = arith.constant 0 : index
    %swap3A_29 = arith.constant 0 : index
    %swap3A_30 = vector.load %arg4[%swap3A, %swap3A_29] : memref<1000x128xf32, #tpu.memory_space<vmem>>, vector<1000x128xf32>
    tpu.vector_store %arg4[%swap3A, %swap3A_29], %add3A_28 {strides = array<i32>} : memref<1000x128xf32, #tpu.memory_space<vmem>>, vector<1000x128xf32>,
    return
  }
  func.func @transform_0(%arg0: i32) -> (i32, i32, i32) {
    %c0_i32 = arith.constant 0 : i32
    %c0_i32_0 = arith.constant 0 : i32
    %c0_i32_1 = arith.constant 0 : i32
    return %c0_i32, %arg0, %c0_i32_0 : i32, i32, i32
  }
  func.func @transform_1(%arg0: i32) -> (i32, i32, i32) {
    %c0_i32 = arith.constant 0 : i32
    %c0_i32_0 = arith.constant 0 : i32
    %c0_i32_1 = arith.constant 0 : i32
    return %c0_i32, %arg0, %c0_i32_0 : i32, i32, i32
  }
  func.func @transform_2(%arg0: i32) -> (i32, i32) {
    %c0_i32 = arith.constant 0 : i32
    %c0_i32_0 = arith.constant 0 : i32
    return %arg0, %c0_i32 : i32, i32
  }
  func.func @transform_3(%arg0: i32) -> (i32, i32) {
    %c0_i32 = arith.constant 0 : i32
    %c0_i32_0 = arith.constant 0 : i32
    return %arg0, %c0_i32 : i32, i32
  }
}

</mosaic_0001>

<sc_bundles>
// kernel: kernel.11.cloned.1.call-start
scs
__scs_entry_jumppad:
0x0: {  	(pc) =	sbr.rel $0x88, $3  }
0x1: {  	(tag) =	ssettag $0x0;
	lr =	simm.s32 $0x1  }
0x2: {  	[smem:$0x3F99] =	sst lr;
	_ =	strace $0xD0000000  }
0x3: {  	_ = 	snop  }
0x4: {  	_ = 	snop  }
0x5: {  	_ = 	snop  }
0x6: {  	_ = 	snop  }
0x7: {  	_ = 	snop  }
__scs_overlays_trampoline_lowered:
0x8: {  	[smem:$0x3FA8] =	sst s0  }
0x9: {  	[smem:$0x3FA9] =	sst s1  }
0xa: {  	[smem:$0x3FAA] =	sst s2  }
0xb: {  	[smem:$0x3FAB] =	sst s3  }
0xc: {  	[smem:$0x3FAC] =	sst s4  }
0xd: {  	[smem:$0x3FAD] =	sst s5  }
0xe: {  	[smem:$0x3FAE] =	sst s6  }
0xf: {  	[smem:$0x3FAF] =	sst s7  }
0x10: {  	[smem:$0x3FB0] =	sst s8  }
0x11: {  	[smem:$0x3FB1] =	sst s9;
	s0 =	simm.s32 @!p0 $0x0  }
0x12: {  	s1 =	sld [smem:$0x3F97];
	s0 =	simm.s32 @p0 $0x1  }
0x13: {  	[smem:$0x3FB2] =	sst s0;
	s0 =	simm.s32 @!p1 $0x0  }
0x14: {  	s2 =	sld [smem:$0x3F96];
	s0 =	simm.s32 @p1 $0x1  }
0x15: {  	[smem:$0x3FB3] =	sst s0;
	s0 =	simm.s32 @!p2 $0x0  }
0x16: {  	s3 =	sld [smem:$0x3FDB];
	s0 =	simm.s32 @p2 $0x1  }
0x17: {  	s4 =	simm.s32 $0x1BF5;
	[smem:$0x3FB5] =	sst s0  }
0x18: {  	s0 =	sld [smem:$0x3F98];
	_ =	swait.ge [sflag:s4], $0x0  }
0x19: {  	s7 =	sld [smem:$0x3F99]  }
0x1a: {  	s8 =	sadd.s32 $0xFFFFE003, lr  }
0x1b: {  	s9 =	sadd.s32 $0xFFFFFEF7, lr;
	s5 =	simm.s32 $0xFFFFFFFF;
	p2 =	slt.u32 s8, $0xFFFFF086  }
0x1c: {  	p1 =	slt.u32 s9, $0xF7A;
	s5 =	simm.s32 @!p2 $0x0  }
0x1d: {  	s5 =	simm.s32 @p1 $0x1;
	p0 =	seq.s32 s7, s2  }
0x1e: {  	s7 =	smul.u32 @!p0 $0xF7A, s2;
	p2 =	seq.s32 @!p0 s5, $0x0  }
0x1f: {  	s9 =	smul.u32 $0xF7A, s1;
	s8 =	simm.s32 @!p0 $0x1BF5;
	p2 =	por !p2, p0  }
0x20: {  	[sflag:s8] =	ssyncset.s32 @!p0 $0xFFFFF086;
	s6 =	sadd.s32 @!p0 s3, s7;
	s7 =	simm.s32 @!p0 $0x108  }
0x21: {  	s3 =	sadd.s32 s3, s9;
	s6 =	sadd.s32 @!p0 $0x88, s6;
	s7 =	simm.s32 @p2 $0x1082  }
0x22: {  	[simem:s7], [sflag:s8] =	dma.local @!p0 [hbm:s6], $0xF7A  }
0x23: {  	s9 =	sor.u32 $0xD0000000, s2;
	s6 =	simm.s32 $0x108;
	_ =	swait.ge @!p0 [sflag:s8], $0x0  }
0x24: {  	s3 =	sadd.s32 $0x88, s3;
	s6 =	simm.s32 @!p1 $0x1082;
	[sflag:s4] =	ssyncset.s32 $0xFFFFF086  }
0x25: {  	[simem:s6], [sflag:s4] =	dma.local [hbm:s3], $0xF7A  }
0x26: {  	[smem:$0x3F99] =	sst s1;
	(tag) =	ssettag s2;
	_ =	strace s9  }
0x27: {  	s1 =	sld [smem:$0x3FA9]  }
0x28: {  	s2 =	sld [smem:$0x3FAA]  }
0x29: {  	s4 =	sld [smem:$0x3FAC]  }
0x2a: {  	p0 =	seq.s32 s5, $0x0;
	s5 =	sld [smem:$0x3FAD]  }
0x2b: {  	s6 =	sld [smem:$0x3FAE]  }
0x2c: {  	s7 =	sld [smem:$0x3FAF]  }
0x2d: {  	s3 =	simm.s32 $0x108;
	s8 =	sld [smem:$0x3FB0]  }
0x2e: {  	s3 =	simm.s32 @!p0 $0x1082;
	s9 =	sld [smem:$0x3FB1]  }
0x2f: {  	lr =	sadd.s32 s0, s3;
	s0 =	sld [smem:$0x3FA8]  }
0x30: {  	s3 =	sld [smem:$0x3FAB]  }
0x31: {  	[smem:$0x3FB4] =	sst s10  }
0x32: {  	s10 =	sld [smem:$0x3FB2];
	_ =	sdelay $0x3  }
0x33: {  	p0 =	seq.s32 s10, $0x1;
	s10 =	sld [smem:$0x3FB4];
	_ =	sdelay $0x3  }
0x34: {  	[smem:$0x3FB4] =	sst s10  }
0x35: {  	s10 =	sld [smem:$0x3FB3];
	_ =	sdelay $0x3  }
0x36: {  	p1 =	seq.s32 s10, $0x1;
	s10 =	sld [smem:$0x3FB4];
	_ =	sdelay $0x3  }
0x37: {  	[smem:$0x3FB4] =	sst s10  }
0x38: {  	s10 =	sld [smem:$0x3FB5]  }
0x39: {  	_ = 	snop;
	(pc) =	sbr.ind lr, $3  }
0x3a: {  	_ = 	snop  }
0x3b: {  	_ = 	snop  }
0x3c: {  	p2 =	seq.s32 s10, $0x1;
	s10 =	sld [smem:$0x3FB4]  }
0x3d: {  	_ =	shalt  }
0x3e: {  	_ =	shalt  }
0x3f: {  	_ =	shalt  }
0x40: {  	_ =	shalt  }
0x41: {  	_ =	shalt  }
0x42: {  	_ =	shalt  }
0x43: {  	_ =	shalt  }
0x44: {  	_ =	shalt  }
0x45: {  	_ =	shalt  }
0x46: {  	_ =	shalt  }
0x47: {  	_ =	shalt  }
0x48: {  	_ =	shalt  }
0x49: {  	_ =	shalt  }
0x4a: {  	_ =	shalt  }
0x4b: {  	_ =	shalt  }
0x4c: {  	_ =	shalt  }
0x4d: {  	_ =	shalt  }
0x4e: {  	_ =	shalt  }
0x4f: {  	_ =	shalt  }
0x50: {  	_ =	shalt  }
0x51: {  	_ =	shalt  }
0x52: {  	_ =	shalt  }
0x53: {  	_ =	shalt  }
0x54: {  	_ =	shalt  }
0x55: {  	_ =	shalt  }
0x56: {  	_ =	shalt  }
0x57: {  	_ =	shalt  }
0x58: {  	_ =	shalt  }
0x59: {  	_ =	shalt  }
0x5a: {  	_ =	shalt  }
0x5b: {  	_ =	shalt  }
0x5c: {  	_ =	shalt  }
0x5d: {  	_ =	shalt  }
0x5e: {  	_ =	shalt  }
0x5f: {  	_ =	shalt  }
0x60: {  	_ =	shalt  }
0x61: {  	_ =	shalt  }
0x62: {  	_ =	shalt  }
0x63: {  	_ =	shalt  }
0x64: {  	_ =	shalt  }
0x65: {  	_ =	shalt  }
0x66: {  	_ =	shalt  }
0x67: {  	_ =	shalt  }
0x68: {  	_ =	shalt  }
0x69: {  	_ =	shalt  }
0x6a: {  	_ =	shalt  }
0x6b: {  	_ =	shalt  }
0x6c: {  	_ =	shalt  }
0x6d: {  	_ =	shalt  }
0x6e: {  	_ =	shalt  }
0x6f: {  	_ =	shalt  }
0x70: {  	_ =	shalt  }
0x71: {  	_ =	shalt  }
0x72: {  	_ =	shalt  }
0x73: {  	_ =	shalt  }
0x74: {  	_ =	shalt  }
0x75: {  	_ =	shalt  }
0x76: {  	_ =	shalt  }
0x77: {  	_ =	shalt  }
0x78: {  	_ =	shalt  }
0x79: {  	_ =	shalt  }
0x7a: {  	_ =	shalt  }
0x7b: {  	_ =	shalt  }
0x7c: {  	_ =	shalt  }
0x7d: {  	_ =	shalt  }
0x7e: {  	_ =	shalt  }
0x7f: {  	_ =	shalt  }
0x80: {  	_ =	shalt  }
0x81: {  	_ =	shalt  }
0x82: {  	_ =	shalt  }
0x83: {  	_ =	shalt  }
0x84: {  	_ =	shalt  }
0x85: {  	_ =	shalt  }
0x86: {  	_ =	shalt  }
0x87: {  	_ =	shalt  }
.Lfunc_end0:
.L_simem_size_0:
called_computation.1_lowered:
.L_overlay_start_0:
0x88: {  	s2 =	sld [smem:$0x3FD9]  }
0x89: {  	s3 =	sld [smem:$0x3FFE];
	_ =	sdelay $0x1  }
0x8a: {  	s1 =	srdreg.scid  }
0x8b: {  	s0 =	sand.u32 $0x1, s1  }
0x8c: {  	s17 =	sshll.u32 s0, $0xA;
	s2 =	sadd.s32 s3, s2  }
0x8d: {  	s2 =	sadd.s32 s2, s17  }
0x8e: {  	[smem:$0x3FC0] =	sst s2  }
0x8f: {  	_ = 	snop  }
0x90: {  	s2 =	sld [smem:$0x3FD0];
	(tm) =	ssettm $0x1  }
0x91: {  	s18 =	sld [smem:$0x3FFB];
	_ =	sdelay $0x3  }
0x92: {  	_ =	strace s18  }
0x93: {  	s3 =	sld [smem:$0x3FFC];
	_ =	sdelay $0x3  }
0x94: {  	_ =	strace s3  }
0x95: {  	s3 =	sld [smem:$0x3FFD];
	_ =	sdelay $0x3  }
0x96: {  	_ =	strace s3  }
0x97: {  	_ =	strace $0x8FFFFFFF  }
0x98: {  	s19 =	sld [smem:$0x3FDB];
	_ =	sdelay $0x1  }
0x99: {  	s4 =	simm.s32 $_scs_section_size  }
0x9a: {  	s5 =	simm.s32 $_size__tile_overlayer_lowered;
	s6 =	simm.s32 $_tile_overlayer_lowered  }
0x9b: {  	s22 =	simm.s32 $0x1BFF;
	s21 =	sshll.u32 s6, $0x1;
	s3 =	sadd.s32 s4, s19  }
0x9c: {  	s7 =	simm.s32 $0x0;
	s20 =	sshll.u32 s5, $0x1;
	s5 =	sadd.s32 s21, s3  }
0x9d: {  	[timem:s7], [sflag:s22] =	dma.local [hbm:s5], s20  }
0x9e: {  	_ =	swait.ge [sflag:s22], s20  }
0x9f: {  	s4 =	ssub.s32 $0x0, s20;
	[sflag:s22] =	ssyncset.done $0x0  }
0xa0: {  	[sflag:s22] =	ssyncadd.s32 s4;
	_ =	sdelay $0x1  }
0xa1: {  	s23 =	simm.s32 $0x1B8B  }
0xa2: {  	_ =	swait.ge [sflag:s23], $0x1  }
0xa3: {  	[sflag:s23] =	ssyncset.done $0x0  }
0xa4: {  	s25 =	simm.s32 $0x1B8E;
	s24 =	sld [smem:$0x3FFE];
	[sflag:s23] =	ssyncadd.s32 $0xFFFFFFFF  }
0xa5: {  	s26 =	simm.s32 $execute0_lowered;
	[smem:$0x3FD2] =	sst s25  }
0xa6: {  	s5 =	sshll.u32 s26, $0x1;
	_ =	strace $0x80000049;
	[dreg:$0x1] =	wrdreg $0xFFFFFFFF  }
0xa7: {  	s28 =	simm.s32 $_size_execute0_lowered;
	s3 =	sadd.s32 s3, s5;
	[dreg:$0x0] =	wrdreg $0x0  }
0xa8: {  	s5 =	sshll.u32 s28, $0x1;
	[dreg:$0x2] =	wrdreg s3  }
0xa9: {  	[dreg:$0x3] =	wrdreg s5  }
0xaa: {  	[dreg:$0x4] =	wrdreg $0xC0  }
0xab: {  	_ =	task [dreg:s7], $0x5FFFF  }
0xac: {  	[dreg:$0x1] =	wrdreg $0xFFFFFFFF  }
0xad: {  	[dreg:$0x0] =	wrdreg $0x60  }
0xae: {  	[dreg:$0x2] =	wrdreg s2  }
0xaf: {  	[dreg:$0x3] =	wrdreg s24  }
0xb0: {  	[dreg:$0x4] =	wrdreg $0x0  }
0xb1: {  	[dreg:$0x5] =	wrdreg $0x9  }
0xb2: {  	_ =	task.clear_ibuf [dreg:s7], $0x6FFFF;
	_ =	strace $0x90000049  }
0xb3: {  	s29 =	simm.s32 $0x9;
	_ =	strace $0x8000004B  }
0xb4: {  	_ =	swait.ge [sflag:s29], $0x1  }
0xb5: {  	[sflag:s29] =	ssyncadd.s32 $0xFFFFFFFF  }
0xb6: {  	_ =	strace $0x9000004B  }
0xb7: {  	_ =	sfence  }
0xb8: {  	s30 =	sld [smem:$0x0];
	_ =	sdelay $0x2  }
0xb9: {  	s31 =	sshll.u32 s1, $0xD;
	s1 =	sshrl.u32 s1, $0x2  }
0xba: {  	s3 =	sand.u32 $0x4000, s31;
	s1 =	sadd.s32 s1, s30  }
0xbb: {  	s0 =	sor.u32 s3, s0;
	s1 =	sshll.u32 s1, $0x11  }
0xbc: {  	s0 =	sor.u32 s1, s0  }
0xbd: {  	s0 =	sadd.s32 $0x8F2B, s0  }
0xbe: {  	[sflag:s0] =	ssyncadd.remote.s32 $0x1  }
0xbf: {  	_ =	sfence.sel $0xFFFF  }
0xc0: {  	[dreg:$0x0] =	wrdreg $0xFFFFFFFF;
	(pc) =	sbr.abs _section_cstart, $3  }
0xc1: {  	[dreg:$0x1] =	wrdreg $0xFFFFFFFF  }
0xc2: {  	_ =	task.clear_ibuf [dreg:s7], $0x2FFFF;
	_ =	strace $0x9FFFFFFF  }
0xc3: {  	(tm) =	ssettm $0x7FFFFFFF  }
tec
execute0_lowered:
.L_overlay_start_1:
0x0: {  	(tag) =	ssettag $0x1  }
0x1: {  	s1 =	rddreg [dreg:$0x0]  }
0x2: {  	s0 =	rddreg [dreg:$0x1]  }
0x3: {  	s3 =	rddreg [dreg:$0x2]  }
0x4: {  	s2 =	srdreg.scid;
	s7 =	stileid.u32;
	s8 =	simm.s32 $0x0  }
0x5: {  	s28 =	simm.s32 $0x16900;
	s29 =	simm.s32 $0x1AC00;
	s30 =	simm.s32 $0x2  }
0x6: {  	s31 =	simm.s32 $0x16A80;
	s9 =	simm.s32 $0x7;
	s10 =	simm.s32 $0x8  }
0x7: {  	s11 =	simm.s32 $0x9;
	s12 =	simm.s32 $0x0;
	s6 =	smul.u32 $0x14000, s7  }
0x8: {  	s2 =	sand.u32 $0x1, s2;
	[smem:$0x7FF] =	sst s8;
	s15 =	smul.u32 $0x50000, s7  }
0x9: {  	s4 =	smul.u32 $0x140000, s2;
	s5 =	sshll.u32 s2, $0x4;
	s2 =	ssub.s32 $0x2, s2  }
0xa: {  	s8 =	simm.s32 $0x6;
	_ =	strace $0x8000004A;
	s16 =	sshrl.u32 s2, $0x1  }
0xb: {  	s5 =	sor.u32 s7, s5;
	s18 =	sshrl.u32 s15, $0x2;
	s2 =	ssub.s32 s2, s16  }
0xc: {  	s4 =	sadd.s32 s6, s4;
	s6 =	sadd.s32 s18, s3;
	s19 =	smax.u32 s2, $0x1  }
0xd: {  	s7 =	simm.s32 $0x16B80;
	s20 =	sadd.s32 $0x2000, s6;
	[dreg:$0x6] =	wrdreg s19  }
0xe: {  	s5 =	smul.u32 $0x500, s5;
	s21 =	sadd.s32 $0x4000, s6;
	[dreg:$0x7] =	wrdreg s20  }
0xf: {  	s18 =	simm.s32 $0x3;
	s22 =	sadd.s32 $0x6000, s6;
	[dreg:$0x8] =	wrdreg s21  }
0x10: {  	s4 =	sshrl.u32 s4, $0x3;
	s23 =	sadd.s32 $0x8000, s6;
	[dreg:$0x9] =	wrdreg s22  }
0x11: {  	s24 =	sadd.s32 $0xA000, s6;
	s25 =	sadd.s32 $0xC000, s6;
	[dreg:$0xa] =	wrdreg s23  }
0x12: {  	s26 =	sadd.s32 $0xE000, s6;
	s16 =	sadd.s32 $0x10000, s6;
	[dreg:$0xb] =	wrdreg s24  }
0x13: {  	s2 =	simm.s32 $0x16B00;
	s5 =	sadd.s32 s5, s0;
	[dreg:$0xc] =	wrdreg s25  }
0x14: {  	s0 =	sadd.s32 s4, s0;
	[dreg:$0xd] =	wrdreg s26;
	s19 =	simm.s32 $0x16C00  }
0x15: {  	s20 =	simm.s32 $0x5;
	s21 =	simm.s32 $0x1;
	s22 =	simm.s32 $0x40  }
0x16: {  	s23 =	simm.s32 $0x16800;
	s24 =	simm.s32 $0x16880;
	s25 =	simm.s32 $0x18C00  }
0x17: {  	s26 =	simm.s32 $0x16A00;
	s4 =	simm.s32 $0x1CC00;
	s17 =	sadd.s32 $0x1C00, s5  }
0x18: {  	s0 =	sadd.s32 $0x5BC00, s0;
	s5 =	simm.s32 $0x4;
	[dreg:$0x4] =	wrdreg s17  }
0x19: {  	v0 =	vimm.f32 $0.0e+00;
	[dreg:$0x5] =	wrdreg s0;
	s17 =	sadd.s32 $0x12000, s6;
	s0 =	simm.s32 $0x16980  }
.LBB2_1:
0x1a: {  	s13 =	simm.s32 $0x0;
	s14 =	rddreg [dreg:$0x4];
	s15 =	simm.s32 $0x14000  }
0x1b: {  	[tilespmem:s15], [sflag:$0x1] =	stream.linear.gather [hbm4b:s14+s13], $0x2800, $0x38;
	[tilespmem:$0x1EC00] =	vst v63  }
0x1c: {  	s13 =	simm.s32 $0x0;
	s14 =	simm.s32 $0x200  }
.LBB2_2:
0x1d: {  	p0 =	sne.s32 s14, $0x7E00;
	[tilespmem:s13+$0x16C70] =	vst v0  }
0x1e: {  	[tilespmem:s13+$0x16C00] =	vst v0  }
0x1f: {  	[tilespmem:s13+$0x16C10] =	vst v0  }
.Ltmp0:
0x20: {  	[tilespmem:s13+$0x16C20] =	vst v0;
	(pc) =	sbr.rel @p0 .LBB2_2-.Ltmp0, $4  }
0x21: {  	[tilespmem:s13+$0x16C30] =	vst v0  }
0x22: {  	[tilespmem:s13+$0x16C40] =	vst v0  }
0x23: {  	[tilespmem:s13+$0x16C50] =	vst v0  }
0x24: {  	[tilespmem:s13+$0x16C60] =	vst v0;
	s13 =	sshra.s32 s14, $0x2;
	s14 =	sadd.s32 $0x200, s14  }
0x25: {  	[tilespmem:s13+$0x16C70] =	vst v0  }
0x26: {  	[tilespmem:s13+$0x16C00] =	vst v0  }
0x27: {  	[tilespmem:s13+$0x16C10] =	vst v0  }
0x28: {  	[tilespmem:s13+$0x16C20] =	vst v0  }
0x29: {  	[tilespmem:s13+$0x16C30] =	vst v0  }
0x2a: {  	[tilespmem:s13+$0x16C40] =	vst v0  }
0x2b: {  	[tilespmem:s13+$0x16C50] =	vst v0  }
0x2c: {  	[tilespmem:s13+$0x16C60] =	vst v0  }
0x2d: {  	[spmem:s6] =	stream.linear.scatter [tilespmem:s19], [sflag:$0x5], $0x2000, $0x38;
	[tilespmem:$0x1EC00] =	vst v63  }
0x2e: {  	s15 =	rddreg [dreg:$0x7]  }
0x2f: {  	[spmem:s15] =	stream.linear.scatter [tilespmem:s19], [sflag:$0x5], $0x2000, $0x38;
	[tilespmem:$0x1EC00] =	vst v63  }
0x30: {  	s14 =	rddreg [dreg:$0x8]  }
0x31: {  	[spmem:s14] =	stream.linear.scatter [tilespmem:s19], [sflag:$0x5], $0x2000, $0x38;
	[tilespmem:$0x1EC00] =	vst v63  }
0x32: {  	s15 =	rddreg [dreg:$0x9]  }
0x33: {  	[spmem:s15] =	stream.linear.scatter [tilespmem:s19], [sflag:$0x5], $0x2000, $0x38;
	[tilespmem:$0x1EC00] =	vst v63  }
0x34: {  	s14 =	rddreg [dreg:$0xa]  }
0x35: {  	[spmem:s14] =	stream.linear.scatter [tilespmem:s19], [sflag:$0x5], $0x2000, $0x38;
	[tilespmem:$0x1EC00] =	vst v63  }
0x36: {  	s15 =	rddreg [dreg:$0xb]  }
0x37: {  	[spmem:s15] =	stream.linear.scatter [tilespmem:s19], [sflag:$0x5], $0x2000, $0x38;
	[tilespmem:$0x1EC00] =	vst v63  }
0x38: {  	s14 =	rddreg [dreg:$0xc]  }
0x39: {  	[spmem:s14] =	stream.linear.scatter [tilespmem:s19], [sflag:$0x5], $0x2000, $0x38;
	[tilespmem:$0x1EC00] =	vst v63  }
0x3a: {  	s15 =	rddreg [dreg:$0xd]  }
0x3b: {  	[spmem:s15] =	stream.linear.scatter [tilespmem:s19], [sflag:$0x5], $0x2000, $0x38;
	[tilespmem:$0x1EC00] =	vst v63  }
0x3c: {  	_ = 	snop  }
0x3d: {  	[spmem:s16] =	stream.linear.scatter [tilespmem:s19], [sflag:$0x5], $0x2000, $0x38;
	[tilespmem:$0x1EC00] =	vst v63  }
0x3e: {  	_ = 	snop  }
0x3f: {  	[spmem:s17] =	stream.linear.scatter [tilespmem:s19], [sflag:$0x5], $0x2000, $0x38;
	[tilespmem:$0x1EC00] =	vst v63  }
0x40: {  	_ =	swait.ge [sflag:s20], $0x2000  }
0x41: {  	[sflag:s20] =	ssyncset.done $0x0  }
0x42: {  	[sflag:s20] =	ssyncadd.s32 $0xFFFFE000  }
0x43: {  	_ =	swait.ge [sflag:s20], $0x2000  }
0x44: {  	[sflag:s20] =	ssyncset.done $0x0  }
0x45: {  	[sflag:s20] =	ssyncadd.s32 $0xFFFFE000  }
0x46: {  	_ =	swait.ge [sflag:s20], $0x2000  }
0x47: {  	[sflag:s20] =	ssyncset.done $0x0  }
0x48: {  	[sflag:s20] =	ssyncadd.s32 $0xFFFFE000  }
0x49: {  	_ =	swait.ge [sflag:s20], $0x2000  }
0x4a: {  	[sflag:s20] =	ssyncset.done $0x0  }
0x4b: {  	[sflag:s20] =	ssyncadd.s32 $0xFFFFE000  }
0x4c: {  	_ =	swait.ge [sflag:s20], $0x2000  }
0x4d: {  	[sflag:s20] =	ssyncset.done $0x0  }
0x4e: {  	[sflag:s20] =	ssyncadd.s32 $0xFFFFE000  }
0x4f: {  	_ =	swait.ge [sflag:s20], $0x2000  }
0x50: {  	[sflag:s20] =	ssyncset.done $0x0  }
0x51: {  	[sflag:s20] =	ssyncadd.s32 $0xFFFFE000  }
0x52: {  	_ =	swait.ge [sflag:s20], $0x2000  }
0x53: {  	[sflag:s20] =	ssyncset.done $0x0  }
0x54: {  	[sflag:s20] =	ssyncadd.s32 $0xFFFFE000  }
0x55: {  	_ =	swait.ge [sflag:s20], $0x2000  }
0x56: {  	[sflag:s20] =	ssyncset.done $0x0  }
0x57: {  	[sflag:s20] =	ssyncadd.s32 $0xFFFFE000  }
0x58: {  	_ =	swait.ge [sflag:s20], $0x2000  }
0x59: {  	[sflag:s20] =	ssyncset.done $0x0  }
0x5a: {  	[sflag:s20] =	ssyncadd.s32 $0xFFFFE000  }
0x5b: {  	_ =	swait.ge [sflag:s20], $0x2000  }
0x5c: {  	[sflag:s20] =	ssyncset.done $0x0  }
0x5d: {  	[sflag:s20] =	ssyncadd.s32 $0xFFFFE000  }
0x5e: {  	_ =	swait.ge [sflag:s21], $0x2800  }
0x5f: {  	[sflag:s21] =	ssyncset.done $0x0  }
0x60: {  	[sflag:s21] =	ssyncadd.s32 $0xFFFFD800  }
0x61: {  	[bflag:$0x0] =	sbarrier.arrive $0xFFFF  }
0x62: {  	v1 =	vld [tilespmem:$0x14000];
	_ =	sdelay $0x1  }
0x63: {  	v2 =	vld [tilespmem:$0x14010];
	_ =	sdelay $0x1  }
0x64: {  	v3 =	vld [tilespmem:$0x14020]  }
0x65: {  	v4 =	vand.u32 $0x3FFF, v1  }
0x66: {  	v53 =	vld [tilespmem:$0x14030];
	v1 =	vshrl.u32 v1, $0xE;
	[tilespmem:$0x16800] =	vst v4  }
0x67: {  	[tilespmem:$0x16A00] =	vst v1;
	v1 =	vand.u32 $0x3FFF, v2  }
0x68: {  	[tilespmem:$0x16810] =	vst v1;
	v1 =	vshrl.u32 v2, $0xE  }
0x69: {  	[tilespmem:$0x16A10] =	vst v1;
	v1 =	vand.u32 $0x3FFF, v3  }
0x6a: {  	[tilespmem:$0x16820] =	vst v1;
	v1 =	vshrl.u32 v3, $0xE  }
0x6b: {  	[tilespmem:$0x16A20] =	vst v1;
	v1 =	vand.u32 $0x3FFF, v53  }
0x6c: {  	[tilespmem:$0x16830] =	vst v1;
	v1 =	vshrl.u32 v53, $0xE  }
0x6d: {  	[tilespmem:$0x16A30] =	vst v1  }
0x6e: {  	[tilespmem:s19], [sflag:$0x1] =	stream.indirect.gather [hbm4b:s1+s22], $0x80, s23, s22, $0xb8;
	[tilespmem:$0x1EC00] =	vst v63  }
0x6f: {  	v1 =	vld [tilespmem:$0x14080];
	_ =	sdelay $0x1  }
0x70: {  	v2 =	vld [tilespmem:$0x14090];
	_ =	sdelay $0x1  }
0x71: {  	v3 =	vld [tilespmem:$0x140A0]  }
0x72: {  	v54 =	vand.u32 $0x3FFF, v1  }
0x73: {  	v55 =	vld [tilespmem:$0x140B0];
	v1 =	vshrl.u32 v1, $0xE;
	[tilespmem:$0x16880] =	vst v54  }
0x74: {  	[tilespmem:$0x16A80] =	vst v1;
	v1 =	vand.u32 $0x3FFF, v2  }
0x75: {  	[tilespmem:$0x16890] =	vst v1;
	v1 =	vshrl.u32 v2, $0xE  }
0x76: {  	[tilespmem:$0x16A90] =	vst v1;
	v1 =	vand.u32 $0x3FFF, v3  }
0x77: {  	[tilespmem:$0x168A0] =	vst v1;
	v1 =	vshrl.u32 v3, $0xE  }
0x78: {  	[tilespmem:$0x16AA0] =	vst v1;
	v1 =	vand.u32 $0x3FFF, v55  }
0x79: {  	[tilespmem:$0x168B0] =	vst v1;
	v1 =	vshrl.u32 v55, $0xE  }
0x7a: {  	[tilespmem:$0x16AB0] =	vst v1  }
0x7b: {  	[tilespmem:s25], [sflag:$0x2] =	stream.indirect.gather [hbm4b:s1+s22], $0x80, s24, s22, $0xb8;
	[tilespmem:$0x1EC00] =	vst v63  }
0x7c: {  	_ =	swait.ge [sflag:s21], $0x2000  }
0x7d: {  	[sflag:s21] =	ssyncset.done $0x0  }
0x7e: {  	[sflag:s21] =	ssyncadd.s32 $0xFFFFE000  }
0x7f: {  	[spmem:s3] =	stream.indirect.scatter.add.f32 [tilespmem:s19], [sflag:$0x5], $0x80, s26, s22, $0xb8;
	[tilespmem:$0x1EC00] =	vst v63  }
0x80: {  	v1 =	vld [tilespmem:$0x14100];
	_ =	sdelay $0x1  }
0x81: {  	v2 =	vld [tilespmem:$0x14110];
	_ =	sdelay $0x1  }
0x82: {  	v3 =	vld [tilespmem:$0x14120]  }
0x83: {  	v56 =	vand.u32 $0x3FFF, v1  }
0x84: {  	v57 =	vld [tilespmem:$0x14130];
	v1 =	vshrl.u32 v1, $0xE;
	[tilespmem:$0x16900] =	vst v56  }
0x85: {  	[tilespmem:$0x16B00] =	vst v1;
	v1 =	vand.u32 $0x3FFF, v2  }
0x86: {  	[tilespmem:$0x16910] =	vst v1;
	v1 =	vshrl.u32 v2, $0xE  }
0x87: {  	[tilespmem:$0x16B10] =	vst v1;
	v1 =	vand.u32 $0x3FFF, v3  }
0x88: {  	[tilespmem:$0x16920] =	vst v1;
	v1 =	vshrl.u32 v3, $0xE  }
0x89: {  	[tilespmem:$0x16B20] =	vst v1;
	v1 =	vand.u32 $0x3FFF, v57  }
0x8a: {  	[tilespmem:$0x16930] =	vst v1;
	v1 =	vshrl.u32 v57, $0xE  }
0x8b: {  	[tilespmem:$0x16B30] =	vst v1  }
0x8c: {  	[tilespmem:s29], [sflag:$0x3] =	stream.indirect.gather [hbm4b:s1+s22], $0x80, s28, s22, $0xb8;
	[tilespmem:$0x1EC00] =	vst v63  }
0x8d: {  	_ =	swait.ge [sflag:s30], $0x2000  }
0x8e: {  	[sflag:s30] =	ssyncset.done $0x0  }
0x8f: {  	[sflag:s30] =	ssyncadd.s32 $0xFFFFE000  }
0x90: {  	[spmem:s3] =	stream.indirect.scatter.add.f32 [tilespmem:s25], [sflag:$0x6], $0x80, s31, s22, $0xb8;
	[tilespmem:$0x1EC00] =	vst v63  }
0x91: {  	v1 =	vld [tilespmem:$0x14180];
	_ =	sdelay $0x1  }
0x92: {  	v2 =	vld [tilespmem:$0x14190];
	_ =	sdelay $0x1  }
0x93: {  	v3 =	vld [tilespmem:$0x141A0]  }
0x94: {  	v58 =	vand.u32 $0x3FFF, v1  }
0x95: {  	v59 =	vld [tilespmem:$0x141B0];
	v1 =	vshrl.u32 v1, $0xE;
	[tilespmem:$0x16980] =	vst v58  }
0x96: {  	[tilespmem:$0x16B80] =	vst v1;
	v1 =	vand.u32 $0x3FFF, v2  }
0x97: {  	[tilespmem:$0x16990] =	vst v1;
	v1 =	vshrl.u32 v2, $0xE  }
0x98: {  	[tilespmem:$0x16B90] =	vst v1;
	v1 =	vand.u32 $0x3FFF, v3  }
0x99: {  	[tilespmem:$0x169A0] =	vst v1;
	v1 =	vshrl.u32 v3, $0xE  }
0x9a: {  	[tilespmem:$0x16BA0] =	vst v1;
	v1 =	vand.u32 $0x3FFF, v59  }
0x9b: {  	[tilespmem:$0x169B0] =	vst v1;
	v1 =	vshrl.u32 v59, $0xE  }
0x9c: {  	[tilespmem:$0x16BB0] =	vst v1  }
0x9d: {  	[tilespmem:s4], [sflag:$0x4] =	stream.indirect.gather [hbm4b:s1+s22], $0x80, s0, s22, $0xb8;
	[tilespmem:$0x1EC00] =	vst v63  }
0x9e: {  	_ =	swait.ge [sflag:s18], $0x2000  }
0x9f: {  	[sflag:s18] =	ssyncset.done $0x0  }
0xa0: {  	[sflag:s18] =	ssyncadd.s32 $0xFFFFE000  }
0xa1: {  	[spmem:s3] =	stream.indirect.scatter.add.f32 [tilespmem:s29], [sflag:$0x7], $0x80, s2, s22, $0xb8;
	[tilespmem:$0x1EC00] =	vst v63  }
0xa2: {  	_ =	swait.ge [sflag:s20], $0x2000  }
0xa3: {  	[sflag:s20] =	ssyncset.done $0x0  }
0xa4: {  	[sflag:s20] =	ssyncadd.s32 $0xFFFFE000  }
0xa5: {  	v1 =	vld [tilespmem:$0x14200];
	_ =	sdelay $0x1  }
0xa6: {  	v2 =	vld [tilespmem:$0x14210];
	_ =	sdelay $0x1  }
0xa7: {  	v3 =	vld [tilespmem:$0x14220]  }
0xa8: {  	v60 =	vand.u32 $0x3FFF, v1  }
0xa9: {  	v61 =	vld [tilespmem:$0x14230];
	v1 =	vshrl.u32 v1, $0xE;
	[tilespmem:$0x16800] =	vst v60  }
0xaa: {  	[tilespmem:$0x16A00] =	vst v1;
	v1 =	vand.u32 $0x3FFF, v2  }
0xab: {  	[tilespmem:$0x16810] =	vst v1;
	v1 =	vshrl.u32 v2, $0xE  }
0xac: {  	[tilespmem:$0x16A10] =	vst v1;
	v1 =	vand.u32 $0x3FFF, v3  }
0xad: {  	[tilespmem:$0x16820] =	vst v1;
	v1 =	vshrl.u32 v3, $0xE  }
0xae: {  	[tilespmem:$0x16A20] =	vst v1;
	v1 =	vand.u32 $0x3FFF, v61  }
0xaf: {  	[tilespmem:$0x16830] =	vst v1;
	v1 =	vshrl.u32 v61, $0xE  }
0xb0: {  	[tilespmem:$0x16A30] =	vst v1  }
0xb1: {  	[tilespmem:s19], [sflag:$0x1] =	stream.indirect.gather [hbm4b:s1+s22], $0x80, s23, s22, $0xb8;
	[tilespmem:$0x1EC00] =	vst v63  }
0xb2: {  	_ =	swait.ge [sflag:s5], $0x2000  }
0xb3: {  	[sflag:s5] =	ssyncset.done $0x0  }
0xb4: {  	[sflag:s5] =	ssyncadd.s32 $0xFFFFE000  }
0xb5: {  	[spmem:s3] =	stream.indirect.scatter.add.f32 [tilespmem:s4], [sflag:$0x8], $0x80, s7, s22, $0xb8;
	[tilespmem:$0x1EC00] =	vst v63  }
0xb6: {  	_ =	swait.ge [sflag:s8], $0x2000  }
0xb7: {  	[sflag:s8] =	ssyncset.done $0x0  }
0xb8: {  	[sflag:s8] =	ssyncadd.s32 $0xFFFFE000  }
0xb9: {  	v1 =	vld [tilespmem:$0x14280];
	_ =	sdelay $0x1  }
0xba: {  	v2 =	vld [tilespmem:$0x14290];
	_ =	sdelay $0x1  }
0xbb: {  	v3 =	vld [tilespmem:$0x142A0]  }
0xbc: {  	v62 =	vand.u32 $0x3FFF, v1  }
0xbd: {  	v63 =	vld [tilespmem:$0x142B0];
	v1 =	vshrl.u32 v1, $0xE;
	[tilespmem:$0x16880] =	vst v62  }
0xbe: {  	[tilespmem:$0x16A80] =	vst v1;
	v1 =	vand.u32 $0x3FFF, v2  }
0xbf: {  	[tilespmem:$0x16890] =	vst v1;
	v1 =	vshrl.u32 v2, $0xE  }
0xc0: {  	[tilespmem:$0x16A90] =	vst v1;
	v1 =	vand.u32 $0x3FFF, v3  }
0xc1: {  	[tilespmem:$0x168A0] =	vst v1;
	v1 =	vshrl.u32 v3, $0xE  }
0xc2: {  	[tilespmem:$0x16AA0] =	vst v1;
	v1 =	vand.u32 $0x3FFF, v63  }
0xc3: {  	[tilespmem:$0x168B0] =	vst v1;
	v1 =	vshrl.u32 v63, $0xE  }
0xc4: {  	[tilespmem:$0x16AB0] =	vst v1  }
0xc5: {  	[tilespmem:s25], [sflag:$0x2] =	stream.indirect.gather [hbm4b:s1+s22], $0x80, s24, s22, $0xb8;
	[tilespmem:$0x1EC00] =	vst v63  }
0xc6: {  	_ =	swait.ge [sflag:s21], $0x2000  }
0xc7: {  	[sflag:s21] =	ssyncset.done $0x0  }
0xc8: {  	[sflag:s21] =	ssyncadd.s32 $0xFFFFE000  }
0xc9: {  	[spmem:s3] =	stream.indirect.scatter.add.f32 [tilespmem:s19], [sflag:$0x5], $0x80, s26, s22, $0xb8;
	[tilespmem:$0x1EC00] =	vst v63  }
0xca: {  	_ =	swait.ge [sflag:s9], $0x2000  }
0xcb: {  	[sflag:s9] =	ssyncset.done $0x0  }
0xcc: {  	s13 =	simm.s32 $0x4B0;
	[sflag:s9] =	ssyncadd.s32 $0xFFFFE000  }
0xcd: {  	v1 =	vld [tilespmem:s13+$0x13E50];
	_ =	sdelay $0x4  }
0xce: {  	v2 =	vand.u32 $0x3FFF, v1  }
0xcf: {  	v1 =	vshrl.u32 v1, $0xE;
	[tilespmem:$0x16900] =	vst v2  }
0xd0: {  	[tilespmem:$0x16B00] =	vst v1  }
0xd1: {  	v1 =	vld [tilespmem:s13+$0x13E60];
	_ =	sdelay $0x4  }
0xd2: {  	v2 =	vand.u32 $0x3FFF, v1  }
0xd3: {  	v1 =	vshrl.u32 v1, $0xE;
	[tilespmem:$0x16910] =	vst v2  }
0xd4: {  	[tilespmem:$0x16B10] =	vst v1  }
0xd5: {  	v1 =	vld [tilespmem:s13+$0x13E70];
	_ =	sdelay $0x4  }
0xd6: {  	v2 =	vand.u32 $0x3FFF, v1  }
0xd7: {  	v1 =	vshrl.u32 v1, $0xE;
	[tilespmem:$0x16920] =	vst v2  }
0xd8: {  	[tilespmem:$0x16B20] =	vst v1  }
0xd9: {  	v1 =	vld [tilespmem:s13+$0x13E80];
	_ =	sdelay $0x4  }
0xda: {  	v2 =	vand.u32 $0x3FFF, v1  }
0xdb: {  	v1 =	vshrl.u32 v1, $0xE;
	[tilespmem:$0x16930] =	vst v2  }
0xdc: {  	[tilespmem:$0x16B30] =	vst v1  }
0xdd: {  	[tilespmem:s29], [sflag:$0x3] =	stream.indirect.gather [hbm4b:s1+s22], $0x80, s28, s22, $0xb8;
	[tilespmem:$0x1EC00] =	vst v63  }
0xde: {  	_ =	swait.ge [sflag:s30], $0x2000  }
0xdf: {  	[sflag:s30] =	ssyncset.done $0x0  }
0xe0: {  	[sflag:s30] =	ssyncadd.s32 $0xFFFFE000  }
0xe1: {  	[spmem:s3] =	stream.indirect.scatter.add.f32 [tilespmem:s25], [sflag:$0x6], $0x80, s31, s22, $0xb8;
	[tilespmem:$0x1EC00] =	vst v63  }
0xe2: {  	_ =	swait.ge [sflag:s10], $0x2000  }
0xe3: {  	[sflag:s10] =	ssyncset.done $0x0  }
0xe4: {  	[sflag:s10] =	ssyncadd.s32 $0xFFFFE000  }
0xe5: {  	v1 =	vld [tilespmem:s13+$0x13ED0];
	_ =	sdelay $0x4  }
0xe6: {  	v2 =	vand.u32 $0x3FFF, v1  }
0xe7: {  	v1 =	vshrl.u32 v1, $0xE;
	[tilespmem:$0x16980] =	vst v2  }
0xe8: {  	[tilespmem:$0x16B80] =	vst v1  }
0xe9: {  	v1 =	vld [tilespmem:s13+$0x13EE0];
	_ =	sdelay $0x4  }
0xea: {  	v2 =	vand.u32 $0x3FFF, v1  }
0xeb: {  	v1 =	vshrl.u32 v1, $0xE;
	[tilespmem:$0x16990] =	vst v2  }
0xec: {  	[tilespmem:$0x16B90] =	vst v1  }
0xed: {  	v1 =	vld [tilespmem:s13+$0x13EF0];
	_ =	sdelay $0x4  }
0xee: {  	v2 =	vand.u32 $0x3FFF, v1  }
0xef: {  	v1 =	vshrl.u32 v1, $0xE;
	[tilespmem:$0x169A0] =	vst v2  }
0xf0: {  	[tilespmem:$0x16BA0] =	vst v1  }
0xf1: {  	v1 =	vld [tilespmem:s13+$0x13F00];
	_ =	sdelay $0x4  }
0xf2: {  	v2 =	vand.u32 $0x3FFF, v1  }
0xf3: {  	v1 =	vshrl.u32 v1, $0xE;
	[tilespmem:$0x169B0] =	vst v2  }
0xf4: {  	[tilespmem:$0x16BB0] =	vst v1  }
0xf5: {  	[tilespmem:s4], [sflag:$0x4] =	stream.indirect.gather [hbm4b:s1+s22], $0x80, s0, s22, $0xb8;
	[tilespmem:$0x1EC00] =	vst v63  }
0xf6: {  	_ =	swait.ge [sflag:s18], $0x2000  }
0xf7: {  	[sflag:s18] =	ssyncset.done $0x0  }
0xf8: {  	[sflag:s18] =	ssyncadd.s32 $0xFFFFE000  }
0xf9: {  	[spmem:s3] =	stream.indirect.scatter.add.f32 [tilespmem:s29], [sflag:$0x7], $0x80, s2, s22, $0xb8;
	[tilespmem:$0x1EC00] =	vst v63  }
0xfa: {  	_ =	swait.ge [sflag:s20], $0x2000  }
0xfb: {  	[sflag:s20] =	ssyncset.done $0x0  }
0xfc: {  	[sflag:s20] =	ssyncadd.s32 $0xFFFFE000  }
0xfd: {  	v1 =	vld [tilespmem:s13+$0x13F50];
	_ =	sdelay $0x4  }
0xfe: {  	v2 =	vand.u32 $0x3FFF, v1  }
0xff: {  	v1 =	vshrl.u32 v1, $0xE;
	[tilespmem:$0x16800] =	vst v2  }
0x100: {  	[tilespmem:$0x16A00] =	vst v1  }
0x101: {  	v1 =	vld [tilespmem:s13+$0x13F60];
	_ =	sdelay $0x4  }
0x102: {  	v2 =	vand.u32 $0x3FFF, v1  }
0x103: {  	v1 =	vshrl.u32 v1, $0xE;
	[tilespmem:$0x16810] =	vst v2  }
0x104: {  	[tilespmem:$0x16A10] =	vst v1  }
0x105: {  	v1 =	vld [tilespmem:s13+$0x13F70];
	_ =	sdelay $0x4  }
0x106: {  	v2 =	vand.u32 $0x3FFF, v1  }
0x107: {  	v1 =	vshrl.u32 v1, $0xE;
	[tilespmem:$0x16820] =	vst v2  }
0x108: {  	[tilespmem:$0x16A20] =	vst v1  }
0x109: {  	v1 =	vld [tilespmem:s13+$0x13F80];
	_ =	sdelay $0x4  }
0x10a: {  	v2 =	vand.u32 $0x3FFF, v1  }
0x10b: {  	v1 =	vshrl.u32 v1, $0xE;
	[tilespmem:$0x16830] =	vst v2  }
0x10c: {  	[tilespmem:$0x16A30] =	vst v1  }
0x10d: {  	[tilespmem:s19], [sflag:$0x1] =	stream.indirect.gather [hbm4b:s1+s22], $0x80, s23, s22, $0xb8;
	[tilespmem:$0x1EC00] =	vst v63  }
0x10e: {  	_ =	swait.ge [sflag:s5], $0x2000  }
0x10f: {  	[sflag:s5] =	ssyncset.done $0x0  }
0x110: {  	[sflag:s5] =	ssyncadd.s32 $0xFFFFE000  }
0x111: {  	[spmem:s3] =	stream.indirect.scatter.add.f32 [tilespmem:s4], [sflag:$0x8], $0x80, s7, s22, $0xb8;
	[tilespmem:$0x1EC00] =	vst v63  }
0x112: {  	_ =	swait.ge [sflag:s8], $0x2000  }
0x113: {  	[sflag:s8] =	ssyncset.done $0x0  }
0x114: {  	[sflag:s8] =	ssyncadd.s32 $0xFFFFE000  }
0x115: {  	v1 =	vld [tilespmem:s13+$0x13FD0];
	_ =	sdelay $0x4  }
0x116: {  	v2 =	vand.u32 $0x3FFF, v1  }
0x117: {  	v1 =	vshrl.u32 v1, $0xE;
	[tilespmem:$0x16880] =	vst v2  }
0x118: {  	[tilespmem:$0x16A80] =	vst v1  }
0x119: {  	v1 =	vld [tilespmem:s13+$0x13FE0];
	_ =	sdelay $0x4  }
0x11a: {  	v2 =	vand.u32 $0x3FFF, v1  }
0x11b: {  	v1 =	vshrl.u32 v1, $0xE;
	[tilespmem:$0x16890] =	vst v2  }
0x11c: {  	s14 =	simm.s32 $0x1AC0;
	[tilespmem:$0x16A90] =	vst v1  }
.LBB2_4:
0x11d: {  	p0 =	sne.s32 s14, $0x9AC0;
	v1 =	vld [tilespmem:s13+$0x13FF0];
	s15 =	smov.u32 s14;
	s14 =	sadd.s32 $0x800, s14  }
0x11e: {  	_ =	sdelay $0x3  }
0x11f: {  	v2 =	vand.u32 $0x3FFF, v1;
	v1 =	vshrl.u32 v1, $0xE  }
0x120: {  	[tilespmem:$0x168A0] =	vst v2  }
0x121: {  	[tilespmem:$0x16AA0] =	vst v1  }
0x122: {  	v1 =	vld [tilespmem:s13+$0x14000];
	_ =	sdelay $0x4  }
0x123: {  	v2 =	vand.u32 $0x3FFF, v1;
	v1 =	vshrl.u32 v1, $0xE  }
0x124: {  	[tilespmem:$0x168B0] =	vst v2  }
0x125: {  	[tilespmem:$0x16AB0] =	vst v1  }
0x126: {  	[tilespmem:s25], [sflag:$0x2] =	stream.indirect.gather [hbm4b:s1+s22], $0x80, s24, s22, $0xb8;
	[tilespmem:$0x1EC00] =	vst v63  }
0x127: {  	_ =	swait.ge [sflag:s21], $0x2000  }
0x128: {  	[sflag:s21] =	ssyncset.done $0x0  }
0x129: {  	[sflag:s21] =	ssyncadd.s32 $0xFFFFE000  }
0x12a: {  	[spmem:s3] =	stream.indirect.scatter.add.f32 [tilespmem:s19], [sflag:$0x5], $0x80, s26, s22, $0xb8;
	[tilespmem:$0x1EC00] =	vst v63  }
0x12b: {  	_ =	swait.ge [sflag:s9], $0x2000  }
0x12c: {  	[sflag:s9] =	ssyncset.done $0x0  }
0x12d: {  	s13 =	sshra.s32 s15, $0x2;
	[sflag:s9] =	ssyncadd.s32 $0xFFFFE000  }
0x12e: {  	v1 =	vld [tilespmem:s13+$0x13E50];
	_ =	sdelay $0x4  }
0x12f: {  	v2 =	vand.u32 $0x3FFF, v1;
	v1 =	vshrl.u32 v1, $0xE  }
0x130: {  	[tilespmem:$0x16900] =	vst v2  }
0x131: {  	[tilespmem:$0x16B00] =	vst v1  }
0x132: {  	v1 =	vld [tilespmem:s13+$0x13E60];
	_ =	sdelay $0x4  }
0x133: {  	v2 =	vand.u32 $0x3FFF, v1;
	v1 =	vshrl.u32 v1, $0xE  }
0x134: {  	[tilespmem:$0x16910] =	vst v2  }
0x135: {  	[tilespmem:$0x16B10] =	vst v1  }
0x136: {  	v1 =	vld [tilespmem:s13+$0x13E70];
	_ =	sdelay $0x4  }
0x137: {  	v2 =	vand.u32 $0x3FFF, v1;
	v1 =	vshrl.u32 v1, $0xE  }
0x138: {  	[tilespmem:$0x16920] =	vst v2  }
0x139: {  	[tilespmem:$0x16B20] =	vst v1  }
0x13a: {  	v1 =	vld [tilespmem:s13+$0x13E80];
	_ =	sdelay $0x4  }
0x13b: {  	v2 =	vand.u32 $0x3FFF, v1;
	v1 =	vshrl.u32 v1, $0xE  }
0x13c: {  	[tilespmem:$0x16930] =	vst v2  }
0x13d: {  	[tilespmem:$0x16B30] =	vst v1  }
0x13e: {  	[tilespmem:s29], [sflag:$0x3] =	stream.indirect.gather [hbm4b:s1+s22], $0x80, s28, s22, $0xb8;
	[tilespmem:$0x1EC00] =	vst v63  }
0x13f: {  	_ =	swait.ge [sflag:s30], $0x2000  }
0x140: {  	[sflag:s30] =	ssyncset.done $0x0  }
0x141: {  	[sflag:s30] =	ssyncadd.s32 $0xFFFFE000  }
0x142: {  	[spmem:s3] =	stream.indirect.scatter.add.f32 [tilespmem:s25], [sflag:$0x6], $0x80, s31, s22, $0xb8;
	[tilespmem:$0x1EC00] =	vst v63  }
0x143: {  	_ =	swait.ge [sflag:s10], $0x2000  }
0x144: {  	[sflag:s10] =	ssyncset.done $0x0  }
0x145: {  	[sflag:s10] =	ssyncadd.s32 $0xFFFFE000  }
0x146: {  	v1 =	vld [tilespmem:s13+$0x13ED0];
	_ =	sdelay $0x4  }
0x147: {  	v2 =	vand.u32 $0x3FFF, v1;
	v1 =	vshrl.u32 v1, $0xE  }
0x148: {  	[tilespmem:$0x16980] =	vst v2  }
0x149: {  	[tilespmem:$0x16B80] =	vst v1  }
0x14a: {  	v1 =	vld [tilespmem:s13+$0x13EE0];
	_ =	sdelay $0x4  }
0x14b: {  	v2 =	vand.u32 $0x3FFF, v1;
	v1 =	vshrl.u32 v1, $0xE  }
0x14c: {  	[tilespmem:$0x16990] =	vst v2  }
0x14d: {  	[tilespmem:$0x16B90] =	vst v1  }
0x14e: {  	v1 =	vld [tilespmem:s13+$0x13EF0];
	_ =	sdelay $0x4  }
0x14f: {  	v2 =	vand.u32 $0x3FFF, v1;
	v1 =	vshrl.u32 v1, $0xE  }
0x150: {  	[tilespmem:$0x169A0] =	vst v2  }
0x151: {  	[tilespmem:$0x16BA0] =	vst v1  }
0x152: {  	v1 =	vld [tilespmem:s13+$0x13F00];
	_ =	sdelay $0x4  }
0x153: {  	v2 =	vand.u32 $0x3FFF, v1;
	v1 =	vshrl.u32 v1, $0xE  }
0x154: {  	[tilespmem:$0x169B0] =	vst v2  }
0x155: {  	[tilespmem:$0x16BB0] =	vst v1  }
0x156: {  	[tilespmem:s4], [sflag:$0x4] =	stream.indirect.gather [hbm4b:s1+s22], $0x80, s0, s22, $0xb8;
	[tilespmem:$0x1EC00] =	vst v63  }
0x157: {  	_ =	swait.ge [sflag:s18], $0x2000  }
0x158: {  	[sflag:s18] =	ssyncset.done $0x0  }
0x159: {  	[sflag:s18] =	ssyncadd.s32 $0xFFFFE000  }
0x15a: {  	[spmem:s3] =	stream.indirect.scatter.add.f32 [tilespmem:s29], [sflag:$0x7], $0x80, s2, s22, $0xb8;
	[tilespmem:$0x1EC00] =	vst v63  }
0x15b: {  	_ =	swait.ge [sflag:s20], $0x2000  }
0x15c: {  	[sflag:s20] =	ssyncset.done $0x0  }
0x15d: {  	[sflag:s20] =	ssyncadd.s32 $0xFFFFE000  }
0x15e: {  	v1 =	vld [tilespmem:s13+$0x13F50];
	_ =	sdelay $0x4  }
0x15f: {  	v2 =	vand.u32 $0x3FFF, v1;
	v1 =	vshrl.u32 v1, $0xE  }
0x160: {  	[tilespmem:$0x16800] =	vst v2  }
0x161: {  	[tilespmem:$0x16A00] =	vst v1  }
0x162: {  	v1 =	vld [tilespmem:s13+$0x13F60];
	_ =	sdelay $0x4  }
0x163: {  	v2 =	vand.u32 $0x3FFF, v1;
	v1 =	vshrl.u32 v1, $0xE  }
0x164: {  	[tilespmem:$0x16810] =	vst v2  }
0x165: {  	[tilespmem:$0x16A10] =	vst v1  }
0x166: {  	v1 =	vld [tilespmem:s13+$0x13F70];
	_ =	sdelay $0x4  }
0x167: {  	v2 =	vand.u32 $0x3FFF, v1;
	v1 =	vshrl.u32 v1, $0xE  }
0x168: {  	[tilespmem:$0x16820] =	vst v2  }
0x169: {  	[tilespmem:$0x16A20] =	vst v1  }
0x16a: {  	v1 =	vld [tilespmem:s13+$0x13F80];
	_ =	sdelay $0x4  }
0x16b: {  	v2 =	vand.u32 $0x3FFF, v1;
	v1 =	vshrl.u32 v1, $0xE  }
0x16c: {  	[tilespmem:$0x16830] =	vst v2  }
0x16d: {  	[tilespmem:$0x16A30] =	vst v1  }
0x16e: {  	[tilespmem:s19], [sflag:$0x1] =	stream.indirect.gather [hbm4b:s1+s22], $0x80, s23, s22, $0xb8;
	[tilespmem:$0x1EC00] =	vst v63  }
0x16f: {  	_ =	swait.ge [sflag:s5], $0x2000  }
0x170: {  	[sflag:s5] =	ssyncset.done $0x0  }
0x171: {  	[sflag:s5] =	ssyncadd.s32 $0xFFFFE000  }
0x172: {  	[spmem:s3] =	stream.indirect.scatter.add.f32 [tilespmem:s4], [sflag:$0x8], $0x80, s7, s22, $0xb8;
	[tilespmem:$0x1EC00] =	vst v63  }
0x173: {  	_ =	swait.ge [sflag:s8], $0x2000  }
0x174: {  	[sflag:s8] =	ssyncset.done $0x0  }
0x175: {  	[sflag:s8] =	ssyncadd.s32 $0xFFFFE000  }
0x176: {  	v1 =	vld [tilespmem:s13+$0x13FD0];
	_ =	sdelay $0x4  }
0x177: {  	v2 =	vand.u32 $0x3FFF, v1;
	v1 =	vshrl.u32 v1, $0xE  }
0x178: {  	[tilespmem:$0x16880] =	vst v2  }
0x179: {  	[tilespmem:$0x16A80] =	vst v1  }
0x17a: {  	v1 =	vld [tilespmem:s13+$0x13FE0];
	_ =	sdelay $0x2  }
.Ltmp1:
0x17b: {  	(pc) =	sbr.rel @p0 .LBB2_4-.Ltmp1, $4  }
0x17c: {  	_ = 	snop  }
0x17d: {  	v2 =	vand.u32 $0x3FFF, v1;
	v1 =	vshrl.u32 v1, $0xE  }
0x17e: {  	[tilespmem:$0x16890] =	vst v2  }
0x17f: {  	[tilespmem:$0x16A90] =	vst v1  }
0x180: {  	v1 =	vld [tilespmem:s13+$0x13FF0];
	_ =	sdelay $0x4  }
0x181: {  	v2 =	vand.u32 $0x3FFF, v1  }
0x182: {  	v1 =	vshrl.u32 v1, $0xE;
	[tilespmem:$0x168A0] =	vst v2  }
0x183: {  	[tilespmem:$0x16AA0] =	vst v1  }
0x184: {  	v1 =	vld [tilespmem:s13+$0x14000];
	_ =	sdelay $0x4  }
0x185: {  	v2 =	vand.u32 $0x3FFF, v1  }
0x186: {  	v1 =	vshrl.u32 v1, $0xE;
	[tilespmem:$0x168B0] =	vst v2  }
0x187: {  	[tilespmem:$0x16AB0] =	vst v1  }
0x188: {  	[tilespmem:s25], [sflag:$0x2] =	stream.indirect.gather [hbm4b:s1+s22], $0x80, s24, s22, $0xb8;
	[tilespmem:$0x1EC00] =	vst v63  }
0x189: {  	_ =	swait.ge [sflag:s21], $0x2000  }
0x18a: {  	[sflag:s21] =	ssyncset.done $0x0  }
0x18b: {  	[sflag:s21] =	ssyncadd.s32 $0xFFFFE000  }
0x18c: {  	[spmem:s3] =	stream.indirect.scatter.add.f32 [tilespmem:s19], [sflag:$0x5], $0x80, s26, s22, $0xb8;
	[tilespmem:$0x1EC00] =	vst v63  }
0x18d: {  	_ =	swait.ge [sflag:s9], $0x2000  }
0x18e: {  	[sflag:s9] =	ssyncset.done $0x0  }
0x18f: {  	[sflag:s9] =	ssyncadd.s32 $0xFFFFE000  }
0x190: {  	v1 =	vld [tilespmem:$0x16700];
	_ =	sdelay $0x1  }
0x191: {  	v2 =	vld [tilespmem:$0x16710];
	_ =	sdelay $0x1  }
0x192: {  	v3 =	vld [tilespmem:$0x16720]  }
0x193: {  	v4 =	vand.u32 $0x3FFF, v1  }
0x194: {  	v61 =	vld [tilespmem:$0x16730];
	v1 =	vshrl.u32 v1, $0xE;
	[tilespmem:$0x16900] =	vst v4  }
0x195: {  	[tilespmem:$0x16B00] =	vst v1;
	v1 =	vand.u32 $0x3FFF, v2  }
0x196: {  	[tilespmem:$0x16910] =	vst v1;
	v1 =	vshrl.u32 v2, $0xE  }
0x197: {  	[tilespmem:$0x16B10] =	vst v1;
	v1 =	vand.u32 $0x3FFF, v3  }
0x198: {  	[tilespmem:$0x16920] =	vst v1;
	v1 =	vshrl.u32 v3, $0xE  }
0x199: {  	[tilespmem:$0x16B20] =	vst v1;
	v1 =	vand.u32 $0x3FFF, v61  }
0x19a: {  	[tilespmem:$0x16930] =	vst v1;
	v1 =	vshrl.u32 v61, $0xE  }
0x19b: {  	[tilespmem:$0x16B30] =	vst v1  }
0x19c: {  	[tilespmem:s29], [sflag:$0x3] =	stream.indirect.gather [hbm4b:s1+s22], $0x80, s28, s22, $0xb8;
	[tilespmem:$0x1EC00] =	vst v63  }
0x19d: {  	_ =	swait.ge [sflag:s30], $0x2000  }
0x19e: {  	[sflag:s30] =	ssyncset.done $0x0  }
0x19f: {  	[sflag:s30] =	ssyncadd.s32 $0xFFFFE000  }
0x1a0: {  	[spmem:s3] =	stream.indirect.scatter.add.f32 [tilespmem:s25], [sflag:$0x6], $0x80, s31, s22, $0xb8;
	[tilespmem:$0x1EC00] =	vst v63  }
0x1a1: {  	_ =	swait.ge [sflag:s10], $0x2000  }
0x1a2: {  	[sflag:s10] =	ssyncset.done $0x0  }
0x1a3: {  	[sflag:s10] =	ssyncadd.s32 $0xFFFFE000  }
0x1a4: {  	v1 =	vld [tilespmem:$0x16780];
	_ =	sdelay $0x1  }
0x1a5: {  	v2 =	vld [tilespmem:$0x16790];
	_ =	sdelay $0x1  }
0x1a6: {  	v3 =	vld [tilespmem:$0x167A0]  }
0x1a7: {  	v62 =	vand.u32 $0x3FFF, v1  }
0x1a8: {  	v63 =	vld [tilespmem:$0x167B0];
	v1 =	vshrl.u32 v1, $0xE;
	[tilespmem:$0x16980] =	vst v62  }
0x1a9: {  	[tilespmem:$0x16B80] =	vst v1;
	v1 =	vand.u32 $0x3FFF, v2  }
0x1aa: {  	[tilespmem:$0x16990] =	vst v1;
	v1 =	vshrl.u32 v2, $0xE  }
0x1ab: {  	[tilespmem:$0x16B90] =	vst v1;
	v1 =	vand.u32 $0x3FFF, v3  }
0x1ac: {  	[tilespmem:$0x169A0] =	vst v1;
	v1 =	vshrl.u32 v3, $0xE  }
0x1ad: {  	[tilespmem:$0x16BA0] =	vst v1;
	v1 =	vand.u32 $0x3FFF, v63  }
0x1ae: {  	[tilespmem:$0x169B0] =	vst v1;
	v1 =	vshrl.u32 v63, $0xE  }
0x1af: {  	[tilespmem:$0x16BB0] =	vst v1  }
0x1b0: {  	[tilespmem:s4], [sflag:$0x4] =	stream.indirect.gather [hbm4b:s1+s22], $0x80, s0, s22, $0xb8;
	[tilespmem:$0x1EC00] =	vst v63  }
0x1b1: {  	_ =	swait.ge [sflag:s18], $0x2000  }
0x1b2: {  	[sflag:s18] =	ssyncset.done $0x0  }
0x1b3: {  	[sflag:s18] =	ssyncadd.s32 $0xFFFFE000  }
0x1b4: {  	[spmem:s3] =	stream.indirect.scatter.add.f32 [tilespmem:s29], [sflag:$0x7], $0x80, s2, s22, $0xb8;
	[tilespmem:$0x1EC00] =	vst v63  }
0x1b5: {  	_ =	swait.ge [sflag:s20], $0x2000  }
0x1b6: {  	[sflag:s20] =	ssyncset.done $0x0  }
0x1b7: {  	[sflag:s20] =	ssyncadd.s32 $0xFFFFE000  }
0x1b8: {  	_ =	swait.ge [sflag:s5], $0x2000  }
0x1b9: {  	[sflag:s5] =	ssyncset.done $0x0  }
0x1ba: {  	[sflag:s5] =	ssyncadd.s32 $0xFFFFE000  }
0x1bb: {  	[spmem:s3] =	stream.indirect.scatter.add.f32 [tilespmem:s4], [sflag:$0x8], $0x80, s7, s22, $0xb8;
	[tilespmem:$0x1EC00] =	vst v63  }
0x1bc: {  	_ =	swait.ge [sflag:s8], $0x2000  }
0x1bd: {  	[sflag:s8] =	ssyncset.done $0x0  }
0x1be: {  	[sflag:s8] =	ssyncadd.s32 $0xFFFFE000  }
0x1bf: {  	_ =	swait.ge [sflag:s9], $0x2000  }
0x1c0: {  	[sflag:s9] =	ssyncset.done $0x0  }
0x1c1: {  	[sflag:s9] =	ssyncadd.s32 $0xFFFFE000  }
0x1c2: {  	_ =	swait.ge [sflag:s10], $0x2000  }
0x1c3: {  	[sflag:s10] =	ssyncset.done $0x0  }
0x1c4: {  	s14 =	stileid.u32;
	[sflag:s10] =	ssyncadd.s32 $0xFFFFE000  }
0x1c5: {  	s13 =	sshll.u32 s14, $0x6;
	[bflag:$0x0] =	sbarrier.arrive $0xFFFF  }
0x1c6: {  	s14 =	sshrl.u32 s6, $0x3;
	s13 =	sor.u32 $0x1C09, s13;
	s15 =	rddreg [dreg:$0x5]  }
0x1c7: {  	[hbm:s15], [sflag:s13] =	dma.local [spmem:s14], $0x2800  }
0x1c8: {  	_ =	swait.ge [sflag:s11], $0x2800  }
0x1c9: {  	s12 =	sadd.s32 $0x1, s12;
	s15 =	rddreg [dreg:$0x6]  }
0x1ca: {  	p0 =	sne.s32 s12, s15  }
.Ltmp2:
0x1cb: {  	_ = 	snop;
	(pc) =	sbr.rel @p0 .LBB2_1-.Ltmp2, $3  }
0x1cc: {  	_ =	sdelay $0x1  }
0x1cd: {  	[sflag:s11] =	ssyncset.done $0x0  }
0x1ce: {  	[sflag:s11] =	ssyncadd.s32 $0xFFFFD800  }
0x1cf: {  	_ =	sfence.sel $0x180000  }
0x1d0: {  	[bflag:$0x0] =	sbarrier.arrive $0xFFFF  }
0x1d1: {  	_ =	strace $0x9000004A  }
0x1d2: {  	s0 =	stileid.u32;
	[bflag:$0x2] =	sbarrier.arrive $0xFFFF  }
0x1d3: {  	p0 =	sne.s32 s0, $0x0;
	s0 =	rddreg [dreg:$0x3]  }
0x1d4: {  	s0 =	sadd.s32 @!p0 $0x100000, s0  }
0x1d5: {  	[sflag:s0] =	ssyncadd.tile.s32 @!p0 $0x1;
	_ =	shalt  }
.Lfunc_end2:
_tile_overlayer_lowered:
.L_overlay_start_2:
0x1d6: {  	(tag) =	ssettag $0x2  }
0x1d7: {  	s0 =	rddreg [dreg:$0x0];
	s2 =	stileid.u32  }
0x1d8: {  	s1 =	rddreg [dreg:$0x1];
	p0 =	sne.s32 s2, $0x0  }
0x1d9: {  	s3 =	rddreg [dreg:$0x2];
	[bflag:$0x3] =	sbarrier.arrive $0xFFFF;
	s2 =	simm.s32 @!p0 $0x1C09  }
0x1da: {  	[timem:s3], [sflag:s2] =	dma.local @!p0 [hbm:s0], s1  }
0x1db: {  	s0 =	simm.s32 @!p0 $0x9  }
0x1dc: {  	_ =	swait.ge @!p0 [sflag:s0], s1  }
0x1dd: {  	s1 =	ssub.s32 @!p0 $0x0, s1;
	[sflag:s0] =	ssyncset.done @!p0 $0x0  }
0x1de: {  	[sflag:s0] =	ssyncadd.s32 @!p0 s1  }
0x1df: {  	[bflag:$0x3] =	sbarrier.arrive $0xFFFF  }
0x1e0: {  	_ =	shalt  }

// kernel: kernel.8.cloned.1.call-start
scs
__scs_entry_jumppad:
0x0: {  	(pc) =	sbr.rel $0x88, $3  }
0x1: {  	(tag) =	ssettag $0x0;
	lr =	simm.s32 $0x1  }
0x2: {  	[smem:$0x3F99] =	sst lr;
	_ =	strace $0xD0000000  }
0x3: {  	_ = 	snop  }
0x4: {  	_ = 	snop  }
0x5: {  	_ = 	snop  }
0x6: {  	_ = 	snop  }
0x7: {  	_ = 	snop  }
__scs_overlays_trampoline_lowered:
0x8: {  	[smem:$0x3FA8] =	sst s0  }
0x9: {  	[smem:$0x3FA9] =	sst s1  }
0xa: {  	[smem:$0x3FAA] =	sst s2  }
0xb: {  	[smem:$0x3FAB] =	sst s3  }
0xc: {  	[smem:$0x3FAC] =	sst s4  }
0xd: {  	[smem:$0x3FAD] =	sst s5  }
0xe: {  	[smem:$0x3FAE] =	sst s6  }
0xf: {  	[smem:$0x3FAF] =	sst s7  }
0x10: {  	[smem:$0x3FB0] =	sst s8  }
0x11: {  	[smem:$0x3FB1] =	sst s9;
	s0 =	simm.s32 @!p0 $0x0  }
0x12: {  	s1 =	sld [smem:$0x3F97];
	s0 =	simm.s32 @p0 $0x1  }
0x13: {  	[smem:$0x3FB2] =	sst s0;
	s0 =	simm.s32 @!p1 $0x0  }
0x14: {  	s2 =	sld [smem:$0x3F96];
	s0 =	simm.s32 @p1 $0x1  }
0x15: {  	[smem:$0x3FB3] =	sst s0;
	s0 =	simm.s32 @!p2 $0x0  }
0x16: {  	s3 =	sld [smem:$0x3FDB];
	s0 =	simm.s32 @p2 $0x1  }
0x17: {  	s4 =	simm.s32 $0x1BF5;
	[smem:$0x3FB5] =	sst s0  }
0x18: {  	s0 =	sld [smem:$0x3F98];
	_ =	swait.ge [sflag:s4], $0x0  }
0x19: {  	s7 =	sld [smem:$0x3F99]  }
0x1a: {  	s8 =	sadd.s32 $0xFFFFE003, lr  }
0x1b: {  	s9 =	sadd.s32 $0xFFFFFEF7, lr;
	s5 =	simm.s32 $0xFFFFFFFF;
	p2 =	slt.u32 s8, $0xFFFFF086  }
0x1c: {  	p1 =	slt.u32 s9, $0xF7A;
	s5 =	simm.s32 @!p2 $0x0  }
0x1d: {  	s5 =	simm.s32 @p1 $0x1;
	p0 =	seq.s32 s7, s2  }
0x1e: {  	s7 =	smul.u32 @!p0 $0xF7A, s2;
	p2 =	seq.s32 @!p0 s5, $0x0  }
0x1f: {  	s9 =	smul.u32 $0xF7A, s1;
	s8 =	simm.s32 @!p0 $0x1BF5;
	p2 =	por !p2, p0  }
0x20: {  	[sflag:s8] =	ssyncset.s32 @!p0 $0xFFFFF086;
	s6 =	sadd.s32 @!p0 s3, s7;
	s7 =	simm.s32 @!p0 $0x108  }
0x21: {  	s3 =	sadd.s32 s3, s9;
	s6 =	sadd.s32 @!p0 $0x88, s6;
	s7 =	simm.s32 @p2 $0x1082  }
0x22: {  	[simem:s7], [sflag:s8] =	dma.local @!p0 [hbm:s6], $0xF7A  }
0x23: {  	s9 =	sor.u32 $0xD0000000, s2;
	s6 =	simm.s32 $0x108;
	_ =	swait.ge @!p0 [sflag:s8], $0x0  }
0x24: {  	s3 =	sadd.s32 $0x88, s3;
	s6 =	simm.s32 @!p1 $0x1082;
	[sflag:s4] =	ssyncset.s32 $0xFFFFF086  }
0x25: {  	[simem:s6], [sflag:s4] =	dma.local [hbm:s3], $0xF7A  }
0x26: {  	[smem:$0x3F99] =	sst s1;
	(tag) =	ssettag s2;
	_ =	strace s9  }
0x27: {  	s1 =	sld [smem:$0x3FA9]  }
0x28: {  	s2 =	sld [smem:$0x3FAA]  }
0x29: {  	s4 =	sld [smem:$0x3FAC]  }
0x2a: {  	p0 =	seq.s32 s5, $0x0;
	s5 =	sld [smem:$0x3FAD]  }
0x2b: {  	s6 =	sld [smem:$0x3FAE]  }
0x2c: {  	s7 =	sld [smem:$0x3FAF]  }
0x2d: {  	s3 =	simm.s32 $0x108;
	s8 =	sld [smem:$0x3FB0]  }
0x2e: {  	s3 =	simm.s32 @!p0 $0x1082;
	s9 =	sld [smem:$0x3FB1]  }
0x2f: {  	lr =	sadd.s32 s0, s3;
	s0 =	sld [smem:$0x3FA8]  }
0x30: {  	s3 =	sld [smem:$0x3FAB]  }
0x31: {  	[smem:$0x3FB4] =	sst s10  }
0x32: {  	s10 =	sld [smem:$0x3FB2];
	_ =	sdelay $0x3  }
0x33: {  	p0 =	seq.s32 s10, $0x1;
	s10 =	sld [smem:$0x3FB4];
	_ =	sdelay $0x3  }
0x34: {  	[smem:$0x3FB4] =	sst s10  }
0x35: {  	s10 =	sld [smem:$0x3FB3];
	_ =	sdelay $0x3  }
0x36: {  	p1 =	seq.s32 s10, $0x1;
	s10 =	sld [smem:$0x3FB4];
	_ =	sdelay $0x3  }
0x37: {  	[smem:$0x3FB4] =	sst s10  }
0x38: {  	s10 =	sld [smem:$0x3FB5]  }
0x39: {  	_ = 	snop;
	(pc) =	sbr.ind lr, $3  }
0x3a: {  	_ = 	snop  }
0x3b: {  	_ = 	snop  }
0x3c: {  	p2 =	seq.s32 s10, $0x1;
	s10 =	sld [smem:$0x3FB4]  }
0x3d: {  	_ =	shalt  }
0x3e: {  	_ =	shalt  }
0x3f: {  	_ =	shalt  }
0x40: {  	_ =	shalt  }
0x41: {  	_ =	shalt  }
0x42: {  	_ =	shalt  }
0x43: {  	_ =	shalt  }
0x44: {  	_ =	shalt  }
0x45: {  	_ =	shalt  }
0x46: {  	_ =	shalt  }
0x47: {  	_ =	shalt  }
0x48: {  	_ =	shalt  }
0x49: {  	_ =	shalt  }
0x4a: {  	_ =	shalt  }
0x4b: {  	_ =	shalt  }
0x4c: {  	_ =	shalt  }
0x4d: {  	_ =	shalt  }
0x4e: {  	_ =	shalt  }
0x4f: {  	_ =	shalt  }
0x50: {  	_ =	shalt  }
0x51: {  	_ =	shalt  }
0x52: {  	_ =	shalt  }
0x53: {  	_ =	shalt  }
0x54: {  	_ =	shalt  }
0x55: {  	_ =	shalt  }
0x56: {  	_ =	shalt  }
0x57: {  	_ =	shalt  }
0x58: {  	_ =	shalt  }
0x59: {  	_ =	shalt  }
0x5a: {  	_ =	shalt  }
0x5b: {  	_ =	shalt  }
0x5c: {  	_ =	shalt  }
0x5d: {  	_ =	shalt  }
0x5e: {  	_ =	shalt  }
0x5f: {  	_ =	shalt  }
0x60: {  	_ =	shalt  }
0x61: {  	_ =	shalt  }
0x62: {  	_ =	shalt  }
0x63: {  	_ =	shalt  }
0x64: {  	_ =	shalt  }
0x65: {  	_ =	shalt  }
0x66: {  	_ =	shalt  }
0x67: {  	_ =	shalt  }
0x68: {  	_ =	shalt  }
0x69: {  	_ =	shalt  }
0x6a: {  	_ =	shalt  }
0x6b: {  	_ =	shalt  }
0x6c: {  	_ =	shalt  }
0x6d: {  	_ =	shalt  }
0x6e: {  	_ =	shalt  }
0x6f: {  	_ =	shalt  }
0x70: {  	_ =	shalt  }
0x71: {  	_ =	shalt  }
0x72: {  	_ =	shalt  }
0x73: {  	_ =	shalt  }
0x74: {  	_ =	shalt  }
0x75: {  	_ =	shalt  }
0x76: {  	_ =	shalt  }
0x77: {  	_ =	shalt  }
0x78: {  	_ =	shalt  }
0x79: {  	_ =	shalt  }
0x7a: {  	_ =	shalt  }
0x7b: {  	_ =	shalt  }
0x7c: {  	_ =	shalt  }
0x7d: {  	_ =	shalt  }
0x7e: {  	_ =	shalt  }
0x7f: {  	_ =	shalt  }
0x80: {  	_ =	shalt  }
0x81: {  	_ =	shalt  }
0x82: {  	_ =	shalt  }
0x83: {  	_ =	shalt  }
0x84: {  	_ =	shalt  }
0x85: {  	_ =	shalt  }
0x86: {  	_ =	shalt  }
0x87: {  	_ =	shalt  }
.Lfunc_end0:
.L_simem_size_0:
called_computation_lowered:
.L_overlay_start_0:
0x88: {  	s2 =	sld [smem:$0x3FD9]  }
0x89: {  	s3 =	sld [smem:$0x3FFE];
	_ =	sdelay $0x1  }
0x8a: {  	s1 =	srdreg.scid  }
0x8b: {  	s0 =	sand.u32 $0x1, s1  }
0x8c: {  	s17 =	sshll.u32 s0, $0xA;
	s2 =	sadd.s32 s3, s2  }
0x8d: {  	s2 =	sadd.s32 s2, s17  }
0x8e: {  	[smem:$0x3FC0] =	sst s2  }
0x8f: {  	_ = 	snop  }
0x90: {  	s2 =	sld [smem:$0x3FD0];
	(tm) =	ssettm $0x1  }
0x91: {  	s18 =	sld [smem:$0x3FFB];
	_ =	sdelay $0x3  }
0x92: {  	_ =	strace s18  }
0x93: {  	s3 =	sld [smem:$0x3FFC];
	_ =	sdelay $0x3  }
0x94: {  	_ =	strace s3  }
0x95: {  	s3 =	sld [smem:$0x3FFD];
	_ =	sdelay $0x3  }
0x96: {  	_ =	strace s3  }
0x97: {  	_ =	strace $0x8FFFFFFF  }
0x98: {  	s19 =	sld [smem:$0x3FDB];
	_ =	sdelay $0x1  }
0x99: {  	s4 =	simm.s32 $_scs_section_size  }
0x9a: {  	s5 =	simm.s32 $_size__tile_overlayer_lowered;
	s6 =	simm.s32 $_tile_overlayer_lowered  }
0x9b: {  	s22 =	simm.s32 $0x1BFF;
	s21 =	sshll.u32 s6, $0x1;
	s3 =	sadd.s32 s4, s19  }
0x9c: {  	s7 =	simm.s32 $0x0;
	s20 =	sshll.u32 s5, $0x1;
	s5 =	sadd.s32 s21, s3  }
0x9d: {  	[timem:s7], [sflag:s22] =	dma.local [hbm:s5], s20  }
0x9e: {  	_ =	swait.ge [sflag:s22], s20  }
0x9f: {  	s4 =	ssub.s32 $0x0, s20;
	[sflag:s22] =	ssyncset.done $0x0  }
0xa0: {  	[sflag:s22] =	ssyncadd.s32 s4;
	_ =	sdelay $0x1  }
0xa1: {  	s23 =	simm.s32 $0x1B8B  }
0xa2: {  	_ =	swait.ge [sflag:s23], $0x1  }
0xa3: {  	[sflag:s23] =	ssyncset.done $0x0  }
0xa4: {  	s25 =	simm.s32 $0x1B8E;
	s24 =	sld [smem:$0x3FFE];
	[sflag:s23] =	ssyncadd.s32 $0xFFFFFFFF  }
0xa5: {  	s26 =	simm.s32 $execute0_lowered;
	[smem:$0x3FD2] =	sst s25  }
0xa6: {  	s5 =	sshll.u32 s26, $0x1;
	_ =	strace $0x80000046;
	[dreg:$0x1] =	wrdreg $0xFFFFFFFF  }
0xa7: {  	s28 =	simm.s32 $_size_execute0_lowered;
	s3 =	sadd.s32 s3, s5;
	[dreg:$0x0] =	wrdreg $0x0  }
0xa8: {  	s5 =	sshll.u32 s28, $0x1;
	[dreg:$0x2] =	wrdreg s3  }
0xa9: {  	[dreg:$0x3] =	wrdreg s5  }
0xaa: {  	[dreg:$0x4] =	wrdreg $0xC0  }
0xab: {  	_ =	task [dreg:s7], $0x5FFFF  }
0xac: {  	[dreg:$0x1] =	wrdreg $0xFFFFFFFF  }
0xad: {  	[dreg:$0x0] =	wrdreg $0x60  }
0xae: {  	[dreg:$0x2] =	wrdreg s2  }
0xaf: {  	[dreg:$0x3] =	wrdreg s24  }
0xb0: {  	[dreg:$0x4] =	wrdreg $0x0  }
0xb1: {  	[dreg:$0x5] =	wrdreg $0x1EC000  }
0xb2: {  	[dreg:$0x6] =	wrdreg $0x9  }
0xb3: {  	_ =	task.clear_ibuf [dreg:s7], $0x7FFFF;
	_ =	strace $0x90000046  }
0xb4: {  	s29 =	simm.s32 $0x9;
	_ =	strace $0x80000048  }
0xb5: {  	_ =	swait.ge [sflag:s29], $0x1  }
0xb6: {  	[sflag:s29] =	ssyncadd.s32 $0xFFFFFFFF  }
0xb7: {  	_ =	strace $0x90000048  }
0xb8: {  	_ =	sfence  }
0xb9: {  	s30 =	sld [smem:$0x0];
	_ =	sdelay $0x2  }
0xba: {  	s31 =	sshll.u32 s1, $0xD;
	s1 =	sshrl.u32 s1, $0x2  }
0xbb: {  	s3 =	sand.u32 $0x4000, s31;
	s1 =	sadd.s32 s1, s30  }
0xbc: {  	s0 =	sor.u32 s3, s0;
	s1 =	sshll.u32 s1, $0x11  }
0xbd: {  	s0 =	sor.u32 s1, s0  }
0xbe: {  	s0 =	sadd.s32 $0x8F2B, s0  }
0xbf: {  	[sflag:s0] =	ssyncadd.remote.s32 $0x1  }
0xc0: {  	_ =	sfence.sel $0xFFFF  }
0xc1: {  	[dreg:$0x0] =	wrdreg $0xFFFFFFFF;
	(pc) =	sbr.abs _section_cstart, $3  }
0xc2: {  	[dreg:$0x1] =	wrdreg $0xFFFFFFFF  }
0xc3: {  	_ =	task.clear_ibuf [dreg:s7], $0x2FFFF;
	_ =	strace $0x9FFFFFFF  }
0xc4: {  	(tm) =	ssettm $0x7FFFFFFF  }
0xc5: {  	_ =	shalt  }
tec
execute0_lowered:
.L_overlay_start_1:
0x0: {  	(tag) =	ssettag $0x1  }
0x1: {  	s0 =	rddreg [dreg:$0x0]  }
0x2: {  	s1 =	rddreg [dreg:$0x1]  }
0x3: {  	s3 =	srdreg.scid;
	s2 =	rddreg [dreg:$0x2]  }
0x4: {  	s10 =	stileid.u32;
	s4 =	rddreg [dreg:$0x3]  }
0x5: {  	s8 =	simm.s32 $0x0;
	s28 =	simm.s32 $0x40;
	s7 =	smul.u32 $0x14000, s10  }
0x6: {  	s29 =	simm.s32 $0x16800;
	s30 =	simm.s32 $0x16880;
	s12 =	smul.u32 $0x500, s10  }
0x7: {  	s31 =	simm.s32 $0x18C00;
	s3 =	sand.u32 $0x1, s3;
	s14 =	smul.u32 $0x50000, s10  }
0x8: {  	[smem:$0x7FF] =	sst s8;
	s5 =	smul.u32 $0x140000, s3;
	s6 =	sshll.u32 s3, $0x4  }
0x9: {  	_ =	strace $0x80000047;
	s13 =	sshll.u32 s3, $0x7;
	s3 =	ssub.s32 $0x2, s3  }
0xa: {  	s6 =	sor.u32 s10, s6;
	s9 =	sshrl.u32 s3, $0x1;
	s15 =	sshrl.u32 s14, $0x2  }
0xb: {  	s6 =	smul.u32 $0x500, s6;
	s5 =	sadd.s32 s7, s5;
	s7 =	sor.u32 s13, s12  }
0xc: {  	s3 =	ssub.s32 s3, s9;
	s5 =	sshrl.u32 s5, $0x3;
	s7 =	sshrl.u32 s7, $0x3  }
0xd: {  	s17 =	smax.u32 s3, $0x1;
	s6 =	sadd.s32 s6, s1;
	s5 =	sadd.s32 s5, s1  }
0xe: {  	s1 =	sadd.s32 s7, s1;
	s7 =	sadd.s32 s15, s2;
	[dreg:$0xa] =	wrdreg s17  }
0xf: {  	s11 =	simm.s32 $0x3;
	s6 =	sadd.s32 $0x1C00, s6;
	[dreg:$0x6] =	wrdreg s7  }
0x10: {  	s8 =	simm.s32 $0x0;
	s5 =	sadd.s32 $0x81A00, s5;
	[dreg:$0x5] =	wrdreg s6  }
0x11: {  	s10 =	smul.u32 $0xA00, s10;
	s1 =	sadd.s32 $0x81000, s1;
	[dreg:$0x8] =	wrdreg s5  }
0x12: {  	s14 =	simm.s32 $0x4;
	s18 =	sadd.s32 $0x2000, s7;
	[dreg:$0x9] =	wrdreg s1  }
0x13: {  	s9 =	simm.s32 $0x16980;
	s19 =	sadd.s32 $0x4000, s7;
	[dreg:$0xb] =	wrdreg s18  }
0x14: {  	s12 =	simm.s32 $0x16B00;
	s20 =	sadd.s32 $0x6000, s7;
	[dreg:$0xc] =	wrdreg s19  }
0x15: {  	s13 =	simm.s32 $0x9;
	s21 =	sadd.s32 $0x8000, s7;
	[dreg:$0xd] =	wrdreg s20  }
0x16: {  	s16 =	sshrl.u32 s10, $0x2;
	s22 =	sadd.s32 $0xA000, s7;
	[dreg:$0xe] =	wrdreg s21  }
0x17: {  	s3 =	simm.s32 $0x16A00;
	s23 =	sadd.s32 $0xC000, s7;
	[dreg:$0xf] =	wrdreg s22  }
0x18: {  	s10 =	simm.s32 $0x1CC00;
	s24 =	sadd.s32 $0xE000, s7;
	[dreg:$0x10] =	wrdreg s23  }
0x19: {  	s15 =	simm.s32 $0x16B80;
	s25 =	sadd.s32 $0x10000, s7;
	[dreg:$0x11] =	wrdreg s24  }
0x1a: {  	s17 =	simm.s32 $0x7;
	s26 =	sadd.s32 $0x12000, s7;
	[dreg:$0x12] =	wrdreg s25  }
0x1b: {  	s6 =	sadd.s32 s16, s4;
	[dreg:$0x13] =	wrdreg s26;
	s22 =	simm.s32 $0x16C00  }
0x1c: {  	s24 =	simm.s32 $0xA;
	s25 =	simm.s32 $0x5;
	s26 =	simm.s32 $0x1  }
0x1d: {  	s5 =	simm.s32 $0x1EE80;
	s21 =	simm.s32 $0x16900;
	s23 =	simm.s32 $0x1AC00  }
0x1e: {  	s1 =	simm.s32 $0x2;
	s16 =	simm.s32 $0x6;
	s18 =	simm.s32 $0x8  }
0x1f: {  	v0 =	vimm.f32 $0.0e+00;
	v1 =	vimm.f32 $1.000000000e+00;
	s19 =	simm.s32 $0x10;
	[dreg:$0x7] =	wrdreg s6;
	s6 =	simm.s32 $0x16A80  }
.LBB2_1:
0x20: {  	[dreg:$0x14] =	wrdreg s8  }
0x21: {  	s7 =	simm.s32 $0x0;
	s8 =	rddreg [dreg:$0x5];
	s20 =	simm.s32 $0x14000  }
0x22: {  	[tilespmem:s20], [sflag:$0x1] =	stream.linear.gather [hbm4b:s8+s7], $0x2800, $0x38;
	[tilespmem:$0x1F180] =	vst v63  }
0x23: {  	s8 =	simm.s32 $0x0;
	s20 =	simm.s32 $0x200  }
.LBB2_2:
0x24: {  	p0 =	sne.s32 s20, $0x7E00;
	[tilespmem:s8+$0x16C70] =	vst v0  }
0x25: {  	[tilespmem:s8+$0x16C00] =	vst v0  }
0x26: {  	[tilespmem:s8+$0x16C10] =	vst v0  }
.Ltmp0:
0x27: {  	[tilespmem:s8+$0x16C20] =	vst v0;
	(pc) =	sbr.rel @p0 .LBB2_2-.Ltmp0, $4  }
0x28: {  	[tilespmem:s8+$0x16C30] =	vst v0  }
0x29: {  	[tilespmem:s8+$0x16C40] =	vst v0  }
0x2a: {  	[tilespmem:s8+$0x16C50] =	vst v0  }
0x2b: {  	[tilespmem:s8+$0x16C60] =	vst v0;
	s8 =	sshra.s32 s20, $0x2;
	s20 =	sadd.s32 $0x200, s20  }
0x2c: {  	[tilespmem:s8+$0x16C70] =	vst v0  }
0x2d: {  	[tilespmem:s8+$0x16C00] =	vst v0  }
0x2e: {  	[tilespmem:s8+$0x16C10] =	vst v0  }
0x2f: {  	[tilespmem:s8+$0x16C20] =	vst v0  }
0x30: {  	[tilespmem:s8+$0x16C30] =	vst v0  }
0x31: {  	[tilespmem:s8+$0x16C40] =	vst v0  }
0x32: {  	[tilespmem:s8+$0x16C50] =	vst v0  }
0x33: {  	[tilespmem:s8+$0x16C60] =	vst v0;
	s7 =	rddreg [dreg:$0x6]  }
0x34: {  	[spmem:s7] =	stream.linear.scatter [tilespmem:s22], [sflag:$0x5], $0x2000, $0x38;
	[tilespmem:$0x1F180] =	vst v63  }
0x35: {  	s20 =	rddreg [dreg:$0xb]  }
0x36: {  	[spmem:s20] =	stream.linear.scatter [tilespmem:s22], [sflag:$0x5], $0x2000, $0x38;
	[tilespmem:$0x1F180] =	vst v63  }
0x37: {  	s8 =	rddreg [dreg:$0xc]  }
0x38: {  	[spmem:s8] =	stream.linear.scatter [tilespmem:s22], [sflag:$0x5], $0x2000, $0x38;
	[tilespmem:$0x1F180] =	vst v63  }
0x39: {  	s20 =	rddreg [dreg:$0xd]  }
0x3a: {  	[spmem:s20] =	stream.linear.scatter [tilespmem:s22], [sflag:$0x5], $0x2000, $0x38;
	[tilespmem:$0x1F180] =	vst v63  }
0x3b: {  	s8 =	rddreg [dreg:$0xe]  }
0x3c: {  	[spmem:s8] =	stream.linear.scatter [tilespmem:s22], [sflag:$0x5], $0x2000, $0x38;
	[tilespmem:$0x1F180] =	vst v63  }
0x3d: {  	s20 =	rddreg [dreg:$0xf]  }
0x3e: {  	[spmem:s20] =	stream.linear.scatter [tilespmem:s22], [sflag:$0x5], $0x2000, $0x38;
	[tilespmem:$0x1F180] =	vst v63  }
0x3f: {  	s8 =	rddreg [dreg:$0x10]  }
0x40: {  	[spmem:s8] =	stream.linear.scatter [tilespmem:s22], [sflag:$0x5], $0x2000, $0x38;
	[tilespmem:$0x1F180] =	vst v63  }
0x41: {  	s20 =	rddreg [dreg:$0x11]  }
0x42: {  	[spmem:s20] =	stream.linear.scatter [tilespmem:s22], [sflag:$0x5], $0x2000, $0x38;
	[tilespmem:$0x1F180] =	vst v63  }
0x43: {  	s8 =	rddreg [dreg:$0x12]  }
0x44: {  	[spmem:s8] =	stream.linear.scatter [tilespmem:s22], [sflag:$0x5], $0x2000, $0x38;
	[tilespmem:$0x1F180] =	vst v63  }
0x45: {  	s20 =	rddreg [dreg:$0x13]  }
0x46: {  	[spmem:s20] =	stream.linear.scatter [tilespmem:s22], [sflag:$0x5], $0x2000, $0x38;
	[tilespmem:$0x1F180] =	vst v63  }
0x47: {  	[tilespmem:$0x1EE80] =	vst v1  }
0x48: {  	[tilespmem:$0x1EE90] =	vst v1  }
0x49: {  	[tilespmem:$0x1EEA0] =	vst v1  }
0x4a: {  	[tilespmem:$0x1EEB0] =	vst v1  }
0x4b: {  	[tilespmem:$0x1EF00] =	vst v0  }
0x4c: {  	[tilespmem:$0x1EF10] =	vst v0  }
0x4d: {  	[tilespmem:$0x1EF20] =	vst v0  }
0x4e: {  	[tilespmem:$0x1EF30] =	vst v0  }
0x4f: {  	[tilespmem:$0x1EF40] =	vst v0  }
0x50: {  	[tilespmem:$0x1EF50] =	vst v0  }
0x51: {  	[tilespmem:$0x1EF60] =	vst v0  }
0x52: {  	[tilespmem:$0x1EF70] =	vst v0  }
0x53: {  	[tilespmem:$0x1EF80] =	vst v0  }
0x54: {  	[tilespmem:$0x1EF90] =	vst v0  }
0x55: {  	[tilespmem:$0x1EFA0] =	vst v0  }
0x56: {  	[tilespmem:$0x1EFB0] =	vst v0  }
0x57: {  	[tilespmem:$0x1EFC0] =	vst v0  }
0x58: {  	[tilespmem:$0x1EFD0] =	vst v0  }
0x59: {  	[tilespmem:$0x1EFE0] =	vst v0  }
0x5a: {  	[tilespmem:$0x1EFF0] =	vst v0  }
0x5b: {  	[tilespmem:$0x1F000] =	vst v0  }
0x5c: {  	[tilespmem:$0x1F010] =	vst v0  }
0x5d: {  	[tilespmem:$0x1F020] =	vst v0  }
0x5e: {  	[tilespmem:$0x1F030] =	vst v0  }
0x5f: {  	[tilespmem:$0x1F040] =	vst v0  }
0x60: {  	[tilespmem:$0x1F050] =	vst v0  }
0x61: {  	[tilespmem:$0x1F060] =	vst v0  }
0x62: {  	[tilespmem:$0x1F070] =	vst v0  }
0x63: {  	[tilespmem:$0x1F080] =	vst v0  }
0x64: {  	[tilespmem:$0x1F090] =	vst v0  }
0x65: {  	[tilespmem:$0x1F0A0] =	vst v0  }
0x66: {  	[tilespmem:$0x1F0B0] =	vst v0  }
0x67: {  	[tilespmem:$0x1F0C0] =	vst v0  }
0x68: {  	[tilespmem:$0x1F0D0] =	vst v0  }
0x69: {  	[tilespmem:$0x1F0E0] =	vst v0  }
0x6a: {  	[tilespmem:$0x1F0F0] =	vst v0  }
0x6b: {  	[tilespmem:$0x1F100] =	vst v0  }
0x6c: {  	[tilespmem:$0x1F110] =	vst v0  }
0x6d: {  	[tilespmem:$0x1F120] =	vst v0  }
0x6e: {  	[tilespmem:$0x1F130] =	vst v0  }
0x6f: {  	[tilespmem:$0x1F140] =	vst v0  }
0x70: {  	[tilespmem:$0x1F150] =	vst v0  }
0x71: {  	[tilespmem:$0x1F160] =	vst v0  }
0x72: {  	s8 =	rddreg [dreg:$0x7];
	s20 =	simm.s32 $0x1EF00;
	[tilespmem:$0x1F170] =	vst v0  }
0x73: {  	[spmem:s8] =	stream.linear.scatter [tilespmem:s20], [sflag:$0xA], $0x280, $0x38;
	[tilespmem:$0x1F180] =	vst v63  }
0x74: {  	_ =	swait.ge [sflag:s24], $0x280  }
0x75: {  	[sflag:s24] =	ssyncset.done $0x0  }
0x76: {  	[sflag:s24] =	ssyncadd.s32 $0xFFFFFD80  }
0x77: {  	_ =	swait.ge [sflag:s25], $0x2000  }
0x78: {  	[sflag:s25] =	ssyncset.done $0x0  }
0x79: {  	[sflag:s25] =	ssyncadd.s32 $0xFFFFE000  }
0x7a: {  	_ =	swait.ge [sflag:s25], $0x2000  }
0x7b: {  	[sflag:s25] =	ssyncset.done $0x0  }
0x7c: {  	[sflag:s25] =	ssyncadd.s32 $0xFFFFE000  }
0x7d: {  	_ =	swait.ge [sflag:s25], $0x2000  }
0x7e: {  	[sflag:s25] =	ssyncset.done $0x0  }
0x7f: {  	[sflag:s25] =	ssyncadd.s32 $0xFFFFE000  }
0x80: {  	_ =	swait.ge [sflag:s25], $0x2000  }
0x81: {  	[sflag:s25] =	ssyncset.done $0x0  }
0x82: {  	[sflag:s25] =	ssyncadd.s32 $0xFFFFE000  }
0x83: {  	_ =	swait.ge [sflag:s25], $0x2000  }
0x84: {  	[sflag:s25] =	ssyncset.done $0x0  }
0x85: {  	[sflag:s25] =	ssyncadd.s32 $0xFFFFE000  }
0x86: {  	_ =	swait.ge [sflag:s25], $0x2000  }
0x87: {  	[sflag:s25] =	ssyncset.done $0x0  }
0x88: {  	[sflag:s25] =	ssyncadd.s32 $0xFFFFE000  }
0x89: {  	_ =	swait.ge [sflag:s25], $0x2000  }
0x8a: {  	[sflag:s25] =	ssyncset.done $0x0  }
0x8b: {  	[sflag:s25] =	ssyncadd.s32 $0xFFFFE000  }
0x8c: {  	_ =	swait.ge [sflag:s25], $0x2000  }
0x8d: {  	[sflag:s25] =	ssyncset.done $0x0  }
0x8e: {  	[sflag:s25] =	ssyncadd.s32 $0xFFFFE000  }
0x8f: {  	_ =	swait.ge [sflag:s25], $0x2000  }
0x90: {  	[sflag:s25] =	ssyncset.done $0x0  }
0x91: {  	[sflag:s25] =	ssyncadd.s32 $0xFFFFE000  }
0x92: {  	_ =	swait.ge [sflag:s25], $0x2000  }
0x93: {  	[sflag:s25] =	ssyncset.done $0x0  }
0x94: {  	[sflag:s25] =	ssyncadd.s32 $0xFFFFE000  }
0x95: {  	_ =	swait.ge [sflag:s26], $0x2800  }
0x96: {  	[sflag:s26] =	ssyncset.done $0x0  }
0x97: {  	[sflag:s26] =	ssyncadd.s32 $0xFFFFD800  }
0x98: {  	[bflag:$0x0] =	sbarrier.arrive $0xFFFF  }
0x99: {  	v2 =	vld [tilespmem:$0x14000];
	_ =	sdelay $0x1  }
0x9a: {  	v3 =	vld [tilespmem:$0x14010];
	_ =	sdelay $0x1  }
0x9b: {  	v4 =	vld [tilespmem:$0x14020]  }
0x9c: {  	v5 =	vand.u32 $0x3FFF, v2  }
0x9d: {  	v48 =	vld [tilespmem:$0x14030];
	v2 =	vshrl.u32 v2, $0xE;
	[tilespmem:$0x16800] =	vst v5  }
0x9e: {  	[tilespmem:$0x16A00] =	vst v2;
	v2 =	vand.u32 $0x3FFF, v3  }
0x9f: {  	[tilespmem:$0x16810] =	vst v2;
	v2 =	vshrl.u32 v3, $0xE  }
0xa0: {  	[tilespmem:$0x16A10] =	vst v2;
	v2 =	vand.u32 $0x3FFF, v4  }
0xa1: {  	[tilespmem:$0x16820] =	vst v2;
	v2 =	vshrl.u32 v4, $0xE  }
0xa2: {  	[tilespmem:$0x16A20] =	vst v2;
	v2 =	vand.u32 $0x3FFF, v48  }
0xa3: {  	[tilespmem:$0x16830] =	vst v2;
	v2 =	vshrl.u32 v48, $0xE  }
0xa4: {  	[tilespmem:$0x16A30] =	vst v2  }
0xa5: {  	[tilespmem:s22], [sflag:$0x1] =	stream.indirect.gather [hbm4b:s0+s28], $0x80, s29, s28, $0xb8;
	[tilespmem:$0x1F180] =	vst v63  }
0xa6: {  	v2 =	vld [tilespmem:$0x14080];
	_ =	sdelay $0x1  }
0xa7: {  	v3 =	vld [tilespmem:$0x14090];
	_ =	sdelay $0x1  }
0xa8: {  	v49 =	vld [tilespmem:$0x140A0]  }
0xa9: {  	v50 =	vand.u32 $0x3FFF, v2  }
0xaa: {  	v51 =	vld [tilespmem:$0x140B0];
	v2 =	vshrl.u32 v2, $0xE;
	[tilespmem:$0x16880] =	vst v50  }
0xab: {  	[tilespmem:$0x16A80] =	vst v2;
	v2 =	vand.u32 $0x3FFF, v3  }
0xac: {  	[tilespmem:$0x16890] =	vst v2;
	v2 =	vshrl.u32 v3, $0xE  }
0xad: {  	[tilespmem:$0x16A90] =	vst v2;
	v2 =	vand.u32 $0x3FFF, v49  }
0xae: {  	[tilespmem:$0x168A0] =	vst v2;
	v2 =	vshrl.u32 v49, $0xE  }
0xaf: {  	[tilespmem:$0x16AA0] =	vst v2;
	v2 =	vand.u32 $0x3FFF, v51  }
0xb0: {  	[tilespmem:$0x168B0] =	vst v2;
	v2 =	vshrl.u32 v51, $0xE  }
0xb1: {  	[tilespmem:$0x16AB0] =	vst v2  }
0xb2: {  	[tilespmem:s31], [sflag:$0x2] =	stream.indirect.gather [hbm4b:s0+s28], $0x80, s30, s28, $0xb8;
	[tilespmem:$0x1F180] =	vst v63  }
0xb3: {  	_ =	swait.ge [sflag:s26], $0x2000  }
0xb4: {  	[sflag:s26] =	ssyncset.done $0x0  }
0xb5: {  	[sflag:s26] =	ssyncadd.s32 $0xFFFFE000  }
0xb6: {  	[spmem:s2] =	stream.indirect.scatter.add.f32 [tilespmem:s22], [sflag:$0x5], $0x80, s3, s28, $0xb8;
	[tilespmem:$0x1F180] =	vst v63  }
0xb7: {  	_ = 	snop  }
0xb8: {  	[spmem:s4] =	stream.indirect.scatter.add.f32 [tilespmem:s5], [sflag:$0x9], $0x1, s3, s28, $0xb8;
	[tilespmem:$0x1F180] =	vst v63  }
0xb9: {  	v2 =	vld [tilespmem:$0x14100];
	_ =	sdelay $0x1  }
0xba: {  	v3 =	vld [tilespmem:$0x14110];
	_ =	sdelay $0x1  }
0xbb: {  	v52 =	vld [tilespmem:$0x14120]  }
0xbc: {  	v53 =	vand.u32 $0x3FFF, v2  }
0xbd: {  	v54 =	vld [tilespmem:$0x14130];
	v2 =	vshrl.u32 v2, $0xE;
	[tilespmem:$0x16900] =	vst v53  }
0xbe: {  	[tilespmem:$0x16B00] =	vst v2;
	v2 =	vand.u32 $0x3FFF, v3  }
0xbf: {  	[tilespmem:$0x16910] =	vst v2;
	v2 =	vshrl.u32 v3, $0xE  }
0xc0: {  	[tilespmem:$0x16B10] =	vst v2;
	v2 =	vand.u32 $0x3FFF, v52  }
0xc1: {  	[tilespmem:$0x16920] =	vst v2;
	v2 =	vshrl.u32 v52, $0xE  }
0xc2: {  	[tilespmem:$0x16B20] =	vst v2;
	v2 =	vand.u32 $0x3FFF, v54  }
0xc3: {  	[tilespmem:$0x16930] =	vst v2;
	v2 =	vshrl.u32 v54, $0xE  }
0xc4: {  	[tilespmem:$0x16B30] =	vst v2  }
0xc5: {  	[tilespmem:s23], [sflag:$0x3] =	stream.indirect.gather [hbm4b:s0+s28], $0x80, s21, s28, $0xb8;
	[tilespmem:$0x1F180] =	vst v63  }
0xc6: {  	_ =	swait.ge [sflag:s1], $0x2000  }
0xc7: {  	[sflag:s1] =	ssyncset.done $0x0  }
0xc8: {  	[sflag:s1] =	ssyncadd.s32 $0xFFFFE000  }
0xc9: {  	[spmem:s2] =	stream.indirect.scatter.add.f32 [tilespmem:s31], [sflag:$0x6], $0x80, s6, s28, $0xb8;
	[tilespmem:$0x1F180] =	vst v63  }
0xca: {  	_ = 	snop  }
0xcb: {  	[spmem:s4] =	stream.indirect.scatter.add.f32 [tilespmem:s5], [sflag:$0x9], $0x1, s6, s28, $0xb8;
	[tilespmem:$0x1F180] =	vst v63  }
0xcc: {  	v2 =	vld [tilespmem:$0x14180];
	_ =	sdelay $0x1  }
0xcd: {  	v3 =	vld [tilespmem:$0x14190];
	_ =	sdelay $0x1  }
0xce: {  	v55 =	vld [tilespmem:$0x141A0]  }
0xcf: {  	v56 =	vand.u32 $0x3FFF, v2  }
0xd0: {  	v57 =	vld [tilespmem:$0x141B0];
	v2 =	vshrl.u32 v2, $0xE;
	[tilespmem:$0x16980] =	vst v56  }
0xd1: {  	[tilespmem:$0x16B80] =	vst v2;
	v2 =	vand.u32 $0x3FFF, v3  }
0xd2: {  	[tilespmem:$0x16990] =	vst v2;
	v2 =	vshrl.u32 v3, $0xE  }
0xd3: {  	[tilespmem:$0x16B90] =	vst v2;
	v2 =	vand.u32 $0x3FFF, v55  }
0xd4: {  	[tilespmem:$0x169A0] =	vst v2;
	v2 =	vshrl.u32 v55, $0xE  }
0xd5: {  	[tilespmem:$0x16BA0] =	vst v2;
	v2 =	vand.u32 $0x3FFF, v57  }
0xd6: {  	[tilespmem:$0x169B0] =	vst v2;
	v2 =	vshrl.u32 v57, $0xE  }
0xd7: {  	[tilespmem:$0x16BB0] =	vst v2  }
0xd8: {  	[tilespmem:s10], [sflag:$0x4] =	stream.indirect.gather [hbm4b:s0+s28], $0x80, s9, s28, $0xb8;
	[tilespmem:$0x1F180] =	vst v63  }
0xd9: {  	_ =	swait.ge [sflag:s11], $0x2000  }
0xda: {  	[sflag:s11] =	ssyncset.done $0x0  }
0xdb: {  	[sflag:s11] =	ssyncadd.s32 $0xFFFFE000  }
0xdc: {  	[spmem:s2] =	stream.indirect.scatter.add.f32 [tilespmem:s23], [sflag:$0x7], $0x80, s12, s28, $0xb8;
	[tilespmem:$0x1F180] =	vst v63  }
0xdd: {  	_ = 	snop  }
0xde: {  	[spmem:s4] =	stream.indirect.scatter.add.f32 [tilespmem:s5], [sflag:$0x9], $0x1, s12, s28, $0xb8;
	[tilespmem:$0x1F180] =	vst v63  }
0xdf: {  	_ =	swait.ge [sflag:s25], $0x2000  }
0xe0: {  	[sflag:s25] =	ssyncset.done $0x0  }
0xe1: {  	[sflag:s25] =	ssyncadd.s32 $0xFFFFE000  }
0xe2: {  	_ =	swait.ge [sflag:s13], $0x40  }
0xe3: {  	[sflag:s13] =	ssyncset.done $0x0  }
0xe4: {  	[sflag:s13] =	ssyncadd.s32 $0xFFFFFFC0  }
0xe5: {  	v2 =	vld [tilespmem:$0x14200];
	_ =	sdelay $0x1  }
0xe6: {  	v3 =	vld [tilespmem:$0x14210];
	_ =	sdelay $0x1  }
0xe7: {  	v58 =	vld [tilespmem:$0x14220]  }
0xe8: {  	v59 =	vand.u32 $0x3FFF, v2  }
0xe9: {  	v60 =	vld [tilespmem:$0x14230];
	v2 =	vshrl.u32 v2, $0xE;
	[tilespmem:$0x16800] =	vst v59  }
0xea: {  	[tilespmem:$0x16A00] =	vst v2;
	v2 =	vand.u32 $0x3FFF, v3  }
0xeb: {  	[tilespmem:$0x16810] =	vst v2;
	v2 =	vshrl.u32 v3, $0xE  }
0xec: {  	[tilespmem:$0x16A10] =	vst v2;
	v2 =	vand.u32 $0x3FFF, v58  }
0xed: {  	[tilespmem:$0x16820] =	vst v2;
	v2 =	vshrl.u32 v58, $0xE  }
0xee: {  	[tilespmem:$0x16A20] =	vst v2;
	v2 =	vand.u32 $0x3FFF, v60  }
0xef: {  	[tilespmem:$0x16830] =	vst v2;
	v2 =	vshrl.u32 v60, $0xE  }
0xf0: {  	[tilespmem:$0x16A30] =	vst v2  }
0xf1: {  	[tilespmem:s22], [sflag:$0x1] =	stream.indirect.gather [hbm4b:s0+s28], $0x80, s29, s28, $0xb8;
	[tilespmem:$0x1F180] =	vst v63  }
0xf2: {  	_ =	swait.ge [sflag:s14], $0x2000  }
0xf3: {  	[sflag:s14] =	ssyncset.done $0x0  }
0xf4: {  	[sflag:s14] =	ssyncadd.s32 $0xFFFFE000  }
0xf5: {  	[spmem:s2] =	stream.indirect.scatter.add.f32 [tilespmem:s10], [sflag:$0x8], $0x80, s15, s28, $0xb8;
	[tilespmem:$0x1F180] =	vst v63  }
0xf6: {  	_ = 	snop  }
0xf7: {  	[spmem:s4] =	stream.indirect.scatter.add.f32 [tilespmem:s5], [sflag:$0x9], $0x1, s15, s28, $0xb8;
	[tilespmem:$0x1F180] =	vst v63  }
0xf8: {  	_ =	swait.ge [sflag:s16], $0x2000  }
0xf9: {  	[sflag:s16] =	ssyncset.done $0x0  }
0xfa: {  	[sflag:s16] =	ssyncadd.s32 $0xFFFFE000  }
0xfb: {  	_ =	swait.ge [sflag:s13], $0x40  }
0xfc: {  	[sflag:s13] =	ssyncset.done $0x0  }
0xfd: {  	[sflag:s13] =	ssyncadd.s32 $0xFFFFFFC0  }
0xfe: {  	v2 =	vld [tilespmem:$0x14280];
	_ =	sdelay $0x1  }
0xff: {  	v3 =	vld [tilespmem:$0x14290];
	_ =	sdelay $0x1  }
0x100: {  	v61 =	vld [tilespmem:$0x142A0]  }
0x101: {  	v62 =	vand.u32 $0x3FFF, v2  }
0x102: {  	v63 =	vld [tilespmem:$0x142B0];
	v2 =	vshrl.u32 v2, $0xE;
	[tilespmem:$0x16880] =	vst v62  }
0x103: {  	[tilespmem:$0x16A80] =	vst v2;
	v2 =	vand.u32 $0x3FFF, v3  }
0x104: {  	[tilespmem:$0x16890] =	vst v2;
	v2 =	vshrl.u32 v3, $0xE  }
0x105: {  	[tilespmem:$0x16A90] =	vst v2;
	v2 =	vand.u32 $0x3FFF, v61  }
0x106: {  	[tilespmem:$0x168A0] =	vst v2;
	v2 =	vshrl.u32 v61, $0xE  }
0x107: {  	[tilespmem:$0x16AA0] =	vst v2;
	v2 =	vand.u32 $0x3FFF, v63  }
0x108: {  	[tilespmem:$0x168B0] =	vst v2;
	v2 =	vshrl.u32 v63, $0xE  }
0x109: {  	[tilespmem:$0x16AB0] =	vst v2  }
0x10a: {  	[tilespmem:s31], [sflag:$0x2] =	stream.indirect.gather [hbm4b:s0+s28], $0x80, s30, s28, $0xb8;
	[tilespmem:$0x1F180] =	vst v63  }
0x10b: {  	_ =	swait.ge [sflag:s26], $0x2000  }
0x10c: {  	[sflag:s26] =	ssyncset.done $0x0  }
0x10d: {  	[sflag:s26] =	ssyncadd.s32 $0xFFFFE000  }
0x10e: {  	[spmem:s2] =	stream.indirect.scatter.add.f32 [tilespmem:s22], [sflag:$0x5], $0x80, s3, s28, $0xb8;
	[tilespmem:$0x1F180] =	vst v63  }
0x10f: {  	_ = 	snop  }
0x110: {  	[spmem:s4] =	stream.indirect.scatter.add.f32 [tilespmem:s5], [sflag:$0x9], $0x1, s3, s28, $0xb8;
	[tilespmem:$0x1F180] =	vst v63  }
0x111: {  	_ =	swait.ge [sflag:s17], $0x2000  }
0x112: {  	[sflag:s17] =	ssyncset.done $0x0  }
0x113: {  	[sflag:s17] =	ssyncadd.s32 $0xFFFFE000  }
0x114: {  	_ =	swait.ge [sflag:s13], $0x40  }
0x115: {  	[sflag:s13] =	ssyncset.done $0x0  }
0x116: {  	s20 =	simm.s32 $0x4B0;
	[sflag:s13] =	ssyncadd.s32 $0xFFFFFFC0  }
0x117: {  	v2 =	vld [tilespmem:s20+$0x13E50];
	_ =	sdelay $0x4  }
0x118: {  	v3 =	vand.u32 $0x3FFF, v2  }
0x119: {  	v2 =	vshrl.u32 v2, $0xE;
	[tilespmem:$0x16900] =	vst v3  }
0x11a: {  	[tilespmem:$0x16B00] =	vst v2  }
0x11b: {  	v2 =	vld [tilespmem:s20+$0x13E60];
	_ =	sdelay $0x4  }
0x11c: {  	v3 =	vand.u32 $0x3FFF, v2  }
0x11d: {  	v2 =	vshrl.u32 v2, $0xE;
	[tilespmem:$0x16910] =	vst v3  }
0x11e: {  	[tilespmem:$0x16B10] =	vst v2  }
0x11f: {  	v2 =	vld [tilespmem:s20+$0x13E70];
	_ =	sdelay $0x4  }
0x120: {  	v3 =	vand.u32 $0x3FFF, v2  }
0x121: {  	v2 =	vshrl.u32 v2, $0xE;
	[tilespmem:$0x16920] =	vst v3  }
0x122: {  	[tilespmem:$0x16B20] =	vst v2  }
0x123: {  	v2 =	vld [tilespmem:s20+$0x13E80];
	_ =	sdelay $0x4  }
0x124: {  	v3 =	vand.u32 $0x3FFF, v2  }
0x125: {  	v2 =	vshrl.u32 v2, $0xE;
	[tilespmem:$0x16930] =	vst v3  }
0x126: {  	[tilespmem:$0x16B30] =	vst v2  }
0x127: {  	[tilespmem:s23], [sflag:$0x3] =	stream.indirect.gather [hbm4b:s0+s28], $0x80, s21, s28, $0xb8;
	[tilespmem:$0x1F180] =	vst v63  }
0x128: {  	_ =	swait.ge [sflag:s1], $0x2000  }
0x129: {  	[sflag:s1] =	ssyncset.done $0x0  }
0x12a: {  	[sflag:s1] =	ssyncadd.s32 $0xFFFFE000  }
0x12b: {  	[spmem:s2] =	stream.indirect.scatter.add.f32 [tilespmem:s31], [sflag:$0x6], $0x80, s6, s28, $0xb8;
	[tilespmem:$0x1F180] =	vst v63  }
0x12c: {  	_ = 	snop  }
0x12d: {  	[spmem:s4] =	stream.indirect.scatter.add.f32 [tilespmem:s5], [sflag:$0x9], $0x1, s6, s28, $0xb8;
	[tilespmem:$0x1F180] =	vst v63  }
0x12e: {  	_ =	swait.ge [sflag:s18], $0x2000  }
0x12f: {  	[sflag:s18] =	ssyncset.done $0x0  }
0x130: {  	[sflag:s18] =	ssyncadd.s32 $0xFFFFE000  }
0x131: {  	_ =	swait.ge [sflag:s13], $0x40  }
0x132: {  	[sflag:s13] =	ssyncset.done $0x0  }
0x133: {  	[sflag:s13] =	ssyncadd.s32 $0xFFFFFFC0  }
0x134: {  	v2 =	vld [tilespmem:s20+$0x13ED0];
	_ =	sdelay $0x4  }
0x135: {  	v3 =	vand.u32 $0x3FFF, v2  }
0x136: {  	v2 =	vshrl.u32 v2, $0xE;
	[tilespmem:$0x16980] =	vst v3  }
0x137: {  	[tilespmem:$0x16B80] =	vst v2  }
0x138: {  	v2 =	vld [tilespmem:s20+$0x13EE0];
	_ =	sdelay $0x4  }
0x139: {  	v3 =	vand.u32 $0x3FFF, v2  }
0x13a: {  	v2 =	vshrl.u32 v2, $0xE;
	[tilespmem:$0x16990] =	vst v3  }
0x13b: {  	[tilespmem:$0x16B90] =	vst v2  }
0x13c: {  	v2 =	vld [tilespmem:s20+$0x13EF0];
	_ =	sdelay $0x4  }
0x13d: {  	v3 =	vand.u32 $0x3FFF, v2  }
0x13e: {  	v2 =	vshrl.u32 v2, $0xE;
	[tilespmem:$0x169A0] =	vst v3  }
0x13f: {  	[tilespmem:$0x16BA0] =	vst v2  }
0x140: {  	v2 =	vld [tilespmem:s20+$0x13F00];
	_ =	sdelay $0x4  }
0x141: {  	v3 =	vand.u32 $0x3FFF, v2  }
0x142: {  	v2 =	vshrl.u32 v2, $0xE;
	[tilespmem:$0x169B0] =	vst v3  }
0x143: {  	[tilespmem:$0x16BB0] =	vst v2  }
0x144: {  	[tilespmem:s10], [sflag:$0x4] =	stream.indirect.gather [hbm4b:s0+s28], $0x80, s9, s28, $0xb8;
	[tilespmem:$0x1F180] =	vst v63  }
0x145: {  	_ =	swait.ge [sflag:s11], $0x2000  }
0x146: {  	[sflag:s11] =	ssyncset.done $0x0  }
0x147: {  	[sflag:s11] =	ssyncadd.s32 $0xFFFFE000  }
0x148: {  	[spmem:s2] =	stream.indirect.scatter.add.f32 [tilespmem:s23], [sflag:$0x7], $0x80, s12, s28, $0xb8;
	[tilespmem:$0x1F180] =	vst v63  }
0x149: {  	_ = 	snop  }
0x14a: {  	[spmem:s4] =	stream.indirect.scatter.add.f32 [tilespmem:s5], [sflag:$0x9], $0x1, s12, s28, $0xb8;
	[tilespmem:$0x1F180] =	vst v63  }
0x14b: {  	_ =	swait.ge [sflag:s25], $0x2000  }
0x14c: {  	[sflag:s25] =	ssyncset.done $0x0  }
0x14d: {  	[sflag:s25] =	ssyncadd.s32 $0xFFFFE000  }
0x14e: {  	_ =	swait.ge [sflag:s13], $0x40  }
0x14f: {  	[sflag:s13] =	ssyncset.done $0x0  }
0x150: {  	[sflag:s13] =	ssyncadd.s32 $0xFFFFFFC0  }
0x151: {  	v2 =	vld [tilespmem:s20+$0x13F50];
	_ =	sdelay $0x4  }
0x152: {  	v3 =	vand.u32 $0x3FFF, v2  }
0x153: {  	v2 =	vshrl.u32 v2, $0xE;
	[tilespmem:$0x16800] =	vst v3  }
0x154: {  	[tilespmem:$0x16A00] =	vst v2  }
0x155: {  	v2 =	vld [tilespmem:s20+$0x13F60];
	_ =	sdelay $0x4  }
0x156: {  	v3 =	vand.u32 $0x3FFF, v2  }
0x157: {  	v2 =	vshrl.u32 v2, $0xE;
	[tilespmem:$0x16810] =	vst v3  }
0x158: {  	[tilespmem:$0x16A10] =	vst v2  }
0x159: {  	v2 =	vld [tilespmem:s20+$0x13F70];
	_ =	sdelay $0x4  }
0x15a: {  	v3 =	vand.u32 $0x3FFF, v2  }
0x15b: {  	v2 =	vshrl.u32 v2, $0xE;
	[tilespmem:$0x16820] =	vst v3  }
0x15c: {  	[tilespmem:$0x16A20] =	vst v2  }
0x15d: {  	v2 =	vld [tilespmem:s20+$0x13F80];
	_ =	sdelay $0x4  }
0x15e: {  	v3 =	vand.u32 $0x3FFF, v2  }
0x15f: {  	v2 =	vshrl.u32 v2, $0xE;
	[tilespmem:$0x16830] =	vst v3  }
0x160: {  	[tilespmem:$0x16A30] =	vst v2  }
0x161: {  	[tilespmem:s22], [sflag:$0x1] =	stream.indirect.gather [hbm4b:s0+s28], $0x80, s29, s28, $0xb8;
	[tilespmem:$0x1F180] =	vst v63  }
0x162: {  	_ =	swait.ge [sflag:s14], $0x2000  }
0x163: {  	[sflag:s14] =	ssyncset.done $0x0  }
0x164: {  	[sflag:s14] =	ssyncadd.s32 $0xFFFFE000  }
0x165: {  	[spmem:s2] =	stream.indirect.scatter.add.f32 [tilespmem:s10], [sflag:$0x8], $0x80, s15, s28, $0xb8;
	[tilespmem:$0x1F180] =	vst v63  }
0x166: {  	_ = 	snop  }
0x167: {  	[spmem:s4] =	stream.indirect.scatter.add.f32 [tilespmem:s5], [sflag:$0x9], $0x1, s15, s28, $0xb8;
	[tilespmem:$0x1F180] =	vst v63  }
0x168: {  	_ =	swait.ge [sflag:s16], $0x2000  }
0x169: {  	[sflag:s16] =	ssyncset.done $0x0  }
0x16a: {  	[sflag:s16] =	ssyncadd.s32 $0xFFFFE000  }
0x16b: {  	_ =	swait.ge [sflag:s13], $0x40  }
0x16c: {  	[sflag:s13] =	ssyncset.done $0x0  }
0x16d: {  	[sflag:s13] =	ssyncadd.s32 $0xFFFFFFC0  }
0x16e: {  	v2 =	vld [tilespmem:s20+$0x13FD0];
	_ =	sdelay $0x4  }
0x16f: {  	v3 =	vand.u32 $0x3FFF, v2  }
0x170: {  	v2 =	vshrl.u32 v2, $0xE;
	[tilespmem:$0x16880] =	vst v3  }
0x171: {  	[tilespmem:$0x16A80] =	vst v2  }
0x172: {  	v2 =	vld [tilespmem:s20+$0x13FE0];
	_ =	sdelay $0x4  }
0x173: {  	v3 =	vand.u32 $0x3FFF, v2  }
0x174: {  	v2 =	vshrl.u32 v2, $0xE;
	[tilespmem:$0x16890] =	vst v3  }
0x175: {  	s8 =	simm.s32 $0x1AC0;
	[tilespmem:$0x16A90] =	vst v2  }
.LBB2_4:
0x176: {  	p0 =	sne.s32 s8, $0x9AC0;
	v2 =	vld [tilespmem:s20+$0x13FF0];
	s7 =	smov.u32 s8;
	s8 =	sadd.s32 $0x800, s8  }
0x177: {  	_ =	sdelay $0x3  }
0x178: {  	v3 =	vand.u32 $0x3FFF, v2;
	v2 =	vshrl.u32 v2, $0xE  }
0x179: {  	[tilespmem:$0x168A0] =	vst v3  }
0x17a: {  	[tilespmem:$0x16AA0] =	vst v2  }
0x17b: {  	v2 =	vld [tilespmem:s20+$0x14000];
	_ =	sdelay $0x4  }
0x17c: {  	v3 =	vand.u32 $0x3FFF, v2;
	v2 =	vshrl.u32 v2, $0xE  }
0x17d: {  	[tilespmem:$0x168B0] =	vst v3  }
0x17e: {  	[tilespmem:$0x16AB0] =	vst v2  }
0x17f: {  	[tilespmem:s31], [sflag:$0x2] =	stream.indirect.gather [hbm4b:s0+s28], $0x80, s30, s28, $0xb8;
	[tilespmem:$0x1F180] =	vst v63  }
0x180: {  	_ =	swait.ge [sflag:s26], $0x2000  }
0x181: {  	[sflag:s26] =	ssyncset.done $0x0  }
0x182: {  	[sflag:s26] =	ssyncadd.s32 $0xFFFFE000  }
0x183: {  	[spmem:s2] =	stream.indirect.scatter.add.f32 [tilespmem:s22], [sflag:$0x5], $0x80, s3, s28, $0xb8;
	[tilespmem:$0x1F180] =	vst v63  }
0x184: {  	_ = 	snop  }
0x185: {  	[spmem:s4] =	stream.indirect.scatter.add.f32 [tilespmem:s5], [sflag:$0x9], $0x1, s3, s28, $0xb8;
	[tilespmem:$0x1F180] =	vst v63  }
0x186: {  	_ =	swait.ge [sflag:s17], $0x2000  }
0x187: {  	[sflag:s17] =	ssyncset.done $0x0  }
0x188: {  	[sflag:s17] =	ssyncadd.s32 $0xFFFFE000  }
0x189: {  	_ =	swait.ge [sflag:s13], $0x40  }
0x18a: {  	[sflag:s13] =	ssyncset.done $0x0  }
0x18b: {  	s20 =	sshra.s32 s7, $0x2;
	[sflag:s13] =	ssyncadd.s32 $0xFFFFFFC0  }
0x18c: {  	v2 =	vld [tilespmem:s20+$0x13E50];
	_ =	sdelay $0x4  }
0x18d: {  	v3 =	vand.u32 $0x3FFF, v2;
	v2 =	vshrl.u32 v2, $0xE  }
0x18e: {  	[tilespmem:$0x16900] =	vst v3  }
0x18f: {  	[tilespmem:$0x16B00] =	vst v2  }
0x190: {  	v2 =	vld [tilespmem:s20+$0x13E60];
	_ =	sdelay $0x4  }
0x191: {  	v3 =	vand.u32 $0x3FFF, v2;
	v2 =	vshrl.u32 v2, $0xE  }
0x192: {  	[tilespmem:$0x16910] =	vst v3  }
0x193: {  	[tilespmem:$0x16B10] =	vst v2  }
0x194: {  	v2 =	vld [tilespmem:s20+$0x13E70];
	_ =	sdelay $0x4  }
0x195: {  	v3 =	vand.u32 $0x3FFF, v2;
	v2 =	vshrl.u32 v2, $0xE  }
0x196: {  	[tilespmem:$0x16920] =	vst v3  }
0x197: {  	[tilespmem:$0x16B20] =	vst v2  }
0x198: {  	v2 =	vld [tilespmem:s20+$0x13E80];
	_ =	sdelay $0x4  }
0x199: {  	v3 =	vand.u32 $0x3FFF, v2;
	v2 =	vshrl.u32 v2, $0xE  }
0x19a: {  	[tilespmem:$0x16930] =	vst v3  }
0x19b: {  	[tilespmem:$0x16B30] =	vst v2  }
0x19c: {  	[tilespmem:s23], [sflag:$0x3] =	stream.indirect.gather [hbm4b:s0+s28], $0x80, s21, s28, $0xb8;
	[tilespmem:$0x1F180] =	vst v63  }
0x19d: {  	_ =	swait.ge [sflag:s1], $0x2000  }
0x19e: {  	[sflag:s1] =	ssyncset.done $0x0  }
0x19f: {  	[sflag:s1] =	ssyncadd.s32 $0xFFFFE000  }
0x1a0: {  	[spmem:s2] =	stream.indirect.scatter.add.f32 [tilespmem:s31], [sflag:$0x6], $0x80, s6, s28, $0xb8;
	[tilespmem:$0x1F180] =	vst v63  }
0x1a1: {  	_ = 	snop  }
0x1a2: {  	[spmem:s4] =	stream.indirect.scatter.add.f32 [tilespmem:s5], [sflag:$0x9], $0x1, s6, s28, $0xb8;
	[tilespmem:$0x1F180] =	vst v63  }
0x1a3: {  	_ =	swait.ge [sflag:s18], $0x2000  }
0x1a4: {  	[sflag:s18] =	ssyncset.done $0x0  }
0x1a5: {  	[sflag:s18] =	ssyncadd.s32 $0xFFFFE000  }
0x1a6: {  	_ =	swait.ge [sflag:s13], $0x40  }
0x1a7: {  	[sflag:s13] =	ssyncset.done $0x0  }
0x1a8: {  	[sflag:s13] =	ssyncadd.s32 $0xFFFFFFC0  }
0x1a9: {  	v2 =	vld [tilespmem:s20+$0x13ED0];
	_ =	sdelay $0x4  }
0x1aa: {  	v3 =	vand.u32 $0x3FFF, v2;
	v2 =	vshrl.u32 v2, $0xE  }
0x1ab: {  	[tilespmem:$0x16980] =	vst v3  }
0x1ac: {  	[tilespmem:$0x16B80] =	vst v2  }
0x1ad: {  	v2 =	vld [tilespmem:s20+$0x13EE0];
	_ =	sdelay $0x4  }
0x1ae: {  	v3 =	vand.u32 $0x3FFF, v2;
	v2 =	vshrl.u32 v2, $0xE  }
0x1af: {  	[tilespmem:$0x16990] =	vst v3  }
0x1b0: {  	[tilespmem:$0x16B90] =	vst v2  }
0x1b1: {  	v2 =	vld [tilespmem:s20+$0x13EF0];
	_ =	sdelay $0x4  }
0x1b2: {  	v3 =	vand.u32 $0x3FFF, v2;
	v2 =	vshrl.u32 v2, $0xE  }
0x1b3: {  	[tilespmem:$0x169A0] =	vst v3  }
0x1b4: {  	[tilespmem:$0x16BA0] =	vst v2  }
0x1b5: {  	v2 =	vld [tilespmem:s20+$0x13F00];
	_ =	sdelay $0x4  }
0x1b6: {  	v3 =	vand.u32 $0x3FFF, v2;
	v2 =	vshrl.u32 v2, $0xE  }
0x1b7: {  	[tilespmem:$0x169B0] =	vst v3  }
0x1b8: {  	[tilespmem:$0x16BB0] =	vst v2  }
0x1b9: {  	[tilespmem:s10], [sflag:$0x4] =	stream.indirect.gather [hbm4b:s0+s28], $0x80, s9, s28, $0xb8;
	[tilespmem:$0x1F180] =	vst v63  }
0x1ba: {  	_ =	swait.ge [sflag:s11], $0x2000  }
0x1bb: {  	[sflag:s11] =	ssyncset.done $0x0  }
0x1bc: {  	[sflag:s11] =	ssyncadd.s32 $0xFFFFE000  }
0x1bd: {  	[spmem:s2] =	stream.indirect.scatter.add.f32 [tilespmem:s23], [sflag:$0x7], $0x80, s12, s28, $0xb8;
	[tilespmem:$0x1F180] =	vst v63  }
0x1be: {  	_ = 	snop  }
0x1bf: {  	[spmem:s4] =	stream.indirect.scatter.add.f32 [tilespmem:s5], [sflag:$0x9], $0x1, s12, s28, $0xb8;
	[tilespmem:$0x1F180] =	vst v63  }
0x1c0: {  	_ =	swait.ge [sflag:s25], $0x2000  }
0x1c1: {  	[sflag:s25] =	ssyncset.done $0x0  }
0x1c2: {  	[sflag:s25] =	ssyncadd.s32 $0xFFFFE000  }
0x1c3: {  	_ =	swait.ge [sflag:s13], $0x40  }
0x1c4: {  	[sflag:s13] =	ssyncset.done $0x0  }
0x1c5: {  	[sflag:s13] =	ssyncadd.s32 $0xFFFFFFC0  }
0x1c6: {  	v2 =	vld [tilespmem:s20+$0x13F50];
	_ =	sdelay $0x4  }
0x1c7: {  	v3 =	vand.u32 $0x3FFF, v2;
	v2 =	vshrl.u32 v2, $0xE  }
0x1c8: {  	[tilespmem:$0x16800] =	vst v3  }
0x1c9: {  	[tilespmem:$0x16A00] =	vst v2  }
0x1ca: {  	v2 =	vld [tilespmem:s20+$0x13F60];
	_ =	sdelay $0x4  }
0x1cb: {  	v3 =	vand.u32 $0x3FFF, v2;
	v2 =	vshrl.u32 v2, $0xE  }
0x1cc: {  	[tilespmem:$0x16810] =	vst v3  }
0x1cd: {  	[tilespmem:$0x16A10] =	vst v2  }
0x1ce: {  	v2 =	vld [tilespmem:s20+$0x13F70];
	_ =	sdelay $0x4  }
0x1cf: {  	v3 =	vand.u32 $0x3FFF, v2;
	v2 =	vshrl.u32 v2, $0xE  }
0x1d0: {  	[tilespmem:$0x16820] =	vst v3  }
0x1d1: {  	[tilespmem:$0x16A20] =	vst v2  }
0x1d2: {  	v2 =	vld [tilespmem:s20+$0x13F80];
	_ =	sdelay $0x4  }
0x1d3: {  	v3 =	vand.u32 $0x3FFF, v2;
	v2 =	vshrl.u32 v2, $0xE  }
0x1d4: {  	[tilespmem:$0x16830] =	vst v3  }
0x1d5: {  	[tilespmem:$0x16A30] =	vst v2  }
0x1d6: {  	[tilespmem:s22], [sflag:$0x1] =	stream.indirect.gather [hbm4b:s0+s28], $0x80, s29, s28, $0xb8;
	[tilespmem:$0x1F180] =	vst v63  }
0x1d7: {  	_ =	swait.ge [sflag:s14], $0x2000  }
0x1d8: {  	[sflag:s14] =	ssyncset.done $0x0  }
0x1d9: {  	[sflag:s14] =	ssyncadd.s32 $0xFFFFE000  }
0x1da: {  	[spmem:s2] =	stream.indirect.scatter.add.f32 [tilespmem:s10], [sflag:$0x8], $0x80, s15, s28, $0xb8;
	[tilespmem:$0x1F180] =	vst v63  }
0x1db: {  	_ = 	snop  }
0x1dc: {  	[spmem:s4] =	stream.indirect.scatter.add.f32 [tilespmem:s5], [sflag:$0x9], $0x1, s15, s28, $0xb8;
	[tilespmem:$0x1F180] =	vst v63  }
0x1dd: {  	_ =	swait.ge [sflag:s16], $0x2000  }
0x1de: {  	[sflag:s16] =	ssyncset.done $0x0  }
0x1df: {  	[sflag:s16] =	ssyncadd.s32 $0xFFFFE000  }
0x1e0: {  	_ =	swait.ge [sflag:s13], $0x40  }
0x1e1: {  	[sflag:s13] =	ssyncset.done $0x0  }
0x1e2: {  	[sflag:s13] =	ssyncadd.s32 $0xFFFFFFC0  }
0x1e3: {  	v2 =	vld [tilespmem:s20+$0x13FD0];
	_ =	sdelay $0x4  }
0x1e4: {  	v3 =	vand.u32 $0x3FFF, v2;
	v2 =	vshrl.u32 v2, $0xE  }
0x1e5: {  	[tilespmem:$0x16880] =	vst v3  }
0x1e6: {  	[tilespmem:$0x16A80] =	vst v2  }
0x1e7: {  	v2 =	vld [tilespmem:s20+$0x13FE0];
	_ =	sdelay $0x2  }
.Ltmp1:
0x1e8: {  	(pc) =	sbr.rel @p0 .LBB2_4-.Ltmp1, $4  }
0x1e9: {  	_ = 	snop  }
0x1ea: {  	v3 =	vand.u32 $0x3FFF, v2;
	v2 =	vshrl.u32 v2, $0xE  }
0x1eb: {  	[tilespmem:$0x16890] =	vst v3  }
0x1ec: {  	[tilespmem:$0x16A90] =	vst v2  }
0x1ed: {  	v2 =	vld [tilespmem:s20+$0x13FF0];
	_ =	sdelay $0x4  }
0x1ee: {  	v3 =	vand.u32 $0x3FFF, v2  }
0x1ef: {  	v2 =	vshrl.u32 v2, $0xE;
	[tilespmem:$0x168A0] =	vst v3  }
0x1f0: {  	[tilespmem:$0x16AA0] =	vst v2  }
0x1f1: {  	v2 =	vld [tilespmem:s20+$0x14000];
	_ =	sdelay $0x4  }
0x1f2: {  	v3 =	vand.u32 $0x3FFF, v2  }
0x1f3: {  	v2 =	vshrl.u32 v2, $0xE;
	[tilespmem:$0x168B0] =	vst v3  }
0x1f4: {  	[tilespmem:$0x16AB0] =	vst v2  }
0x1f5: {  	[tilespmem:s31], [sflag:$0x2] =	stream.indirect.gather [hbm4b:s0+s28], $0x80, s30, s28, $0xb8;
	[tilespmem:$0x1F180] =	vst v63  }
0x1f6: {  	_ =	swait.ge [sflag:s26], $0x2000  }
0x1f7: {  	[sflag:s26] =	ssyncset.done $0x0  }
0x1f8: {  	[sflag:s26] =	ssyncadd.s32 $0xFFFFE000  }
0x1f9: {  	[spmem:s2] =	stream.indirect.scatter.add.f32 [tilespmem:s22], [sflag:$0x5], $0x80, s3, s28, $0xb8;
	[tilespmem:$0x1F180] =	vst v63  }
0x1fa: {  	_ = 	snop  }
0x1fb: {  	[spmem:s4] =	stream.indirect.scatter.add.f32 [tilespmem:s5], [sflag:$0x9], $0x1, s3, s28, $0xb8;
	[tilespmem:$0x1F180] =	vst v63  }
0x1fc: {  	_ =	swait.ge [sflag:s17], $0x2000  }
0x1fd: {  	[sflag:s17] =	ssyncset.done $0x0  }
0x1fe: {  	[sflag:s17] =	ssyncadd.s32 $0xFFFFE000  }
0x1ff: {  	_ =	swait.ge [sflag:s13], $0x40  }
0x200: {  	[sflag:s13] =	ssyncset.done $0x0  }
0x201: {  	[sflag:s13] =	ssyncadd.s32 $0xFFFFFFC0  }
0x202: {  	v2 =	vld [tilespmem:$0x16700];
	_ =	sdelay $0x1  }
0x203: {  	v3 =	vld [tilespmem:$0x16710];
	_ =	sdelay $0x1  }
0x204: {  	v4 =	vld [tilespmem:$0x16720]  }
0x205: {  	v5 =	vand.u32 $0x3FFF, v2  }
0x206: {  	v60 =	vld [tilespmem:$0x16730];
	v2 =	vshrl.u32 v2, $0xE;
	[tilespmem:$0x16900] =	vst v5  }
0x207: {  	[tilespmem:$0x16B00] =	vst v2;
	v2 =	vand.u32 $0x3FFF, v3  }
0x208: {  	[tilespmem:$0x16910] =	vst v2;
	v2 =	vshrl.u32 v3, $0xE  }
0x209: {  	[tilespmem:$0x16B10] =	vst v2;
	v2 =	vand.u32 $0x3FFF, v4  }
0x20a: {  	[tilespmem:$0x16920] =	vst v2;
	v2 =	vshrl.u32 v4, $0xE  }
0x20b: {  	[tilespmem:$0x16B20] =	vst v2;
	v2 =	vand.u32 $0x3FFF, v60  }
0x20c: {  	[tilespmem:$0x16930] =	vst v2;
	v2 =	vshrl.u32 v60, $0xE  }
0x20d: {  	[tilespmem:$0x16B30] =	vst v2  }
0x20e: {  	[tilespmem:s23], [sflag:$0x3] =	stream.indirect.gather [hbm4b:s0+s28], $0x80, s21, s28, $0xb8;
	[tilespmem:$0x1F180] =	vst v63  }
0x20f: {  	_ =	swait.ge [sflag:s1], $0x2000  }
0x210: {  	[sflag:s1] =	ssyncset.done $0x0  }
0x211: {  	[sflag:s1] =	ssyncadd.s32 $0xFFFFE000  }
0x212: {  	[spmem:s2] =	stream.indirect.scatter.add.f32 [tilespmem:s31], [sflag:$0x6], $0x80, s6, s28, $0xb8;
	[tilespmem:$0x1F180] =	vst v63  }
0x213: {  	_ = 	snop  }
0x214: {  	[spmem:s4] =	stream.indirect.scatter.add.f32 [tilespmem:s5], [sflag:$0x9], $0x1, s6, s28, $0xb8;
	[tilespmem:$0x1F180] =	vst v63  }
0x215: {  	_ =	swait.ge [sflag:s18], $0x2000  }
0x216: {  	[sflag:s18] =	ssyncset.done $0x0  }
0x217: {  	[sflag:s18] =	ssyncadd.s32 $0xFFFFE000  }
0x218: {  	_ =	swait.ge [sflag:s13], $0x40  }
0x219: {  	[sflag:s13] =	ssyncset.done $0x0  }
0x21a: {  	[sflag:s13] =	ssyncadd.s32 $0xFFFFFFC0  }
0x21b: {  	v2 =	vld [tilespmem:$0x16780];
	_ =	sdelay $0x1  }
0x21c: {  	v3 =	vld [tilespmem:$0x16790];
	_ =	sdelay $0x1  }
0x21d: {  	v61 =	vld [tilespmem:$0x167A0]  }
0x21e: {  	v62 =	vand.u32 $0x3FFF, v2  }
0x21f: {  	v63 =	vld [tilespmem:$0x167B0];
	v2 =	vshrl.u32 v2, $0xE;
	[tilespmem:$0x16980] =	vst v62  }
0x220: {  	[tilespmem:$0x16B80] =	vst v2;
	v2 =	vand.u32 $0x3FFF, v3  }
0x221: {  	[tilespmem:$0x16990] =	vst v2;
	v2 =	vshrl.u32 v3, $0xE  }
0x222: {  	[tilespmem:$0x16B90] =	vst v2;
	v2 =	vand.u32 $0x3FFF, v61  }
0x223: {  	[tilespmem:$0x169A0] =	vst v2;
	v2 =	vshrl.u32 v61, $0xE  }
0x224: {  	[tilespmem:$0x16BA0] =	vst v2;
	v2 =	vand.u32 $0x3FFF, v63  }
0x225: {  	[tilespmem:$0x169B0] =	vst v2;
	v2 =	vshrl.u32 v63, $0xE  }
0x226: {  	[tilespmem:$0x16BB0] =	vst v2  }
0x227: {  	[tilespmem:s10], [sflag:$0x4] =	stream.indirect.gather [hbm4b:s0+s28], $0x80, s9, s28, $0xb8;
	[tilespmem:$0x1F180] =	vst v63  }
0x228: {  	_ =	swait.ge [sflag:s11], $0x2000  }
0x229: {  	[sflag:s11] =	ssyncset.done $0x0  }
0x22a: {  	[sflag:s11] =	ssyncadd.s32 $0xFFFFE000  }
0x22b: {  	[spmem:s2] =	stream.indirect.scatter.add.f32 [tilespmem:s23], [sflag:$0x7], $0x80, s12, s28, $0xb8;
	[tilespmem:$0x1F180] =	vst v63  }
0x22c: {  	_ = 	snop  }
0x22d: {  	[spmem:s4] =	stream.indirect.scatter.add.f32 [tilespmem:s5], [sflag:$0x9], $0x1, s12, s28, $0xb8;
	[tilespmem:$0x1F180] =	vst v63  }
0x22e: {  	_ =	swait.ge [sflag:s25], $0x2000  }
0x22f: {  	[sflag:s25] =	ssyncset.done $0x0  }
0x230: {  	[sflag:s25] =	ssyncadd.s32 $0xFFFFE000  }
0x231: {  	_ =	swait.ge [sflag:s13], $0x40  }
0x232: {  	[sflag:s13] =	ssyncset.done $0x0  }
0x233: {  	[sflag:s13] =	ssyncadd.s32 $0xFFFFFFC0  }
0x234: {  	_ =	swait.ge [sflag:s14], $0x2000  }
0x235: {  	[sflag:s14] =	ssyncset.done $0x0  }
0x236: {  	[sflag:s14] =	ssyncadd.s32 $0xFFFFE000  }
0x237: {  	[spmem:s2] =	stream.indirect.scatter.add.f32 [tilespmem:s10], [sflag:$0x8], $0x80, s15, s28, $0xb8;
	[tilespmem:$0x1F180] =	vst v63  }
0x238: {  	_ = 	snop  }
0x239: {  	[spmem:s4] =	stream.indirect.scatter.add.f32 [tilespmem:s5], [sflag:$0x9], $0x1, s15, s28, $0xb8;
	[tilespmem:$0x1F180] =	vst v63  }
0x23a: {  	_ =	swait.ge [sflag:s16], $0x2000  }
0x23b: {  	[sflag:s16] =	ssyncset.done $0x0  }
0x23c: {  	[sflag:s16] =	ssyncadd.s32 $0xFFFFE000  }
0x23d: {  	_ =	swait.ge [sflag:s13], $0x40  }
0x23e: {  	[sflag:s13] =	ssyncset.done $0x0  }
0x23f: {  	[sflag:s13] =	ssyncadd.s32 $0xFFFFFFC0  }
0x240: {  	_ =	swait.ge [sflag:s17], $0x2000  }
0x241: {  	[sflag:s17] =	ssyncset.done $0x0  }
0x242: {  	[sflag:s17] =	ssyncadd.s32 $0xFFFFE000  }
0x243: {  	_ =	swait.ge [sflag:s13], $0x40  }
0x244: {  	[sflag:s13] =	ssyncset.done $0x0  }
0x245: {  	[sflag:s13] =	ssyncadd.s32 $0xFFFFFFC0  }
0x246: {  	_ =	swait.ge [sflag:s18], $0x2000  }
0x247: {  	[sflag:s18] =	ssyncset.done $0x0  }
0x248: {  	[sflag:s18] =	ssyncadd.s32 $0xFFFFE000  }
0x249: {  	_ =	swait.ge [sflag:s13], $0x40  }
0x24a: {  	[sflag:s13] =	ssyncset.done $0x0  }
0x24b: {  	[sflag:s13] =	ssyncadd.s32 $0xFFFFFFC0  }
0x24c: {  	s7 =	stileid.u32;
	[bflag:$0x0] =	sbarrier.arrive $0xFFFF  }
0x24d: {  	s7 =	sshll.u32 s7, $0x6;
	s8 =	rddreg [dreg:$0x6]  }
0x24e: {  	s7 =	sor.u32 $0x1C0A, s7;
	s20 =	rddreg [dreg:$0x8];
	s8 =	sshrl.u32 s8, $0x3  }
0x24f: {  	[hbm:s20], [sflag:s7] =	dma.local [spmem:s8], $0x2800  }
0x250: {  	_ =	swait.ge [sflag:s24], $0x2800  }
0x251: {  	[sflag:s24] =	ssyncset.done $0x0  }
0x252: {  	[sflag:s24] =	ssyncadd.s32 $0xFFFFD800;
	s24 =	rddreg [dreg:$0x7]  }
0x253: {  	s20 =	rddreg [dreg:$0x9];
	s8 =	sshrl.u32 s24, $0x3;
	s24 =	simm.s32 $0x20  }
0x254: {  	[hbm:s20@s24], [sflag:s7] =	dma.strided [spmem:s8@s19], $0x50, s26, $0x10   }
0x255: {  	s24 =	simm.s32 $0xA  }
0x256: {  	_ =	swait.ge [sflag:s24], $0x50  }
0x257: {  	s7 =	rddreg [dreg:$0x14]  }
0x258: {  	s20 =	rddreg [dreg:$0xa];
	s8 =	sadd.s32 $0x1, s7  }
0x259: {  	p0 =	sne.s32 s8, s20  }
.Ltmp2:
0x25a: {  	_ = 	snop;
	(pc) =	sbr.rel @p0 .LBB2_1-.Ltmp2, $3  }
0x25b: {  	_ =	sdelay $0x1  }
0x25c: {  	[sflag:s24] =	ssyncset.done $0x0  }
0x25d: {  	[sflag:s24] =	ssyncadd.s32 $0xFFFFFFB0  }
0x25e: {  	_ =	sfence.sel $0x180000  }
0x25f: {  	[bflag:$0x0] =	sbarrier.arrive $0xFFFF  }
0x260: {  	_ =	strace $0x90000047  }
0x261: {  	s0 =	stileid.u32;
	[bflag:$0x2] =	sbarrier.arrive $0xFFFF  }
0x262: {  	p0 =	sne.s32 s0, $0x0;
	s0 =	rddreg [dreg:$0x4]  }
0x263: {  	s0 =	sadd.s32 @!p0 $0x100000, s0  }
0x264: {  	[sflag:s0] =	ssyncadd.tile.s32 @!p0 $0x1;
	_ =	shalt  }
.Lfunc_end2:
_tile_overlayer_lowered:
.L_overlay_start_2:
0x265: {  	(tag) =	ssettag $0x2  }
0x266: {  	s0 =	rddreg [dreg:$0x0];
	s2 =	stileid.u32  }
0x267: {  	s1 =	rddreg [dreg:$0x1];
	p0 =	sne.s32 s2, $0x0  }
0x268: {  	s3 =	rddreg [dreg:$0x2];
	[bflag:$0x3] =	sbarrier.arrive $0xFFFF;
	s2 =	simm.s32 @!p0 $0x1C0A  }
0x269: {  	[timem:s3], [sflag:s2] =	dma.local @!p0 [hbm:s0], s1  }
0x26a: {  	s0 =	simm.s32 @!p0 $0xA  }
0x26b: {  	_ =	swait.ge @!p0 [sflag:s0], s1  }
0x26c: {  	s1 =	ssub.s32 @!p0 $0x0, s1;
	[sflag:s0] =	ssyncset.done @!p0 $0x0  }
0x26d: {  	[sflag:s0] =	ssyncadd.s32 @!p0 s1  }
0x26e: {  	[bflag:$0x3] =	sbarrier.arrive $0xFFFF  }
0x26f: {  	_ =	shalt  }

</sc_bundles>
